<compile_context>
chip_gen: v7x
topology: tpu7x:2x2x1
jax: 0.10.2.dev20260603
libtpu: 0.0.44.dev20260713+nightly
codegen_flags: <defaults>
</compile_context>

<pallas_src>
import functools

import jax
import jax.numpy as jnp
from jax import lax
from jax.experimental import pallas as pl
from jax.experimental.pallas import tpu as pltpu
from jax.experimental.pallas import tpu_sc as plsc

_N_OUT = 4096
_N_IN = 4096
_D = 4
_K = 256
_NB = _N_IN // _D
_NC = 2
_NS = 16
_NW = _NC * _NS
_ROWS_PER_W = _N_OUT // _NW
_R_CHUNK = 8
_N_CHUNKS = _ROWS_PER_W // _R_CHUNK
_L = 16

_mesh = plsc.VectorSubcoreMesh(core_axis_name="c", subcore_axis_name="s")


@functools.partial(
    pl.kernel,
    mesh=_mesh,
    out_type=jax.ShapeDtypeStruct((_N_OUT, _N_IN), jnp.float32),
    compiler_params=pltpu.CompilerParams(needs_layout_passes=False),
    scratch_types=[
        [pltpu.VMEM((_K * _L,), jnp.float32) for _ in range(_D)],
        pltpu.VMEM((_D * _NB,), jnp.float32),
        pltpu.VMEM((_ROWS_PER_W,), jnp.float32),
        [pltpu.VMEM((_R_CHUNK, _NB), jnp.int32) for _ in range(2)],
        [pltpu.VMEM((_R_CHUNK, _N_IN), jnp.float32) for _ in range(2)],
        [pltpu.SemaphoreType.DMA for _ in range(2)],
        [pltpu.SemaphoreType.DMA for _ in range(2)],
    ],
)
def _sc_quantize(tab_hbm, rn_hbm, asn_hbm, cn_hbm, out_hbm,
                 tab_v, rn_v, cn_v, asn_v, out_v, in_sems, out_sems):
    wid = lax.axis_index("s") * _NC + lax.axis_index("c")
    row_base = wid * _ROWS_PER_W
    for d in range(_D):
        pltpu.sync_copy(tab_hbm.at[pl.ds(d * _K * _L, _K * _L)], tab_v[d])
    pltpu.sync_copy(rn_hbm, rn_v)
    pltpu.sync_copy(cn_hbm.at[pl.ds(row_base, _ROWS_PER_W)], cn_v)
    iota = lax.iota(jnp.int32, _L)

    def asn_copy(ci, h):
        r0 = row_base + ci * _R_CHUNK
        return pltpu.make_async_copy(
            asn_hbm.at[pl.ds(r0, _R_CHUNK)], asn_v[h], in_sems[h])

    def out_copy(ci, h):
        r0 = row_base + ci * _R_CHUNK
        return pltpu.make_async_copy(
            out_v[h], out_hbm.at[pl.ds(r0, _R_CHUNK)], out_sems[h])

    asn_copy(0, 0).start()

    def pair_body(p, carry):
        for h in range(2):
            ci = 2 * p + h
            asn_copy(ci, h).wait()

            @pl.when(ci + 1 < _N_CHUNKS)
            def _():
                asn_copy(ci + 1, 1 - h).start()

            @pl.when(ci >= 2)
            def _():
                out_copy(ci - 2, h).wait()

            cns = [plsc.load_gather(
                cn_v, [jnp.full((_L,), ci * _R_CHUNK + r, jnp.int32)])
                for r in range(_R_CHUNK)]
            rsplats = [jnp.full((_L,), r, jnp.int32) for r in range(_R_CHUNK)]

            @plsc.parallel_loop(0, _NB // _L, unroll=2)
            def b_body(b0):
                pos = [_D * _L * b0 + _D * iota + d for d in range(_D)]
                rns = [rn_v[pl.ds(d * _NB + b0 * _L, _L)] for d in range(_D)]
                for rr in range(0, _R_CHUNK, 4):
                    idxs = [asn_v[h][rr + j, pl.ds(b0 * _L, _L)] * _L + iota
                            for j in range(4)]
                    gs = [plsc.load_gather(tab_v[d], [idxs[j]])
                          for j in range(4) for d in range(_D)]
                    vals = [gs[j * _D + d] * rns[d] * cns[rr + j]
                            for j in range(4) for d in range(_D)]
                    for j in range(4):
                        for d in range(_D):
                            plsc.store_scatter(
                                out_v[h], [rsplats[rr + j], pos[d]],
                                vals[j * _D + d])

            out_copy(ci, h).start()
        return carry

    lax.fori_loop(0, _N_CHUNKS // 2, pair_body, 0)
    for h in range(2):
        out_copy(_N_CHUNKS - 2 + h, h).wait()


def kernel(centriods, assignments, rowwise_norms, columnwise_norms):
    tab = jnp.broadcast_to(
        centriods.astype(jnp.float32).T[:, :, None], (_D, _K, _L)).reshape(-1)
    rn = rowwise_norms.astype(jnp.float32).reshape(_NB, _D).T.reshape(-1)
    asn = assignments.astype(jnp.int32)
    cn = columnwise_norms.astype(jnp.float32)
    return _sc_quantize(tab, rn, asn, cn)

# --- scband reference (transcript-rebuilt; emitter-appended) ---
"""Pipeline reference for scband-quantize-53017076302344 (READ-ONLY COPY).

The authoritative reference and input builder live on the scoring server;
editing this copy changes nothing except your own understanding.
"""

import jax, jax.numpy as jnp
import numpy as np

N_OUT = 4096
N_IN = 4096
D = 4
K = 256

def setup_inputs(seed: int = 0) -> dict:
    key = jax.random.key(seed)
    k1, k2, k3, k4 = jax.random.split(key, 4)
    # learned codebook: centriods stored as (K, d) (transpose of the (d, K) cluster output)
    centriods = jax.random.normal(k1, (K, D), dtype=jnp.float32)
    # assignments buffer: one codebook index per d-sized sub-block of the weight matrix
    assignments = jax.random.randint(k2, (N_OUT, N_IN // D), 0, K).astype(jnp.int64)
    # positive row-wise / column-wise norms (learned nn.Parameters in the torch module)
    rowwise_norms = jax.random.uniform(k3, (N_IN,), dtype=jnp.float32) + 0.5
    columnwise_norms = jax.random.uniform(k4, (N_OUT,), dtype=jnp.float32) + 0.5
    return {
        "centriods": centriods,
        "assignments": assignments,
        "rowwise_norms": rowwise_norms,
        "columnwise_norms": columnwise_norms,
    }

def reference(centriods, assignments, rowwise_norms, columnwise_norms):
    # forward(): gather codebook entries by assignment index, reshape to the
    # full weight matrix, then rescale by the stored row/column norms.
    weights_reconstructed = jnp.take(centriods, assignments, axis=0)  # (n_out, n_in//d, d)
    weights_reconstructed = weights_reconstructed.reshape(N_OUT, N_IN)
    # normalize_rowise: * rowwise_norms.unsqueeze(0)  -> broadcast over rows
    weights_reconstructed = weights_reconstructed * rowwise_norms[None, :]
    # normalize_columnwise: * columnwise_norms.unsqueeze(1) -> broadcast over cols
    weights_reconstructed = weights_reconstructed * columnwise_norms[:, None]
    return weights_reconstructed

if __name__ == "__main__":
    import jax
    _d = setup_inputs()
    print(jax.jit(kernel)(*tuple(_d.values())))

</pallas_src>

<mosaic_0001>
#map = affine_map<(d0, d1) -> (0)>
#map1 = affine_map<(d0, d1) -> (0, 0)>
module attributes {stable_mosaic.version = 14 : i64} {
  func.func @_sc_quantize(%arg0: i32, %arg1: i32, %arg2: memref<16384xf32, #tpu.memory_space<hbm>>, %arg3: memref<4096xf32, #tpu.memory_space<hbm>>, %arg4: memref<4096x1024xi32, #tpu.memory_space<hbm>>, %arg5: memref<4096xf32, #tpu.memory_space<hbm>>, %arg6: memref<4096x4096xf32, #tpu.memory_space<hbm>>, %arg7: memref<4096xf32, #tpu.memory_space<vmem>>, %arg8: memref<4096xf32, #tpu.memory_space<vmem>>, %arg9: memref<4096xf32, #tpu.memory_space<vmem>>, %arg10: memref<4096xf32, #tpu.memory_space<vmem>>, %arg11: memref<4096xf32, #tpu.memory_space<vmem>>, %arg12: memref<128xf32, #tpu.memory_space<vmem>>, %arg13: memref<8x1024xi32, #tpu.memory_space<vmem>>, %arg14: memref<8x1024xi32, #tpu.memory_space<vmem>>, %arg15: memref<8x4096xf32, #tpu.memory_space<vmem>>, %arg16: memref<8x4096xf32, #tpu.memory_space<vmem>>, %arg17: memref<!tpu.dma_semaphore, #tpu.memory_space<semaphore_mem>>, %arg18: memref<!tpu.dma_semaphore, #tpu.memory_space<semaphore_mem>>, %arg19: memref<!tpu.dma_semaphore, #tpu.memory_space<semaphore_mem>>, %arg20: memref<!tpu.dma_semaphore, #tpu.memory_space<semaphore_mem>>) attributes {dimension_semantics = [#tpu.dimension_semantics<core_parallel>, #tpu.dimension_semantics<subcore_parallel>], iteration_bounds = array<i64: 2, 16>, scalar_prefetch = 0 : i64, scratch_operands = 14 : i64, tpu.core_type = #tpu.core_type<sc_vector_subcore>, window_params = [{transform_indices = #map}, {transform_indices = #map}, {transform_indices = #map1}, {transform_indices = #map}, {transform_indices = #map1}]} {
    %mul3A = arith.constant 2 : i32
    %mul3A_0 = arith.muli %arg1, %mul3A : i32
    %add3A = arith.addi %mul3A_0, %arg0 : i32
    %mul3A_1 = arith.constant 128 : i32
    %mul3A_2 = arith.muli %add3A, %mul3A_1 : i32
    "tpu.region"() ({
      %run_scoped3A = tpu.sem_alloc : memref<!tpu.dma_semaphore, #tpu.memory_space<semaphore_mem>>
      %dma_start3A_24 = arith.constant 0 : i32
      %dma_start3A_25 = tpu.memref_slice %arg2[%dma_start3A_24] : memref<16384xf32, #tpu.memory_space<hbm>> -> memref<4096xf32, #tpu.memory_space<hbm>>
      %dma_start3A_26 = arith.constant 0 : i32
      %dma_start3A_27 = tpu.memref_slice %arg2[%dma_start3A_26] : memref<16384xf32, #tpu.memory_space<hbm>> -> memref<4096xf32, #tpu.memory_space<hbm>>
      tpu.enqueue_dma source(%dma_start3A_27 : memref<4096xf32, #tpu.memory_space<hbm>>) target(%arg7 : memref<4096xf32, #tpu.memory_space<vmem>>) target_semaphore(%run_scoped3A : memref<!tpu.dma_semaphore, #tpu.memory_space<semaphore_mem>>)
      %dma_wait3A_28 = arith.constant 0 : i32
      %dma_wait3A_29 = tpu.memref_slice %arg2[%dma_wait3A_28] : memref<16384xf32, #tpu.memory_space<hbm>> -> memref<4096xf32, #tpu.memory_space<hbm>>
      %dma_wait3A_30 = arith.constant 0 : i32
      %dma_wait3A_31 = tpu.memref_slice %arg2[%dma_wait3A_30] : memref<16384xf32, #tpu.memory_space<hbm>> -> memref<4096xf32, #tpu.memory_space<hbm>>
      tpu.wait_dma2 semaphore(%run_scoped3A : memref<!tpu.dma_semaphore, #tpu.memory_space<semaphore_mem>>) src(%dma_wait3A_31 : memref<4096xf32, #tpu.memory_space<hbm>>) dst(%arg7 : memref<4096xf32, #tpu.memory_space<vmem>>)
      tpu.yield
    }) : () -> ()
    "tpu.region"() ({
      %run_scoped3A = tpu.sem_alloc : memref<!tpu.dma_semaphore, #tpu.memory_space<semaphore_mem>>
      %dma_start3A_24 = arith.constant 4096 : i32
      %dma_start3A_25 = tpu.memref_slice %arg2[%dma_start3A_24] : memref<16384xf32, #tpu.memory_space<hbm>> -> memref<4096xf32, #tpu.memory_space<hbm>>
      %dma_start3A_26 = arith.constant 4096 : i32
      %dma_start3A_27 = tpu.memref_slice %arg2[%dma_start3A_26] : memref<16384xf32, #tpu.memory_space<hbm>> -> memref<4096xf32, #tpu.memory_space<hbm>>
      tpu.enqueue_dma source(%dma_start3A_27 : memref<4096xf32, #tpu.memory_space<hbm>>) target(%arg8 : memref<4096xf32, #tpu.memory_space<vmem>>) target_semaphore(%run_scoped3A : memref<!tpu.dma_semaphore, #tpu.memory_space<semaphore_mem>>)
      %dma_wait3A_28 = arith.constant 4096 : i32
      %dma_wait3A_29 = tpu.memref_slice %arg2[%dma_wait3A_28] : memref<16384xf32, #tpu.memory_space<hbm>> -> memref<4096xf32, #tpu.memory_space<hbm>>
      %dma_wait3A_30 = arith.constant 4096 : i32
      %dma_wait3A_31 = tpu.memref_slice %arg2[%dma_wait3A_30] : memref<16384xf32, #tpu.memory_space<hbm>> -> memref<4096xf32, #tpu.memory_space<hbm>>
      tpu.wait_dma2 semaphore(%run_scoped3A : memref<!tpu.dma_semaphore, #tpu.memory_space<semaphore_mem>>) src(%dma_wait3A_31 : memref<4096xf32, #tpu.memory_space<hbm>>) dst(%arg8 : memref<4096xf32, #tpu.memory_space<vmem>>)
      tpu.yield
    }) : () -> ()
    "tpu.region"() ({
      %run_scoped3A = tpu.sem_alloc : memref<!tpu.dma_semaphore, #tpu.memory_space<semaphore_mem>>
      %dma_start3A_24 = arith.constant 8192 : i32
      %dma_start3A_25 = tpu.memref_slice %arg2[%dma_start3A_24] : memref<16384xf32, #tpu.memory_space<hbm>> -> memref<4096xf32, #tpu.memory_space<hbm>>
      %dma_start3A_26 = arith.constant 8192 : i32
      %dma_start3A_27 = tpu.memref_slice %arg2[%dma_start3A_26] : memref<16384xf32, #tpu.memory_space<hbm>> -> memref<4096xf32, #tpu.memory_space<hbm>>
      tpu.enqueue_dma source(%dma_start3A_27 : memref<4096xf32, #tpu.memory_space<hbm>>) target(%arg9 : memref<4096xf32, #tpu.memory_space<vmem>>) target_semaphore(%run_scoped3A : memref<!tpu.dma_semaphore, #tpu.memory_space<semaphore_mem>>)
      %dma_wait3A_28 = arith.constant 8192 : i32
      %dma_wait3A_29 = tpu.memref_slice %arg2[%dma_wait3A_28] : memref<16384xf32, #tpu.memory_space<hbm>> -> memref<4096xf32, #tpu.memory_space<hbm>>
      %dma_wait3A_30 = arith.constant 8192 : i32
      %dma_wait3A_31 = tpu.memref_slice %arg2[%dma_wait3A_30] : memref<16384xf32, #tpu.memory_space<hbm>> -> memref<4096xf32, #tpu.memory_space<hbm>>
      tpu.wait_dma2 semaphore(%run_scoped3A : memref<!tpu.dma_semaphore, #tpu.memory_space<semaphore_mem>>) src(%dma_wait3A_31 : memref<4096xf32, #tpu.memory_space<hbm>>) dst(%arg9 : memref<4096xf32, #tpu.memory_space<vmem>>)
      tpu.yield
    }) : () -> ()
    "tpu.region"() ({
      %run_scoped3A = tpu.sem_alloc : memref<!tpu.dma_semaphore, #tpu.memory_space<semaphore_mem>>
      %dma_start3A_24 = arith.constant 12288 : i32
      %dma_start3A_25 = tpu.memref_slice %arg2[%dma_start3A_24] : memref<16384xf32, #tpu.memory_space<hbm>> -> memref<4096xf32, #tpu.memory_space<hbm>>
      %dma_start3A_26 = arith.constant 12288 : i32
      %dma_start3A_27 = tpu.memref_slice %arg2[%dma_start3A_26] : memref<16384xf32, #tpu.memory_space<hbm>> -> memref<4096xf32, #tpu.memory_space<hbm>>
      tpu.enqueue_dma source(%dma_start3A_27 : memref<4096xf32, #tpu.memory_space<hbm>>) target(%arg10 : memref<4096xf32, #tpu.memory_space<vmem>>) target_semaphore(%run_scoped3A : memref<!tpu.dma_semaphore, #tpu.memory_space<semaphore_mem>>)
      %dma_wait3A_28 = arith.constant 12288 : i32
      %dma_wait3A_29 = tpu.memref_slice %arg2[%dma_wait3A_28] : memref<16384xf32, #tpu.memory_space<hbm>> -> memref<4096xf32, #tpu.memory_space<hbm>>
      %dma_wait3A_30 = arith.constant 12288 : i32
      %dma_wait3A_31 = tpu.memref_slice %arg2[%dma_wait3A_30] : memref<16384xf32, #tpu.memory_space<hbm>> -> memref<4096xf32, #tpu.memory_space<hbm>>
      tpu.wait_dma2 semaphore(%run_scoped3A : memref<!tpu.dma_semaphore, #tpu.memory_space<semaphore_mem>>) src(%dma_wait3A_31 : memref<4096xf32, #tpu.memory_space<hbm>>) dst(%arg10 : memref<4096xf32, #tpu.memory_space<vmem>>)
      tpu.yield
    }) : () -> ()
    "tpu.region"() ({
      %run_scoped3A = tpu.sem_alloc : memref<!tpu.dma_semaphore, #tpu.memory_space<semaphore_mem>>
      tpu.enqueue_dma source(%arg3 : memref<4096xf32, #tpu.memory_space<hbm>>) target(%arg11 : memref<4096xf32, #tpu.memory_space<vmem>>) target_semaphore(%run_scoped3A : memref<!tpu.dma_semaphore, #tpu.memory_space<semaphore_mem>>)
      tpu.wait_dma2 semaphore(%run_scoped3A : memref<!tpu.dma_semaphore, #tpu.memory_space<semaphore_mem>>) src(%arg3 : memref<4096xf32, #tpu.memory_space<hbm>>) dst(%arg11 : memref<4096xf32, #tpu.memory_space<vmem>>)
      tpu.yield
    }) : () -> ()
    "tpu.region"() ({
      %run_scoped3A = tpu.sem_alloc : memref<!tpu.dma_semaphore, #tpu.memory_space<semaphore_mem>>
      %dma_start3A_24 = tpu.memref_slice %arg5[%mul3A_2] : memref<4096xf32, #tpu.memory_space<hbm>> -> memref<128xf32, #tpu.memory_space<hbm>>
      %dma_start3A_25 = tpu.memref_slice %arg5[%mul3A_2] : memref<4096xf32, #tpu.memory_space<hbm>> -> memref<128xf32, #tpu.memory_space<hbm>>
      tpu.enqueue_dma source(%dma_start3A_25 : memref<128xf32, #tpu.memory_space<hbm>>) target(%arg12 : memref<128xf32, #tpu.memory_space<vmem>>) target_semaphore(%run_scoped3A : memref<!tpu.dma_semaphore, #tpu.memory_space<semaphore_mem>>)
      %dma_wait3A_26 = tpu.memref_slice %arg5[%mul3A_2] : memref<4096xf32, #tpu.memory_space<hbm>> -> memref<128xf32, #tpu.memory_space<hbm>>
      %dma_wait3A_27 = tpu.memref_slice %arg5[%mul3A_2] : memref<4096xf32, #tpu.memory_space<hbm>> -> memref<128xf32, #tpu.memory_space<hbm>>
      tpu.wait_dma2 semaphore(%run_scoped3A : memref<!tpu.dma_semaphore, #tpu.memory_space<semaphore_mem>>) src(%dma_wait3A_27 : memref<128xf32, #tpu.memory_space<hbm>>) dst(%arg12 : memref<128xf32, #tpu.memory_space<vmem>>)
      tpu.yield
    }) : () -> ()
    %iota3A = tpu.iota {dimensions = array<i32: 0>} : vector<16xi32>
    %add3A_3 = arith.constant 0 : i32
    %add3A_4 = arith.addi %mul3A_2, %add3A_3 : i32
    %dma_start3A = arith.constant 0 : i32
    %dma_start3A_5 = tpu.memref_slice %arg4[%add3A_4, %dma_start3A] : memref<4096x1024xi32, #tpu.memory_space<hbm>> -> memref<8x1024xi32, #tpu.memory_space<hbm>>
    %dma_start3A_6 = arith.constant 0 : i32
    %dma_start3A_7 = tpu.memref_slice %arg4[%add3A_4, %dma_start3A_6] : memref<4096x1024xi32, #tpu.memory_space<hbm>> -> memref<8x1024xi32, #tpu.memory_space<hbm>>
    tpu.enqueue_dma source(%dma_start3A_7 : memref<8x1024xi32, #tpu.memory_space<hbm>>) target(%arg13 : memref<8x1024xi32, #tpu.memory_space<vmem>>) target_semaphore(%arg17 : memref<!tpu.dma_semaphore, #tpu.memory_space<semaphore_mem>>)
    %scan3A = arith.constant 0 : i32
    %scan3A_8 = arith.constant 0 : i32
    %scan3A_9 = arith.constant 8 : i32
    %scan3A_10 = arith.addi %scan3A_8, %scan3A_9 : i32
    %scan3A_11 = arith.constant 1 : i32
    scf.for %scan3A_24 = %scan3A_8 to %scan3A_10 step %scan3A_11  : i32 {
      %mul3A_25 = arith.constant 2 : i32
      %mul3A_26 = arith.muli %mul3A_25, %scan3A_24 : i32
      %add3A_27 = arith.constant 0 : i32
      %add3A_28 = arith.addi %mul3A_26, %add3A_27 : i32
      %mul3A_29 = arith.constant 8 : i32
      %mul3A_30 = arith.muli %add3A_28, %mul3A_29 : i32
      %add3A_31 = arith.addi %mul3A_2, %mul3A_30 : i32
      %dma_wait3A_32 = arith.constant 0 : i32
      %dma_wait3A_33 = tpu.memref_slice %arg4[%add3A_31, %dma_wait3A_32] : memref<4096x1024xi32, #tpu.memory_space<hbm>> -> memref<8x1024xi32, #tpu.memory_space<hbm>>
      %dma_wait3A_34 = arith.constant 0 : i32
      %dma_wait3A_35 = tpu.memref_slice %arg4[%add3A_31, %dma_wait3A_34] : memref<4096x1024xi32, #tpu.memory_space<hbm>> -> memref<8x1024xi32, #tpu.memory_space<hbm>>
      tpu.wait_dma2 semaphore(%arg17 : memref<!tpu.dma_semaphore, #tpu.memory_space<semaphore_mem>>) src(%dma_wait3A_35 : memref<8x1024xi32, #tpu.memory_space<hbm>>) dst(%arg13 : memref<8x1024xi32, #tpu.memory_space<vmem>>)
      %add3A_36 = arith.constant 1 : i32
      %add3A_37 = arith.addi %add3A_28, %add3A_36 : i32
      %lt3A = arith.constant 16 : i32
      %lt3A_38 = arith.cmpi slt, %add3A_37, %lt3A : i32
      %convert_element_type3A = arith.extui %lt3A_38 : i1 to i32
      %cond3A = arith.constant 0 : i32
      %cond3A_39 = arith.cmpi ne, %convert_element_type3A, %cond3A : i32
      scf.if %cond3A_39 {
        %add3A_212 = arith.constant 1 : i32
        %add3A_213 = arith.addi %add3A_28, %add3A_212 : i32
        %mul3A_214 = arith.constant 8 : i32
        %mul3A_215 = arith.muli %add3A_213, %mul3A_214 : i32
        %add3A_216 = arith.addi %mul3A_2, %mul3A_215 : i32
        %dma_start3A_217 = arith.constant 0 : i32
        %dma_start3A_218 = tpu.memref_slice %arg4[%add3A_216, %dma_start3A_217] : memref<4096x1024xi32, #tpu.memory_space<hbm>> -> memref<8x1024xi32, #tpu.memory_space<hbm>>
        %dma_start3A_219 = arith.constant 0 : i32
        %dma_start3A_220 = tpu.memref_slice %arg4[%add3A_216, %dma_start3A_219] : memref<4096x1024xi32, #tpu.memory_space<hbm>> -> memref<8x1024xi32, #tpu.memory_space<hbm>>
        tpu.enqueue_dma source(%dma_start3A_220 : memref<8x1024xi32, #tpu.memory_space<hbm>>) target(%arg14 : memref<8x1024xi32, #tpu.memory_space<vmem>>) target_semaphore(%arg18 : memref<!tpu.dma_semaphore, #tpu.memory_space<semaphore_mem>>)
      } else {
      }
      %ge3A = arith.constant 2 : i32
      %ge3A_40 = arith.cmpi sge, %add3A_28, %ge3A : i32
      %convert_element_type3A_41 = arith.extui %ge3A_40 : i1 to i32
      %cond3A_42 = arith.constant 0 : i32
      %cond3A_43 = arith.cmpi ne, %convert_element_type3A_41, %cond3A_42 : i32
      scf.if %cond3A_43 {
        %sub3A = arith.constant 2 : i32
        %sub3A_212 = arith.subi %add3A_28, %sub3A : i32
        %mul3A_213 = arith.constant 8 : i32
        %mul3A_214 = arith.muli %sub3A_212, %mul3A_213 : i32
        %add3A_215 = arith.addi %mul3A_2, %mul3A_214 : i32
        %dma_wait3A_216 = arith.constant 0 : i32
        %dma_wait3A_217 = tpu.memref_slice %arg6[%add3A_215, %dma_wait3A_216] : memref<4096x4096xf32, #tpu.memory_space<hbm>> -> memref<8x4096xf32, #tpu.memory_space<hbm>>
        %dma_wait3A_218 = arith.constant 0 : i32
        %dma_wait3A_219 = tpu.memref_slice %arg6[%add3A_215, %dma_wait3A_218] : memref<4096x4096xf32, #tpu.memory_space<hbm>> -> memref<8x4096xf32, #tpu.memory_space<hbm>>
        tpu.wait_dma2 semaphore(%arg19 : memref<!tpu.dma_semaphore, #tpu.memory_space<semaphore_mem>>) src(%arg15 : memref<8x4096xf32, #tpu.memory_space<vmem>>) dst(%dma_wait3A_219 : memref<8x4096xf32, #tpu.memory_space<hbm>>)
      } else {
      }
      %mul3A_44 = arith.constant 8 : i32
      %mul3A_45 = arith.muli %add3A_28, %mul3A_44 : i32
      %add3A_46 = arith.constant 0 : i32
      %add3A_47 = arith.addi %mul3A_45, %add3A_46 : i32
      %broadcast_in_dim3A = vector.broadcast %add3A_47 : i32 to vector<16xi32>
      %gather3A = tpu.vector_load_idx %arg12[%broadcast_in_dim3A] : memref<128xf32, #tpu.memory_space<vmem>>[vector<16xi32>], vector<16xf32>,
      %mul3A_48 = arith.constant 8 : i32
      %mul3A_49 = arith.muli %add3A_28, %mul3A_48 : i32
      %add3A_50 = arith.constant 1 : i32
      %add3A_51 = arith.addi %mul3A_49, %add3A_50 : i32
      %broadcast_in_dim3A_52 = vector.broadcast %add3A_51 : i32 to vector<16xi32>
      %gather3A_53 = tpu.vector_load_idx %arg12[%broadcast_in_dim3A_52] : memref<128xf32, #tpu.memory_space<vmem>>[vector<16xi32>], vector<16xf32>,
      %mul3A_54 = arith.constant 8 : i32
      %mul3A_55 = arith.muli %add3A_28, %mul3A_54 : i32
      %add3A_56 = arith.constant 2 : i32
      %add3A_57 = arith.addi %mul3A_55, %add3A_56 : i32
      %broadcast_in_dim3A_58 = vector.broadcast %add3A_57 : i32 to vector<16xi32>
      %gather3A_59 = tpu.vector_load_idx %arg12[%broadcast_in_dim3A_58] : memref<128xf32, #tpu.memory_space<vmem>>[vector<16xi32>], vector<16xf32>,
      %mul3A_60 = arith.constant 8 : i32
      %mul3A_61 = arith.muli %add3A_28, %mul3A_60 : i32
      %add3A_62 = arith.constant 3 : i32
      %add3A_63 = arith.addi %mul3A_61, %add3A_62 : i32
      %broadcast_in_dim3A_64 = vector.broadcast %add3A_63 : i32 to vector<16xi32>
      %gather3A_65 = tpu.vector_load_idx %arg12[%broadcast_in_dim3A_64] : memref<128xf32, #tpu.memory_space<vmem>>[vector<16xi32>], vector<16xf32>,
      %mul3A_66 = arith.constant 8 : i32
      %mul3A_67 = arith.muli %add3A_28, %mul3A_66 : i32
      %add3A_68 = arith.constant 4 : i32
      %add3A_69 = arith.addi %mul3A_67, %add3A_68 : i32
      %broadcast_in_dim3A_70 = vector.broadcast %add3A_69 : i32 to vector<16xi32>
      %gather3A_71 = tpu.vector_load_idx %arg12[%broadcast_in_dim3A_70] : memref<128xf32, #tpu.memory_space<vmem>>[vector<16xi32>], vector<16xf32>,
      %mul3A_72 = arith.constant 8 : i32
      %mul3A_73 = arith.muli %add3A_28, %mul3A_72 : i32
      %add3A_74 = arith.constant 5 : i32
      %add3A_75 = arith.addi %mul3A_73, %add3A_74 : i32
      %broadcast_in_dim3A_76 = vector.broadcast %add3A_75 : i32 to vector<16xi32>
      %gather3A_77 = tpu.vector_load_idx %arg12[%broadcast_in_dim3A_76] : memref<128xf32, #tpu.memory_space<vmem>>[vector<16xi32>], vector<16xf32>,
      %mul3A_78 = arith.constant 8 : i32
      %mul3A_79 = arith.muli %add3A_28, %mul3A_78 : i32
      %add3A_80 = arith.constant 6 : i32
      %add3A_81 = arith.addi %mul3A_79, %add3A_80 : i32
      %broadcast_in_dim3A_82 = vector.broadcast %add3A_81 : i32 to vector<16xi32>
      %gather3A_83 = tpu.vector_load_idx %arg12[%broadcast_in_dim3A_82] : memref<128xf32, #tpu.memory_space<vmem>>[vector<16xi32>], vector<16xf32>,
      %mul3A_84 = arith.constant 8 : i32
      %mul3A_85 = arith.muli %add3A_28, %mul3A_84 : i32
      %add3A_86 = arith.constant 7 : i32
      %add3A_87 = arith.addi %mul3A_85, %add3A_86 : i32
      %broadcast_in_dim3A_88 = vector.broadcast %add3A_87 : i32 to vector<16xi32>
      %gather3A_89 = tpu.vector_load_idx %arg12[%broadcast_in_dim3A_88] : memref<128xf32, #tpu.memory_space<vmem>>[vector<16xi32>], vector<16xf32>,
      %broadcast_in_dim3A_90 = arith.constant 0 : i32
      %broadcast_in_dim3A_91 = vector.broadcast %broadcast_in_dim3A_90 : i32 to vector<16xi32>
      %broadcast_in_dim3A_92 = arith.constant 1 : i32
      %broadcast_in_dim3A_93 = vector.broadcast %broadcast_in_dim3A_92 : i32 to vector<16xi32>
      %broadcast_in_dim3A_94 = arith.constant 2 : i32
      %broadcast_in_dim3A_95 = vector.broadcast %broadcast_in_dim3A_94 : i32 to vector<16xi32>
      %broadcast_in_dim3A_96 = arith.constant 3 : i32
      %broadcast_in_dim3A_97 = vector.broadcast %broadcast_in_dim3A_96 : i32 to vector<16xi32>
      %broadcast_in_dim3A_98 = arith.constant 4 : i32
      %broadcast_in_dim3A_99 = vector.broadcast %broadcast_in_dim3A_98 : i32 to vector<16xi32>
      %broadcast_in_dim3A_100 = arith.constant 5 : i32
      %broadcast_in_dim3A_101 = vector.broadcast %broadcast_in_dim3A_100 : i32 to vector<16xi32>
      %broadcast_in_dim3A_102 = arith.constant 6 : i32
      %broadcast_in_dim3A_103 = vector.broadcast %broadcast_in_dim3A_102 : i32 to vector<16xi32>
      %broadcast_in_dim3A_104 = arith.constant 7 : i32
      %broadcast_in_dim3A_105 = vector.broadcast %broadcast_in_dim3A_104 : i32 to vector<16xi32>
      %parallel_loop3A = arith.constant 0 : i32
      %parallel_loop3A_106 = arith.constant 64 : i32
      %parallel_loop3A_107 = arith.constant 1 : i32
      scf.for %parallel_loop3A_212 = %parallel_loop3A to %parallel_loop3A_106 step %parallel_loop3A_107  : i32 {
        %parallel_loop3A_213 = arith.constant 64 : i32
        %parallel_loop3A_214 = arith.muli %parallel_loop3A_213, %parallel_loop3A_212 : i32
        %parallel_loop3A_215 = arith.constant 4 : i32
        %parallel_loop3A_216 = vector.broadcast %parallel_loop3A_215 : i32 to vector<16xi32>
        %parallel_loop3A_217 = arith.muli %parallel_loop3A_216, %iota3A : vector<16xi32>
        %parallel_loop3A_218 = vector.broadcast %parallel_loop3A_214 : i32 to vector<16xi32>
        %parallel_loop3A_219 = arith.addi %parallel_loop3A_218, %parallel_loop3A_217 : vector<16xi32>
        %parallel_loop3A_220 = arith.constant 0 : i32
        %parallel_loop3A_221 = vector.broadcast %parallel_loop3A_220 : i32 to vector<16xi32>
        %parallel_loop3A_222 = arith.addi %parallel_loop3A_219, %parallel_loop3A_221 : vector<16xi32>
        %parallel_loop3A_223 = arith.constant 64 : i32
        %parallel_loop3A_224 = arith.muli %parallel_loop3A_223, %parallel_loop3A_212 : i32
        %parallel_loop3A_225 = arith.constant 4 : i32
        %parallel_loop3A_226 = vector.broadcast %parallel_loop3A_225 : i32 to vector<16xi32>
        %parallel_loop3A_227 = arith.muli %parallel_loop3A_226, %iota3A : vector<16xi32>
        %parallel_loop3A_228 = vector.broadcast %parallel_loop3A_224 : i32 to vector<16xi32>
        %parallel_loop3A_229 = arith.addi %parallel_loop3A_228, %parallel_loop3A_227 : vector<16xi32>
        %parallel_loop3A_230 = arith.constant 1 : i32
        %parallel_loop3A_231 = vector.broadcast %parallel_loop3A_230 : i32 to vector<16xi32>
        %parallel_loop3A_232 = arith.addi %parallel_loop3A_229, %parallel_loop3A_231 : vector<16xi32>
        %parallel_loop3A_233 = arith.constant 64 : i32
        %parallel_loop3A_234 = arith.muli %parallel_loop3A_233, %parallel_loop3A_212 : i32
        %parallel_loop3A_235 = arith.constant 4 : i32
        %parallel_loop3A_236 = vector.broadcast %parallel_loop3A_235 : i32 to vector<16xi32>
        %parallel_loop3A_237 = arith.muli %parallel_loop3A_236, %iota3A : vector<16xi32>
        %parallel_loop3A_238 = vector.broadcast %parallel_loop3A_234 : i32 to vector<16xi32>
        %parallel_loop3A_239 = arith.addi %parallel_loop3A_238, %parallel_loop3A_237 : vector<16xi32>
        %parallel_loop3A_240 = arith.constant 2 : i32
        %parallel_loop3A_241 = vector.broadcast %parallel_loop3A_240 : i32 to vector<16xi32>
        %parallel_loop3A_242 = arith.addi %parallel_loop3A_239, %parallel_loop3A_241 : vector<16xi32>
        %parallel_loop3A_243 = arith.constant 64 : i32
        %parallel_loop3A_244 = arith.muli %parallel_loop3A_243, %parallel_loop3A_212 : i32
        %parallel_loop3A_245 = arith.constant 4 : i32
        %parallel_loop3A_246 = vector.broadcast %parallel_loop3A_245 : i32 to vector<16xi32>
        %parallel_loop3A_247 = arith.muli %parallel_loop3A_246, %iota3A : vector<16xi32>
        %parallel_loop3A_248 = vector.broadcast %parallel_loop3A_244 : i32 to vector<16xi32>
        %parallel_loop3A_249 = arith.addi %parallel_loop3A_248, %parallel_loop3A_247 : vector<16xi32>
        %parallel_loop3A_250 = arith.constant 3 : i32
        %parallel_loop3A_251 = vector.broadcast %parallel_loop3A_250 : i32 to vector<16xi32>
        %parallel_loop3A_252 = arith.addi %parallel_loop3A_249, %parallel_loop3A_251 : vector<16xi32>
        %parallel_loop3A_253 = arith.constant 16 : i32
        %parallel_loop3A_254 = arith.muli %parallel_loop3A_212, %parallel_loop3A_253 : i32
        %parallel_loop3A_255 = arith.constant 0 : i32
        %parallel_loop3A_256 = arith.addi %parallel_loop3A_255, %parallel_loop3A_254 : i32
        %parallel_loop3A_257 = arith.index_cast %parallel_loop3A_256 : i32 to index
        %parallel_loop3A_258 = tpu.vector_load %arg11[%parallel_loop3A_257] {strides = array<i32>} : memref<4096xf32, #tpu.memory_space<vmem>>, vector<16xf32>,
        %parallel_loop3A_259 = arith.constant 16 : i32
        %parallel_loop3A_260 = arith.muli %parallel_loop3A_212, %parallel_loop3A_259 : i32
        %parallel_loop3A_261 = arith.constant 1024 : i32
        %parallel_loop3A_262 = arith.addi %parallel_loop3A_261, %parallel_loop3A_260 : i32
        %parallel_loop3A_263 = arith.index_cast %parallel_loop3A_262 : i32 to index
        %parallel_loop3A_264 = tpu.vector_load %arg11[%parallel_loop3A_263] {strides = array<i32>} : memref<4096xf32, #tpu.memory_space<vmem>>, vector<16xf32>,
        %parallel_loop3A_265 = arith.constant 16 : i32
        %parallel_loop3A_266 = arith.muli %parallel_loop3A_212, %parallel_loop3A_265 : i32
        %parallel_loop3A_267 = arith.constant 2048 : i32
        %parallel_loop3A_268 = arith.addi %parallel_loop3A_267, %parallel_loop3A_266 : i32
        %parallel_loop3A_269 = arith.index_cast %parallel_loop3A_268 : i32 to index
        %parallel_loop3A_270 = tpu.vector_load %arg11[%parallel_loop3A_269] {strides = array<i32>} : memref<4096xf32, #tpu.memory_space<vmem>>, vector<16xf32>,
        %parallel_loop3A_271 = arith.constant 16 : i32
        %parallel_loop3A_272 = arith.muli %parallel_loop3A_212, %parallel_loop3A_271 : i32
        %parallel_loop3A_273 = arith.constant 3072 : i32
        %parallel_loop3A_274 = arith.addi %parallel_loop3A_273, %parallel_loop3A_272 : i32
        %parallel_loop3A_275 = arith.index_cast %parallel_loop3A_274 : i32 to index
        %parallel_loop3A_276 = tpu.vector_load %arg11[%parallel_loop3A_275] {strides = array<i32>} : memref<4096xf32, #tpu.memory_space<vmem>>, vector<16xf32>,
        %parallel_loop3A_277 = arith.constant 16 : i32
        %parallel_loop3A_278 = arith.muli %parallel_loop3A_212, %parallel_loop3A_277 : i32
        %parallel_loop3A_279 = arith.constant 0 : i32
        %parallel_loop3A_280 = arith.index_cast %parallel_loop3A_279 : i32 to index
        %parallel_loop3A_281 = arith.index_cast %parallel_loop3A_278 : i32 to index
        %parallel_loop3A_282 = tpu.vector_load %arg13[%parallel_loop3A_280, %parallel_loop3A_281] {strides = array<i32>} : memref<8x1024xi32, #tpu.memory_space<vmem>>, vector<16xi32>,
        %parallel_loop3A_283 = arith.constant 16 : i32
        %parallel_loop3A_284 = vector.broadcast %parallel_loop3A_283 : i32 to vector<16xi32>
        %parallel_loop3A_285 = arith.muli %parallel_loop3A_282, %parallel_loop3A_284 : vector<16xi32>
        %parallel_loop3A_286 = arith.addi %parallel_loop3A_285, %iota3A : vector<16xi32>
        %parallel_loop3A_287 = arith.constant 16 : i32
        %parallel_loop3A_288 = arith.muli %parallel_loop3A_212, %parallel_loop3A_287 : i32
        %parallel_loop3A_289 = arith.constant 1 : i32
        %parallel_loop3A_290 = arith.index_cast %parallel_loop3A_289 : i32 to index
        %parallel_loop3A_291 = arith.index_cast %parallel_loop3A_288 : i32 to index
        %parallel_loop3A_292 = tpu.vector_load %arg13[%parallel_loop3A_290, %parallel_loop3A_291] {strides = array<i32>} : memref<8x1024xi32, #tpu.memory_space<vmem>>, vector<16xi32>,
        %parallel_loop3A_293 = arith.constant 16 : i32
        %parallel_loop3A_294 = vector.broadcast %parallel_loop3A_293 : i32 to vector<16xi32>
        %parallel_loop3A_295 = arith.muli %parallel_loop3A_292, %parallel_loop3A_294 : vector<16xi32>
        %parallel_loop3A_296 = arith.addi %parallel_loop3A_295, %iota3A : vector<16xi32>
        %parallel_loop3A_297 = arith.constant 16 : i32
        %parallel_loop3A_298 = arith.muli %parallel_loop3A_212, %parallel_loop3A_297 : i32
        %parallel_loop3A_299 = arith.constant 2 : i32
        %parallel_loop3A_300 = arith.index_cast %parallel_loop3A_299 : i32 to index
        %parallel_loop3A_301 = arith.index_cast %parallel_loop3A_298 : i32 to index
        %parallel_loop3A_302 = tpu.vector_load %arg13[%parallel_loop3A_300, %parallel_loop3A_301] {strides = array<i32>} : memref<8x1024xi32, #tpu.memory_space<vmem>>, vector<16xi32>,
        %parallel_loop3A_303 = arith.constant 16 : i32
        %parallel_loop3A_304 = vector.broadcast %parallel_loop3A_303 : i32 to vector<16xi32>
        %parallel_loop3A_305 = arith.muli %parallel_loop3A_302, %parallel_loop3A_304 : vector<16xi32>
        %parallel_loop3A_306 = arith.addi %parallel_loop3A_305, %iota3A : vector<16xi32>
        %parallel_loop3A_307 = arith.constant 16 : i32
        %parallel_loop3A_308 = arith.muli %parallel_loop3A_212, %parallel_loop3A_307 : i32
        %parallel_loop3A_309 = arith.constant 3 : i32
        %parallel_loop3A_310 = arith.index_cast %parallel_loop3A_309 : i32 to index
        %parallel_loop3A_311 = arith.index_cast %parallel_loop3A_308 : i32 to index
        %parallel_loop3A_312 = tpu.vector_load %arg13[%parallel_loop3A_310, %parallel_loop3A_311] {strides = array<i32>} : memref<8x1024xi32, #tpu.memory_space<vmem>>, vector<16xi32>,
        %parallel_loop3A_313 = arith.constant 16 : i32
        %parallel_loop3A_314 = vector.broadcast %parallel_loop3A_313 : i32 to vector<16xi32>
        %parallel_loop3A_315 = arith.muli %parallel_loop3A_312, %parallel_loop3A_314 : vector<16xi32>
        %parallel_loop3A_316 = arith.addi %parallel_loop3A_315, %iota3A : vector<16xi32>
        %parallel_loop3A_317 = tpu.vector_load_idx %arg7[%parallel_loop3A_286] : memref<4096xf32, #tpu.memory_space<vmem>>[vector<16xi32>], vector<16xf32>,
        %parallel_loop3A_318 = tpu.vector_load_idx %arg8[%parallel_loop3A_286] : memref<4096xf32, #tpu.memory_space<vmem>>[vector<16xi32>], vector<16xf32>,
        %parallel_loop3A_319 = tpu.vector_load_idx %arg9[%parallel_loop3A_286] : memref<4096xf32, #tpu.memory_space<vmem>>[vector<16xi32>], vector<16xf32>,
        %parallel_loop3A_320 = tpu.vector_load_idx %arg10[%parallel_loop3A_286] : memref<4096xf32, #tpu.memory_space<vmem>>[vector<16xi32>], vector<16xf32>,
        %parallel_loop3A_321 = tpu.vector_load_idx %arg7[%parallel_loop3A_296] : memref<4096xf32, #tpu.memory_space<vmem>>[vector<16xi32>], vector<16xf32>,
        %parallel_loop3A_322 = tpu.vector_load_idx %arg8[%parallel_loop3A_296] : memref<4096xf32, #tpu.memory_space<vmem>>[vector<16xi32>], vector<16xf32>,
        %parallel_loop3A_323 = tpu.vector_load_idx %arg9[%parallel_loop3A_296] : memref<4096xf32, #tpu.memory_space<vmem>>[vector<16xi32>], vector<16xf32>,
        %parallel_loop3A_324 = tpu.vector_load_idx %arg10[%parallel_loop3A_296] : memref<4096xf32, #tpu.memory_space<vmem>>[vector<16xi32>], vector<16xf32>,
        %parallel_loop3A_325 = tpu.vector_load_idx %arg7[%parallel_loop3A_306] : memref<4096xf32, #tpu.memory_space<vmem>>[vector<16xi32>], vector<16xf32>,
        %parallel_loop3A_326 = tpu.vector_load_idx %arg8[%parallel_loop3A_306] : memref<4096xf32, #tpu.memory_space<vmem>>[vector<16xi32>], vector<16xf32>,
        %parallel_loop3A_327 = tpu.vector_load_idx %arg9[%parallel_loop3A_306] : memref<4096xf32, #tpu.memory_space<vmem>>[vector<16xi32>], vector<16xf32>,
        %parallel_loop3A_328 = tpu.vector_load_idx %arg10[%parallel_loop3A_306] : memref<4096xf32, #tpu.memory_space<vmem>>[vector<16xi32>], vector<16xf32>,
        %parallel_loop3A_329 = tpu.vector_load_idx %arg7[%parallel_loop3A_316] : memref<4096xf32, #tpu.memory_space<vmem>>[vector<16xi32>], vector<16xf32>,
        %parallel_loop3A_330 = tpu.vector_load_idx %arg8[%parallel_loop3A_316] : memref<4096xf32, #tpu.memory_space<vmem>>[vector<16xi32>], vector<16xf32>,
        %parallel_loop3A_331 = tpu.vector_load_idx %arg9[%parallel_loop3A_316] : memref<4096xf32, #tpu.memory_space<vmem>>[vector<16xi32>], vector<16xf32>,
        %parallel_loop3A_332 = tpu.vector_load_idx %arg10[%parallel_loop3A_316] : memref<4096xf32, #tpu.memory_space<vmem>>[vector<16xi32>], vector<16xf32>,
        %parallel_loop3A_333 = arith.mulf %parallel_loop3A_317, %parallel_loop3A_258 : vector<16xf32>
        %parallel_loop3A_334 = arith.mulf %parallel_loop3A_333, %gather3A : vector<16xf32>
        %parallel_loop3A_335 = arith.mulf %parallel_loop3A_318, %parallel_loop3A_264 : vector<16xf32>
        %parallel_loop3A_336 = arith.mulf %parallel_loop3A_335, %gather3A : vector<16xf32>
        %parallel_loop3A_337 = arith.mulf %parallel_loop3A_319, %parallel_loop3A_270 : vector<16xf32>
        %parallel_loop3A_338 = arith.mulf %parallel_loop3A_337, %gather3A : vector<16xf32>
        %parallel_loop3A_339 = arith.mulf %parallel_loop3A_320, %parallel_loop3A_276 : vector<16xf32>
        %parallel_loop3A_340 = arith.mulf %parallel_loop3A_339, %gather3A : vector<16xf32>
        %parallel_loop3A_341 = arith.mulf %parallel_loop3A_321, %parallel_loop3A_258 : vector<16xf32>
        %parallel_loop3A_342 = arith.mulf %parallel_loop3A_341, %gather3A_53 : vector<16xf32>
        %parallel_loop3A_343 = arith.mulf %parallel_loop3A_322, %parallel_loop3A_264 : vector<16xf32>
        %parallel_loop3A_344 = arith.mulf %parallel_loop3A_343, %gather3A_53 : vector<16xf32>
        %parallel_loop3A_345 = arith.mulf %parallel_loop3A_323, %parallel_loop3A_270 : vector<16xf32>
        %parallel_loop3A_346 = arith.mulf %parallel_loop3A_345, %gather3A_53 : vector<16xf32>
        %parallel_loop3A_347 = arith.mulf %parallel_loop3A_324, %parallel_loop3A_276 : vector<16xf32>
        %parallel_loop3A_348 = arith.mulf %parallel_loop3A_347, %gather3A_53 : vector<16xf32>
        %parallel_loop3A_349 = arith.mulf %parallel_loop3A_325, %parallel_loop3A_258 : vector<16xf32>
        %parallel_loop3A_350 = arith.mulf %parallel_loop3A_349, %gather3A_59 : vector<16xf32>
        %parallel_loop3A_351 = arith.mulf %parallel_loop3A_326, %parallel_loop3A_264 : vector<16xf32>
        %parallel_loop3A_352 = arith.mulf %parallel_loop3A_351, %gather3A_59 : vector<16xf32>
        %parallel_loop3A_353 = arith.mulf %parallel_loop3A_327, %parallel_loop3A_270 : vector<16xf32>
        %parallel_loop3A_354 = arith.mulf %parallel_loop3A_353, %gather3A_59 : vector<16xf32>
        %parallel_loop3A_355 = arith.mulf %parallel_loop3A_328, %parallel_loop3A_276 : vector<16xf32>
        %parallel_loop3A_356 = arith.mulf %parallel_loop3A_355, %gather3A_59 : vector<16xf32>
        %parallel_loop3A_357 = arith.mulf %parallel_loop3A_329, %parallel_loop3A_258 : vector<16xf32>
        %parallel_loop3A_358 = arith.mulf %parallel_loop3A_357, %gather3A_65 : vector<16xf32>
        %parallel_loop3A_359 = arith.mulf %parallel_loop3A_330, %parallel_loop3A_264 : vector<16xf32>
        %parallel_loop3A_360 = arith.mulf %parallel_loop3A_359, %gather3A_65 : vector<16xf32>
        %parallel_loop3A_361 = arith.mulf %parallel_loop3A_331, %parallel_loop3A_270 : vector<16xf32>
        %parallel_loop3A_362 = arith.mulf %parallel_loop3A_361, %gather3A_65 : vector<16xf32>
        %parallel_loop3A_363 = arith.mulf %parallel_loop3A_332, %parallel_loop3A_276 : vector<16xf32>
        %parallel_loop3A_364 = arith.mulf %parallel_loop3A_363, %gather3A_65 : vector<16xf32>
        tpu.vector_store_idx %arg15[%broadcast_in_dim3A_91, %parallel_loop3A_222], %parallel_loop3A_334 : memref<8x4096xf32, #tpu.memory_space<vmem>>[vector<16xi32>, vector<16xi32>], vector<16xf32>,
        tpu.vector_store_idx %arg15[%broadcast_in_dim3A_91, %parallel_loop3A_232], %parallel_loop3A_336 : memref<8x4096xf32, #tpu.memory_space<vmem>>[vector<16xi32>, vector<16xi32>], vector<16xf32>,
        tpu.vector_store_idx %arg15[%broadcast_in_dim3A_91, %parallel_loop3A_242], %parallel_loop3A_338 : memref<8x4096xf32, #tpu.memory_space<vmem>>[vector<16xi32>, vector<16xi32>], vector<16xf32>,
        tpu.vector_store_idx %arg15[%broadcast_in_dim3A_91, %parallel_loop3A_252], %parallel_loop3A_340 : memref<8x4096xf32, #tpu.memory_space<vmem>>[vector<16xi32>, vector<16xi32>], vector<16xf32>,
        tpu.vector_store_idx %arg15[%broadcast_in_dim3A_93, %parallel_loop3A_222], %parallel_loop3A_342 : memref<8x4096xf32, #tpu.memory_space<vmem>>[vector<16xi32>, vector<16xi32>], vector<16xf32>,
        tpu.vector_store_idx %arg15[%broadcast_in_dim3A_93, %parallel_loop3A_232], %parallel_loop3A_344 : memref<8x4096xf32, #tpu.memory_space<vmem>>[vector<16xi32>, vector<16xi32>], vector<16xf32>,
        tpu.vector_store_idx %arg15[%broadcast_in_dim3A_93, %parallel_loop3A_242], %parallel_loop3A_346 : memref<8x4096xf32, #tpu.memory_space<vmem>>[vector<16xi32>, vector<16xi32>], vector<16xf32>,
        tpu.vector_store_idx %arg15[%broadcast_in_dim3A_93, %parallel_loop3A_252], %parallel_loop3A_348 : memref<8x4096xf32, #tpu.memory_space<vmem>>[vector<16xi32>, vector<16xi32>], vector<16xf32>,
        tpu.vector_store_idx %arg15[%broadcast_in_dim3A_95, %parallel_loop3A_222], %parallel_loop3A_350 : memref<8x4096xf32, #tpu.memory_space<vmem>>[vector<16xi32>, vector<16xi32>], vector<16xf32>,
        tpu.vector_store_idx %arg15[%broadcast_in_dim3A_95, %parallel_loop3A_232], %parallel_loop3A_352 : memref<8x4096xf32, #tpu.memory_space<vmem>>[vector<16xi32>, vector<16xi32>], vector<16xf32>,
        tpu.vector_store_idx %arg15[%broadcast_in_dim3A_95, %parallel_loop3A_242], %parallel_loop3A_354 : memref<8x4096xf32, #tpu.memory_space<vmem>>[vector<16xi32>, vector<16xi32>], vector<16xf32>,
        tpu.vector_store_idx %arg15[%broadcast_in_dim3A_95, %parallel_loop3A_252], %parallel_loop3A_356 : memref<8x4096xf32, #tpu.memory_space<vmem>>[vector<16xi32>, vector<16xi32>], vector<16xf32>,
        tpu.vector_store_idx %arg15[%broadcast_in_dim3A_97, %parallel_loop3A_222], %parallel_loop3A_358 : memref<8x4096xf32, #tpu.memory_space<vmem>>[vector<16xi32>, vector<16xi32>], vector<16xf32>,
        tpu.vector_store_idx %arg15[%broadcast_in_dim3A_97, %parallel_loop3A_232], %parallel_loop3A_360 : memref<8x4096xf32, #tpu.memory_space<vmem>>[vector<16xi32>, vector<16xi32>], vector<16xf32>,
        tpu.vector_store_idx %arg15[%broadcast_in_dim3A_97, %parallel_loop3A_242], %parallel_loop3A_362 : memref<8x4096xf32, #tpu.memory_space<vmem>>[vector<16xi32>, vector<16xi32>], vector<16xf32>,
        tpu.vector_store_idx %arg15[%broadcast_in_dim3A_97, %parallel_loop3A_252], %parallel_loop3A_364 : memref<8x4096xf32, #tpu.memory_space<vmem>>[vector<16xi32>, vector<16xi32>], vector<16xf32>,
        %parallel_loop3A_365 = arith.constant 16 : i32
        %parallel_loop3A_366 = arith.muli %parallel_loop3A_212, %parallel_loop3A_365 : i32
        %parallel_loop3A_367 = arith.constant 4 : i32
        %parallel_loop3A_368 = arith.index_cast %parallel_loop3A_367 : i32 to index
        %parallel_loop3A_369 = arith.index_cast %parallel_loop3A_366 : i32 to index
        %parallel_loop3A_370 = tpu.vector_load %arg13[%parallel_loop3A_368, %parallel_loop3A_369] {strides = array<i32>} : memref<8x1024xi32, #tpu.memory_space<vmem>>, vector<16xi32>,
        %parallel_loop3A_371 = arith.constant 16 : i32
        %parallel_loop3A_372 = vector.broadcast %parallel_loop3A_371 : i32 to vector<16xi32>
        %parallel_loop3A_373 = arith.muli %parallel_loop3A_370, %parallel_loop3A_372 : vector<16xi32>
        %parallel_loop3A_374 = arith.addi %parallel_loop3A_373, %iota3A : vector<16xi32>
        %parallel_loop3A_375 = arith.constant 16 : i32
        %parallel_loop3A_376 = arith.muli %parallel_loop3A_212, %parallel_loop3A_375 : i32
        %parallel_loop3A_377 = arith.constant 5 : i32
        %parallel_loop3A_378 = arith.index_cast %parallel_loop3A_377 : i32 to index
        %parallel_loop3A_379 = arith.index_cast %parallel_loop3A_376 : i32 to index
        %parallel_loop3A_380 = tpu.vector_load %arg13[%parallel_loop3A_378, %parallel_loop3A_379] {strides = array<i32>} : memref<8x1024xi32, #tpu.memory_space<vmem>>, vector<16xi32>,
        %parallel_loop3A_381 = arith.constant 16 : i32
        %parallel_loop3A_382 = vector.broadcast %parallel_loop3A_381 : i32 to vector<16xi32>
        %parallel_loop3A_383 = arith.muli %parallel_loop3A_380, %parallel_loop3A_382 : vector<16xi32>
        %parallel_loop3A_384 = arith.addi %parallel_loop3A_383, %iota3A : vector<16xi32>
        %parallel_loop3A_385 = arith.constant 16 : i32
        %parallel_loop3A_386 = arith.muli %parallel_loop3A_212, %parallel_loop3A_385 : i32
        %parallel_loop3A_387 = arith.constant 6 : i32
        %parallel_loop3A_388 = arith.index_cast %parallel_loop3A_387 : i32 to index
        %parallel_loop3A_389 = arith.index_cast %parallel_loop3A_386 : i32 to index
        %parallel_loop3A_390 = tpu.vector_load %arg13[%parallel_loop3A_388, %parallel_loop3A_389] {strides = array<i32>} : memref<8x1024xi32, #tpu.memory_space<vmem>>, vector<16xi32>,
        %parallel_loop3A_391 = arith.constant 16 : i32
        %parallel_loop3A_392 = vector.broadcast %parallel_loop3A_391 : i32 to vector<16xi32>
        %parallel_loop3A_393 = arith.muli %parallel_loop3A_390, %parallel_loop3A_392 : vector<16xi32>
        %parallel_loop3A_394 = arith.addi %parallel_loop3A_393, %iota3A : vector<16xi32>
        %parallel_loop3A_395 = arith.constant 16 : i32
        %parallel_loop3A_396 = arith.muli %parallel_loop3A_212, %parallel_loop3A_395 : i32
        %parallel_loop3A_397 = arith.constant 7 : i32
        %parallel_loop3A_398 = arith.index_cast %parallel_loop3A_397 : i32 to index
        %parallel_loop3A_399 = arith.index_cast %parallel_loop3A_396 : i32 to index
        %parallel_loop3A_400 = tpu.vector_load %arg13[%parallel_loop3A_398, %parallel_loop3A_399] {strides = array<i32>} : memref<8x1024xi32, #tpu.memory_space<vmem>>, vector<16xi32>,
        %parallel_loop3A_401 = arith.constant 16 : i32
        %parallel_loop3A_402 = vector.broadcast %parallel_loop3A_401 : i32 to vector<16xi32>
        %parallel_loop3A_403 = arith.muli %parallel_loop3A_400, %parallel_loop3A_402 : vector<16xi32>
        %parallel_loop3A_404 = arith.addi %parallel_loop3A_403, %iota3A : vector<16xi32>
        %parallel_loop3A_405 = tpu.vector_load_idx %arg7[%parallel_loop3A_374] : memref<4096xf32, #tpu.memory_space<vmem>>[vector<16xi32>], vector<16xf32>,
        %parallel_loop3A_406 = tpu.vector_load_idx %arg8[%parallel_loop3A_374] : memref<4096xf32, #tpu.memory_space<vmem>>[vector<16xi32>], vector<16xf32>,
        %parallel_loop3A_407 = tpu.vector_load_idx %arg9[%parallel_loop3A_374] : memref<4096xf32, #tpu.memory_space<vmem>>[vector<16xi32>], vector<16xf32>,
        %parallel_loop3A_408 = tpu.vector_load_idx %arg10[%parallel_loop3A_374] : memref<4096xf32, #tpu.memory_space<vmem>>[vector<16xi32>], vector<16xf32>,
        %parallel_loop3A_409 = tpu.vector_load_idx %arg7[%parallel_loop3A_384] : memref<4096xf32, #tpu.memory_space<vmem>>[vector<16xi32>], vector<16xf32>,
        %parallel_loop3A_410 = tpu.vector_load_idx %arg8[%parallel_loop3A_384] : memref<4096xf32, #tpu.memory_space<vmem>>[vector<16xi32>], vector<16xf32>,
        %parallel_loop3A_411 = tpu.vector_load_idx %arg9[%parallel_loop3A_384] : memref<4096xf32, #tpu.memory_space<vmem>>[vector<16xi32>], vector<16xf32>,
        %parallel_loop3A_412 = tpu.vector_load_idx %arg10[%parallel_loop3A_384] : memref<4096xf32, #tpu.memory_space<vmem>>[vector<16xi32>], vector<16xf32>,
        %parallel_loop3A_413 = tpu.vector_load_idx %arg7[%parallel_loop3A_394] : memref<4096xf32, #tpu.memory_space<vmem>>[vector<16xi32>], vector<16xf32>,
        %parallel_loop3A_414 = tpu.vector_load_idx %arg8[%parallel_loop3A_394] : memref<4096xf32, #tpu.memory_space<vmem>>[vector<16xi32>], vector<16xf32>,
        %parallel_loop3A_415 = tpu.vector_load_idx %arg9[%parallel_loop3A_394] : memref<4096xf32, #tpu.memory_space<vmem>>[vector<16xi32>], vector<16xf32>,
        %parallel_loop3A_416 = tpu.vector_load_idx %arg10[%parallel_loop3A_394] : memref<4096xf32, #tpu.memory_space<vmem>>[vector<16xi32>], vector<16xf32>,
        %parallel_loop3A_417 = tpu.vector_load_idx %arg7[%parallel_loop3A_404] : memref<4096xf32, #tpu.memory_space<vmem>>[vector<16xi32>], vector<16xf32>,
        %parallel_loop3A_418 = tpu.vector_load_idx %arg8[%parallel_loop3A_404] : memref<4096xf32, #tpu.memory_space<vmem>>[vector<16xi32>], vector<16xf32>,
        %parallel_loop3A_419 = tpu.vector_load_idx %arg9[%parallel_loop3A_404] : memref<4096xf32, #tpu.memory_space<vmem>>[vector<16xi32>], vector<16xf32>,
        %parallel_loop3A_420 = tpu.vector_load_idx %arg10[%parallel_loop3A_404] : memref<4096xf32, #tpu.memory_space<vmem>>[vector<16xi32>], vector<16xf32>,
        %parallel_loop3A_421 = arith.mulf %parallel_loop3A_405, %parallel_loop3A_258 : vector<16xf32>
        %parallel_loop3A_422 = arith.mulf %parallel_loop3A_421, %gather3A_71 : vector<16xf32>
        %parallel_loop3A_423 = arith.mulf %parallel_loop3A_406, %parallel_loop3A_264 : vector<16xf32>
        %parallel_loop3A_424 = arith.mulf %parallel_loop3A_423, %gather3A_71 : vector<16xf32>
        %parallel_loop3A_425 = arith.mulf %parallel_loop3A_407, %parallel_loop3A_270 : vector<16xf32>
        %parallel_loop3A_426 = arith.mulf %parallel_loop3A_425, %gather3A_71 : vector<16xf32>
        %parallel_loop3A_427 = arith.mulf %parallel_loop3A_408, %parallel_loop3A_276 : vector<16xf32>
        %parallel_loop3A_428 = arith.mulf %parallel_loop3A_427, %gather3A_71 : vector<16xf32>
        %parallel_loop3A_429 = arith.mulf %parallel_loop3A_409, %parallel_loop3A_258 : vector<16xf32>
        %parallel_loop3A_430 = arith.mulf %parallel_loop3A_429, %gather3A_77 : vector<16xf32>
        %parallel_loop3A_431 = arith.mulf %parallel_loop3A_410, %parallel_loop3A_264 : vector<16xf32>
        %parallel_loop3A_432 = arith.mulf %parallel_loop3A_431, %gather3A_77 : vector<16xf32>
        %parallel_loop3A_433 = arith.mulf %parallel_loop3A_411, %parallel_loop3A_270 : vector<16xf32>
        %parallel_loop3A_434 = arith.mulf %parallel_loop3A_433, %gather3A_77 : vector<16xf32>
        %parallel_loop3A_435 = arith.mulf %parallel_loop3A_412, %parallel_loop3A_276 : vector<16xf32>
        %parallel_loop3A_436 = arith.mulf %parallel_loop3A_435, %gather3A_77 : vector<16xf32>
        %parallel_loop3A_437 = arith.mulf %parallel_loop3A_413, %parallel_loop3A_258 : vector<16xf32>
        %parallel_loop3A_438 = arith.mulf %parallel_loop3A_437, %gather3A_83 : vector<16xf32>
        %parallel_loop3A_439 = arith.mulf %parallel_loop3A_414, %parallel_loop3A_264 : vector<16xf32>
        %parallel_loop3A_440 = arith.mulf %parallel_loop3A_439, %gather3A_83 : vector<16xf32>
        %parallel_loop3A_441 = arith.mulf %parallel_loop3A_415, %parallel_loop3A_270 : vector<16xf32>
        %parallel_loop3A_442 = arith.mulf %parallel_loop3A_441, %gather3A_83 : vector<16xf32>
        %parallel_loop3A_443 = arith.mulf %parallel_loop3A_416, %parallel_loop3A_276 : vector<16xf32>
        %parallel_loop3A_444 = arith.mulf %parallel_loop3A_443, %gather3A_83 : vector<16xf32>
        %parallel_loop3A_445 = arith.mulf %parallel_loop3A_417, %parallel_loop3A_258 : vector<16xf32>
        %parallel_loop3A_446 = arith.mulf %parallel_loop3A_445, %gather3A_89 : vector<16xf32>
        %parallel_loop3A_447 = arith.mulf %parallel_loop3A_418, %parallel_loop3A_264 : vector<16xf32>
        %parallel_loop3A_448 = arith.mulf %parallel_loop3A_447, %gather3A_89 : vector<16xf32>
        %parallel_loop3A_449 = arith.mulf %parallel_loop3A_419, %parallel_loop3A_270 : vector<16xf32>
        %parallel_loop3A_450 = arith.mulf %parallel_loop3A_449, %gather3A_89 : vector<16xf32>
        %parallel_loop3A_451 = arith.mulf %parallel_loop3A_420, %parallel_loop3A_276 : vector<16xf32>
        %parallel_loop3A_452 = arith.mulf %parallel_loop3A_451, %gather3A_89 : vector<16xf32>
        tpu.vector_store_idx %arg15[%broadcast_in_dim3A_99, %parallel_loop3A_222], %parallel_loop3A_422 : memref<8x4096xf32, #tpu.memory_space<vmem>>[vector<16xi32>, vector<16xi32>], vector<16xf32>,
        tpu.vector_store_idx %arg15[%broadcast_in_dim3A_99, %parallel_loop3A_232], %parallel_loop3A_424 : memref<8x4096xf32, #tpu.memory_space<vmem>>[vector<16xi32>, vector<16xi32>], vector<16xf32>,
        tpu.vector_store_idx %arg15[%broadcast_in_dim3A_99, %parallel_loop3A_242], %parallel_loop3A_426 : memref<8x4096xf32, #tpu.memory_space<vmem>>[vector<16xi32>, vector<16xi32>], vector<16xf32>,
        tpu.vector_store_idx %arg15[%broadcast_in_dim3A_99, %parallel_loop3A_252], %parallel_loop3A_428 : memref<8x4096xf32, #tpu.memory_space<vmem>>[vector<16xi32>, vector<16xi32>], vector<16xf32>,
        tpu.vector_store_idx %arg15[%broadcast_in_dim3A_101, %parallel_loop3A_222], %parallel_loop3A_430 : memref<8x4096xf32, #tpu.memory_space<vmem>>[vector<16xi32>, vector<16xi32>], vector<16xf32>,
        tpu.vector_store_idx %arg15[%broadcast_in_dim3A_101, %parallel_loop3A_232], %parallel_loop3A_432 : memref<8x4096xf32, #tpu.memory_space<vmem>>[vector<16xi32>, vector<16xi32>], vector<16xf32>,
        tpu.vector_store_idx %arg15[%broadcast_in_dim3A_101, %parallel_loop3A_242], %parallel_loop3A_434 : memref<8x4096xf32, #tpu.memory_space<vmem>>[vector<16xi32>, vector<16xi32>], vector<16xf32>,
        tpu.vector_store_idx %arg15[%broadcast_in_dim3A_101, %parallel_loop3A_252], %parallel_loop3A_436 : memref<8x4096xf32, #tpu.memory_space<vmem>>[vector<16xi32>, vector<16xi32>], vector<16xf32>,
        tpu.vector_store_idx %arg15[%broadcast_in_dim3A_103, %parallel_loop3A_222], %parallel_loop3A_438 : memref<8x4096xf32, #tpu.memory_space<vmem>>[vector<16xi32>, vector<16xi32>], vector<16xf32>,
        tpu.vector_store_idx %arg15[%broadcast_in_dim3A_103, %parallel_loop3A_232], %parallel_loop3A_440 : memref<8x4096xf32, #tpu.memory_space<vmem>>[vector<16xi32>, vector<16xi32>], vector<16xf32>,
        tpu.vector_store_idx %arg15[%broadcast_in_dim3A_103, %parallel_loop3A_242], %parallel_loop3A_442 : memref<8x4096xf32, #tpu.memory_space<vmem>>[vector<16xi32>, vector<16xi32>], vector<16xf32>,
        tpu.vector_store_idx %arg15[%broadcast_in_dim3A_103, %parallel_loop3A_252], %parallel_loop3A_444 : memref<8x4096xf32, #tpu.memory_space<vmem>>[vector<16xi32>, vector<16xi32>], vector<16xf32>,
        tpu.vector_store_idx %arg15[%broadcast_in_dim3A_105, %parallel_loop3A_222], %parallel_loop3A_446 : memref<8x4096xf32, #tpu.memory_space<vmem>>[vector<16xi32>, vector<16xi32>], vector<16xf32>,
        tpu.vector_store_idx %arg15[%broadcast_in_dim3A_105, %parallel_loop3A_232], %parallel_loop3A_448 : memref<8x4096xf32, #tpu.memory_space<vmem>>[vector<16xi32>, vector<16xi32>], vector<16xf32>,
        tpu.vector_store_idx %arg15[%broadcast_in_dim3A_105, %parallel_loop3A_242], %parallel_loop3A_450 : memref<8x4096xf32, #tpu.memory_space<vmem>>[vector<16xi32>, vector<16xi32>], vector<16xf32>,
        tpu.vector_store_idx %arg15[%broadcast_in_dim3A_105, %parallel_loop3A_252], %parallel_loop3A_452 : memref<8x4096xf32, #tpu.memory_space<vmem>>[vector<16xi32>, vector<16xi32>], vector<16xf32>,
      } {sc.loop_unroll_factor = 2 : i64, sc.parallel_access}
      %mul3A_108 = arith.constant 8 : i32
      %mul3A_109 = arith.muli %add3A_28, %mul3A_108 : i32
      %add3A_110 = arith.addi %mul3A_2, %mul3A_109 : i32
      %dma_start3A_111 = arith.constant 0 : i32
      %dma_start3A_112 = tpu.memref_slice %arg6[%add3A_110, %dma_start3A_111] : memref<4096x4096xf32, #tpu.memory_space<hbm>> -> memref<8x4096xf32, #tpu.memory_space<hbm>>
      %dma_start3A_113 = arith.constant 0 : i32
      %dma_start3A_114 = tpu.memref_slice %arg6[%add3A_110, %dma_start3A_113] : memref<4096x4096xf32, #tpu.memory_space<hbm>> -> memref<8x4096xf32, #tpu.memory_space<hbm>>
      tpu.enqueue_dma source(%arg15 : memref<8x4096xf32, #tpu.memory_space<vmem>>) target(%dma_start3A_114 : memref<8x4096xf32, #tpu.memory_space<hbm>>) target_semaphore(%arg19 : memref<!tpu.dma_semaphore, #tpu.memory_space<semaphore_mem>>)
      %mul3A_115 = arith.constant 2 : i32
      %mul3A_116 = arith.muli %mul3A_115, %scan3A_24 : i32
      %add3A_117 = arith.constant 1 : i32
      %add3A_118 = arith.addi %mul3A_116, %add3A_117 : i32
      %mul3A_119 = arith.constant 8 : i32
      %mul3A_120 = arith.muli %add3A_118, %mul3A_119 : i32
      %add3A_121 = arith.addi %mul3A_2, %mul3A_120 : i32
      %dma_wait3A_122 = arith.constant 0 : i32
      %dma_wait3A_123 = tpu.memref_slice %arg4[%add3A_121, %dma_wait3A_122] : memref<4096x1024xi32, #tpu.memory_space<hbm>> -> memref<8x1024xi32, #tpu.memory_space<hbm>>
      %dma_wait3A_124 = arith.constant 0 : i32
      %dma_wait3A_125 = tpu.memref_slice %arg4[%add3A_121, %dma_wait3A_124] : memref<4096x1024xi32, #tpu.memory_space<hbm>> -> memref<8x1024xi32, #tpu.memory_space<hbm>>
      tpu.wait_dma2 semaphore(%arg18 : memref<!tpu.dma_semaphore, #tpu.memory_space<semaphore_mem>>) src(%dma_wait3A_125 : memref<8x1024xi32, #tpu.memory_space<hbm>>) dst(%arg14 : memref<8x1024xi32, #tpu.memory_space<vmem>>)
      %add3A_126 = arith.constant 1 : i32
      %add3A_127 = arith.addi %add3A_118, %add3A_126 : i32
      %lt3A_128 = arith.constant 16 : i32
      %lt3A_129 = arith.cmpi slt, %add3A_127, %lt3A_128 : i32
      %convert_element_type3A_130 = arith.extui %lt3A_129 : i1 to i32
      %cond3A_131 = arith.constant 0 : i32
      %cond3A_132 = arith.cmpi ne, %convert_element_type3A_130, %cond3A_131 : i32
      scf.if %cond3A_132 {
        %add3A_212 = arith.constant 1 : i32
        %add3A_213 = arith.addi %add3A_118, %add3A_212 : i32
        %mul3A_214 = arith.constant 8 : i32
        %mul3A_215 = arith.muli %add3A_213, %mul3A_214 : i32
        %add3A_216 = arith.addi %mul3A_2, %mul3A_215 : i32
        %dma_start3A_217 = arith.constant 0 : i32
        %dma_start3A_218 = tpu.memref_slice %arg4[%add3A_216, %dma_start3A_217] : memref<4096x1024xi32, #tpu.memory_space<hbm>> -> memref<8x1024xi32, #tpu.memory_space<hbm>>
        %dma_start3A_219 = arith.constant 0 : i32
        %dma_start3A_220 = tpu.memref_slice %arg4[%add3A_216, %dma_start3A_219] : memref<4096x1024xi32, #tpu.memory_space<hbm>> -> memref<8x1024xi32, #tpu.memory_space<hbm>>
        tpu.enqueue_dma source(%dma_start3A_220 : memref<8x1024xi32, #tpu.memory_space<hbm>>) target(%arg13 : memref<8x1024xi32, #tpu.memory_space<vmem>>) target_semaphore(%arg17 : memref<!tpu.dma_semaphore, #tpu.memory_space<semaphore_mem>>)
      } else {
      }
      %ge3A_133 = arith.constant 2 : i32
      %ge3A_134 = arith.cmpi sge, %add3A_118, %ge3A_133 : i32
      %convert_element_type3A_135 = arith.extui %ge3A_134 : i1 to i32
      %cond3A_136 = arith.constant 0 : i32
      %cond3A_137 = arith.cmpi ne, %convert_element_type3A_135, %cond3A_136 : i32
      scf.if %cond3A_137 {
        %sub3A = arith.constant 2 : i32
        %sub3A_212 = arith.subi %add3A_118, %sub3A : i32
        %mul3A_213 = arith.constant 8 : i32
        %mul3A_214 = arith.muli %sub3A_212, %mul3A_213 : i32
        %add3A_215 = arith.addi %mul3A_2, %mul3A_214 : i32
        %dma_wait3A_216 = arith.constant 0 : i32
        %dma_wait3A_217 = tpu.memref_slice %arg6[%add3A_215, %dma_wait3A_216] : memref<4096x4096xf32, #tpu.memory_space<hbm>> -> memref<8x4096xf32, #tpu.memory_space<hbm>>
        %dma_wait3A_218 = arith.constant 0 : i32
        %dma_wait3A_219 = tpu.memref_slice %arg6[%add3A_215, %dma_wait3A_218] : memref<4096x4096xf32, #tpu.memory_space<hbm>> -> memref<8x4096xf32, #tpu.memory_space<hbm>>
        tpu.wait_dma2 semaphore(%arg20 : memref<!tpu.dma_semaphore, #tpu.memory_space<semaphore_mem>>) src(%arg16 : memref<8x4096xf32, #tpu.memory_space<vmem>>) dst(%dma_wait3A_219 : memref<8x4096xf32, #tpu.memory_space<hbm>>)
      } else {
      }
      %mul3A_138 = arith.constant 8 : i32
      %mul3A_139 = arith.muli %add3A_118, %mul3A_138 : i32
      %add3A_140 = arith.constant 0 : i32
      %add3A_141 = arith.addi %mul3A_139, %add3A_140 : i32
      %broadcast_in_dim3A_142 = vector.broadcast %add3A_141 : i32 to vector<16xi32>
      %gather3A_143 = tpu.vector_load_idx %arg12[%broadcast_in_dim3A_142] : memref<128xf32, #tpu.memory_space<vmem>>[vector<16xi32>], vector<16xf32>,
      %mul3A_144 = arith.constant 8 : i32
      %mul3A_145 = arith.muli %add3A_118, %mul3A_144 : i32
      %add3A_146 = arith.constant 1 : i32
      %add3A_147 = arith.addi %mul3A_145, %add3A_146 : i32
      %broadcast_in_dim3A_148 = vector.broadcast %add3A_147 : i32 to vector<16xi32>
      %gather3A_149 = tpu.vector_load_idx %arg12[%broadcast_in_dim3A_148] : memref<128xf32, #tpu.memory_space<vmem>>[vector<16xi32>], vector<16xf32>,
      %mul3A_150 = arith.constant 8 : i32
      %mul3A_151 = arith.muli %add3A_118, %mul3A_150 : i32
      %add3A_152 = arith.constant 2 : i32
      %add3A_153 = arith.addi %mul3A_151, %add3A_152 : i32
      %broadcast_in_dim3A_154 = vector.broadcast %add3A_153 : i32 to vector<16xi32>
      %gather3A_155 = tpu.vector_load_idx %arg12[%broadcast_in_dim3A_154] : memref<128xf32, #tpu.memory_space<vmem>>[vector<16xi32>], vector<16xf32>,
      %mul3A_156 = arith.constant 8 : i32
      %mul3A_157 = arith.muli %add3A_118, %mul3A_156 : i32
      %add3A_158 = arith.constant 3 : i32
      %add3A_159 = arith.addi %mul3A_157, %add3A_158 : i32
      %broadcast_in_dim3A_160 = vector.broadcast %add3A_159 : i32 to vector<16xi32>
      %gather3A_161 = tpu.vector_load_idx %arg12[%broadcast_in_dim3A_160] : memref<128xf32, #tpu.memory_space<vmem>>[vector<16xi32>], vector<16xf32>,
      %mul3A_162 = arith.constant 8 : i32
      %mul3A_163 = arith.muli %add3A_118, %mul3A_162 : i32
      %add3A_164 = arith.constant 4 : i32
      %add3A_165 = arith.addi %mul3A_163, %add3A_164 : i32
      %broadcast_in_dim3A_166 = vector.broadcast %add3A_165 : i32 to vector<16xi32>
      %gather3A_167 = tpu.vector_load_idx %arg12[%broadcast_in_dim3A_166] : memref<128xf32, #tpu.memory_space<vmem>>[vector<16xi32>], vector<16xf32>,
      %mul3A_168 = arith.constant 8 : i32
      %mul3A_169 = arith.muli %add3A_118, %mul3A_168 : i32
      %add3A_170 = arith.constant 5 : i32
      %add3A_171 = arith.addi %mul3A_169, %add3A_170 : i32
      %broadcast_in_dim3A_172 = vector.broadcast %add3A_171 : i32 to vector<16xi32>
      %gather3A_173 = tpu.vector_load_idx %arg12[%broadcast_in_dim3A_172] : memref<128xf32, #tpu.memory_space<vmem>>[vector<16xi32>], vector<16xf32>,
      %mul3A_174 = arith.constant 8 : i32
      %mul3A_175 = arith.muli %add3A_118, %mul3A_174 : i32
      %add3A_176 = arith.constant 6 : i32
      %add3A_177 = arith.addi %mul3A_175, %add3A_176 : i32
      %broadcast_in_dim3A_178 = vector.broadcast %add3A_177 : i32 to vector<16xi32>
      %gather3A_179 = tpu.vector_load_idx %arg12[%broadcast_in_dim3A_178] : memref<128xf32, #tpu.memory_space<vmem>>[vector<16xi32>], vector<16xf32>,
      %mul3A_180 = arith.constant 8 : i32
      %mul3A_181 = arith.muli %add3A_118, %mul3A_180 : i32
      %add3A_182 = arith.constant 7 : i32
      %add3A_183 = arith.addi %mul3A_181, %add3A_182 : i32
      %broadcast_in_dim3A_184 = vector.broadcast %add3A_183 : i32 to vector<16xi32>
      %gather3A_185 = tpu.vector_load_idx %arg12[%broadcast_in_dim3A_184] : memref<128xf32, #tpu.memory_space<vmem>>[vector<16xi32>], vector<16xf32>,
      %broadcast_in_dim3A_186 = arith.constant 0 : i32
      %broadcast_in_dim3A_187 = vector.broadcast %broadcast_in_dim3A_186 : i32 to vector<16xi32>
      %broadcast_in_dim3A_188 = arith.constant 1 : i32
      %broadcast_in_dim3A_189 = vector.broadcast %broadcast_in_dim3A_188 : i32 to vector<16xi32>
      %broadcast_in_dim3A_190 = arith.constant 2 : i32
      %broadcast_in_dim3A_191 = vector.broadcast %broadcast_in_dim3A_190 : i32 to vector<16xi32>
      %broadcast_in_dim3A_192 = arith.constant 3 : i32
      %broadcast_in_dim3A_193 = vector.broadcast %broadcast_in_dim3A_192 : i32 to vector<16xi32>
      %broadcast_in_dim3A_194 = arith.constant 4 : i32
      %broadcast_in_dim3A_195 = vector.broadcast %broadcast_in_dim3A_194 : i32 to vector<16xi32>
      %broadcast_in_dim3A_196 = arith.constant 5 : i32
      %broadcast_in_dim3A_197 = vector.broadcast %broadcast_in_dim3A_196 : i32 to vector<16xi32>
      %broadcast_in_dim3A_198 = arith.constant 6 : i32
      %broadcast_in_dim3A_199 = vector.broadcast %broadcast_in_dim3A_198 : i32 to vector<16xi32>
      %broadcast_in_dim3A_200 = arith.constant 7 : i32
      %broadcast_in_dim3A_201 = vector.broadcast %broadcast_in_dim3A_200 : i32 to vector<16xi32>
      %parallel_loop3A_202 = arith.constant 0 : i32
      %parallel_loop3A_203 = arith.constant 64 : i32
      %parallel_loop3A_204 = arith.constant 1 : i32
      scf.for %parallel_loop3A_212 = %parallel_loop3A_202 to %parallel_loop3A_203 step %parallel_loop3A_204  : i32 {
        %parallel_loop3A_213 = arith.constant 64 : i32
        %parallel_loop3A_214 = arith.muli %parallel_loop3A_213, %parallel_loop3A_212 : i32
        %parallel_loop3A_215 = arith.constant 4 : i32
        %parallel_loop3A_216 = vector.broadcast %parallel_loop3A_215 : i32 to vector<16xi32>
        %parallel_loop3A_217 = arith.muli %parallel_loop3A_216, %iota3A : vector<16xi32>
        %parallel_loop3A_218 = vector.broadcast %parallel_loop3A_214 : i32 to vector<16xi32>
        %parallel_loop3A_219 = arith.addi %parallel_loop3A_218, %parallel_loop3A_217 : vector<16xi32>
        %parallel_loop3A_220 = arith.constant 0 : i32
        %parallel_loop3A_221 = vector.broadcast %parallel_loop3A_220 : i32 to vector<16xi32>
        %parallel_loop3A_222 = arith.addi %parallel_loop3A_219, %parallel_loop3A_221 : vector<16xi32>
        %parallel_loop3A_223 = arith.constant 64 : i32
        %parallel_loop3A_224 = arith.muli %parallel_loop3A_223, %parallel_loop3A_212 : i32
        %parallel_loop3A_225 = arith.constant 4 : i32
        %parallel_loop3A_226 = vector.broadcast %parallel_loop3A_225 : i32 to vector<16xi32>
        %parallel_loop3A_227 = arith.muli %parallel_loop3A_226, %iota3A : vector<16xi32>
        %parallel_loop3A_228 = vector.broadcast %parallel_loop3A_224 : i32 to vector<16xi32>
        %parallel_loop3A_229 = arith.addi %parallel_loop3A_228, %parallel_loop3A_227 : vector<16xi32>
        %parallel_loop3A_230 = arith.constant 1 : i32
        %parallel_loop3A_231 = vector.broadcast %parallel_loop3A_230 : i32 to vector<16xi32>
        %parallel_loop3A_232 = arith.addi %parallel_loop3A_229, %parallel_loop3A_231 : vector<16xi32>
        %parallel_loop3A_233 = arith.constant 64 : i32
        %parallel_loop3A_234 = arith.muli %parallel_loop3A_233, %parallel_loop3A_212 : i32
        %parallel_loop3A_235 = arith.constant 4 : i32
        %parallel_loop3A_236 = vector.broadcast %parallel_loop3A_235 : i32 to vector<16xi32>
        %parallel_loop3A_237 = arith.muli %parallel_loop3A_236, %iota3A : vector<16xi32>
        %parallel_loop3A_238 = vector.broadcast %parallel_loop3A_234 : i32 to vector<16xi32>
        %parallel_loop3A_239 = arith.addi %parallel_loop3A_238, %parallel_loop3A_237 : vector<16xi32>
        %parallel_loop3A_240 = arith.constant 2 : i32
        %parallel_loop3A_241 = vector.broadcast %parallel_loop3A_240 : i32 to vector<16xi32>
        %parallel_loop3A_242 = arith.addi %parallel_loop3A_239, %parallel_loop3A_241 : vector<16xi32>
        %parallel_loop3A_243 = arith.constant 64 : i32
        %parallel_loop3A_244 = arith.muli %parallel_loop3A_243, %parallel_loop3A_212 : i32
        %parallel_loop3A_245 = arith.constant 4 : i32
        %parallel_loop3A_246 = vector.broadcast %parallel_loop3A_245 : i32 to vector<16xi32>
        %parallel_loop3A_247 = arith.muli %parallel_loop3A_246, %iota3A : vector<16xi32>
        %parallel_loop3A_248 = vector.broadcast %parallel_loop3A_244 : i32 to vector<16xi32>
        %parallel_loop3A_249 = arith.addi %parallel_loop3A_248, %parallel_loop3A_247 : vector<16xi32>
        %parallel_loop3A_250 = arith.constant 3 : i32
        %parallel_loop3A_251 = vector.broadcast %parallel_loop3A_250 : i32 to vector<16xi32>
        %parallel_loop3A_252 = arith.addi %parallel_loop3A_249, %parallel_loop3A_251 : vector<16xi32>
        %parallel_loop3A_253 = arith.constant 16 : i32
        %parallel_loop3A_254 = arith.muli %parallel_loop3A_212, %parallel_loop3A_253 : i32
        %parallel_loop3A_255 = arith.constant 0 : i32
        %parallel_loop3A_256 = arith.addi %parallel_loop3A_255, %parallel_loop3A_254 : i32
        %parallel_loop3A_257 = arith.index_cast %parallel_loop3A_256 : i32 to index
        %parallel_loop3A_258 = tpu.vector_load %arg11[%parallel_loop3A_257] {strides = array<i32>} : memref<4096xf32, #tpu.memory_space<vmem>>, vector<16xf32>,
        %parallel_loop3A_259 = arith.constant 16 : i32
        %parallel_loop3A_260 = arith.muli %parallel_loop3A_212, %parallel_loop3A_259 : i32
        %parallel_loop3A_261 = arith.constant 1024 : i32
        %parallel_loop3A_262 = arith.addi %parallel_loop3A_261, %parallel_loop3A_260 : i32
        %parallel_loop3A_263 = arith.index_cast %parallel_loop3A_262 : i32 to index
        %parallel_loop3A_264 = tpu.vector_load %arg11[%parallel_loop3A_263] {strides = array<i32>} : memref<4096xf32, #tpu.memory_space<vmem>>, vector<16xf32>,
        %parallel_loop3A_265 = arith.constant 16 : i32
        %parallel_loop3A_266 = arith.muli %parallel_loop3A_212, %parallel_loop3A_265 : i32
        %parallel_loop3A_267 = arith.constant 2048 : i32
        %parallel_loop3A_268 = arith.addi %parallel_loop3A_267, %parallel_loop3A_266 : i32
        %parallel_loop3A_269 = arith.index_cast %parallel_loop3A_268 : i32 to index
        %parallel_loop3A_270 = tpu.vector_load %arg11[%parallel_loop3A_269] {strides = array<i32>} : memref<4096xf32, #tpu.memory_space<vmem>>, vector<16xf32>,
        %parallel_loop3A_271 = arith.constant 16 : i32
        %parallel_loop3A_272 = arith.muli %parallel_loop3A_212, %parallel_loop3A_271 : i32
        %parallel_loop3A_273 = arith.constant 3072 : i32
        %parallel_loop3A_274 = arith.addi %parallel_loop3A_273, %parallel_loop3A_272 : i32
        %parallel_loop3A_275 = arith.index_cast %parallel_loop3A_274 : i32 to index
        %parallel_loop3A_276 = tpu.vector_load %arg11[%parallel_loop3A_275] {strides = array<i32>} : memref<4096xf32, #tpu.memory_space<vmem>>, vector<16xf32>,
        %parallel_loop3A_277 = arith.constant 16 : i32
        %parallel_loop3A_278 = arith.muli %parallel_loop3A_212, %parallel_loop3A_277 : i32
        %parallel_loop3A_279 = arith.constant 0 : i32
        %parallel_loop3A_280 = arith.index_cast %parallel_loop3A_279 : i32 to index
        %parallel_loop3A_281 = arith.index_cast %parallel_loop3A_278 : i32 to index
        %parallel_loop3A_282 = tpu.vector_load %arg14[%parallel_loop3A_280, %parallel_loop3A_281] {strides = array<i32>} : memref<8x1024xi32, #tpu.memory_space<vmem>>, vector<16xi32>,
        %parallel_loop3A_283 = arith.constant 16 : i32
        %parallel_loop3A_284 = vector.broadcast %parallel_loop3A_283 : i32 to vector<16xi32>
        %parallel_loop3A_285 = arith.muli %parallel_loop3A_282, %parallel_loop3A_284 : vector<16xi32>
        %parallel_loop3A_286 = arith.addi %parallel_loop3A_285, %iota3A : vector<16xi32>
        %parallel_loop3A_287 = arith.constant 16 : i32
        %parallel_loop3A_288 = arith.muli %parallel_loop3A_212, %parallel_loop3A_287 : i32
        %parallel_loop3A_289 = arith.constant 1 : i32
        %parallel_loop3A_290 = arith.index_cast %parallel_loop3A_289 : i32 to index
        %parallel_loop3A_291 = arith.index_cast %parallel_loop3A_288 : i32 to index
        %parallel_loop3A_292 = tpu.vector_load %arg14[%parallel_loop3A_290, %parallel_loop3A_291] {strides = array<i32>} : memref<8x1024xi32, #tpu.memory_space<vmem>>, vector<16xi32>,
        %parallel_loop3A_293 = arith.constant 16 : i32
        %parallel_loop3A_294 = vector.broadcast %parallel_loop3A_293 : i32 to vector<16xi32>
        %parallel_loop3A_295 = arith.muli %parallel_loop3A_292, %parallel_loop3A_294 : vector<16xi32>
        %parallel_loop3A_296 = arith.addi %parallel_loop3A_295, %iota3A : vector<16xi32>
        %parallel_loop3A_297 = arith.constant 16 : i32
        %parallel_loop3A_298 = arith.muli %parallel_loop3A_212, %parallel_loop3A_297 : i32
        %parallel_loop3A_299 = arith.constant 2 : i32
        %parallel_loop3A_300 = arith.index_cast %parallel_loop3A_299 : i32 to index
        %parallel_loop3A_301 = arith.index_cast %parallel_loop3A_298 : i32 to index
        %parallel_loop3A_302 = tpu.vector_load %arg14[%parallel_loop3A_300, %parallel_loop3A_301] {strides = array<i32>} : memref<8x1024xi32, #tpu.memory_space<vmem>>, vector<16xi32>,
        %parallel_loop3A_303 = arith.constant 16 : i32
        %parallel_loop3A_304 = vector.broadcast %parallel_loop3A_303 : i32 to vector<16xi32>
        %parallel_loop3A_305 = arith.muli %parallel_loop3A_302, %parallel_loop3A_304 : vector<16xi32>
        %parallel_loop3A_306 = arith.addi %parallel_loop3A_305, %iota3A : vector<16xi32>
        %parallel_loop3A_307 = arith.constant 16 : i32
        %parallel_loop3A_308 = arith.muli %parallel_loop3A_212, %parallel_loop3A_307 : i32
        %parallel_loop3A_309 = arith.constant 3 : i32
        %parallel_loop3A_310 = arith.index_cast %parallel_loop3A_309 : i32 to index
        %parallel_loop3A_311 = arith.index_cast %parallel_loop3A_308 : i32 to index
        %parallel_loop3A_312 = tpu.vector_load %arg14[%parallel_loop3A_310, %parallel_loop3A_311] {strides = array<i32>} : memref<8x1024xi32, #tpu.memory_space<vmem>>, vector<16xi32>,
        %parallel_loop3A_313 = arith.constant 16 : i32
        %parallel_loop3A_314 = vector.broadcast %parallel_loop3A_313 : i32 to vector<16xi32>
        %parallel_loop3A_315 = arith.muli %parallel_loop3A_312, %parallel_loop3A_314 : vector<16xi32>
        %parallel_loop3A_316 = arith.addi %parallel_loop3A_315, %iota3A : vector<16xi32>
        %parallel_loop3A_317 = tpu.vector_load_idx %arg7[%parallel_loop3A_286] : memref<4096xf32, #tpu.memory_space<vmem>>[vector<16xi32>], vector<16xf32>,
        %parallel_loop3A_318 = tpu.vector_load_idx %arg8[%parallel_loop3A_286] : memref<4096xf32, #tpu.memory_space<vmem>>[vector<16xi32>], vector<16xf32>,
        %parallel_loop3A_319 = tpu.vector_load_idx %arg9[%parallel_loop3A_286] : memref<4096xf32, #tpu.memory_space<vmem>>[vector<16xi32>], vector<16xf32>,
        %parallel_loop3A_320 = tpu.vector_load_idx %arg10[%parallel_loop3A_286] : memref<4096xf32, #tpu.memory_space<vmem>>[vector<16xi32>], vector<16xf32>,
        %parallel_loop3A_321 = tpu.vector_load_idx %arg7[%parallel_loop3A_296] : memref<4096xf32, #tpu.memory_space<vmem>>[vector<16xi32>], vector<16xf32>,
        %parallel_loop3A_322 = tpu.vector_load_idx %arg8[%parallel_loop3A_296] : memref<4096xf32, #tpu.memory_space<vmem>>[vector<16xi32>], vector<16xf32>,
        %parallel_loop3A_323 = tpu.vector_load_idx %arg9[%parallel_loop3A_296] : memref<4096xf32, #tpu.memory_space<vmem>>[vector<16xi32>], vector<16xf32>,
        %parallel_loop3A_324 = tpu.vector_load_idx %arg10[%parallel_loop3A_296] : memref<4096xf32, #tpu.memory_space<vmem>>[vector<16xi32>], vector<16xf32>,
        %parallel_loop3A_325 = tpu.vector_load_idx %arg7[%parallel_loop3A_306] : memref<4096xf32, #tpu.memory_space<vmem>>[vector<16xi32>], vector<16xf32>,
        %parallel_loop3A_326 = tpu.vector_load_idx %arg8[%parallel_loop3A_306] : memref<4096xf32, #tpu.memory_space<vmem>>[vector<16xi32>], vector<16xf32>,
        %parallel_loop3A_327 = tpu.vector_load_idx %arg9[%parallel_loop3A_306] : memref<4096xf32, #tpu.memory_space<vmem>>[vector<16xi32>], vector<16xf32>,
        %parallel_loop3A_328 = tpu.vector_load_idx %arg10[%parallel_loop3A_306] : memref<4096xf32, #tpu.memory_space<vmem>>[vector<16xi32>], vector<16xf32>,
        %parallel_loop3A_329 = tpu.vector_load_idx %arg7[%parallel_loop3A_316] : memref<4096xf32, #tpu.memory_space<vmem>>[vector<16xi32>], vector<16xf32>,
        %parallel_loop3A_330 = tpu.vector_load_idx %arg8[%parallel_loop3A_316] : memref<4096xf32, #tpu.memory_space<vmem>>[vector<16xi32>], vector<16xf32>,
        %parallel_loop3A_331 = tpu.vector_load_idx %arg9[%parallel_loop3A_316] : memref<4096xf32, #tpu.memory_space<vmem>>[vector<16xi32>], vector<16xf32>,
        %parallel_loop3A_332 = tpu.vector_load_idx %arg10[%parallel_loop3A_316] : memref<4096xf32, #tpu.memory_space<vmem>>[vector<16xi32>], vector<16xf32>,
        %parallel_loop3A_333 = arith.mulf %parallel_loop3A_317, %parallel_loop3A_258 : vector<16xf32>
        %parallel_loop3A_334 = arith.mulf %parallel_loop3A_333, %gather3A_143 : vector<16xf32>
        %parallel_loop3A_335 = arith.mulf %parallel_loop3A_318, %parallel_loop3A_264 : vector<16xf32>
        %parallel_loop3A_336 = arith.mulf %parallel_loop3A_335, %gather3A_143 : vector<16xf32>
        %parallel_loop3A_337 = arith.mulf %parallel_loop3A_319, %parallel_loop3A_270 : vector<16xf32>
        %parallel_loop3A_338 = arith.mulf %parallel_loop3A_337, %gather3A_143 : vector<16xf32>
        %parallel_loop3A_339 = arith.mulf %parallel_loop3A_320, %parallel_loop3A_276 : vector<16xf32>
        %parallel_loop3A_340 = arith.mulf %parallel_loop3A_339, %gather3A_143 : vector<16xf32>
        %parallel_loop3A_341 = arith.mulf %parallel_loop3A_321, %parallel_loop3A_258 : vector<16xf32>
        %parallel_loop3A_342 = arith.mulf %parallel_loop3A_341, %gather3A_149 : vector<16xf32>
        %parallel_loop3A_343 = arith.mulf %parallel_loop3A_322, %parallel_loop3A_264 : vector<16xf32>
        %parallel_loop3A_344 = arith.mulf %parallel_loop3A_343, %gather3A_149 : vector<16xf32>
        %parallel_loop3A_345 = arith.mulf %parallel_loop3A_323, %parallel_loop3A_270 : vector<16xf32>
        %parallel_loop3A_346 = arith.mulf %parallel_loop3A_345, %gather3A_149 : vector<16xf32>
        %parallel_loop3A_347 = arith.mulf %parallel_loop3A_324, %parallel_loop3A_276 : vector<16xf32>
        %parallel_loop3A_348 = arith.mulf %parallel_loop3A_347, %gather3A_149 : vector<16xf32>
        %parallel_loop3A_349 = arith.mulf %parallel_loop3A_325, %parallel_loop3A_258 : vector<16xf32>
        %parallel_loop3A_350 = arith.mulf %parallel_loop3A_349, %gather3A_155 : vector<16xf32>
        %parallel_loop3A_351 = arith.mulf %parallel_loop3A_326, %parallel_loop3A_264 : vector<16xf32>
        %parallel_loop3A_352 = arith.mulf %parallel_loop3A_351, %gather3A_155 : vector<16xf32>
        %parallel_loop3A_353 = arith.mulf %parallel_loop3A_327, %parallel_loop3A_270 : vector<16xf32>
        %parallel_loop3A_354 = arith.mulf %parallel_loop3A_353, %gather3A_155 : vector<16xf32>
        %parallel_loop3A_355 = arith.mulf %parallel_loop3A_328, %parallel_loop3A_276 : vector<16xf32>
        %parallel_loop3A_356 = arith.mulf %parallel_loop3A_355, %gather3A_155 : vector<16xf32>
        %parallel_loop3A_357 = arith.mulf %parallel_loop3A_329, %parallel_loop3A_258 : vector<16xf32>
        %parallel_loop3A_358 = arith.mulf %parallel_loop3A_357, %gather3A_161 : vector<16xf32>
        %parallel_loop3A_359 = arith.mulf %parallel_loop3A_330, %parallel_loop3A_264 : vector<16xf32>
        %parallel_loop3A_360 = arith.mulf %parallel_loop3A_359, %gather3A_161 : vector<16xf32>
        %parallel_loop3A_361 = arith.mulf %parallel_loop3A_331, %parallel_loop3A_270 : vector<16xf32>
        %parallel_loop3A_362 = arith.mulf %parallel_loop3A_361, %gather3A_161 : vector<16xf32>
        %parallel_loop3A_363 = arith.mulf %parallel_loop3A_332, %parallel_loop3A_276 : vector<16xf32>
        %parallel_loop3A_364 = arith.mulf %parallel_loop3A_363, %gather3A_161 : vector<16xf32>
        tpu.vector_store_idx %arg16[%broadcast_in_dim3A_187, %parallel_loop3A_222], %parallel_loop3A_334 : memref<8x4096xf32, #tpu.memory_space<vmem>>[vector<16xi32>, vector<16xi32>], vector<16xf32>,
        tpu.vector_store_idx %arg16[%broadcast_in_dim3A_187, %parallel_loop3A_232], %parallel_loop3A_336 : memref<8x4096xf32, #tpu.memory_space<vmem>>[vector<16xi32>, vector<16xi32>], vector<16xf32>,
        tpu.vector_store_idx %arg16[%broadcast_in_dim3A_187, %parallel_loop3A_242], %parallel_loop3A_338 : memref<8x4096xf32, #tpu.memory_space<vmem>>[vector<16xi32>, vector<16xi32>], vector<16xf32>,
        tpu.vector_store_idx %arg16[%broadcast_in_dim3A_187, %parallel_loop3A_252], %parallel_loop3A_340 : memref<8x4096xf32, #tpu.memory_space<vmem>>[vector<16xi32>, vector<16xi32>], vector<16xf32>,
        tpu.vector_store_idx %arg16[%broadcast_in_dim3A_189, %parallel_loop3A_222], %parallel_loop3A_342 : memref<8x4096xf32, #tpu.memory_space<vmem>>[vector<16xi32>, vector<16xi32>], vector<16xf32>,
        tpu.vector_store_idx %arg16[%broadcast_in_dim3A_189, %parallel_loop3A_232], %parallel_loop3A_344 : memref<8x4096xf32, #tpu.memory_space<vmem>>[vector<16xi32>, vector<16xi32>], vector<16xf32>,
        tpu.vector_store_idx %arg16[%broadcast_in_dim3A_189, %parallel_loop3A_242], %parallel_loop3A_346 : memref<8x4096xf32, #tpu.memory_space<vmem>>[vector<16xi32>, vector<16xi32>], vector<16xf32>,
        tpu.vector_store_idx %arg16[%broadcast_in_dim3A_189, %parallel_loop3A_252], %parallel_loop3A_348 : memref<8x4096xf32, #tpu.memory_space<vmem>>[vector<16xi32>, vector<16xi32>], vector<16xf32>,
        tpu.vector_store_idx %arg16[%broadcast_in_dim3A_191, %parallel_loop3A_222], %parallel_loop3A_350 : memref<8x4096xf32, #tpu.memory_space<vmem>>[vector<16xi32>, vector<16xi32>], vector<16xf32>,
        tpu.vector_store_idx %arg16[%broadcast_in_dim3A_191, %parallel_loop3A_232], %parallel_loop3A_352 : memref<8x4096xf32, #tpu.memory_space<vmem>>[vector<16xi32>, vector<16xi32>], vector<16xf32>,
        tpu.vector_store_idx %arg16[%broadcast_in_dim3A_191, %parallel_loop3A_242], %parallel_loop3A_354 : memref<8x4096xf32, #tpu.memory_space<vmem>>[vector<16xi32>, vector<16xi32>], vector<16xf32>,
        tpu.vector_store_idx %arg16[%broadcast_in_dim3A_191, %parallel_loop3A_252], %parallel_loop3A_356 : memref<8x4096xf32, #tpu.memory_space<vmem>>[vector<16xi32>, vector<16xi32>], vector<16xf32>,
        tpu.vector_store_idx %arg16[%broadcast_in_dim3A_193, %parallel_loop3A_222], %parallel_loop3A_358 : memref<8x4096xf32, #tpu.memory_space<vmem>>[vector<16xi32>, vector<16xi32>], vector<16xf32>,
        tpu.vector_store_idx %arg16[%broadcast_in_dim3A_193, %parallel_loop3A_232], %parallel_loop3A_360 : memref<8x4096xf32, #tpu.memory_space<vmem>>[vector<16xi32>, vector<16xi32>], vector<16xf32>,
        tpu.vector_store_idx %arg16[%broadcast_in_dim3A_193, %parallel_loop3A_242], %parallel_loop3A_362 : memref<8x4096xf32, #tpu.memory_space<vmem>>[vector<16xi32>, vector<16xi32>], vector<16xf32>,
        tpu.vector_store_idx %arg16[%broadcast_in_dim3A_193, %parallel_loop3A_252], %parallel_loop3A_364 : memref<8x4096xf32, #tpu.memory_space<vmem>>[vector<16xi32>, vector<16xi32>], vector<16xf32>,
        %parallel_loop3A_365 = arith.constant 16 : i32
        %parallel_loop3A_366 = arith.muli %parallel_loop3A_212, %parallel_loop3A_365 : i32
        %parallel_loop3A_367 = arith.constant 4 : i32
        %parallel_loop3A_368 = arith.index_cast %parallel_loop3A_367 : i32 to index
        %parallel_loop3A_369 = arith.index_cast %parallel_loop3A_366 : i32 to index
        %parallel_loop3A_370 = tpu.vector_load %arg14[%parallel_loop3A_368, %parallel_loop3A_369] {strides = array<i32>} : memref<8x1024xi32, #tpu.memory_space<vmem>>, vector<16xi32>,
        %parallel_loop3A_371 = arith.constant 16 : i32
        %parallel_loop3A_372 = vector.broadcast %parallel_loop3A_371 : i32 to vector<16xi32>
        %parallel_loop3A_373 = arith.muli %parallel_loop3A_370, %parallel_loop3A_372 : vector<16xi32>
        %parallel_loop3A_374 = arith.addi %parallel_loop3A_373, %iota3A : vector<16xi32>
        %parallel_loop3A_375 = arith.constant 16 : i32
        %parallel_loop3A_376 = arith.muli %parallel_loop3A_212, %parallel_loop3A_375 : i32
        %parallel_loop3A_377 = arith.constant 5 : i32
        %parallel_loop3A_378 = arith.index_cast %parallel_loop3A_377 : i32 to index
        %parallel_loop3A_379 = arith.index_cast %parallel_loop3A_376 : i32 to index
        %parallel_loop3A_380 = tpu.vector_load %arg14[%parallel_loop3A_378, %parallel_loop3A_379] {strides = array<i32>} : memref<8x1024xi32, #tpu.memory_space<vmem>>, vector<16xi32>,
        %parallel_loop3A_381 = arith.constant 16 : i32
        %parallel_loop3A_382 = vector.broadcast %parallel_loop3A_381 : i32 to vector<16xi32>
        %parallel_loop3A_383 = arith.muli %parallel_loop3A_380, %parallel_loop3A_382 : vector<16xi32>
        %parallel_loop3A_384 = arith.addi %parallel_loop3A_383, %iota3A : vector<16xi32>
        %parallel_loop3A_385 = arith.constant 16 : i32
        %parallel_loop3A_386 = arith.muli %parallel_loop3A_212, %parallel_loop3A_385 : i32
        %parallel_loop3A_387 = arith.constant 6 : i32
        %parallel_loop3A_388 = arith.index_cast %parallel_loop3A_387 : i32 to index
        %parallel_loop3A_389 = arith.index_cast %parallel_loop3A_386 : i32 to index
        %parallel_loop3A_390 = tpu.vector_load %arg14[%parallel_loop3A_388, %parallel_loop3A_389] {strides = array<i32>} : memref<8x1024xi32, #tpu.memory_space<vmem>>, vector<16xi32>,
        %parallel_loop3A_391 = arith.constant 16 : i32
        %parallel_loop3A_392 = vector.broadcast %parallel_loop3A_391 : i32 to vector<16xi32>
        %parallel_loop3A_393 = arith.muli %parallel_loop3A_390, %parallel_loop3A_392 : vector<16xi32>
        %parallel_loop3A_394 = arith.addi %parallel_loop3A_393, %iota3A : vector<16xi32>
        %parallel_loop3A_395 = arith.constant 16 : i32
        %parallel_loop3A_396 = arith.muli %parallel_loop3A_212, %parallel_loop3A_395 : i32
        %parallel_loop3A_397 = arith.constant 7 : i32
        %parallel_loop3A_398 = arith.index_cast %parallel_loop3A_397 : i32 to index
        %parallel_loop3A_399 = arith.index_cast %parallel_loop3A_396 : i32 to index
        %parallel_loop3A_400 = tpu.vector_load %arg14[%parallel_loop3A_398, %parallel_loop3A_399] {strides = array<i32>} : memref<8x1024xi32, #tpu.memory_space<vmem>>, vector<16xi32>,
        %parallel_loop3A_401 = arith.constant 16 : i32
        %parallel_loop3A_402 = vector.broadcast %parallel_loop3A_401 : i32 to vector<16xi32>
        %parallel_loop3A_403 = arith.muli %parallel_loop3A_400, %parallel_loop3A_402 : vector<16xi32>
        %parallel_loop3A_404 = arith.addi %parallel_loop3A_403, %iota3A : vector<16xi32>
        %parallel_loop3A_405 = tpu.vector_load_idx %arg7[%parallel_loop3A_374] : memref<4096xf32, #tpu.memory_space<vmem>>[vector<16xi32>], vector<16xf32>,
        %parallel_loop3A_406 = tpu.vector_load_idx %arg8[%parallel_loop3A_374] : memref<4096xf32, #tpu.memory_space<vmem>>[vector<16xi32>], vector<16xf32>,
        %parallel_loop3A_407 = tpu.vector_load_idx %arg9[%parallel_loop3A_374] : memref<4096xf32, #tpu.memory_space<vmem>>[vector<16xi32>], vector<16xf32>,
        %parallel_loop3A_408 = tpu.vector_load_idx %arg10[%parallel_loop3A_374] : memref<4096xf32, #tpu.memory_space<vmem>>[vector<16xi32>], vector<16xf32>,
        %parallel_loop3A_409 = tpu.vector_load_idx %arg7[%parallel_loop3A_384] : memref<4096xf32, #tpu.memory_space<vmem>>[vector<16xi32>], vector<16xf32>,
        %parallel_loop3A_410 = tpu.vector_load_idx %arg8[%parallel_loop3A_384] : memref<4096xf32, #tpu.memory_space<vmem>>[vector<16xi32>], vector<16xf32>,
        %parallel_loop3A_411 = tpu.vector_load_idx %arg9[%parallel_loop3A_384] : memref<4096xf32, #tpu.memory_space<vmem>>[vector<16xi32>], vector<16xf32>,
        %parallel_loop3A_412 = tpu.vector_load_idx %arg10[%parallel_loop3A_384] : memref<4096xf32, #tpu.memory_space<vmem>>[vector<16xi32>], vector<16xf32>,
        %parallel_loop3A_413 = tpu.vector_load_idx %arg7[%parallel_loop3A_394] : memref<4096xf32, #tpu.memory_space<vmem>>[vector<16xi32>], vector<16xf32>,
        %parallel_loop3A_414 = tpu.vector_load_idx %arg8[%parallel_loop3A_394] : memref<4096xf32, #tpu.memory_space<vmem>>[vector<16xi32>], vector<16xf32>,
        %parallel_loop3A_415 = tpu.vector_load_idx %arg9[%parallel_loop3A_394] : memref<4096xf32, #tpu.memory_space<vmem>>[vector<16xi32>], vector<16xf32>,
        %parallel_loop3A_416 = tpu.vector_load_idx %arg10[%parallel_loop3A_394] : memref<4096xf32, #tpu.memory_space<vmem>>[vector<16xi32>], vector<16xf32>,
        %parallel_loop3A_417 = tpu.vector_load_idx %arg7[%parallel_loop3A_404] : memref<4096xf32, #tpu.memory_space<vmem>>[vector<16xi32>], vector<16xf32>,
        %parallel_loop3A_418 = tpu.vector_load_idx %arg8[%parallel_loop3A_404] : memref<4096xf32, #tpu.memory_space<vmem>>[vector<16xi32>], vector<16xf32>,
        %parallel_loop3A_419 = tpu.vector_load_idx %arg9[%parallel_loop3A_404] : memref<4096xf32, #tpu.memory_space<vmem>>[vector<16xi32>], vector<16xf32>,
        %parallel_loop3A_420 = tpu.vector_load_idx %arg10[%parallel_loop3A_404] : memref<4096xf32, #tpu.memory_space<vmem>>[vector<16xi32>], vector<16xf32>,
        %parallel_loop3A_421 = arith.mulf %parallel_loop3A_405, %parallel_loop3A_258 : vector<16xf32>
        %parallel_loop3A_422 = arith.mulf %parallel_loop3A_421, %gather3A_167 : vector<16xf32>
        %parallel_loop3A_423 = arith.mulf %parallel_loop3A_406, %parallel_loop3A_264 : vector<16xf32>
        %parallel_loop3A_424 = arith.mulf %parallel_loop3A_423, %gather3A_167 : vector<16xf32>
        %parallel_loop3A_425 = arith.mulf %parallel_loop3A_407, %parallel_loop3A_270 : vector<16xf32>
        %parallel_loop3A_426 = arith.mulf %parallel_loop3A_425, %gather3A_167 : vector<16xf32>
        %parallel_loop3A_427 = arith.mulf %parallel_loop3A_408, %parallel_loop3A_276 : vector<16xf32>
        %parallel_loop3A_428 = arith.mulf %parallel_loop3A_427, %gather3A_167 : vector<16xf32>
        %parallel_loop3A_429 = arith.mulf %parallel_loop3A_409, %parallel_loop3A_258 : vector<16xf32>
        %parallel_loop3A_430 = arith.mulf %parallel_loop3A_429, %gather3A_173 : vector<16xf32>
        %parallel_loop3A_431 = arith.mulf %parallel_loop3A_410, %parallel_loop3A_264 : vector<16xf32>
        %parallel_loop3A_432 = arith.mulf %parallel_loop3A_431, %gather3A_173 : vector<16xf32>
        %parallel_loop3A_433 = arith.mulf %parallel_loop3A_411, %parallel_loop3A_270 : vector<16xf32>
        %parallel_loop3A_434 = arith.mulf %parallel_loop3A_433, %gather3A_173 : vector<16xf32>
        %parallel_loop3A_435 = arith.mulf %parallel_loop3A_412, %parallel_loop3A_276 : vector<16xf32>
        %parallel_loop3A_436 = arith.mulf %parallel_loop3A_435, %gather3A_173 : vector<16xf32>
        %parallel_loop3A_437 = arith.mulf %parallel_loop3A_413, %parallel_loop3A_258 : vector<16xf32>
        %parallel_loop3A_438 = arith.mulf %parallel_loop3A_437, %gather3A_179 : vector<16xf32>
        %parallel_loop3A_439 = arith.mulf %parallel_loop3A_414, %parallel_loop3A_264 : vector<16xf32>
        %parallel_loop3A_440 = arith.mulf %parallel_loop3A_439, %gather3A_179 : vector<16xf32>
        %parallel_loop3A_441 = arith.mulf %parallel_loop3A_415, %parallel_loop3A_270 : vector<16xf32>
        %parallel_loop3A_442 = arith.mulf %parallel_loop3A_441, %gather3A_179 : vector<16xf32>
        %parallel_loop3A_443 = arith.mulf %parallel_loop3A_416, %parallel_loop3A_276 : vector<16xf32>
        %parallel_loop3A_444 = arith.mulf %parallel_loop3A_443, %gather3A_179 : vector<16xf32>
        %parallel_loop3A_445 = arith.mulf %parallel_loop3A_417, %parallel_loop3A_258 : vector<16xf32>
        %parallel_loop3A_446 = arith.mulf %parallel_loop3A_445, %gather3A_185 : vector<16xf32>
        %parallel_loop3A_447 = arith.mulf %parallel_loop3A_418, %parallel_loop3A_264 : vector<16xf32>
        %parallel_loop3A_448 = arith.mulf %parallel_loop3A_447, %gather3A_185 : vector<16xf32>
        %parallel_loop3A_449 = arith.mulf %parallel_loop3A_419, %parallel_loop3A_270 : vector<16xf32>
        %parallel_loop3A_450 = arith.mulf %parallel_loop3A_449, %gather3A_185 : vector<16xf32>
        %parallel_loop3A_451 = arith.mulf %parallel_loop3A_420, %parallel_loop3A_276 : vector<16xf32>
        %parallel_loop3A_452 = arith.mulf %parallel_loop3A_451, %gather3A_185 : vector<16xf32>
        tpu.vector_store_idx %arg16[%broadcast_in_dim3A_195, %parallel_loop3A_222], %parallel_loop3A_422 : memref<8x4096xf32, #tpu.memory_space<vmem>>[vector<16xi32>, vector<16xi32>], vector<16xf32>,
        tpu.vector_store_idx %arg16[%broadcast_in_dim3A_195, %parallel_loop3A_232], %parallel_loop3A_424 : memref<8x4096xf32, #tpu.memory_space<vmem>>[vector<16xi32>, vector<16xi32>], vector<16xf32>,
        tpu.vector_store_idx %arg16[%broadcast_in_dim3A_195, %parallel_loop3A_242], %parallel_loop3A_426 : memref<8x4096xf32, #tpu.memory_space<vmem>>[vector<16xi32>, vector<16xi32>], vector<16xf32>,
        tpu.vector_store_idx %arg16[%broadcast_in_dim3A_195, %parallel_loop3A_252], %parallel_loop3A_428 : memref<8x4096xf32, #tpu.memory_space<vmem>>[vector<16xi32>, vector<16xi32>], vector<16xf32>,
        tpu.vector_store_idx %arg16[%broadcast_in_dim3A_197, %parallel_loop3A_222], %parallel_loop3A_430 : memref<8x4096xf32, #tpu.memory_space<vmem>>[vector<16xi32>, vector<16xi32>], vector<16xf32>,
        tpu.vector_store_idx %arg16[%broadcast_in_dim3A_197, %parallel_loop3A_232], %parallel_loop3A_432 : memref<8x4096xf32, #tpu.memory_space<vmem>>[vector<16xi32>, vector<16xi32>], vector<16xf32>,
        tpu.vector_store_idx %arg16[%broadcast_in_dim3A_197, %parallel_loop3A_242], %parallel_loop3A_434 : memref<8x4096xf32, #tpu.memory_space<vmem>>[vector<16xi32>, vector<16xi32>], vector<16xf32>,
        tpu.vector_store_idx %arg16[%broadcast_in_dim3A_197, %parallel_loop3A_252], %parallel_loop3A_436 : memref<8x4096xf32, #tpu.memory_space<vmem>>[vector<16xi32>, vector<16xi32>], vector<16xf32>,
        tpu.vector_store_idx %arg16[%broadcast_in_dim3A_199, %parallel_loop3A_222], %parallel_loop3A_438 : memref<8x4096xf32, #tpu.memory_space<vmem>>[vector<16xi32>, vector<16xi32>], vector<16xf32>,
        tpu.vector_store_idx %arg16[%broadcast_in_dim3A_199, %parallel_loop3A_232], %parallel_loop3A_440 : memref<8x4096xf32, #tpu.memory_space<vmem>>[vector<16xi32>, vector<16xi32>], vector<16xf32>,
        tpu.vector_store_idx %arg16[%broadcast_in_dim3A_199, %parallel_loop3A_242], %parallel_loop3A_442 : memref<8x4096xf32, #tpu.memory_space<vmem>>[vector<16xi32>, vector<16xi32>], vector<16xf32>,
        tpu.vector_store_idx %arg16[%broadcast_in_dim3A_199, %parallel_loop3A_252], %parallel_loop3A_444 : memref<8x4096xf32, #tpu.memory_space<vmem>>[vector<16xi32>, vector<16xi32>], vector<16xf32>,
        tpu.vector_store_idx %arg16[%broadcast_in_dim3A_201, %parallel_loop3A_222], %parallel_loop3A_446 : memref<8x4096xf32, #tpu.memory_space<vmem>>[vector<16xi32>, vector<16xi32>], vector<16xf32>,
        tpu.vector_store_idx %arg16[%broadcast_in_dim3A_201, %parallel_loop3A_232], %parallel_loop3A_448 : memref<8x4096xf32, #tpu.memory_space<vmem>>[vector<16xi32>, vector<16xi32>], vector<16xf32>,
        tpu.vector_store_idx %arg16[%broadcast_in_dim3A_201, %parallel_loop3A_242], %parallel_loop3A_450 : memref<8x4096xf32, #tpu.memory_space<vmem>>[vector<16xi32>, vector<16xi32>], vector<16xf32>,
        tpu.vector_store_idx %arg16[%broadcast_in_dim3A_201, %parallel_loop3A_252], %parallel_loop3A_452 : memref<8x4096xf32, #tpu.memory_space<vmem>>[vector<16xi32>, vector<16xi32>], vector<16xf32>,
      } {sc.loop_unroll_factor = 2 : i64, sc.parallel_access}
      %mul3A_205 = arith.constant 8 : i32
      %mul3A_206 = arith.muli %add3A_118, %mul3A_205 : i32
      %add3A_207 = arith.addi %mul3A_2, %mul3A_206 : i32
      %dma_start3A_208 = arith.constant 0 : i32
      %dma_start3A_209 = tpu.memref_slice %arg6[%add3A_207, %dma_start3A_208] : memref<4096x4096xf32, #tpu.memory_space<hbm>> -> memref<8x4096xf32, #tpu.memory_space<hbm>>
      %dma_start3A_210 = arith.constant 0 : i32
      %dma_start3A_211 = tpu.memref_slice %arg6[%add3A_207, %dma_start3A_210] : memref<4096x4096xf32, #tpu.memory_space<hbm>> -> memref<8x4096xf32, #tpu.memory_space<hbm>>
      tpu.enqueue_dma source(%arg16 : memref<8x4096xf32, #tpu.memory_space<vmem>>) target(%dma_start3A_211 : memref<8x4096xf32, #tpu.memory_space<hbm>>) target_semaphore(%arg20 : memref<!tpu.dma_semaphore, #tpu.memory_space<semaphore_mem>>)
    }
    %scan3A_12 = arith.constant 8 : i32
    %add3A_13 = arith.constant 112 : i32
    %add3A_14 = arith.addi %mul3A_2, %add3A_13 : i32
    %dma_wait3A = arith.constant 0 : i32
    %dma_wait3A_15 = tpu.memref_slice %arg6[%add3A_14, %dma_wait3A] : memref<4096x4096xf32, #tpu.memory_space<hbm>> -> memref<8x4096xf32, #tpu.memory_space<hbm>>
    %dma_wait3A_16 = arith.constant 0 : i32
    %dma_wait3A_17 = tpu.memref_slice %arg6[%add3A_14, %dma_wait3A_16] : memref<4096x4096xf32, #tpu.memory_space<hbm>> -> memref<8x4096xf32, #tpu.memory_space<hbm>>
    tpu.wait_dma2 semaphore(%arg19 : memref<!tpu.dma_semaphore, #tpu.memory_space<semaphore_mem>>) src(%arg15 : memref<8x4096xf32, #tpu.memory_space<vmem>>) dst(%dma_wait3A_17 : memref<8x4096xf32, #tpu.memory_space<hbm>>)
    %add3A_18 = arith.constant 120 : i32
    %add3A_19 = arith.addi %mul3A_2, %add3A_18 : i32
    %dma_wait3A_20 = arith.constant 0 : i32
    %dma_wait3A_21 = tpu.memref_slice %arg6[%add3A_19, %dma_wait3A_20] : memref<4096x4096xf32, #tpu.memory_space<hbm>> -> memref<8x4096xf32, #tpu.memory_space<hbm>>
    %dma_wait3A_22 = arith.constant 0 : i32
    %dma_wait3A_23 = tpu.memref_slice %arg6[%add3A_19, %dma_wait3A_22] : memref<4096x4096xf32, #tpu.memory_space<hbm>> -> memref<8x4096xf32, #tpu.memory_space<hbm>>
    tpu.wait_dma2 semaphore(%arg20 : memref<!tpu.dma_semaphore, #tpu.memory_space<semaphore_mem>>) src(%arg16 : memref<8x4096xf32, #tpu.memory_space<vmem>>) dst(%dma_wait3A_23 : memref<8x4096xf32, #tpu.memory_space<hbm>>)
    return
  }
}

</mosaic_0001>

<sc_bundles>
// kernel: kernel.3.cloned.1.call-start
scs
__scs_entry_jumppad:
0x0: {  	(pc) =	sbr.rel $0x88, $3  }
0x1: {  	(tag) =	ssettag $0x0;
	lr =	simm.s32 $0x1  }
0x2: {  	[smem:$0x3F9D] =	sst lr;
	_ =	strace $0xD0000000  }
0x3: {  	_ = 	snop  }
0x4: {  	_ = 	snop  }
0x5: {  	_ = 	snop  }
0x6: {  	_ = 	snop  }
0x7: {  	_ = 	snop  }
__scs_overlays_trampoline_lowered:
0x8: {  	[smem:$0x3FAC] =	sst s0  }
0x9: {  	[smem:$0x3FAD] =	sst s1  }
0xa: {  	[smem:$0x3FAE] =	sst s2  }
0xb: {  	[smem:$0x3FAF] =	sst s3  }
0xc: {  	[smem:$0x3FB0] =	sst s4  }
0xd: {  	[smem:$0x3FB1] =	sst s5  }
0xe: {  	[smem:$0x3FB2] =	sst s6  }
0xf: {  	[smem:$0x3FB3] =	sst s7  }
0x10: {  	[smem:$0x3FB4] =	sst s8  }
0x11: {  	[smem:$0x3FB5] =	sst s9;
	s0 =	simm.s32 @!p0 $0x0  }
0x12: {  	s1 =	sld [smem:$0x3F9B];
	s0 =	simm.s32 @p0 $0x1  }
0x13: {  	[smem:$0x3FB6] =	sst s0;
	s0 =	simm.s32 @!p1 $0x0  }
0x14: {  	s2 =	sld [smem:$0x3F9A];
	s0 =	simm.s32 @p1 $0x1  }
0x15: {  	[smem:$0x3FB7] =	sst s0;
	s0 =	simm.s32 @!p2 $0x0  }
0x16: {  	s3 =	sld [smem:$0x3FDB];
	s0 =	simm.s32 @p2 $0x1  }
0x17: {  	s4 =	simm.s32 $0x1BF5;
	[smem:$0x3FB9] =	sst s0  }
0x18: {  	s0 =	sld [smem:$0x3F9C];
	_ =	swait.ge [sflag:s4], $0x0  }
0x19: {  	s7 =	sld [smem:$0x3F9D]  }
0x1a: {  	s8 =	sadd.s32 $0xFFFFE003, lr  }
0x1b: {  	s9 =	sadd.s32 $0xFFFFFEF7, lr;
	s5 =	simm.s32 $0xFFFFFFFF;
	p2 =	slt.u32 s8, $0xFFFFF086  }
0x1c: {  	p1 =	slt.u32 s9, $0xF7A;
	s5 =	simm.s32 @!p2 $0x0  }
0x1d: {  	s5 =	simm.s32 @p1 $0x1;
	p0 =	seq.s32 s7, s2  }
0x1e: {  	s7 =	smul.u32 @!p0 $0xF7A, s2;
	p2 =	seq.s32 @!p0 s5, $0x0  }
0x1f: {  	s9 =	smul.u32 $0xF7A, s1;
	s8 =	simm.s32 @!p0 $0x1BF5;
	p2 =	por !p2, p0  }
0x20: {  	[sflag:s8] =	ssyncset.s32 @!p0 $0xFFFFF086;
	s6 =	sadd.s32 @!p0 s3, s7;
	s7 =	simm.s32 @!p0 $0x108  }
0x21: {  	s3 =	sadd.s32 s3, s9;
	s6 =	sadd.s32 @!p0 $0x88, s6;
	s7 =	simm.s32 @p2 $0x1082  }
0x22: {  	[simem:s7], [sflag:s8] =	dma.local @!p0 [hbm:s6], $0xF7A  }
0x23: {  	s9 =	sor.u32 $0xD0000000, s2;
	s6 =	simm.s32 $0x108;
	_ =	swait.ge @!p0 [sflag:s8], $0x0  }
0x24: {  	s3 =	sadd.s32 $0x88, s3;
	s6 =	simm.s32 @!p1 $0x1082;
	[sflag:s4] =	ssyncset.s32 $0xFFFFF086  }
0x25: {  	[simem:s6], [sflag:s4] =	dma.local [hbm:s3], $0xF7A  }
0x26: {  	[smem:$0x3F9D] =	sst s1;
	(tag) =	ssettag s2;
	_ =	strace s9  }
0x27: {  	s1 =	sld [smem:$0x3FAD]  }
0x28: {  	s2 =	sld [smem:$0x3FAE]  }
0x29: {  	s4 =	sld [smem:$0x3FB0]  }
0x2a: {  	p0 =	seq.s32 s5, $0x0;
	s5 =	sld [smem:$0x3FB1]  }
0x2b: {  	s6 =	sld [smem:$0x3FB2]  }
0x2c: {  	s7 =	sld [smem:$0x3FB3]  }
0x2d: {  	s3 =	simm.s32 $0x108;
	s8 =	sld [smem:$0x3FB4]  }
0x2e: {  	s3 =	simm.s32 @!p0 $0x1082;
	s9 =	sld [smem:$0x3FB5]  }
0x2f: {  	lr =	sadd.s32 s0, s3;
	s0 =	sld [smem:$0x3FAC]  }
0x30: {  	s3 =	sld [smem:$0x3FAF]  }
0x31: {  	[smem:$0x3FB8] =	sst s10  }
0x32: {  	s10 =	sld [smem:$0x3FB6];
	_ =	sdelay $0x3  }
0x33: {  	p0 =	seq.s32 s10, $0x1;
	s10 =	sld [smem:$0x3FB8];
	_ =	sdelay $0x3  }
0x34: {  	[smem:$0x3FB8] =	sst s10  }
0x35: {  	s10 =	sld [smem:$0x3FB7];
	_ =	sdelay $0x3  }
0x36: {  	p1 =	seq.s32 s10, $0x1;
	s10 =	sld [smem:$0x3FB8];
	_ =	sdelay $0x3  }
0x37: {  	[smem:$0x3FB8] =	sst s10  }
0x38: {  	s10 =	sld [smem:$0x3FB9]  }
0x39: {  	_ = 	snop;
	(pc) =	sbr.ind lr, $3  }
0x3a: {  	_ = 	snop  }
0x3b: {  	_ = 	snop  }
0x3c: {  	p2 =	seq.s32 s10, $0x1;
	s10 =	sld [smem:$0x3FB8]  }
0x3d: {  	_ =	shalt  }
0x3e: {  	_ =	shalt  }
0x3f: {  	_ =	shalt  }
0x40: {  	_ =	shalt  }
0x41: {  	_ =	shalt  }
0x42: {  	_ =	shalt  }
0x43: {  	_ =	shalt  }
0x44: {  	_ =	shalt  }
0x45: {  	_ =	shalt  }
0x46: {  	_ =	shalt  }
0x47: {  	_ =	shalt  }
0x48: {  	_ =	shalt  }
0x49: {  	_ =	shalt  }
0x4a: {  	_ =	shalt  }
0x4b: {  	_ =	shalt  }
0x4c: {  	_ =	shalt  }
0x4d: {  	_ =	shalt  }
0x4e: {  	_ =	shalt  }
0x4f: {  	_ =	shalt  }
0x50: {  	_ =	shalt  }
0x51: {  	_ =	shalt  }
0x52: {  	_ =	shalt  }
0x53: {  	_ =	shalt  }
0x54: {  	_ =	shalt  }
0x55: {  	_ =	shalt  }
0x56: {  	_ =	shalt  }
0x57: {  	_ =	shalt  }
0x58: {  	_ =	shalt  }
0x59: {  	_ =	shalt  }
0x5a: {  	_ =	shalt  }
0x5b: {  	_ =	shalt  }
0x5c: {  	_ =	shalt  }
0x5d: {  	_ =	shalt  }
0x5e: {  	_ =	shalt  }
0x5f: {  	_ =	shalt  }
0x60: {  	_ =	shalt  }
0x61: {  	_ =	shalt  }
0x62: {  	_ =	shalt  }
0x63: {  	_ =	shalt  }
0x64: {  	_ =	shalt  }
0x65: {  	_ =	shalt  }
0x66: {  	_ =	shalt  }
0x67: {  	_ =	shalt  }
0x68: {  	_ =	shalt  }
0x69: {  	_ =	shalt  }
0x6a: {  	_ =	shalt  }
0x6b: {  	_ =	shalt  }
0x6c: {  	_ =	shalt  }
0x6d: {  	_ =	shalt  }
0x6e: {  	_ =	shalt  }
0x6f: {  	_ =	shalt  }
0x70: {  	_ =	shalt  }
0x71: {  	_ =	shalt  }
0x72: {  	_ =	shalt  }
0x73: {  	_ =	shalt  }
0x74: {  	_ =	shalt  }
0x75: {  	_ =	shalt  }
0x76: {  	_ =	shalt  }
0x77: {  	_ =	shalt  }
0x78: {  	_ =	shalt  }
0x79: {  	_ =	shalt  }
0x7a: {  	_ =	shalt  }
0x7b: {  	_ =	shalt  }
0x7c: {  	_ =	shalt  }
0x7d: {  	_ =	shalt  }
0x7e: {  	_ =	shalt  }
0x7f: {  	_ =	shalt  }
0x80: {  	_ =	shalt  }
0x81: {  	_ =	shalt  }
0x82: {  	_ =	shalt  }
0x83: {  	_ =	shalt  }
0x84: {  	_ =	shalt  }
0x85: {  	_ =	shalt  }
0x86: {  	_ =	shalt  }
0x87: {  	_ =	shalt  }
.Lfunc_end0:
.L_simem_size_0:
called_computation_lowered:
.L_overlay_start_0:
0x88: {  	s2 =	sld [smem:$0x3FD9]  }
0x89: {  	s3 =	sld [smem:$0x3FFE];
	_ =	sdelay $0x1  }
0x8a: {  	s1 =	srdreg.scid  }
0x8b: {  	s0 =	sand.u32 $0x1, s1  }
0x8c: {  	s17 =	sshll.u32 s0, $0xA;
	s2 =	sadd.s32 s3, s2  }
0x8d: {  	s2 =	sadd.s32 s2, s17  }
0x8e: {  	[smem:$0x3FC4] =	sst s2  }
0x8f: {  	_ = 	snop  }
0x90: {  	s2 =	sld [smem:$0x3FC8]  }
0x91: {  	s18 =	sld [smem:$0x3FC6]  }
0x92: {  	s4 =	sld [smem:$0x3FD0];
	(tm) =	ssettm $0x1  }
0x93: {  	s5 =	sld [smem:$0x3FFB];
	_ =	sdelay $0x3  }
0x94: {  	_ =	strace s5  }
0x95: {  	s5 =	sld [smem:$0x3FFC];
	_ =	sdelay $0x3  }
0x96: {  	_ =	strace s5  }
0x97: {  	s5 =	sld [smem:$0x3FFD];
	_ =	sdelay $0x3  }
0x98: {  	_ =	strace s5  }
0x99: {  	_ =	strace $0x8FFFFFFF  }
0x9a: {  	s19 =	sld [smem:$0x3FDB];
	_ =	sdelay $0x1  }
0x9b: {  	s6 =	simm.s32 $_scs_section_size  }
0x9c: {  	s7 =	simm.s32 $_size__tile_overlayer_lowered;
	s8 =	simm.s32 $_tile_overlayer_lowered  }
0x9d: {  	s22 =	simm.s32 $0x1BFF;
	s21 =	sshll.u32 s8, $0x1;
	s5 =	sadd.s32 s6, s19  }
0x9e: {  	s9 =	simm.s32 $0x0;
	s20 =	sshll.u32 s7, $0x1;
	s7 =	sadd.s32 s21, s5  }
0x9f: {  	[timem:s9], [sflag:s22] =	dma.local [hbm:s7], s20  }
0xa0: {  	_ =	swait.ge [sflag:s22], s20  }
0xa1: {  	s6 =	ssub.s32 $0x0, s20;
	[sflag:s22] =	ssyncset.done $0x0  }
0xa2: {  	[sflag:s22] =	ssyncadd.s32 s6;
	_ =	sdelay $0x1  }
0xa3: {  	s23 =	simm.s32 $0x1B8B  }
0xa4: {  	_ =	swait.ge [sflag:s23], $0x1  }
0xa5: {  	[sflag:s23] =	ssyncset.done $0x0  }
0xa6: {  	s25 =	simm.s32 $0x1B8E;
	s24 =	sld [smem:$0x3FFE];
	[sflag:s23] =	ssyncadd.s32 $0xFFFFFFFF  }
0xa7: {  	s26 =	simm.s32 $execute0_lowered;
	[smem:$0x3FD2] =	sst s25  }
0xa8: {  	s7 =	sshll.u32 s26, $0x1;
	_ =	strace $0x80000046;
	[dreg:$0x1] =	wrdreg $0xFFFFFFFF  }
0xa9: {  	s28 =	simm.s32 $_size_execute0_lowered;
	s5 =	sadd.s32 s5, s7;
	[dreg:$0x0] =	wrdreg $0x0  }
0xaa: {  	s7 =	sshll.u32 s28, $0x1;
	[dreg:$0x2] =	wrdreg s5  }
0xab: {  	[dreg:$0x3] =	wrdreg s7  }
0xac: {  	[dreg:$0x4] =	wrdreg $0xC0  }
0xad: {  	_ =	task [dreg:s9], $0x5FFFF  }
0xae: {  	[dreg:$0x1] =	wrdreg $0xFFFFFFFF  }
0xaf: {  	[dreg:$0x0] =	wrdreg $0x60  }
0xb0: {  	[dreg:$0x2] =	wrdreg s24  }
0xb1: {  	[dreg:$0x3] =	wrdreg s2  }
0xb2: {  	[dreg:$0x4] =	wrdreg s18  }
0xb3: {  	[dreg:$0x5] =	wrdreg s4  }
0xb4: {  	[dreg:$0x6] =	wrdreg $0x9  }
0xb5: {  	_ =	task.clear_ibuf [dreg:s9], $0x7FFFF;
	_ =	strace $0x90000046  }
0xb6: {  	s29 =	simm.s32 $0x9;
	_ =	strace $0x80000048  }
0xb7: {  	_ =	swait.ge [sflag:s29], $0x1  }
0xb8: {  	[sflag:s29] =	ssyncadd.s32 $0xFFFFFFFF  }
0xb9: {  	_ =	strace $0x90000048  }
0xba: {  	_ =	sfence  }
0xbb: {  	s30 =	sld [smem:$0x0];
	_ =	sdelay $0x2  }
0xbc: {  	s31 =	sshll.u32 s1, $0xD;
	s1 =	sshrl.u32 s1, $0x2  }
0xbd: {  	s3 =	sand.u32 $0x4000, s31;
	s1 =	sadd.s32 s1, s30  }
0xbe: {  	s0 =	sor.u32 s3, s0;
	s1 =	sshll.u32 s1, $0x11  }
0xbf: {  	s0 =	sor.u32 s1, s0  }
0xc0: {  	s0 =	sadd.s32 $0x8F2B, s0  }
0xc1: {  	[sflag:s0] =	ssyncadd.remote.s32 $0x1  }
0xc2: {  	_ =	sfence.sel $0xFFFF  }
0xc3: {  	[dreg:$0x0] =	wrdreg $0xFFFFFFFF;
	(pc) =	sbr.abs _section_cstart, $3  }
0xc4: {  	[dreg:$0x1] =	wrdreg $0xFFFFFFFF  }
0xc5: {  	_ =	task.clear_ibuf [dreg:s9], $0x2FFFF;
	_ =	strace $0x9FFFFFFF  }
0xc6: {  	(tm) =	ssettm $0x7FFFFFFF  }
0xc7: {  	_ =	shalt  }
tec
execute0_lowered:
.L_overlay_start_1:
0x0: {  	(tag) =	ssettag $0x1  }
0x1: {  	v61 =	vlaneseq.u32  }
0x2: {  	v62 =	vmul.u32 $0x4, v61;
	_ =	sdelay $0x1  }
0x3: {  	v0 =	vor.u32 $0x2, v62  }
0x4: {  	v12 =	vor.u32 $0x3, v62;
	[tilespmem:$0x1FC90] =	vst v0  }
0x5: {  	v13 =	vor.u32 $0x80, v62;
	[tilespmem:$0x1FCA0] =	vst v12  }
0x6: {  	v14 =	vor.u32 $0x81, v62;
	[tilespmem:$0x1FCB0] =	vst v13  }
0x7: {  	v15 =	vor.u32 $0x82, v62;
	[tilespmem:$0x1FCC0] =	vst v14  }
0x8: {  	v16 =	vor.u32 $0x83, v62;
	[tilespmem:$0x1FCD0] =	vst v15  }
0x9: {  	v17 =	vor.u32 $0x100, v62;
	[tilespmem:$0x1FCE0] =	vst v16  }
0xa: {  	v18 =	vor.u32 $0x101, v62;
	[tilespmem:$0x1FCF0] =	vst v17  }
0xb: {  	v19 =	vor.u32 $0x102, v62;
	[tilespmem:$0x1FD00] =	vst v18  }
0xc: {  	v32 =	vor.u32 $0x103, v62;
	[tilespmem:$0x1FD10] =	vst v19  }
0xd: {  	v33 =	vor.u32 $0x180, v62;
	[tilespmem:$0x1FD20] =	vst v32  }
0xe: {  	v34 =	vor.u32 $0x181, v62;
	[tilespmem:$0x1FD30] =	vst v33  }
0xf: {  	v35 =	vor.u32 $0x182, v62;
	[tilespmem:$0x1FD40] =	vst v34  }
0x10: {  	v36 =	vor.u32 $0x183, v62;
	[tilespmem:$0x1FD50] =	vst v35  }
0x11: {  	s0 =	rddreg [dreg:$0x0];
	v37 =	vor.u32 $0x200, v62;
	[tilespmem:$0x1FD60] =	vst v36  }
0x12: {  	s30 =	rddreg [dreg:$0x1];
	v38 =	vor.u32 $0x201, v62;
	[tilespmem:$0x1FD70] =	vst v37  }
0x13: {  	s1 =	rddreg [dreg:$0x2];
	s3 =	simm.s32 $0x0;
	v39 =	vor.u32 $0x202, v62;
	[tilespmem:$0x1FD80] =	vst v38  }
0x14: {  	[smem:$0x7FF] =	sst s3;
	v40 =	vor.u32 $0x203, v62;
	[tilespmem:$0x1FD90] =	vst v39  }
0x15: {  	s23 =	rddreg [dreg:$0x3];
	v41 =	vor.u32 $0x280, v62;
	_ =	strace $0x80000047;
	[tilespmem:$0x1FDA0] =	vst v40  }
0x16: {  	v42 =	vor.u32 $0x281, v62;
	[tilespmem:$0x1FDB0] =	vst v41  }
0x17: {  	v43 =	vor.u32 $0x282, v62;
	[tilespmem:$0x1FDC0] =	vst v42  }
0x18: {  	v44 =	vor.u32 $0x283, v62;
	[tilespmem:$0x1FDD0] =	vst v43  }
0x19: {  	v45 =	vor.u32 $0x300, v62;
	[tilespmem:$0x1FDE0] =	vst v44  }
0x1a: {  	v46 =	vor.u32 $0x301, v62;
	[tilespmem:$0x1FDF0] =	vst v45  }
0x1b: {  	v47 =	vor.u32 $0x302, v62;
	[tilespmem:$0x1FE00] =	vst v46  }
0x1c: {  	v48 =	vor.u32 $0x303, v62;
	[tilespmem:$0x1FE10] =	vst v47  }
0x1d: {  	v49 =	vor.u32 $0x380, v62;
	[tilespmem:$0x1FE20] =	vst v48  }
0x1e: {  	v50 =	vor.u32 $0x381, v62;
	[tilespmem:$0x1FE30] =	vst v49  }
0x1f: {  	v51 =	vor.u32 $0x382, v62;
	[tilespmem:$0x1FE40] =	vst v50  }
0x20: {  	v52 =	vor.u32 $0x383, v62;
	[tilespmem:$0x1FE50] =	vst v51  }
0x21: {  	v53 =	vor.u32 $0x340, v62;
	[tilespmem:$0x1FE60] =	vst v52  }
0x22: {  	v54 =	vor.u32 $0x341, v62;
	[tilespmem:$0x1FE70] =	vst v53  }
0x23: {  	v60 =	vor.u32 $0x342, v62;
	[tilespmem:$0x1FE80] =	vst v54  }
0x24: {  	[tilespmem:$0x1FE90] =	vst v60  }
0x25: {  	v59 =	vor.u32 $0xC0, v62;
	[tilespmem:$0x1FEA0] =	vst v62  }
0x26: {  	v35 =	vor.u32 $0x1C0, v62;
	[tilespmem:$0x1FEB0] =	vst v59  }
0x27: {  	v36 =	vor.u32 $0x1C1, v62;
	[tilespmem:$0x1FEC0] =	vst v35  }
0x28: {  	v39 =	vor.u32 $0x1C3, v62;
	[tilespmem:$0x1FED0] =	vst v36  }
0x29: {  	v56 =	vor.u32 $0x2C0, v62;
	[tilespmem:$0x1FEF0] =	vst v39  }
0x2a: {  	v58 =	vor.u32 $0x2C1, v62;
	[tilespmem:$0x1FF00] =	vst v56  }
0x2b: {  	v57 =	vor.u32 $0x2C2, v62;
	[tilespmem:$0x1FF10] =	vst v58  }
0x2c: {  	v1 =	vor.u32 $0x2C3, v62;
	[tilespmem:$0x1FF20] =	vst v57  }
0x2d: {  	v22 =	vor.u32 $0x41, v62;
	[tilespmem:$0x1FF30] =	vst v1  }
0x2e: {  	s2 =	srdreg.scid;
	s6 =	stileid.u32;
	v55 =	vor.u32 $0x42, v62;
	[tilespmem:$0x1FF50] =	vst v22  }
0x2f: {  	s17 =	simm.s32 $0x1000;
	s18 =	simm.s32 $0x2000;
	s19 =	simm.s32 $0x3000;
	v26 =	vor.u32 $0x43, v62;
	[tilespmem:$0x1FF60] =	vst v55  }
0x30: {  	s2 =	sand.u32 $0x1, s2;
	s4 =	sadd.s32 $0x400, s0;
	s6 =	sshll.u32 s6, $0x8;
	v27 =	vor.u32 $0xC1, v62;
	[tilespmem:$0x1FF70] =	vst v26  }
0x31: {  	s7 =	sadd.s32 $0xC00, s0;
	s21 =	sadd.s32 $0x600, s0;
	v28 =	vor.u32 $0xC2, v62;
	[dreg:$0x5] =	wrdreg s4;
	[tilespmem:$0x1FF80] =	vst v27  }
0x32: {  	s22 =	sadd.s32 $0x800, s0;
	s0 =	sadd.s32 $0xA00, s0;
	v29 =	vor.u32 $0xC3, v62;
	[dreg:$0x6] =	wrdreg s7;
	[tilespmem:$0x1FF90] =	vst v28  }
0x33: {  	s20 =	ssub.s32 $0x2, s2;
	s2 =	sshll.u32 s2, $0x7;
	v30 =	vor.u32 $0x140, v62;
	[dreg:$0x7] =	wrdreg s21;
	[tilespmem:$0x1FFA0] =	vst v29  }
0x34: {  	s5 =	sshrl.u32 s20, $0x1;
	v31 =	vor.u32 $0x141, v62;
	s7 =	sor.u32 s2, s6;
	[dreg:$0x8] =	wrdreg s22;
	[tilespmem:$0x1FFB0] =	vst v30  }
0x35: {  	v32 =	vor.u32 $0x142, v62;
	s4 =	ssub.s32 s20, s5;
	[dreg:$0xa] =	wrdreg s0;
	[tilespmem:$0x1FFC0] =	vst v31;
	s24 =	sshrl.u32 s7, $0x3  }
0x36: {  	s28 =	simm.s32 $0x11080;
	v33 =	vor.u32 $0x143, v62;
	[tilespmem:$0x1FFD0] =	vst v32;
	s31 =	smax.u32 s4, $0x1;
	[dreg:$0x9] =	wrdreg s24  }
0x37: {  	v63 =	vor.u32 $0x1, v62;
	[tilespmem:$0x1FFE0] =	vst v33;
	s26 =	sshll.u32 s7, $0x7;
	s25 =	sadd.s32 s1, s24;
	[dreg:$0xe] =	wrdreg s31  }
0x38: {  	s21 =	simm.s32 $0x5000;
	v42 =	vor.u32 $0x1C2, v62;
	[tilespmem:$0x1FFF0] =	vst v63;
	s0 =	sadd.s32 s30, s26;
	[dreg:$0xb] =	wrdreg s25  }
0x39: {  	v50 =	vor.u32 $0x40, v62;
	s2 =	simm.s32 $0x0;
	[tilespmem:$0x1FEE0] =	vst v42;
	s29 =	sor.u32 $0x2, s24;
	[dreg:$0xc] =	wrdreg s0  }
0x3a: {  	[tilespmem:$0x1FF40] =	vst v50;
	s26 =	simm.s32 $0x2;
	[dreg:$0xd] =	wrdreg s29;
	s25 =	simm.s32 $0x9080  }
.LBB2_1:
0x3b: {  	[dreg:$0xf] =	wrdreg s2  }
0x3c: {  	s0 =	rddreg [dreg:$0x5];
	s1 =	simm.s32 $0x5  }
0x3d: {  	[tilespmem:s3], [sflag:$0x5] =	stream.linear.gather [hbm4b:s0+s3], $0x1000, $0x38;
	[tilespmem:$0x19080] =	vst v63  }
0x3e: {  	_ =	swait.ge [sflag:s1], $0x1000  }
0x3f: {  	[sflag:s1] =	ssyncset.done $0x0  }
0x40: {  	s14 =	rddreg [dreg:$0x7];
	[sflag:s1] =	ssyncadd.s32 $0xFFFFF000  }
0x41: {  	[tilespmem:s17], [sflag:$0x5] =	stream.linear.gather [hbm4b:s14+s3], $0x1000, $0x38;
	[tilespmem:$0x19080] =	vst v63  }
0x42: {  	_ =	swait.ge [sflag:s1], $0x1000  }
0x43: {  	[sflag:s1] =	ssyncset.done $0x0  }
0x44: {  	s15 =	rddreg [dreg:$0x8];
	[sflag:s1] =	ssyncadd.s32 $0xFFFFF000  }
0x45: {  	[tilespmem:s18], [sflag:$0x5] =	stream.linear.gather [hbm4b:s15+s3], $0x1000, $0x38;
	[tilespmem:$0x19080] =	vst v63  }
0x46: {  	_ =	swait.ge [sflag:s1], $0x1000  }
0x47: {  	[sflag:s1] =	ssyncset.done $0x0  }
0x48: {  	s16 =	rddreg [dreg:$0xa];
	[sflag:s1] =	ssyncadd.s32 $0xFFFFF000  }
0x49: {  	[tilespmem:s19], [sflag:$0x5] =	stream.linear.gather [hbm4b:s16+s3], $0x1000, $0x38;
	[tilespmem:$0x19080] =	vst v63  }
0x4a: {  	_ =	swait.ge [sflag:s1], $0x1000  }
0x4b: {  	[sflag:s1] =	ssyncset.done $0x0  }
0x4c: {  	s22 =	simm.s32 $0x4000;
	s20 =	rddreg [dreg:$0x6];
	[sflag:s1] =	ssyncadd.s32 $0xFFFFF000  }
0x4d: {  	[tilespmem:s22], [sflag:$0x5] =	stream.linear.gather [hbm4b:s20+s3], $0x1000, $0x38;
	[tilespmem:$0x19080] =	vst v63  }
0x4e: {  	_ =	swait.ge [sflag:s1], $0x1000  }
0x4f: {  	[sflag:s1] =	ssyncset.done $0x0  }
0x50: {  	s24 =	rddreg [dreg:$0xb];
	[sflag:s1] =	ssyncadd.s32 $0xFFFFF000  }
0x51: {  	[tilespmem:s21], [sflag:$0x5] =	stream.linear.gather [hbm4b:s24+s3], $0x80, $0x38;
	[tilespmem:$0x19080] =	vst v63  }
0x52: {  	_ =	swait.ge [sflag:s1], $0x80  }
0x53: {  	s31 =	simm.s32 $0x5080;
	[sflag:s1] =	ssyncset.done $0x0  }
0x54: {  	s29 =	rddreg [dreg:$0xc];
	[sflag:s1] =	ssyncadd.s32 $0xFFFFFF80;
	s1 =	simm.s32 $0x0  }
0x55: {  	[tilespmem:s31], [sflag:$0x1] =	stream.linear.gather [hbm4b:s29+s3], $0x2000, $0x38;
	[tilespmem:$0x19080] =	vst v63  }
.LBB2_2:
0x56: {  	s4 =	sshllo.u32 s1, $0x1;
	s2 =	simm.s32 $0x1  }
0x57: {  	s5 =	sshll.u32 s1, $0x4;
	p0 =	seq.s32 s1, $0x0;
	_ =	swait.ge [sflag:s2], $0x2000  }
0x58: {  	v0 =	vmov s5;
	s10 =	sor.u32 $0x5, s5;
	s11 =	sor.u32 $0x6, s5;
	s0 =	rddreg [dreg:$0x9]  }
0x59: {  	s12 =	sor.u32 $0x7, s5;
	[sflag:s2] =	ssyncset.done $0x0;
	v0 =	vand.u32 $0xFFFFFFF0, v0;
	v5 =	vmov s10;
	v6 =	vmov s11;
	s0 =	sadd.s32 s0, s4  }
0x5a: {  	v7 =	vmov s12;
	[sflag:s2] =	ssyncadd.s32 $0xFFFFE000;
	s2 =	sor.u32 $0x1, s5;
	v0 =	vbroadcast v0, $0x0;
	v5 =	vand.u32 $0xFFFFFFF5, v5;
	s0 =	sshll.u32 s0, $0xA  }
0x5b: {  	s31 =	simm.s32 $0x7080;
	v6 =	vand.u32 $0xFFFFFFF6, v6;
	v1 =	vmov s2;
	s2 =	simm.s32 @!p0 $0x3;
	v5 =	vbroadcast v5, $0x0;
	s0 =	sadd.s32 s30, s0  }
0x5c: {  	v37 =	vbroadcast v6, $0x0;
	v6 =	vand.u32 $0xFFFFFFF7, v7;
	[tilespmem:s31], [sflag:$0x2] =	stream.linear.gather [hbm4b:s0+s3], $0x2000, $0x38;
	[tilespmem:$0x19080] =	vst v63  }
0x5d: {  	s6 =	sor.u32 $0x2, s5;
	v38 =	vbroadcast v6, $0x0;
	_ =	swait.ge @!p0 [sflag:s2], $0x8000  }
0x5e: {  	s8 =	sor.u32 $0x3, s5;
	v2 =	vmov s6;
	[sflag:s2] =	ssyncset.done @!p0 $0x0  }
0x5f: {  	s9 =	sor.u32 $0x4, s5;
	v3 =	vmov s8;
	v2 =	vand.u32 $0xFFFFFFF2, v2;
	[sflag:s2] =	ssyncadd.s32 @!p0 $0xFFFF8000  }
0x60: {  	v4 =	vmov s9;
	v3 =	vand.u32 $0xFFFFFFF3, v3;
	v2 =	vbroadcast v2, $0x0;
	v8 =	vld.idx.msk [tilespmem:v0+s21+$0x0], $0xffff  }
0x61: {  	v4 =	vand.u32 $0xFFFFFFF4, v4;
	v3 =	vbroadcast v3, $0x0;
	v44 =	vld.idx.msk [tilespmem:v5+s21+$0x0], $0xffff  }
0x62: {  	v4 =	vbroadcast v4, $0x0;
	v0 =	vld.idx.msk [tilespmem:v37+s21+$0x0], $0xffff  }
0x63: {  	v1 =	vand.u32 $0xFFFFFFF1, v1;
	v45 =	vld.idx.msk [tilespmem:v38+s21+$0x0], $0xffff  }
0x64: {  	v1 =	vbroadcast v1, $0x0  }
0x65: {  	s9 =	simm.s32 $0x0  }
0x66: {  	s13 =	simm.s32 $0x10;
	s16 =	sand.u32 $0x1C00, s9;
	v41 =	vld.idx.msk [tilespmem:v2+s21+$0x0], $0xffff;
	[tilespmem:$0x1F5B0] =	vst v44  }
0x67: {  	s6 =	sand.u32 $0x70, s13;
	s2 =	sadd.s32 $0x5080, s16;
	v46 =	vld.idx.msk [tilespmem:v3+s21+$0x0], $0xffff;
	[tilespmem:$0x1F720] =	vst v0  }
0x68: {  	s11 =	simm.s32 $0x0;
	v54 =	vld.idx.msk [tilespmem:v4+s21+$0x0], $0xffff;
	s6 =	sor.u32 s6, s2;
	[tilespmem:$0x1FC50] =	vst v45  }
0x69: {  	s8 =	sand.u32 $0x60, s11;
	v0 =	vld [tilespmem:s6+$0x0]  }
0x6a: {  	s15 =	sor.u32 s8, s2;
	v40 =	vld.idx.msk [tilespmem:v1+s21+$0x0], $0xffff  }
0x6b: {  	v2 =	vld [tilespmem:s15+$0x0]  }
0x6c: {  	v4 =	vld [tilespmem:s15+$0x100]  }
0x6d: {  	s20 =	simm.s32 $0x0;
	v5 =	vld [tilespmem:s6+$0x80]  }
0x6e: {  	s22 =	sand.u32 $0x3F0, s13;
	v9 =	vld [tilespmem:s20+$0x4010];
	v0 =	vshll.u32 v0, $0x4  }
0x6f: {  	v1 =	vld [tilespmem:s22+$0x4400];
	v0 =	vor.u32 v61, v0  }
0x70: {  	v7 =	vld [tilespmem:s22+$0x4800]  }
0x71: {  	v6 =	vld [tilespmem:s6+$0x100]  }
0x72: {  	v37 =	vld [tilespmem:s22+$0x4C00];
	v5 =	vshll.u32 v5, $0x4  }
0x73: {  	v11 =	vld [tilespmem:s6+$0x180];
	v5 =	vor.u32 v61, v5  }
0x74: {  	v12 =	vld.idx.msk [tilespmem:v0+s3+$0x0], $0xffff  }
0x75: {  	v13 =	vld.idx.msk [tilespmem:v0+s17+$0x0], $0xffff  }
0x76: {  	v6 =	vshll.u32 v6, $0x4;
	v14 =	vld.idx.msk [tilespmem:v0+s18+$0x0], $0xffff  }
0x77: {  	s24 =	simm.s32 $0x40;
	v6 =	vor.u32 v61, v6;
	v0 =	vld.idx.msk [tilespmem:v0+s19+$0x0], $0xffff  }
0x78: {  	v10 =	vmov s24;
	v15 =	vld.idx.msk [tilespmem:v5+s3+$0x0], $0xffff  }
0x79: {  	v10 =	vshll.u32 v10, $0x3;
	v16 =	vld.idx.msk [tilespmem:v5+s17+$0x0], $0xffff  }
0x7a: {  	v10 =	vbroadcast v10, $0x0;
	v11 =	vshll.u32 v11, $0x4;
	v17 =	vld.idx.msk [tilespmem:v5+s18+$0x0], $0xffff  }
0x7b: {  	v11 =	vor.u32 v61, v11;
	v5 =	vld.idx.msk [tilespmem:v5+s19+$0x0], $0xffff  }
0x7c: {  	v18 =	vand.u32 $0x7C00, v10;
	v20 =	vld.idx.msk [tilespmem:v6+s3+$0x0], $0xffff  }
0x7d: {  	v53 =	vmovc v26;
	v23 =	vor.u32 v26, v18;
	v26 =	vor.u32 v27, v18;
	v2 =	vshll.u32 v2, $0x4;
	v24 =	vld.idx.msk [tilespmem:v6+s17+$0x0], $0xffff  }
0x7e: {  	v27 =	vor.u32 v28, v18;
	v4 =	vshll.u32 v4, $0x4;
	v2 =	vor.u32 v61, v2;
	v28 =	vld.idx.msk [tilespmem:v6+s18+$0x0], $0xffff  }
0x7f: {  	v19 =	vor.u32 v61, v4;
	v4 =	vor.u32 v50, v18;
	v6 =	vld.idx.msk [tilespmem:v6+s19+$0x0], $0xffff  }
0x80: {  	v51 =	vmov v22;
	v21 =	vor.u32 v22, v18;
	v34 =	vld.idx.msk [tilespmem:v11+s3+$0x0], $0xffff;
	v12 =	vmul.f32 v12, v9  }
0x81: {  	v22 =	vor.u32 v55, v18;
	v43 =	vor.u32 v36, v18;
	v36 =	vld.idx.msk [tilespmem:v11+s17+$0x0], $0xffff;
	v13 =	vmul.f32 v13, v1  }
0x82: {  	v38 =	vld.idx.msk [tilespmem:v11+s18+$0x0], $0xffff;
	v14 =	vmul.f32 v14, v7;
	v12 =	vmul.f32 v12, v8  }
0x83: {  	v47 =	vld.idx.msk [tilespmem:v2+s17+$0x0], $0xffff;
	v0 =	vmul.f32 v0, v37;
	v13 =	vmul.f32 v13, v8  }
0x84: {  	v25 =	vor.u32 v59, v18;
	v11 =	vld.idx.msk [tilespmem:v11+s19+$0x0], $0xffff;
	v14 =	vmul.f32 v14, v8;
	[tilespmem:v4+s25+$0x0] =	vst.idx.msk $0xffff, v12  }
0x85: {  	v15 =	vmul.f32 v15, v9;
	v0 =	vmul.f32 v0, v8;
	[tilespmem:v21+s25+$0x0] =	vst.idx.msk $0xffff, v13  }
0x86: {  	v3 =	vld [tilespmem:s15+$0x80];
	[tilespmem:v22+s25+$0x0] =	vst.idx.msk $0xffff, v14  }
0x87: {  	v45 =	vld.idx.msk [tilespmem:v2+s3+$0x0], $0xffff;
	v13 =	vmul.f32 v15, v40;
	[tilespmem:v23+s25+$0x0] =	vst.idx.msk $0xffff, v0  }
0x88: {  	v12 =	vld [tilespmem:s15+$0x180];
	[tilespmem:$0x1F4F0] =	vst v47  }
0x89: {  	[tilespmem:v25+s25+$0x0] =	vst.idx.msk $0xffff, v13;
	v13 =	vld.idx.msk [tilespmem:v2+s18+$0x0], $0xffff;
	_ =	sdelay $0x4  }
0x8a: {  	[tilespmem:$0x1F500] =	vst v13  }
0x8b: {  	v3 =	vshll.u32 v3, $0x4;
	v4 =	vmul.f32 v16, v1;
	v2 =	vld.idx.msk [tilespmem:v2+s19+$0x0], $0xffff  }
0x8c: {  	v3 =	vor.u32 v61, v3  }
0x8d: {  	v4 =	vmul.f32 v4, v40;
	_ =	sdelay $0x1  }
0x8e: {  	v29 =	vor.u32 v29, v18;
	v15 =	vmul.f32 v17, v7;
	[tilespmem:v26+s25+$0x0] =	vst.idx.msk $0xffff, v4  }
0x8f: {  	v30 =	vor.u32 v30, v18;
	v5 =	vmul.f32 v5, v37;
	[tilespmem:$0x1F510] =	vst v2  }
0x90: {  	v14 =	vmul.f32 v20, v9;
	v48 =	vmul.f32 v15, v40;
	v60 =	vld.idx.msk [tilespmem:v3+s17+$0x0], $0xffff  }
0x91: {  	v5 =	vmul.f32 v5, v40  }
0x92: {  	v49 =	vmul.f32 v14, v41;
	[tilespmem:v27+s25+$0x0] =	vst.idx.msk $0xffff, v48  }
0x93: {  	s14 =	smov.u32 s30;
	s30 =	sand.u32 $0x3E0, s11;
	v31 =	vor.u32 v31, v18;
	v13 =	vmul.f32 v24, v1;
	[tilespmem:v29+s25+$0x0] =	vst.idx.msk $0xffff, v5  }
0x94: {  	v32 =	vor.u32 v32, v18;
	v33 =	vor.u32 v33, v18;
	v22 =	vld [tilespmem:s30+$0x4400];
	[tilespmem:v30+s25+$0x0] =	vst.idx.msk $0xffff, v49  }
0x95: {  	v14 =	vmul.f32 v28, v7;
	v15 =	vmov v41;
	v52 =	vmul.f32 v13, v41;
	v41 =	vld.idx.msk [tilespmem:v3+s3+$0x0], $0xffff;
	[tilespmem:$0x1F520] =	vst v60  }
0x96: {  	v6 =	vmul.f32 v6, v37;
	v4 =	vld.idx.msk [tilespmem:v19+s3+$0x0], $0xffff  }
0x97: {  	v5 =	vmul.f32 v14, v15  }
0x98: {  	v13 =	vmul.f32 v34, v9;
	v34 =	vmul.f32 v6, v15;
	[tilespmem:v31+s25+$0x0] =	vst.idx.msk $0xffff, v52  }
0x99: {  	v35 =	vor.u32 v35, v18;
	[tilespmem:v32+s25+$0x0] =	vst.idx.msk $0xffff, v5  }
0x9a: {  	v44 =	vor.u32 v42, v18;
	v6 =	vmul.f32 v36, v1;
	v36 =	vld.idx.msk [tilespmem:v3+s18+$0x0], $0xffff;
	[tilespmem:v33+s25+$0x0] =	vst.idx.msk $0xffff, v34  }
0x9b: {  	v20 =	vmov v42;
	v42 =	vmul.f32 v13, v46;
	v13 =	vmul.f32 v38, v7;
	v38 =	vld.idx.msk [tilespmem:v3+s19+$0x0], $0xffff;
	[tilespmem:$0x1F530] =	vst v4  }
0x9c: {  	v48 =	vld.idx.msk [tilespmem:v19+s17+$0x0], $0xffff;
	_ =	sdelay $0x3  }
0x9d: {  	v3 =	vmul.f32 v6, v46;
	[tilespmem:v35+s25+$0x0] =	vst.idx.msk $0xffff, v42  }
0x9e: {  	[tilespmem:$0x1F540] =	vst v48  }
0x9f: {  	[tilespmem:v43+s25+$0x0] =	vst.idx.msk $0xffff, v3;
	v3 =	vld.idx.msk [tilespmem:v19+s18+$0x0], $0xffff;
	_ =	sdelay $0x4  }
0xa0: {  	[tilespmem:$0x1F550] =	vst v3  }
0xa1: {  	v47 =	vshll.u32 v12, $0x4;
	v3 =	vld.idx.msk [tilespmem:v19+s19+$0x0], $0xffff  }
0xa2: {  	v49 =	vor.u32 v61, v47  }
0xa3: {  	v6 =	vmul.f32 v13, v46;
	_ =	sdelay $0x1  }
0xa4: {  	[tilespmem:v44+s25+$0x0] =	vst.idx.msk $0xffff, v6  }
0xa5: {  	v18 =	vor.u32 v39, v18;
	[tilespmem:$0x1F560] =	vst v3  }
0xa6: {  	v5 =	vmul.f32 v11, v37;
	v3 =	vld.idx.msk [tilespmem:v49+s3+$0x0], $0xffff;
	_ =	sdelay $0x1  }
0xa7: {  	v52 =	vmul.f32 v5, v46;
	_ =	sdelay $0x1  }
0xa8: {  	[tilespmem:v18+s25+$0x0] =	vst.idx.msk $0xffff, v52;
	v34 =	vld [tilespmem:s30+$0x4800]  }
0xa9: {  	v2 =	vld [tilespmem:s6+$0x200];
	[tilespmem:$0x1F570] =	vst v3  }
0xaa: {  	v3 =	vld.idx.msk [tilespmem:v49+s17+$0x0], $0xffff;
	_ =	sdelay $0x4  }
0xab: {  	[tilespmem:$0x1F580] =	vst v3  }
0xac: {  	v5 =	vld.idx.msk [tilespmem:v49+s18+$0x0], $0xffff;
	_ =	sdelay $0x4  }
0xad: {  	v3 =	vld [tilespmem:s6+$0x280];
	[tilespmem:$0x1F590] =	vst v5  }
0xae: {  	v0 =	vld.idx.msk [tilespmem:v49+s19+$0x0], $0xffff;
	_ =	sdelay $0x1  }
0xaf: {  	s12 =	sand.u32 $0x7, s9  }
0xb0: {  	s12 =	sshll.u32 s12, $0x4  }
0xb1: {  	s31 =	sadd.s32 $0x0, s12;
	v2 =	vshll.u32 v2, $0x4  }
0xb2: {  	v60 =	vor.u32 v61, v2;
	s6 =	sadd.s32 $0x10, s31;
	[tilespmem:$0x1F5A0] =	vst v0  }
0xb3: {  	s6 =	sor.u32 $0x300, s6;
	v33 =	vld [tilespmem:s30+$0x4C00]  }
0xb4: {  	s0 =	sor.u32 s13, s9;
	v32 =	vld [tilespmem:s6+$0x5080]  }
0xb5: {  	s0 =	sor.u32 $0x380, s0;
	v3 =	vshll.u32 v3, $0x4;
	v11 =	vld [tilespmem:s20+$0x4000]  }
0xb6: {  	v3 =	vor.u32 v61, v3;
	v5 =	vld [tilespmem:s0+$0x5080]  }
0xb7: {  	v6 =	vld.idx.msk [tilespmem:v60+s3+$0x0], $0xffff  }
0xb8: {  	v23 =	vld.idx.msk [tilespmem:v60+s17+$0x0], $0xffff  }
0xb9: {  	v24 =	vld.idx.msk [tilespmem:v60+s18+$0x0], $0xffff  }
0xba: {  	v25 =	vld.idx.msk [tilespmem:v60+s19+$0x0], $0xffff  }
0xbb: {  	v26 =	vld.idx.msk [tilespmem:v3+s3+$0x0], $0xffff  }
0xbc: {  	v27 =	vld.idx.msk [tilespmem:v3+s17+$0x0], $0xffff  }
0xbd: {  	s13 =	simm.s32 $0x100;
	v28 =	vld.idx.msk [tilespmem:v3+s18+$0x0], $0xffff;
	s0 =	simm.s32 $0x30  }
0xbe: {  	s8 =	sand.u32 $0x1C00, s13;
	v44 =	vld.idx.msk [tilespmem:v3+s19+$0x0], $0xffff;
	s16 =	sand.u32 $0x3F0, s0  }
0xbf: {  	s10 =	sadd.s32 $0x5080, s8;
	s12 =	sand.u32 $0x70, s0;
	v12 =	vld [tilespmem:s16+$0x4400]  }
0xc0: {  	s2 =	sor.u32 s12, s10;
	v14 =	vld [tilespmem:s16+$0x4800]  }
0xc1: {  	v49 =	vld [tilespmem:s2+$0x0];
	v2 =	vshll.u32 v32, $0x4  }
0xc2: {  	v18 =	vld [tilespmem:s16+$0x4C00];
	v35 =	vor.u32 v61, v2  }
0xc3: {  	v4 =	vmov v46;
	v3 =	vmov s9;
	v46 =	vld [tilespmem:s2+$0x80]  }
0xc4: {  	s6 =	simm.s32 $0x20;
	v3 =	vshll.u32 v3, $0x3;
	v60 =	vld [tilespmem:s2+$0x100];
	v52 =	vmul.f32 v45, v11  }
0xc5: {  	v16 =	vbroadcast v3, $0x0;
	v48 =	vshll.u32 v5, $0x4;
	v5 =	vld [tilespmem:s6+$0x4010]  }
0xc6: {  	v2 =	vor.u32 v61, v48;
	v0 =	vshll.u32 v49, $0x4;
	v49 =	vmul.f32 v52, v8;
	v52 =	vld [tilespmem:s2+$0x180]  }
0xc7: {  	v21 =	vld.idx.msk [tilespmem:v35+s3+$0x0], $0xffff  }
0xc8: {  	v47 =	vor.u32 v62, v16;
	v19 =	vld.idx.msk [tilespmem:v35+s17+$0x0], $0xffff  }
0xc9: {  	v29 =	vld.idx.msk [tilespmem:v35+s18+$0x0], $0xffff  }
0xca: {  	v48 =	vor.u32 v61, v0;
	v35 =	vld.idx.msk [tilespmem:v35+s19+$0x0], $0xffff  }
0xcb: {  	v42 =	vor.u32 v50, v10;
	v30 =	vld.idx.msk [tilespmem:v2+s3+$0x0], $0xffff  }
0xcc: {  	v3 =	vmov v51;
	v51 =	vor.u32 v51, v10;
	v6 =	vmul.f32 v6, v9;
	v43 =	vld.idx.msk [tilespmem:v2+s17+$0x0], $0xffff  }
0xcd: {  	v23 =	vmul.f32 v23, v1;
	[tilespmem:v47+s25+$0x0] =	vst.idx.msk $0xffff, v49;
	v49 =	vor.u32 v55, v10;
	v31 =	vld.idx.msk [tilespmem:v2+s18+$0x0], $0xffff  }
0xce: {  	v24 =	vmul.f32 v24, v7;
	v6 =	vmul.f32 v6, v54;
	v32 =	vld.idx.msk [tilespmem:v2+s19+$0x0], $0xffff;
	v0 =	vmov v54  }
0xcf: {  	v23 =	vmul.f32 v23, v0;
	v47 =	vld.idx.msk [tilespmem:v48+s3+$0x0], $0xffff;
	[tilespmem:$0x1F6F0] =	vst v54  }
0xd0: {  	[tilespmem:v42+s25+$0x0] =	vst.idx.msk $0xffff, v6;
	v6 =	vmul.f32 v24, v0  }
0xd1: {  	v25 =	vmul.f32 v25, v37;
	[tilespmem:v51+s25+$0x0] =	vst.idx.msk $0xffff, v23  }
0xd2: {  	[tilespmem:v49+s25+$0x0] =	vst.idx.msk $0xffff, v6  }
0xd3: {  	v25 =	vmul.f32 v25, v0;
	v0 =	vld [tilespmem:$0x1F5B0]  }
0xd4: {  	v13 =	vmov v53;
	v53 =	vor.u32 v53, v10;
	v46 =	vshll.u32 v46, $0x4  }
0xd5: {  	v56 =	vor.u32 v56, v10;
	v46 =	vor.u32 v61, v46  }
0xd6: {  	v26 =	vmul.f32 v26, v9  }
0xd7: {  	v54 =	vld.idx.msk [tilespmem:v48+s17+$0x0], $0xffff  }
0xd8: {  	v45 =	vshll.u32 v60, $0x4;
	v60 =	vld.idx.msk [tilespmem:v48+s18+$0x0], $0xffff;
	v26 =	vmul.f32 v26, v0  }
0xd9: {  	v45 =	vor.u32 v61, v45;
	v48 =	vld.idx.msk [tilespmem:v48+s19+$0x0], $0xffff;
	[tilespmem:v53+s25+$0x0] =	vst.idx.msk $0xffff, v25  }
0xda: {  	v24 =	vor.u32 v58, v10;
	v58 =	vshll.u32 v52, $0x4;
	v52 =	vld.idx.msk [tilespmem:v46+s18+$0x0], $0xffff;
	[tilespmem:v56+s25+$0x0] =	vst.idx.msk $0xffff, v26  }
0xdb: {  	s20 =	simm.s32 $0xC0;
	v42 =	vld [tilespmem:$0x1FF30]  }
0xdc: {  	v23 =	vld.idx.msk [tilespmem:v46+s3+$0x0], $0xffff;
	v6 =	vmov s20;
	v49 =	vor.u32 v61, v58  }
0xdd: {  	v27 =	vmul.f32 v27, v1;
	v51 =	vld.idx.msk [tilespmem:v46+s17+$0x0], $0xffff;
	v6 =	vshll.u32 v6, $0x3  }
0xde: {  	v46 =	vld.idx.msk [tilespmem:v46+s19+$0x0], $0xffff;
	v6 =	vbroadcast v6, $0x0  }
0xdf: {  	v28 =	vmul.f32 v28, v7;
	v25 =	vld.idx.msk [tilespmem:v45+s3+$0x0], $0xffff;
	v53 =	vor.u32 v57, v10;
	v27 =	vmul.f32 v27, v0  }
0xe0: {  	v57 =	vld.idx.msk [tilespmem:v45+s18+$0x0], $0xffff;
	v54 =	vmul.f32 v54, v12;
	v56 =	vand.u32 $0x7C00, v6;
	v42 =	vor.u32 v42, v10  }
0xe1: {  	v58 =	vld.idx.msk [tilespmem:v49+s3+$0x0], $0xffff;
	[tilespmem:v24+s25+$0x0] =	vst.idx.msk $0xffff, v27;
	v24 =	vmul.f32 v44, v37;
	v44 =	vor.u32 v50, v56  }
0xe2: {  	v28 =	vmul.f32 v28, v0;
	v26 =	vld.idx.msk [tilespmem:v45+s17+$0x0], $0xffff;
	v50 =	vmul.f32 v47, v5;
	v47 =	vor.u32 v3, v56  }
0xe3: {  	v27 =	vld.idx.msk [tilespmem:v45+s19+$0x0], $0xffff;
	v3 =	vmov v59;
	v59 =	vor.u32 v55, v56;
	v24 =	vmul.f32 v24, v0  }
0xe4: {  	v2 =	vmul.f32 v60, v14;
	[tilespmem:v53+s25+$0x0] =	vst.idx.msk $0xffff, v28;
	v53 =	vld.idx.msk [tilespmem:v49+s18+$0x0], $0xffff;
	v28 =	vmul.f32 v50, v8  }
0xe5: {  	v0 =	vld.idx.msk [tilespmem:v49+s17+$0x0], $0xffff;
	[tilespmem:v42+s25+$0x0] =	vst.idx.msk $0xffff, v24;
	v24 =	vmul.f32 v54, v8  }
0xe6: {  	v49 =	vld.idx.msk [tilespmem:v49+s19+$0x0], $0xffff;
	[tilespmem:v44+s25+$0x0] =	vst.idx.msk $0xffff, v28;
	v28 =	vmul.f32 v2, v8  }
0xe7: {  	[tilespmem:v47+s25+$0x0] =	vst.idx.msk $0xffff, v24  }
0xe8: {  	[tilespmem:v59+s25+$0x0] =	vst.idx.msk $0xffff, v28  }
0xe9: {  	v2 =	vmov v8;
	v8 =	vld [tilespmem:$0x1FF80];
	_ =	sdelay $0x4  }
0xea: {  	v28 =	vor.u32 v8, v56;
	v8 =	vld [tilespmem:$0x1FF90];
	_ =	sdelay $0x2  }
0xeb: {  	v44 =	vor.u32 v13, v56  }
0xec: {  	v55 =	vmul.f32 v48, v18;
	v24 =	vor.u32 v3, v56  }
0xed: {  	s29 =	simm.s32 $0x20;
	v23 =	vmul.f32 v23, v5;
	v50 =	vor.u32 v8, v56;
	v8 =	vld [tilespmem:$0x1FFA0]  }
0xee: {  	s22 =	sand.u32 $0x60, s29;
	v45 =	vmul.f32 v55, v2  }
0xef: {  	s31 =	sor.u32 s22, s10;
	v23 =	vmul.f32 v23, v40  }
0xf0: {  	v47 =	vld [tilespmem:s31+$0x0];
	[tilespmem:v44+s25+$0x0] =	vst.idx.msk $0xffff, v45  }
0xf1: {  	v59 =	vmul.f32 v51, v12;
	[tilespmem:v24+s25+$0x0] =	vst.idx.msk $0xffff, v23  }
0xf2: {  	v60 =	vmul.f32 v52, v14;
	v52 =	vor.u32 v8, v56;
	v8 =	vld [tilespmem:$0x1FFB0]  }
0xf3: {  	v55 =	vmul.f32 v59, v40  }
0xf4: {  	v60 =	vmul.f32 v60, v40  }
0xf5: {  	[tilespmem:v28+s25+$0x0] =	vst.idx.msk $0xffff, v55  }
0xf6: {  	[tilespmem:v50+s25+$0x0] =	vst.idx.msk $0xffff, v60  }
0xf7: {  	v59 =	vmul.f32 v46, v18;
	v24 =	vor.u32 v8, v56;
	v8 =	vld [tilespmem:$0x1FFC0];
	_ =	sdelay $0x1  }
0xf8: {  	v45 =	vmul.f32 v59, v40;
	_ =	sdelay $0x1  }
0xf9: {  	v28 =	vshll.u32 v47, $0x4;
	[tilespmem:v52+s25+$0x0] =	vst.idx.msk $0xffff, v45  }
0xfa: {  	v46 =	vor.u32 v61, v28;
	v28 =	vor.u32 v8, v56;
	v8 =	vld [tilespmem:$0x1FFD0];
	_ =	sdelay $0x3  }
0xfb: {  	v25 =	vmul.f32 v25, v5  }
0xfc: {  	v42 =	vor.u32 v8, v56;
	v8 =	vld [tilespmem:$0x1FFE0]  }
0xfd: {  	v25 =	vmul.f32 v25, v15;
	v26 =	vmul.f32 v26, v12;
	v3 =	vld [tilespmem:$0x1FE70];
	_ =	sdelay $0x1  }
0xfe: {  	[tilespmem:v24+s25+$0x0] =	vst.idx.msk $0xffff, v25;
	v24 =	vmul.f32 v26, v15;
	_ =	sdelay $0x1  }
0xff: {  	v59 =	vor.u32 v8, v56;
	v8 =	vld [tilespmem:$0x1FEC0];
	[tilespmem:v28+s25+$0x0] =	vst.idx.msk $0xffff, v24  }
0x100: {  	v47 =	vor.u32 v3, v10;
	v3 =	vld [tilespmem:$0x1FED0];
	_ =	sdelay $0x3  }
0x101: {  	v57 =	vmul.f32 v57, v14  }
0x102: {  	v25 =	vmul.f32 v27, v18;
	v55 =	vor.u32 v3, v56;
	v3 =	vld.idx.msk [tilespmem:v46+s17+$0x0], $0xffff  }
0x103: {  	v13 =	vmov v40;
	v40 =	vld [tilespmem:s31+$0x100];
	v26 =	vmul.f32 v57, v15  }
0x104: {  	v25 =	vmul.f32 v25, v15  }
0x105: {  	v23 =	vld [tilespmem:s31+$0x80];
	[tilespmem:v42+s25+$0x0] =	vst.idx.msk $0xffff, v26  }
0x106: {  	v54 =	vld [tilespmem:s31+$0x180];
	[tilespmem:v59+s25+$0x0] =	vst.idx.msk $0xffff, v25  }
0x107: {  	v44 =	vld.idx.msk [tilespmem:v46+s3+$0x0], $0xffff;
	[tilespmem:$0x1F600] =	vst v3  }
0x108: {  	v60 =	vshll.u32 v40, $0x4;
	v40 =	vld.idx.msk [tilespmem:v46+s18+$0x0], $0xffff;
	_ =	sdelay $0x4  }
0x109: {  	[tilespmem:$0x1F610] =	vst v40  }
0x10a: {  	v23 =	vshll.u32 v23, $0x4;
	v25 =	vmul.f32 v0, v12;
	v0 =	vld.idx.msk [tilespmem:v46+s19+$0x0], $0xffff  }
0x10b: {  	v52 =	vor.u32 v61, v23;
	_ =	sdelay $0x3  }
0x10c: {  	v23 =	vor.u32 v8, v56;
	[tilespmem:$0x1F620] =	vst v0  }
0x10d: {  	v24 =	vmul.f32 v58, v5;
	v0 =	vld.idx.msk [tilespmem:v52+s3+$0x0], $0xffff;
	_ =	sdelay $0x1  }
0x10e: {  	v24 =	vmul.f32 v24, v4;
	_ =	sdelay $0x1  }
0x10f: {  	[tilespmem:v23+s25+$0x0] =	vst.idx.msk $0xffff, v24  }
0x110: {  	[tilespmem:$0x1F630] =	vst v0  }
0x111: {  	v0 =	vld.idx.msk [tilespmem:v52+s17+$0x0], $0xffff;
	_ =	sdelay $0x1  }
0x112: {  	v50 =	vor.u32 v61, v60;
	v60 =	vmul.f32 v25, v4;
	_ =	sdelay $0x1  }
0x113: {  	v45 =	vor.u32 v20, v56;
	v58 =	vld [tilespmem:$0x1FE80];
	[tilespmem:v55+s25+$0x0] =	vst.idx.msk $0xffff, v60  }
0x114: {  	v42 =	vmul.f32 v53, v14;
	[tilespmem:$0x1F640] =	vst v0  }
0x115: {  	v0 =	vld.idx.msk [tilespmem:v52+s18+$0x0], $0xffff  }
0x116: {  	v23 =	vmul.f32 v42, v4  }
0x117: {  	v24 =	vld [tilespmem:$0x1FE90]  }
0x118: {  	v17 =	vor.u32 $0x343, v62;
	v28 =	vld [tilespmem:$0x1F720];
	[tilespmem:v45+s25+$0x0] =	vst.idx.msk $0xffff, v23  }
0x119: {  	[tilespmem:$0x1F730] =	vst v17  }
0x11a: {  	[tilespmem:$0x1F650] =	vst v0  }
0x11b: {  	v0 =	vld.idx.msk [tilespmem:v52+s19+$0x0], $0xffff;
	_ =	sdelay $0x3  }
0x11c: {  	v53 =	vor.u32 v39, v56  }
0x11d: {  	v49 =	vmul.f32 v49, v18;
	[tilespmem:$0x1F660] =	vst v0  }
0x11e: {  	v0 =	vld.idx.msk [tilespmem:v50+s3+$0x0], $0xffff  }
0x11f: {  	v39 =	vmul.f32 v49, v4;
	_ =	sdelay $0x1  }
0x120: {  	v59 =	vor.u32 $0x3C0, v62;
	[tilespmem:v53+s25+$0x0] =	vst.idx.msk $0xffff, v39  }
0x121: {  	v21 =	vmul.f32 v21, v9;
	v42 =	vmul.f32 v29, v7;
	v56 =	vor.u32 v58, v10;
	[tilespmem:$0x1F5C0] =	vst v59  }
0x122: {  	v19 =	vmul.f32 v19, v1;
	[tilespmem:$0x1F670] =	vst v0  }
0x123: {  	v21 =	vmul.f32 v21, v28;
	v60 =	vmul.f32 v42, v28;
	v42 =	vld.idx.msk [tilespmem:v50+s17+$0x0], $0xffff  }
0x124: {  	v19 =	vmul.f32 v19, v28  }
0x125: {  	[tilespmem:v47+s25+$0x0] =	vst.idx.msk $0xffff, v21  }
0x126: {  	v8 =	vor.u32 $0x3C1, v62;
	v46 =	vor.u32 v24, v10;
	[tilespmem:v56+s25+$0x0] =	vst.idx.msk $0xffff, v19  }
0x127: {  	v57 =	vmul.f32 v35, v37;
	v35 =	vld [tilespmem:s2+$0x200];
	[tilespmem:$0x1F5D0] =	vst v8  }
0x128: {  	[tilespmem:$0x1F680] =	vst v42  }
0x129: {  	v0 =	vld.idx.msk [tilespmem:v50+s18+$0x0], $0xffff;
	_ =	sdelay $0x1  }
0x12a: {  	v54 =	vshll.u32 v54, $0x4;
	v3 =	vor.u32 $0x3C2, v62;
	[tilespmem:v46+s25+$0x0] =	vst.idx.msk $0xffff, v60  }
0x12b: {  	v47 =	vor.u32 v61, v54;
	v54 =	vor.u32 $0x3C3, v62;
	[tilespmem:$0x1F5E0] =	vst v3  }
0x12c: {  	[tilespmem:$0x1F5F0] =	vst v54  }
0x12d: {  	v40 =	vor.u32 v17, v10;
	[tilespmem:$0x1F690] =	vst v0  }
0x12e: {  	v55 =	vor.u32 v8, v10;
	v8 =	vld.idx.msk [tilespmem:v50+s19+$0x0], $0xffff;
	_ =	sdelay $0x1  }
0x12f: {  	v52 =	vmul.f32 v57, v28;
	_ =	sdelay $0x1  }
0x130: {  	[tilespmem:v40+s25+$0x0] =	vst.idx.msk $0xffff, v52  }
0x131: {  	[tilespmem:$0x1F6A0] =	vst v8  }
0x132: {  	v57 =	vld.idx.msk [tilespmem:v47+s3+$0x0], $0xffff;
	_ =	sdelay $0x2  }
0x133: {  	v46 =	vor.u32 v3, v10;
	v3 =	vld [tilespmem:$0x1FC50];
	_ =	sdelay $0x1  }
0x134: {  	v39 =	vor.u32 v59, v10;
	v56 =	vld [tilespmem:s2+$0x280];
	[tilespmem:$0x1F6C0] =	vst v57  }
0x135: {  	v9 =	vmul.f32 v30, v9;
	v0 =	vld.idx.msk [tilespmem:v47+s17+$0x0], $0xffff;
	_ =	sdelay $0x1  }
0x136: {  	v9 =	vmul.f32 v9, v3;
	_ =	sdelay $0x1  }
0x137: {  	[tilespmem:v39+s25+$0x0] =	vst.idx.msk $0xffff, v9  }
0x138: {  	[tilespmem:$0x1F6B0] =	vst v0  }
0x139: {  	v42 =	vld.idx.msk [tilespmem:v47+s18+$0x0], $0xffff;
	_ =	sdelay $0x2  }
0x13a: {  	s24 =	simm.s32 $0x2  }
0x13b: {  	s8 =	sand.u32 $0x7, s24  }
0x13c: {  	s8 =	sshll.u32 s8, $0x4;
	v8 =	vmul.f32 v43, v1;
	[tilespmem:$0x1F6D0] =	vst v42  }
0x13d: {  	s30 =	sadd.s32 $0x100, s8;
	v53 =	vld.idx.msk [tilespmem:v47+s19+$0x0], $0xffff  }
0x13e: {  	s2 =	sadd.s32 $0x10, s30;
	v8 =	vmul.f32 v8, v3;
	v60 =	vld [tilespmem:$0x1FC90]  }
0x13f: {  	v7 =	vmul.f32 v31, v7;
	v59 =	vshll.u32 v35, $0x4;
	s2 =	sor.u32 $0x300, s2;
	v35 =	vld [tilespmem:$0x1F4F0]  }
0x140: {  	v9 =	vor.u32 v61, v59;
	[tilespmem:v55+s25+$0x0] =	vst.idx.msk $0xffff, v8;
	v45 =	vld [tilespmem:s2+$0x5080]  }
0x141: {  	s0 =	sor.u32 s0, s13;
	v7 =	vmul.f32 v7, v3;
	v52 =	vld [tilespmem:$0x1FCA0]  }
0x142: {  	s0 =	sor.u32 $0x380, s0;
	v49 =	vor.u32 v54, v10;
	v54 =	vld [tilespmem:$0x1F500];
	[tilespmem:$0x1F6E0] =	vst v53  }
0x143: {  	v48 =	vor.u32 v63, v16;
	v40 =	vmul.f32 v32, v37;
	[tilespmem:v46+s25+$0x0] =	vst.idx.msk $0xffff, v7;
	v7 =	vld [tilespmem:s0+$0x5080]  }
0x144: {  	v39 =	vmul.f32 v35, v22;
	v59 =	vld [tilespmem:$0x1F510]  }
0x145: {  	v1 =	vmul.f32 v40, v3;
	v47 =	vld.idx.msk [tilespmem:v9+s3+$0x0], $0xffff  }
0x146: {  	v43 =	vshll.u32 v56, $0x4;
	v50 =	vor.u32 v60, v16;
	v51 =	vmul.f32 v39, v2;
	v56 =	vld [tilespmem:$0x1FCB0]  }
0x147: {  	v55 =	vmul.f32 v54, v34;
	[tilespmem:v49+s25+$0x0] =	vst.idx.msk $0xffff, v1;
	v49 =	vld.idx.msk [tilespmem:v9+s18+$0x0], $0xffff  }
0x148: {  	v43 =	vor.u32 v61, v43;
	v8 =	vor.u32 v52, v16;
	v32 =	vld [tilespmem:$0x1FCC0];
	[tilespmem:v48+s25+$0x0] =	vst.idx.msk $0xffff, v51  }
0x149: {  	v39 =	vmul.f32 v55, v2;
	v42 =	vld [tilespmem:$0x1F520];
	v60 =	vmul.f32 v59, v33  }
0x14a: {  	v48 =	vld.idx.msk [tilespmem:v9+s17+$0x0], $0xffff  }
0x14b: {  	[tilespmem:v50+s25+$0x0] =	vst.idx.msk $0xffff, v39;
	v39 =	vld.idx.msk [tilespmem:v9+s19+$0x0], $0xffff;
	v57 =	vor.u32 v56, v16;
	v40 =	vmul.f32 v60, v2  }
0x14c: {  	v41 =	vmul.f32 v41, v11;
	v52 =	vld [tilespmem:$0x1FCD0]  }
0x14d: {  	v45 =	vshll.u32 v45, $0x4;
	v50 =	vld.idx.msk [tilespmem:v43+s17+$0x0], $0xffff;
	v35 =	vor.u32 v32, v16;
	[tilespmem:v8+s25+$0x0] =	vst.idx.msk $0xffff, v40  }
0x14e: {  	v41 =	vmul.f32 v41, v13;
	v9 =	vor.u32 v61, v45;
	v51 =	vmul.f32 v42, v22;
	v25 =	vld [tilespmem:$0x1FCE0]  }
0x14f: {  	v40 =	vld.idx.msk [tilespmem:v43+s3+$0x0], $0xffff  }
0x150: {  	v42 =	vmul.f32 v51, v13;
	[tilespmem:v57+s25+$0x0] =	vst.idx.msk $0xffff, v41;
	v57 =	vld.idx.msk [tilespmem:v43+s18+$0x0], $0xffff  }
0x151: {  	v23 =	vmov v17;
	v53 =	vor.u32 v52, v16;
	v17 =	vld [tilespmem:$0x1FCF0]  }
0x152: {  	v54 =	vmul.f32 v36, v34;
	[tilespmem:v35+s25+$0x0] =	vst.idx.msk $0xffff, v42;
	v42 =	vld.idx.msk [tilespmem:v43+s19+$0x0], $0xffff  }
0x153: {  	v43 =	vld.idx.msk [tilespmem:v9+s3+$0x0], $0xffff;
	v8 =	vor.u32 v25, v16  }
0x154: {  	v38 =	vmul.f32 v38, v33;
	v37 =	vmul.f32 v54, v13;
	v19 =	vld [tilespmem:$0x1FD00]  }
0x155: {  	[tilespmem:$0x1F7A0] =	vst v11;
	v55 =	vld [tilespmem:$0x1F530]  }
0x156: {  	v38 =	vmul.f32 v38, v13;
	v51 =	vld.idx.msk [tilespmem:v9+s17+$0x0], $0xffff;
	[tilespmem:v53+s25+$0x0] =	vst.idx.msk $0xffff, v37  }
0x157: {  	v10 =	vld [tilespmem:$0x1FD10];
	[tilespmem:$0x1F7B0] =	vst v22  }
0x158: {  	v59 =	vld [tilespmem:$0x1F540];
	[tilespmem:v8+s25+$0x0] =	vst.idx.msk $0xffff, v38  }
0x159: {  	v20 =	vld [tilespmem:$0x1F560]  }
0x15a: {  	v38 =	vld.idx.msk [tilespmem:v9+s18+$0x0], $0xffff  }
0x15b: {  	v37 =	vld [tilespmem:$0x1F550]  }
0x15c: {  	v3 =	vld [tilespmem:$0x1FD20];
	[tilespmem:$0x1F7E0] =	vst v34  }
0x15d: {  	v0 =	vmov v33;
	v7 =	vshll.u32 v7, $0x4;
	v46 =	vor.u32 v17, v16;
	v52 =	vld.idx.msk [tilespmem:v9+s19+$0x0], $0xffff  }
0x15e: {  	v1 =	vor.u32 v19, v16;
	v56 =	vmul.f32 v55, v11;
	[tilespmem:$0x1F800] =	vst v33;
	v33 =	vmul.f32 v20, v33;
	v20 =	vld [tilespmem:$0x1FD30]  }
0x15f: {  	v45 =	vor.u32 v61, v7;
	v7 =	vor.u32 v10, v16;
	v60 =	vmul.f32 v59, v22  }
0x160: {  	v29 =	vmov v34;
	v36 =	vmul.f32 v56, v15;
	v34 =	vmul.f32 v37, v34  }
0x161: {  	v9 =	vmul.f32 v60, v15;
	v8 =	vor.u32 v3, v16  }
0x162: {  	[tilespmem:v46+s25+$0x0] =	vst.idx.msk $0xffff, v36;
	v34 =	vmul.f32 v34, v15  }
0x163: {  	v53 =	vor.u32 v20, v16;
	v20 =	vld [tilespmem:$0x1F570];
	[tilespmem:v1+s25+$0x0] =	vst.idx.msk $0xffff, v9  }
0x164: {  	s20 =	simm.s32 $0x200;
	v9 =	vmul.f32 v33, v15;
	v1 =	vld [tilespmem:$0x1FD40];
	[tilespmem:v7+s25+$0x0] =	vst.idx.msk $0xffff, v34  }
0x165: {  	s22 =	simm.s32 $0x50;
	s8 =	sand.u32 $0x1C00, s20;
	v7 =	vld [tilespmem:$0x1F580]  }
0x166: {  	s10 =	sand.u32 $0x70, s22;
	s8 =	sadd.s32 $0x5080, s8;
	[tilespmem:v8+s25+$0x0] =	vst.idx.msk $0xffff, v9  }
0x167: {  	s0 =	sor.u32 s10, s8;
	v8 =	vld [tilespmem:$0x1FD50]  }
0x168: {  	v41 =	vld [tilespmem:s0+$0x0];
	v59 =	vmul.f32 v20, v11  }
0x169: {  	v1 =	vor.u32 v1, v16  }
0x16a: {  	s12 =	simm.s32 $0x80;
	v7 =	vmul.f32 v7, v22;
	v31 =	vmul.f32 v59, v4  }
0x16b: {  	v60 =	vmov s12  }
0x16c: {  	v33 =	vor.u32 v8, v16;
	v8 =	vshll.u32 v60, $0x3;
	[tilespmem:v53+s25+$0x0] =	vst.idx.msk $0xffff, v31;
	v9 =	vmul.f32 v7, v4  }
0x16d: {  	v7 =	vbroadcast v8, $0x0;
	v8 =	vshll.u32 v41, $0x4;
	v20 =	vld [tilespmem:$0x1F590]  }
0x16e: {  	v32 =	vor.u32 v61, v8;
	v8 =	vld [tilespmem:$0x1FD60];
	[tilespmem:v1+s25+$0x0] =	vst.idx.msk $0xffff, v9  }
0x16f: {  	v1 =	vld [tilespmem:$0x1F5A0]  }
0x170: {  	v26 =	vld.idx.msk [tilespmem:v45+s3+$0x0], $0xffff  }
0x171: {  	v37 =	vld.idx.msk [tilespmem:v45+s17+$0x0], $0xffff  }
0x172: {  	v36 =	vld.idx.msk [tilespmem:v45+s19+$0x0], $0xffff  }
0x173: {  	v34 =	vld.idx.msk [tilespmem:v45+s18+$0x0], $0xffff;
	v30 =	vmul.f32 v20, v29;
	v45 =	vor.u32 v8, v16  }
0x174: {  	v9 =	vmul.f32 v1, v0  }
0x175: {  	v11 =	vld [tilespmem:s6+$0x4000];
	v30 =	vmul.f32 v30, v4  }
0x176: {  	v59 =	vld [tilespmem:$0x1FF40];
	v1 =	vmul.f32 v9, v4  }
0x177: {  	v60 =	vld [tilespmem:$0x1FF50];
	[tilespmem:v33+s25+$0x0] =	vst.idx.msk $0xffff, v30  }
0x178: {  	[tilespmem:v45+s25+$0x0] =	vst.idx.msk $0xffff, v1  }
0x179: {  	v55 =	vld [tilespmem:$0x1F6F0]  }
0x17a: {  	v29 =	vor.u32 v62, v7  }
0x17b: {  	v44 =	vmul.f32 v44, v11;
	v46 =	vor.u32 v59, v6  }
0x17c: {  	s16 =	sand.u32 $0x3E0, s29;
	v47 =	vmul.f32 v47, v5;
	v41 =	vor.u32 v60, v6  }
0x17d: {  	v48 =	vmul.f32 v48, v12;
	v21 =	vld [tilespmem:s16+$0x4400];
	v30 =	vmul.f32 v44, v2  }
0x17e: {  	v35 =	vld [tilespmem:s16+$0x4C00];
	v56 =	vmul.f32 v47, v55  }
0x17f: {  	v22 =	vld [tilespmem:s16+$0x4800];
	[tilespmem:v29+s25+$0x0] =	vst.idx.msk $0xffff, v30;
	v29 =	vmul.f32 v48, v55  }
0x180: {  	[tilespmem:v46+s25+$0x0] =	vst.idx.msk $0xffff, v56  }
0x181: {  	v0 =	vld [tilespmem:$0x1FF60];
	[tilespmem:v41+s25+$0x0] =	vst.idx.msk $0xffff, v29  }
0x182: {  	v9 =	vld [tilespmem:$0x1FF10];
	_ =	sdelay $0x2  }
0x183: {  	v31 =	vld [tilespmem:s0+$0x80]  }
0x184: {  	v45 =	vld.idx.msk [tilespmem:v32+s18+$0x0], $0xffff;
	v33 =	vor.u32 v0, v6  }
0x185: {  	v30 =	vmul.f32 v49, v14;
	v53 =	vor.u32 v9, v6;
	v9 =	vld [tilespmem:$0x1FF20]  }
0x186: {  	v41 =	vld [tilespmem:$0x1FF70]  }
0x187: {  	v30 =	vmul.f32 v30, v55;
	v20 =	vld [tilespmem:$0x1FF00]  }
0x188: {  	v47 =	vld.idx.msk [tilespmem:v32+s3+$0x0], $0xffff;
	v29 =	vmul.f32 v39, v18  }
0x189: {  	v48 =	vld.idx.msk [tilespmem:v32+s17+$0x0], $0xffff;
	[tilespmem:v33+s25+$0x0] =	vst.idx.msk $0xffff, v30  }
0x18a: {  	v29 =	vmul.f32 v29, v55;
	v55 =	vor.u32 v9, v6;
	v9 =	vld [tilespmem:$0x1F5B0]  }
0x18b: {  	v39 =	vld.idx.msk [tilespmem:v32+s19+$0x0], $0xffff;
	v32 =	vor.u32 v41, v6  }
0x18c: {  	v46 =	vor.u32 v20, v6  }
0x18d: {  	v40 =	vmul.f32 v40, v5;
	_ =	sdelay $0x1  }
0x18e: {  	v30 =	vmul.f32 v40, v9  }
0x18f: {  	v31 =	vshll.u32 v31, $0x4;
	[tilespmem:v32+s25+$0x0] =	vst.idx.msk $0xffff, v29  }
0x190: {  	v31 =	vor.u32 v61, v31;
	[tilespmem:v46+s25+$0x0] =	vst.idx.msk $0xffff, v30  }
0x191: {  	v50 =	vmul.f32 v50, v12;
	v27 =	vld [tilespmem:$0x1FF30];
	_ =	sdelay $0x1  }
0x192: {  	v44 =	vld [tilespmem:s0+$0x100];
	v29 =	vmul.f32 v50, v9;
	_ =	sdelay $0x1  }
0x193: {  	v54 =	vld.idx.msk [tilespmem:v31+s3+$0x0], $0xffff;
	[tilespmem:v53+s25+$0x0] =	vst.idx.msk $0xffff, v29  }
0x194: {  	v1 =	vor.u32 v27, v6;
	v27 =	vld [tilespmem:$0x1FE70]  }
0x195: {  	v49 =	vld [tilespmem:s0+$0x180]  }
0x196: {  	v57 =	vmul.f32 v57, v14;
	v44 =	vshll.u32 v44, $0x4;
	v56 =	vld.idx.msk [tilespmem:v31+s17+$0x0], $0xffff  }
0x197: {  	v44 =	vor.u32 v61, v44;
	v20 =	vld.idx.msk [tilespmem:v31+s19+$0x0], $0xffff  }
0x198: {  	s24 =	sand.u32 $0x3F0, s22;
	v40 =	vld.idx.msk [tilespmem:v31+s18+$0x0], $0xffff;
	v31 =	vmul.f32 v57, v9  }
0x199: {  	s30 =	simm.s32 $0x140;
	s2 =	simm.s32 $0x40;
	v38 =	vmul.f32 v38, v14;
	v33 =	vld [tilespmem:s24+$0x4800];
	v29 =	vmul.f32 v42, v18;
	v42 =	vor.u32 v27, v6  }
0x19a: {  	v32 =	vld [tilespmem:s2+$0x4010];
	v53 =	vshll.u32 v49, $0x4;
	[tilespmem:v55+s25+$0x0] =	vst.idx.msk $0xffff, v31;
	v31 =	vmul.f32 v43, v5;
	v55 =	vmov s30  }
0x19b: {  	v30 =	vld [tilespmem:s24+$0x4400];
	v57 =	vmul.f32 v29, v9;
	v43 =	vor.u32 v61, v53;
	v29 =	vshll.u32 v55, $0x3  }
0x19c: {  	v46 =	vld.idx.msk [tilespmem:v44+s17+$0x0], $0xffff;
	v53 =	vor.u32 v58, v6;
	v31 =	vmul.f32 v31, v28;
	v29 =	vbroadcast v29, $0x0  }
0x19d: {  	v49 =	vld.idx.msk [tilespmem:v44+s3+$0x0], $0xffff;
	[tilespmem:v1+s25+$0x0] =	vst.idx.msk $0xffff, v57;
	v1 =	vmul.f32 v51, v12;
	v51 =	vor.u32 v24, v6  }
0x19e: {  	v55 =	vld.idx.msk [tilespmem:v44+s18+$0x0], $0xffff;
	v57 =	vand.u32 $0x7C00, v29;
	[tilespmem:v42+s25+$0x0] =	vst.idx.msk $0xffff, v31;
	v42 =	vor.u32 v23, v6  }
0x19f: {  	v52 =	vmul.f32 v52, v18;
	v44 =	vld.idx.msk [tilespmem:v44+s19+$0x0], $0xffff;
	v58 =	vor.u32 v59, v57;
	v50 =	vmul.f32 v1, v28  }
0x1a0: {  	v38 =	vmul.f32 v38, v28;
	v47 =	vmul.f32 v47, v32;
	v59 =	vor.u32 v60, v57;
	v60 =	vld.idx.msk [tilespmem:v43+s3+$0x0], $0xffff  }
0x1a1: {  	v48 =	vmul.f32 v48, v30;
	v1 =	vmul.f32 v52, v28;
	v52 =	vld.idx.msk [tilespmem:v43+s17+$0x0], $0xffff;
	[tilespmem:v53+s25+$0x0] =	vst.idx.msk $0xffff, v50  }
0x1a2: {  	v31 =	vld [tilespmem:s24+$0x4C00];
	v53 =	vmul.f32 v47, v2;
	[tilespmem:v51+s25+$0x0] =	vst.idx.msk $0xffff, v38  }
0x1a3: {  	v47 =	vld.idx.msk [tilespmem:v43+s18+$0x0], $0xffff;
	[tilespmem:v42+s25+$0x0] =	vst.idx.msk $0xffff, v1;
	v1 =	vmul.f32 v48, v2  }
0x1a4: {  	v43 =	vld.idx.msk [tilespmem:v43+s19+$0x0], $0xffff;
	[tilespmem:v58+s25+$0x0] =	vst.idx.msk $0xffff, v53  }
0x1a5: {  	[tilespmem:v59+s25+$0x0] =	vst.idx.msk $0xffff, v1  }
0x1a6: {  	v53 =	vld [tilespmem:$0x1FEB0];
	_ =	sdelay $0x2  }
0x1a7: {  	v48 =	vor.u32 v0, v57  }
0x1a8: {  	v51 =	vmul.f32 v45, v33;
	v45 =	vor.u32 v41, v57;
	v59 =	vld [tilespmem:$0x1FF80]  }
0x1a9: {  	v39 =	vmul.f32 v39, v31;
	v41 =	vld [tilespmem:$0x1FF90];
	v42 =	vor.u32 v53, v57  }
0x1aa: {  	v50 =	vmul.f32 v54, v32;
	v38 =	vmul.f32 v51, v2  }
0x1ab: {  	v39 =	vmul.f32 v39, v2  }
0x1ac: {  	v50 =	vmul.f32 v50, v13;
	[tilespmem:v48+s25+$0x0] =	vst.idx.msk $0xffff, v38  }
0x1ad: {  	[tilespmem:v45+s25+$0x0] =	vst.idx.msk $0xffff, v39;
	v51 =	vor.u32 v59, v57  }
0x1ae: {  	v53 =	vmul.f32 v56, v30;
	v56 =	vor.u32 v41, v57;
	[tilespmem:v42+s25+$0x0] =	vst.idx.msk $0xffff, v50  }
0x1af: {  	v40 =	vmul.f32 v40, v33;
	v45 =	vld [tilespmem:$0x1FFA0]  }
0x1b0: {  	v53 =	vmul.f32 v53, v13  }
0x1b1: {  	v59 =	vmul.f32 v40, v13  }
0x1b2: {  	[tilespmem:v51+s25+$0x0] =	vst.idx.msk $0xffff, v53  }
0x1b3: {  	v53 =	vld [tilespmem:$0x1FFB0];
	[tilespmem:v56+s25+$0x0] =	vst.idx.msk $0xffff, v59  }
0x1b4: {  	v50 =	vld [tilespmem:$0x1FFC0];
	v40 =	vor.u32 v45, v57  }
0x1b5: {  	s16 =	simm.s32 $0x40;
	v48 =	vmul.f32 v20, v31;
	v51 =	vld [tilespmem:$0x1FFD0]  }
0x1b6: {  	s10 =	sand.u32 $0x60, s16  }
0x1b7: {  	s6 =	sor.u32 s10, s8;
	v39 =	vmul.f32 v48, v13  }
0x1b8: {  	v54 =	vld [tilespmem:s6+$0x0];
	v41 =	vor.u32 v53, v57  }
0x1b9: {  	v59 =	vmul.f32 v49, v32;
	v45 =	vor.u32 v50, v57;
	[tilespmem:v40+s25+$0x0] =	vst.idx.msk $0xffff, v39  }
0x1ba: {  	v46 =	vmul.f32 v46, v30;
	v49 =	vor.u32 v51, v57;
	v56 =	vld [tilespmem:$0x1FFE0]  }
0x1bb: {  	v42 =	vmul.f32 v59, v15;
	v50 =	vmul.f32 v55, v33  }
0x1bc: {  	v55 =	vmul.f32 v46, v15  }
0x1bd: {  	v38 =	vshll.u32 v54, $0x4;
	v51 =	vmul.f32 v50, v15;
	[tilespmem:v41+s25+$0x0] =	vst.idx.msk $0xffff, v42  }
0x1be: {  	v38 =	vor.u32 v61, v38;
	v59 =	vmul.f32 v44, v31;
	[tilespmem:v45+s25+$0x0] =	vst.idx.msk $0xffff, v55  }
0x1bf: {  	[tilespmem:v49+s25+$0x0] =	vst.idx.msk $0xffff, v51;
	v40 =	vor.u32 v56, v57  }
0x1c0: {  	v41 =	vmul.f32 v59, v15;
	v59 =	vld [tilespmem:$0x1FED0];
	_ =	sdelay $0x1  }
0x1c1: {  	v48 =	vld [tilespmem:s6+$0x80]  }
0x1c2: {  	v44 =	vmul.f32 v60, v32;
	v60 =	vmul.f32 v52, v30;
	v52 =	vld.idx.msk [tilespmem:v38+s17+$0x0], $0xffff  }
0x1c3: {  	v56 =	vld [tilespmem:$0x1FEC0];
	[tilespmem:v40+s25+$0x0] =	vst.idx.msk $0xffff, v41  }
0x1c4: {  	v46 =	vor.u32 v59, v57;
	v59 =	vld [tilespmem:$0x1FEE0];
	_ =	sdelay $0x2  }
0x1c5: {  	v39 =	vld [tilespmem:s6+$0x100];
	v55 =	vshll.u32 v48, $0x4  }
0x1c6: {  	v45 =	vor.u32 v61, v55;
	v55 =	vld.idx.msk [tilespmem:v38+s3+$0x0], $0xffff;
	[tilespmem:$0x1F810] =	vst v52  }
0x1c7: {  	v49 =	vor.u32 v59, v57;
	v59 =	vld.idx.msk [tilespmem:v38+s18+$0x0], $0xffff;
	_ =	sdelay $0x4  }
0x1c8: {  	[tilespmem:$0x1F830] =	vst v59  }
0x1c9: {  	v0 =	vld.idx.msk [tilespmem:v38+s19+$0x0], $0xffff;
	_ =	sdelay $0x3  }
0x1ca: {  	v42 =	vor.u32 v56, v57  }
0x1cb: {  	v56 =	vld [tilespmem:$0x1FEF0];
	[tilespmem:$0x1F840] =	vst v0  }
0x1cc: {  	v0 =	vld.idx.msk [tilespmem:v45+s3+$0x0], $0xffff  }
0x1cd: {  	v48 =	vmul.f32 v44, v4  }
0x1ce: {  	v50 =	vmul.f32 v60, v4  }
0x1cf: {  	v47 =	vmul.f32 v47, v33;
	[tilespmem:v42+s25+$0x0] =	vst.idx.msk $0xffff, v48  }
0x1d0: {  	[tilespmem:v46+s25+$0x0] =	vst.idx.msk $0xffff, v50  }
0x1d1: {  	v60 =	vmul.f32 v47, v4;
	v51 =	vor.u32 v56, v57;
	v47 =	vld [tilespmem:s6+$0x180];
	[tilespmem:$0x1F850] =	vst v0  }
0x1d2: {  	v43 =	vmul.f32 v43, v31;
	v0 =	vld.idx.msk [tilespmem:v45+s18+$0x0], $0xffff;
	_ =	sdelay $0x1  }
0x1d3: {  	v38 =	vmul.f32 v43, v4  }
0x1d4: {  	v41 =	vmov v8;
	v8 =	vld [tilespmem:$0x1F5C0];
	[tilespmem:v49+s25+$0x0] =	vst.idx.msk $0xffff, v60  }
0x1d5: {  	[tilespmem:v51+s25+$0x0] =	vst.idx.msk $0xffff, v38  }
0x1d6: {  	v43 =	vld.idx.msk [tilespmem:v45+s17+$0x0], $0xffff;
	[tilespmem:$0x1F880] =	vst v0  }
0x1d7: {  	v39 =	vshll.u32 v39, $0x4;
	v0 =	vld.idx.msk [tilespmem:v45+s19+$0x0], $0xffff  }
0x1d8: {  	v48 =	vor.u32 v61, v39;
	_ =	sdelay $0x3  }
0x1d9: {  	[tilespmem:$0x1F890] =	vst v0  }
0x1da: {  	v0 =	vld.idx.msk [tilespmem:v48+s3+$0x0], $0xffff;
	_ =	sdelay $0x2  }
0x1db: {  	v59 =	vld [tilespmem:$0x1FC50];
	_ =	sdelay $0x1  }
0x1dc: {  	v46 =	vor.u32 v8, v6;
	v38 =	vld [tilespmem:$0x1F5D0];
	[tilespmem:$0x1F8B0] =	vst v0  }
0x1dd: {  	v5 =	vmul.f32 v26, v5;
	v44 =	vld.idx.msk [tilespmem:v48+s17+$0x0], $0xffff;
	_ =	sdelay $0x1  }
0x1de: {  	v5 =	vmul.f32 v5, v59  }
0x1df: {  	v60 =	vld [tilespmem:$0x1F5E0]  }
0x1e0: {  	v40 =	vld [tilespmem:$0x1F5F0];
	[tilespmem:v46+s25+$0x0] =	vst.idx.msk $0xffff, v5  }
0x1e1: {  	v50 =	vor.u32 v38, v6;
	v46 =	vld [tilespmem:s0+$0x200];
	[tilespmem:$0x1F920] =	vst v44  }
0x1e2: {  	v58 =	vmov v3;
	v3 =	vmul.f32 v37, v12;
	v56 =	vld.idx.msk [tilespmem:v48+s18+$0x0], $0xffff;
	_ =	sdelay $0x1  }
0x1e3: {  	v3 =	vmul.f32 v3, v59;
	v20 =	vld [tilespmem:$0x1FC90]  }
0x1e4: {  	v52 =	vmov v4;
	v4 =	vld [tilespmem:$0x1F600]  }
0x1e5: {  	v51 =	vld [tilespmem:$0x1F610];
	[tilespmem:v50+s25+$0x0] =	vst.idx.msk $0xffff, v3  }
0x1e6: {  	v39 =	vshll.u32 v47, $0x4;
	v37 =	vor.u32 v60, v6;
	[tilespmem:$0x1F950] =	vst v56  }
0x1e7: {  	v34 =	vmul.f32 v34, v14;
	v45 =	vor.u32 v61, v39;
	v39 =	vld.idx.msk [tilespmem:v48+s19+$0x0], $0xffff;
	_ =	sdelay $0x1  }
0x1e8: {  	v5 =	vmul.f32 v34, v59;
	_ =	sdelay $0x1  }
0x1e9: {  	v27 =	vld [tilespmem:$0x1FCA0];
	[tilespmem:v37+s25+$0x0] =	vst.idx.msk $0xffff, v5  }
0x1ea: {  	v6 =	vor.u32 v40, v6;
	[tilespmem:$0x1FAB0] =	vst v39  }
0x1eb: {  	v42 =	vmul.f32 v36, v18;
	v56 =	vld.idx.msk [tilespmem:v45+s3+$0x0], $0xffff;
	_ =	sdelay $0x1  }
0x1ec: {  	v34 =	vmul.f32 v42, v59  }
0x1ed: {  	v44 =	vld [tilespmem:$0x1FCB0]  }
0x1ee: {  	v42 =	vld [tilespmem:$0x1F620];
	[tilespmem:v6+s25+$0x0] =	vst.idx.msk $0xffff, v34  }
0x1ef: {  	v49 =	vor.u32 v63, v7;
	v28 =	vmul.f32 v51, v22;
	v51 =	vld [tilespmem:s0+$0x280];
	[tilespmem:$0x1FAC0] =	vst v56  }
0x1f0: {  	v36 =	vmul.f32 v4, v21;
	v39 =	vld.idx.msk [tilespmem:v45+s17+$0x0], $0xffff;
	_ =	sdelay $0x1  }
0x1f1: {  	v36 =	vmul.f32 v36, v2;
	_ =	sdelay $0x1  }
0x1f2: {  	v1 =	vmov v59;
	v59 =	vld [tilespmem:$0x1F630];
	[tilespmem:v49+s25+$0x0] =	vst.idx.msk $0xffff, v36  }
0x1f3: {  	v47 =	vor.u32 v20, v7;
	[tilespmem:$0x1F9A0] =	vst v39  }
0x1f4: {  	v0 =	vmov v2;
	v48 =	vmul.f32 v28, v2;
	v2 =	vld.idx.msk [tilespmem:v45+s18+$0x0], $0xffff;
	_ =	sdelay $0x3  }
0x1f5: {  	v56 =	vld [tilespmem:$0x1FCC0];
	[tilespmem:v47+s25+$0x0] =	vst.idx.msk $0xffff, v48  }
0x1f6: {  	v48 =	vld [tilespmem:$0x1F640];
	[tilespmem:$0x1FAA0] =	vst v2  }
0x1f7: {  	v50 =	vld.idx.msk [tilespmem:v45+s19+$0x0], $0xffff  }
0x1f8: {  	v3 =	vor.u32 v27, v7  }
0x1f9: {  	v37 =	vor.u32 v44, v7;
	v26 =	vmul.f32 v42, v35  }
0x1fa: {  	v34 =	vmul.f32 v59, v11;
	v49 =	vor.u32 v56, v7;
	v59 =	vld [tilespmem:$0x1FCD0]  }
0x1fb: {  	v26 =	vmul.f32 v26, v0;
	v4 =	vld [tilespmem:$0x1F650];
	v24 =	vmul.f32 v48, v21  }
0x1fc: {  	v6 =	vshll.u32 v46, $0x4;
	v46 =	vmul.f32 v34, v13;
	[tilespmem:$0x1FAE0] =	vst v50  }
0x1fd: {  	v24 =	vmul.f32 v24, v13;
	[tilespmem:v3+s25+$0x0] =	vst.idx.msk $0xffff, v26  }
0x1fe: {  	[tilespmem:v37+s25+$0x0] =	vst.idx.msk $0xffff, v46  }
0x1ff: {  	v42 =	vor.u32 v59, v7;
	[tilespmem:v49+s25+$0x0] =	vst.idx.msk $0xffff, v24  }
0x200: {  	v23 =	vmul.f32 v4, v22;
	v4 =	vld [tilespmem:$0x1F660];
	_ =	sdelay $0x1  }
0x201: {  	v23 =	vmul.f32 v23, v13  }
0x202: {  	s8 =	simm.s32 $0x4  }
0x203: {  	s12 =	sand.u32 $0x7, s8;
	[tilespmem:v42+s25+$0x0] =	vst.idx.msk $0xffff, v23  }
0x204: {  	v57 =	vmov v11;
	s0 =	sshll.u32 s12, $0x4;
	v11 =	vmul.f32 v4, v35;
	v4 =	vld [tilespmem:$0x1F670]  }
0x205: {  	s0 =	sadd.s32 $0x200, s0;
	v36 =	vor.u32 v61, v6  }
0x206: {  	s0 =	sadd.s32 $0x10, s0  }
0x207: {  	s0 =	sor.u32 $0x300, s0  }
0x208: {  	v3 =	vld [tilespmem:s0+$0x5080]  }
0x209: {  	v12 =	vmul.f32 v4, v57;
	v4 =	vld [tilespmem:$0x1F680]  }
0x20a: {  	v48 =	vld.idx.msk [tilespmem:v36+s3+$0x0], $0xffff  }
0x20b: {  	v26 =	vor.u32 v25, v7;
	v47 =	vld.idx.msk [tilespmem:v36+s18+$0x0], $0xffff  }
0x20c: {  	v34 =	vor.u32 v17, v7;
	v37 =	vld [tilespmem:s2+$0x4000]  }
0x20d: {  	v53 =	vmov v10;
	v10 =	vmov v19;
	v19 =	vmov v21;
	v49 =	vld.idx.msk [tilespmem:v36+s17+$0x0], $0xffff  }
0x20e: {  	[tilespmem:$0x1FC80] =	vst v19;
	v11 =	vmul.f32 v11, v13;
	v21 =	vmul.f32 v4, v21;
	v4 =	vld [tilespmem:$0x1F690]  }
0x20f: {  	v36 =	vld.idx.msk [tilespmem:v36+s19+$0x0], $0xffff;
	[tilespmem:$0x1FC40] =	vst v22;
	v12 =	vmul.f32 v12, v15  }
0x210: {  	v24 =	vor.u32 v10, v7;
	[tilespmem:v26+s25+$0x0] =	vst.idx.msk $0xffff, v11  }
0x211: {  	[tilespmem:v34+s25+$0x0] =	vst.idx.msk $0xffff, v12  }
0x212: {  	v23 =	vor.u32 v53, v7;
	v34 =	vld [tilespmem:$0x1F6A0]  }
0x213: {  	v5 =	vmov v19;
	v21 =	vmul.f32 v21, v15;
	v19 =	vmul.f32 v4, v22;
	_ =	sdelay $0x1  }
0x214: {  	[tilespmem:v24+s25+$0x0] =	vst.idx.msk $0xffff, v21;
	v12 =	vmul.f32 v19, v15  }
0x215: {  	v28 =	vld [tilespmem:$0x1FD30]  }
0x216: {  	v14 =	vmul.f32 v34, v35;
	v34 =	vld [tilespmem:$0x1FD40];
	[tilespmem:v23+s25+$0x0] =	vst.idx.msk $0xffff, v12  }
0x217: {  	v11 =	vor.u32 v58, v7;
	v39 =	vld [tilespmem:$0x1F6B0];
	_ =	sdelay $0x2  }
0x218: {  	v14 =	vmul.f32 v14, v15  }
0x219: {  	v42 =	vmov v53;
	v53 =	vld [tilespmem:$0x1F6C0]  }
0x21a: {  	v12 =	vmul.f32 v39, v5;
	v39 =	vld [tilespmem:$0x1FD50];
	[tilespmem:v11+s25+$0x0] =	vst.idx.msk $0xffff, v14  }
0x21b: {  	v58 =	vld [tilespmem:$0x1F6D0];
	_ =	sdelay $0x1  }
0x21c: {  	s24 =	sor.u32 s22, s20;
	v21 =	vor.u32 v28, v7  }
0x21d: {  	s0 =	sor.u32 $0x380, s24;
	v24 =	vor.u32 v34, v7;
	v10 =	vmul.f32 v53, v57  }
0x21e: {  	v50 =	vld [tilespmem:s0+$0x5080];
	v4 =	vmov v22;
	v23 =	vor.u32 v39, v7  }
0x21f: {  	v53 =	vld [tilespmem:$0x1F6E0];
	v10 =	vmul.f32 v10, v52;
	v11 =	vmul.f32 v58, v4;
	v58 =	vmov v52  }
0x220: {  	v12 =	vmul.f32 v12, v58  }
0x221: {  	v2 =	vshll.u32 v51, $0x4;
	[tilespmem:v21+s25+$0x0] =	vst.idx.msk $0xffff, v10;
	v10 =	vmul.f32 v11, v58  }
0x222: {  	v45 =	vor.u32 v61, v2;
	[tilespmem:v24+s25+$0x0] =	vst.idx.msk $0xffff, v12  }
0x223: {  	s12 =	simm.s32 $0x100;
	v14 =	vshll.u32 v50, $0x4;
	v50 =	vor.u32 v41, v7;
	[tilespmem:v23+s25+$0x0] =	vst.idx.msk $0xffff, v10  }
0x224: {  	v19 =	vmov s12;
	v18 =	vmul.f32 v53, v35;
	v4 =	vld [tilespmem:$0x1FF40]  }
0x225: {  	v3 =	vshll.u32 v3, $0x4;
	v19 =	vshll.u32 v19, $0x3  }
0x226: {  	v3 =	vor.u32 v61, v3;
	v19 =	vbroadcast v19, $0x0;
	v12 =	vmul.f32 v18, v58  }
0x227: {  	v46 =	vld.idx.msk [tilespmem:v45+s17+$0x0], $0xffff;
	v11 =	vmul.f32 v55, v37  }
0x228: {  	v51 =	vld.idx.msk [tilespmem:v45+s18+$0x0], $0xffff;
	v2 =	vor.u32 v62, v19;
	[tilespmem:v50+s25+$0x0] =	vst.idx.msk $0xffff, v12  }
0x229: {  	s30 =	sand.u32 $0x3E0, s16;
	v10 =	vmul.f32 v11, v0;
	v11 =	vor.u32 v4, v29;
	v4 =	vld [tilespmem:$0x1FF50]  }
0x22a: {  	v6 =	vld [tilespmem:s30+$0x4C00]  }
0x22b: {  	v54 =	vmov v17;
	v17 =	vld.idx.msk [tilespmem:v3+s17+$0x0], $0xffff  }
0x22c: {  	v5 =	vld [tilespmem:s30+$0x4800]  }
0x22d: {  	v55 =	vld [tilespmem:s30+$0x4400];
	[tilespmem:v2+s25+$0x0] =	vst.idx.msk $0xffff, v10  }
0x22e: {  	v18 =	vor.u32 v4, v29;
	v4 =	vld [tilespmem:$0x1FF60]  }
0x22f: {  	v26 =	vld.idx.msk [tilespmem:v45+s3+$0x0], $0xffff  }
0x230: {  	v22 =	vld.idx.msk [tilespmem:v45+s19+$0x0], $0xffff  }
0x231: {  	v45 =	vld.idx.msk [tilespmem:v3+s3+$0x0], $0xffff  }
0x232: {  	v14 =	vor.u32 v61, v14;
	v52 =	vld.idx.msk [tilespmem:v3+s18+$0x0], $0xffff  }
0x233: {  	v23 =	vor.u32 v4, v29;
	v4 =	vld [tilespmem:$0x1F6F0]  }
0x234: {  	v53 =	vmov v25;
	v25 =	vld [tilespmem:$0x1FF70]  }
0x235: {  	v10 =	vmul.f32 v49, v30;
	v49 =	vld [tilespmem:$0x1FF00]  }
0x236: {  	v3 =	vld.idx.msk [tilespmem:v3+s19+$0x0], $0xffff;
	v12 =	vmul.f32 v48, v32  }
0x237: {  	v21 =	vld.idx.msk [tilespmem:v14+s3+$0x0], $0xffff  }
0x238: {  	v24 =	vld.idx.msk [tilespmem:v14+s17+$0x0], $0xffff;
	v50 =	vmov v44;
	v44 =	vmul.f32 v47, v33;
	v12 =	vmul.f32 v12, v4  }
0x239: {  	v36 =	vmul.f32 v36, v31;
	v48 =	vld.idx.msk [tilespmem:v14+s18+$0x0], $0xffff;
	v47 =	vor.u32 v25, v29;
	v10 =	vmul.f32 v10, v4  }
0x23a: {  	v14 =	vld.idx.msk [tilespmem:v14+s19+$0x0], $0xffff;
	v49 =	vor.u32 v49, v29;
	[tilespmem:v11+s25+$0x0] =	vst.idx.msk $0xffff, v12;
	v11 =	vmul.f32 v44, v4  }
0x23b: {  	v12 =	vmul.f32 v26, v32;
	[tilespmem:v18+s25+$0x0] =	vst.idx.msk $0xffff, v10  }
0x23c: {  	v10 =	vmul.f32 v36, v4;
	[tilespmem:v23+s25+$0x0] =	vst.idx.msk $0xffff, v11  }
0x23d: {  	v12 =	vmul.f32 v12, v9;
	v44 =	vld [tilespmem:$0x1FF10]  }
0x23e: {  	[tilespmem:v47+s25+$0x0] =	vst.idx.msk $0xffff, v10  }
0x23f: {  	v47 =	vld [tilespmem:$0x1FF20];
	[tilespmem:v49+s25+$0x0] =	vst.idx.msk $0xffff, v12  }
0x240: {  	v49 =	vmov v27;
	v27 =	vld [tilespmem:$0x1FD70];
	_ =	sdelay $0x1  }
0x241: {  	v18 =	vor.u32 v44, v29  }
0x242: {  	v10 =	vmul.f32 v46, v30;
	_ =	sdelay $0x1  }
0x243: {  	v25 =	vmov v4;
	v11 =	vld [tilespmem:s15+$0x200];
	v10 =	vmul.f32 v10, v9;
	v4 =	vor.u32 v27, v16  }
0x244: {  	v36 =	vld [tilespmem:$0x1FF30];
	[tilespmem:$0x1F700] =	vst v4  }
0x245: {  	v44 =	vld [tilespmem:$0x1FE70];
	[tilespmem:v18+s25+$0x0] =	vst.idx.msk $0xffff, v10  }
0x246: {  	v26 =	vmul.f32 v51, v33;
	v51 =	vmov v56;
	v56 =	vld [tilespmem:$0x1FD80];
	_ =	sdelay $0x1  }
0x247: {  	v23 =	vor.u32 v47, v29;
	_ =	sdelay $0x2  }
0x248: {  	v10 =	vshll.u32 v11, $0x4;
	v11 =	vmul.f32 v26, v9;
	v4 =	vor.u32 v56, v16  }
0x249: {  	[tilespmem:$0x1F710] =	vst v4  }
0x24a: {  	[tilespmem:v23+s25+$0x0] =	vst.idx.msk $0xffff, v11  }
0x24b: {  	v4 =	vld [tilespmem:$0x1F720]  }
0x24c: {  	v12 =	vor.u32 v36, v29  }
0x24d: {  	v22 =	vmul.f32 v22, v31;
	v36 =	vor.u32 v44, v29  }
0x24e: {  	v18 =	vmul.f32 v45, v32  }
0x24f: {  	v26 =	vor.u32 v61, v10;
	v10 =	vmul.f32 v22, v9  }
0x250: {  	v46 =	vld [tilespmem:$0x1FE80];
	v18 =	vmul.f32 v18, v4  }
0x251: {  	v47 =	vld [tilespmem:$0x1FE90];
	[tilespmem:v12+s25+$0x0] =	vst.idx.msk $0xffff, v10  }
0x252: {  	v44 =	vld [tilespmem:$0x1F730];
	[tilespmem:v36+s25+$0x0] =	vst.idx.msk $0xffff, v18  }
0x253: {  	v36 =	vld [tilespmem:$0x1FD90];
	_ =	sdelay $0x4  }
0x254: {  	v12 =	vld [tilespmem:s15+$0x280];
	v45 =	vor.u32 v36, v16  }
0x255: {  	[tilespmem:$0x1F740] =	vst v45;
	v45 =	vld [tilespmem:$0x1FDA0];
	_ =	sdelay $0x1  }
0x256: {  	v11 =	vor.u32 v46, v29  }
0x257: {  	v17 =	vmul.f32 v17, v30;
	_ =	sdelay $0x1  }
0x258: {  	v17 =	vmul.f32 v17, v4;
	v46 =	vor.u32 v45, v16  }
0x259: {  	[tilespmem:$0x1F750] =	vst v46  }
0x25a: {  	[tilespmem:v11+s25+$0x0] =	vst.idx.msk $0xffff, v17  }
0x25b: {  	v11 =	vld [tilespmem:$0x1FDB0];
	_ =	sdelay $0x1  }
0x25c: {  	v22 =	vor.u32 v47, v29  }
0x25d: {  	v10 =	vmul.f32 v52, v33;
	_ =	sdelay $0x1  }
0x25e: {  	v23 =	vor.u32 v44, v29;
	v44 =	vmul.f32 v10, v4;
	v47 =	vor.u32 v11, v16  }
0x25f: {  	v17 =	vld.idx.msk [tilespmem:v26+s3+$0x0], $0xffff;
	[tilespmem:$0x1F760] =	vst v47  }
0x260: {  	[tilespmem:v22+s25+$0x0] =	vst.idx.msk $0xffff, v44  }
0x261: {  	v44 =	vld [tilespmem:$0x1FDC0];
	_ =	sdelay $0x2  }
0x262: {  	v3 =	vmul.f32 v3, v31;
	v18 =	vor.u32 v8, v29  }
0x263: {  	v21 =	vmul.f32 v21, v32  }
0x264: {  	v3 =	vmul.f32 v3, v4;
	v32 =	vor.u32 v44, v16  }
0x265: {  	v21 =	vmul.f32 v21, v1;
	v22 =	vld.idx.msk [tilespmem:v26+s17+$0x0], $0xffff;
	[tilespmem:$0x1F770] =	vst v32  }
0x266: {  	[tilespmem:v23+s25+$0x0] =	vst.idx.msk $0xffff, v3  }
0x267: {  	[tilespmem:v18+s25+$0x0] =	vst.idx.msk $0xffff, v21  }
0x268: {  	s2 =	sand.u32 $0x3, s9;
	v10 =	vld [tilespmem:$0x1FDD0]  }
0x269: {  	s0 =	sshll.u32 s2, $0x5  }
0x26a: {  	s0 =	sadd.s32 $0x0, s0  }
0x26b: {  	s0 =	sor.u32 $0x300, s0;
	v23 =	vor.u32 v38, v29;
	v38 =	vld.idx.msk [tilespmem:v26+s18+$0x0], $0xffff  }
0x26c: {  	v18 =	vld [tilespmem:s0+$0x5080]  }
0x26d: {  	v8 =	vld [tilespmem:$0x1F7A0];
	v46 =	vor.u32 v10, v16  }
0x26e: {  	[tilespmem:$0x1F780] =	vst v46;
	v46 =	vld [tilespmem:$0x1FDE0];
	_ =	sdelay $0x3  }
0x26f: {  	v17 =	vmul.f32 v17, v8  }
0x270: {  	v24 =	vmul.f32 v24, v30;
	v30 =	vmul.f32 v48, v33;
	v47 =	vor.u32 v46, v16  }
0x271: {  	s10 =	sor.u32 s11, s9;
	v48 =	vmovc v20;
	v52 =	vmov v59;
	v59 =	vmov v4;
	v20 =	vld [tilespmem:$0x1F7B0];
	v4 =	vmul.f32 v17, v25;
	[tilespmem:$0x1F790] =	vst v47  }
0x272: {  	s11 =	sor.u32 $0x380, s10;
	v24 =	vmul.f32 v24, v1;
	v26 =	vld.idx.msk [tilespmem:v26+s19+$0x0], $0xffff  }
0x273: {  	v14 =	vmul.f32 v14, v31;
	v31 =	vld [tilespmem:s11+$0x5080];
	[tilespmem:$0x1F7C0] =	vst v4  }
0x274: {  	[tilespmem:v23+s25+$0x0] =	vst.idx.msk $0xffff, v24  }
0x275: {  	v47 =	vld [tilespmem:$0x1FDF0]  }
0x276: {  	v12 =	vshll.u32 v12, $0x4  }
0x277: {  	v12 =	vor.u32 v61, v12  }
0x278: {  	v21 =	vor.u32 v60, v29;
	v22 =	vmul.f32 v22, v20;
	_ =	sdelay $0x1  }
0x279: {  	v17 =	vmov v35;
	v35 =	vmul.f32 v22, v25;
	v3 =	vld [tilespmem:$0x1F7E0];
	v33 =	vor.u32 v47, v16  }
0x27a: {  	v30 =	vmul.f32 v30, v1;
	[tilespmem:$0x1F7D0] =	vst v33  }
0x27b: {  	v23 =	vld.idx.msk [tilespmem:v12+s3+$0x0], $0xffff;
	[tilespmem:$0x1F7F0] =	vst v35  }
0x27c: {  	v60 =	vmov v1;
	[tilespmem:v21+s25+$0x0] =	vst.idx.msk $0xffff, v30  }
0x27d: {  	v14 =	vmul.f32 v14, v60;
	v60 =	vld [tilespmem:$0x1F800]  }
0x27e: {  	v29 =	vor.u32 v40, v29;
	v24 =	vmul.f32 v38, v3;
	v38 =	vld [tilespmem:$0x1F810];
	_ =	sdelay $0x1  }
0x27f: {  	v40 =	vmul.f32 v24, v25;
	_ =	sdelay $0x1  }
0x280: {  	v21 =	vor.u32 v63, v19;
	[tilespmem:$0x1F820] =	vst v40  }
0x281: {  	[tilespmem:v29+s25+$0x0] =	vst.idx.msk $0xffff, v14;
	v22 =	vmul.f32 v26, v60;
	v26 =	vmul.f32 v38, v55  }
0x282: {  	v32 =	vld [tilespmem:$0x1F830]  }
0x283: {  	v33 =	vld [tilespmem:$0x1F840];
	v26 =	vmul.f32 v26, v0;
	_ =	sdelay $0x1  }
0x284: {  	[tilespmem:v21+s25+$0x0] =	vst.idx.msk $0xffff, v26  }
0x285: {  	v24 =	vor.u32 v48, v19;
	v35 =	vld [tilespmem:$0x1F850]  }
0x286: {  	v14 =	vor.u32 v49, v19;
	v29 =	vmul.f32 v32, v5  }
0x287: {  	v30 =	vshll.u32 v31, $0x4;
	v38 =	vmovc v42;
	v31 =	vmul.f32 v33, v6;
	v42 =	vmul.f32 v22, v25  }
0x288: {  	v32 =	vld.idx.msk [tilespmem:v12+s17+$0x0], $0xffff;
	v26 =	vmul.f32 v29, v0;
	[tilespmem:$0x1F860] =	vst v0  }
0x289: {  	v31 =	vmul.f32 v31, v0;
	[tilespmem:$0x1F870] =	vst v42  }
0x28a: {  	v21 =	vor.u32 v50, v19;
	[tilespmem:v24+s25+$0x0] =	vst.idx.msk $0xffff, v26;
	v40 =	vmul.f32 v35, v37  }
0x28b: {  	v29 =	vor.u32 v51, v19;
	[tilespmem:v14+s25+$0x0] =	vst.idx.msk $0xffff, v31  }
0x28c: {  	v22 =	vmul.f32 v43, v55;
	v33 =	vmul.f32 v40, v13;
	v40 =	vld [tilespmem:$0x1F890];
	_ =	sdelay $0x1  }
0x28d: {  	v14 =	vmul.f32 v22, v13  }
0x28e: {  	v35 =	vld [tilespmem:$0x1F880];
	[tilespmem:v21+s25+$0x0] =	vst.idx.msk $0xffff, v33  }
0x28f: {  	v18 =	vshll.u32 v18, $0x4;
	v24 =	vld.idx.msk [tilespmem:v12+s18+$0x0], $0xffff;
	[tilespmem:v29+s25+$0x0] =	vst.idx.msk $0xffff, v14  }
0x290: {  	v18 =	vor.u32 v61, v18;
	v1 =	vmul.f32 v40, v6;
	v40 =	vld [tilespmem:$0x1FE00];
	_ =	sdelay $0x1  }
0x291: {  	v43 =	vld [tilespmem:$0x1F8B0]  }
0x292: {  	v26 =	vor.u32 v52, v19  }
0x293: {  	v30 =	vor.u32 v61, v30;
	v12 =	vld.idx.msk [tilespmem:v12+s19+$0x0], $0xffff;
	v31 =	vor.u32 v53, v19;
	v22 =	vmul.f32 v35, v5  }
0x294: {  	v32 =	vmul.f32 v32, v20;
	v24 =	vmul.f32 v24, v3;
	v21 =	vld.idx.msk [tilespmem:v18+s17+$0x0], $0xffff;
	v42 =	vor.u32 v40, v16  }
0x295: {  	v33 =	vor.u32 v54, v19;
	v35 =	vld.idx.msk [tilespmem:v18+s3+$0x0], $0xffff;
	v22 =	vmul.f32 v22, v13;
	[tilespmem:$0x1F8A0] =	vst v42  }
0x296: {  	v42 =	vmul.f32 v43, v37;
	v43 =	vmul.f32 v32, v9;
	v29 =	vld.idx.msk [tilespmem:v18+s18+$0x0], $0xffff;
	[tilespmem:$0x1F8C0] =	vst v13  }
0x297: {  	v1 =	vmul.f32 v1, v13;
	[tilespmem:v26+s25+$0x0] =	vst.idx.msk $0xffff, v22  }
0x298: {  	v12 =	vmul.f32 v12, v60;
	v22 =	vld.idx.msk [tilespmem:v30+s3+$0x0], $0xffff;
	v26 =	vmov v60;
	v60 =	vmul.f32 v24, v9;
	[tilespmem:$0x1F8D0] =	vst v43  }
0x299: {  	v2 =	vmul.f32 v42, v15;
	v32 =	vld.idx.msk [tilespmem:v30+s17+$0x0], $0xffff;
	[tilespmem:v31+s25+$0x0] =	vst.idx.msk $0xffff, v1  }
0x29a: {  	v18 =	vld.idx.msk [tilespmem:v18+s19+$0x0], $0xffff;
	[tilespmem:$0x1F8E0] =	vst v60  }
0x29b: {  	v42 =	vld [tilespmem:$0x1FE10];
	[tilespmem:v33+s25+$0x0] =	vst.idx.msk $0xffff, v2  }
0x29c: {  	v1 =	vld [tilespmem:$0x1FE30]  }
0x29d: {  	v31 =	vmul.f32 v35, v8  }
0x29e: {  	v35 =	vmul.f32 v12, v9  }
0x29f: {  	v33 =	vmul.f32 v31, v59  }
0x2a0: {  	v24 =	vld.idx.msk [tilespmem:v30+s18+$0x0], $0xffff;
	[tilespmem:$0x1F8F0] =	vst v35  }
0x2a1: {  	[tilespmem:$0x1F900] =	vst v33;
	v35 =	vor.u32 v1, v16  }
0x2a2: {  	v21 =	vmul.f32 v21, v20;
	v30 =	vld.idx.msk [tilespmem:v30+s19+$0x0], $0xffff;
	[tilespmem:$0x1F910] =	vst v35;
	v35 =	vmul.f32 v22, v8;
	_ =	sdelay $0x1  }
0x2a3: {  	[tilespmem:$0x1FC60] =	vst v35;
	v35 =	vmul.f32 v21, v59;
	_ =	sdelay $0x1  }
0x2a4: {  	[tilespmem:$0x1F930] =	vst v35;
	v35 =	vmul.f32 v32, v20;
	_ =	sdelay $0x1  }
0x2a5: {  	[tilespmem:$0x1FC70] =	vst v35;
	v35 =	vld [tilespmem:$0x1F950];
	_ =	sdelay $0x3  }
0x2a6: {  	v33 =	vld [tilespmem:$0x1F920]  }
0x2a7: {  	v21 =	vmul.f32 v35, v5;
	v35 =	vor.u32 v27, v7  }
0x2a8: {  	v25 =	vld [tilespmem:$0x1FE50];
	[tilespmem:$0x1F970] =	vst v35;
	v35 =	vor.u32 v56, v7  }
0x2a9: {  	[tilespmem:$0x1F980] =	vst v35;
	v35 =	vld [tilespmem:$0x1F9A0];
	_ =	sdelay $0x1  }
0x2aa: {  	v13 =	vld [tilespmem:$0x1FE60];
	v31 =	vmul.f32 v33, v55;
	_ =	sdelay $0x1  }
0x2ab: {  	[tilespmem:$0x1F990] =	vst v55;
	v4 =	vmul.f32 v31, v15;
	v32 =	vor.u32 v25, v16  }
0x2ac: {  	v31 =	vmul.f32 v18, v26;
	[tilespmem:$0x1F940] =	vst v32;
	v18 =	vmul.f32 v35, v55;
	v55 =	vor.u32 v45, v7  }
0x2ad: {  	[tilespmem:$0x1F9C0] =	vst v55;
	v55 =	vor.u32 v44, v7  }
0x2ae: {  	v32 =	vor.u32 v13, v16;
	[tilespmem:$0x1F9E0] =	vst v55;
	v55 =	vld [tilespmem:$0x1FD00]  }
0x2af: {  	[tilespmem:$0x1F960] =	vst v32;
	v35 =	vor.u32 v36, v7  }
0x2b0: {  	[tilespmem:$0x1F9B0] =	vst v35;
	v35 =	vor.u32 v11, v7  }
0x2b1: {  	[tilespmem:$0x1F9D0] =	vst v35;
	v35 =	vor.u32 v10, v7  }
0x2b2: {  	v43 =	vld [tilespmem:$0x1FE20];
	v2 =	vmul.f32 v30, v26;
	[tilespmem:$0x1F9F0] =	vst v35;
	v35 =	vor.u32 v46, v7  }
0x2b3: {  	v30 =	vmul.f32 v21, v15;
	v21 =	vld [tilespmem:s31+$0x200];
	[tilespmem:$0x1FA00] =	vst v35;
	v20 =	vor.u32 v55, v19;
	v55 =	vor.u32 v47, v7  }
0x2b4: {  	v23 =	vmul.f32 v23, v8;
	v8 =	vld [tilespmem:$0x1FE40];
	v35 =	vor.u32 v40, v7;
	[tilespmem:$0x1FA10] =	vst v55  }
0x2b5: {  	v32 =	vmul.f32 v24, v3;
	v55 =	vor.u32 v42, v7;
	v24 =	vld [tilespmem:s31+$0x280];
	[tilespmem:$0x1FA20] =	vst v35  }
0x2b6: {  	[tilespmem:$0x1FA30] =	vst v55  }
0x2b7: {  	v35 =	vor.u32 v43, v7;
	[tilespmem:$0x1FA90] =	vst v5  }
0x2b8: {  	v55 =	vor.u32 v1, v7;
	[tilespmem:$0x1FA40] =	vst v35  }
0x2b9: {  	[tilespmem:$0x1FA50] =	vst v55;
	v55 =	vor.u32 v25, v7  }
0x2ba: {  	v22 =	vor.u32 v38, v19;
	v35 =	vor.u32 v8, v7;
	[tilespmem:$0x1FA70] =	vst v55;
	v55 =	vld [tilespmem:$0x1FAA0]  }
0x2bb: {  	[tilespmem:$0x1FA60] =	vst v35;
	v35 =	vor.u32 v13, v7  }
0x2bc: {  	[tilespmem:$0x1FA80] =	vst v35  }
0x2bd: {  	v14 =	vmul.f32 v23, v9;
	v9 =	vld [tilespmem:$0x1FD20];
	[tilespmem:v20+s25+$0x0] =	vst.idx.msk $0xffff, v4  }
0x2be: {  	v35 =	vld [tilespmem:$0x1FAB0]  }
0x2bf: {  	v7 =	vmul.f32 v55, v5;
	v55 =	vld [tilespmem:$0x1FAC0];
	[tilespmem:v22+s25+$0x0] =	vst.idx.msk $0xffff, v30  }
0x2c0: {  	v0 =	vor.u32 v27, v19;
	[tilespmem:$0x1FAD0] =	vst v6  }
0x2c1: {  	v36 =	vor.u32 v36, v19;
	[tilespmem:$0x1FB20] =	vst v0  }
0x2c2: {  	v45 =	vor.u32 v45, v19;
	[tilespmem:$0x1FB40] =	vst v36  }
0x2c3: {  	v44 =	vor.u32 v44, v19;
	[tilespmem:$0x1FB50] =	vst v45  }
0x2c4: {  	v0 =	vor.u32 v56, v19;
	[tilespmem:$0x1FB70] =	vst v44  }
0x2c5: {  	s15 =	simm.s32 $0x1;
	v33 =	vmov v28;
	v36 =	vor.u32 v11, v19;
	[tilespmem:$0x1FB30] =	vst v0  }
0x2c6: {  	s0 =	sand.u32 $0x3, s15;
	[tilespmem:$0x1FB60] =	vst v36;
	v28 =	vmul.f32 v55, v37;
	v55 =	vor.u32 v33, v19  }
0x2c7: {  	s0 =	sshll.u32 s0, $0x5;
	[tilespmem:$0x1FAF0] =	vst v55;
	v55 =	vor.u32 v39, v19  }
0x2c8: {  	s0 =	sadd.s32 $0x100, s0;
	[tilespmem:$0x1FB00] =	vst v55;
	v55 =	vor.u32 v41, v19  }
0x2c9: {  	s0 =	sor.u32 $0x300, s0;
	v45 =	vor.u32 v10, v19;
	[tilespmem:$0x1FB10] =	vst v55  }
0x2ca: {  	v46 =	vor.u32 v46, v19;
	v22 =	vld [tilespmem:s0+$0x5080];
	[tilespmem:$0x1FB80] =	vst v45  }
0x2cb: {  	s24 =	sor.u32 s29, s13;
	v47 =	vor.u32 v47, v19;
	[tilespmem:$0x1FB90] =	vst v46  }
0x2cc: {  	s2 =	sor.u32 $0x380, s24;
	v36 =	vor.u32 v40, v19;
	[tilespmem:$0x1FBA0] =	vst v47  }
0x2cd: {  	v23 =	vor.u32 v42, v16;
	v40 =	vor.u32 v42, v19;
	v30 =	vld [tilespmem:s2+$0x5080];
	[tilespmem:$0x1FBB0] =	vst v36  }
0x2ce: {  	v60 =	vor.u32 v43, v16;
	v12 =	vor.u32 v8, v16;
	v42 =	vor.u32 v43, v19;
	[tilespmem:$0x1FBC0] =	vst v40  }
0x2cf: {  	v43 =	vor.u32 v1, v19;
	v5 =	vmul.f32 v35, v6;
	v35 =	vshll.u32 v21, $0x4;
	[tilespmem:$0x1FBD0] =	vst v42  }
0x2d0: {  	v16 =	vmul.f32 v29, v3;
	v3 =	vld [tilespmem:$0x1FAE0];
	v44 =	vor.u32 v8, v19;
	v35 =	vor.u32 v61, v35;
	[tilespmem:$0x1FBE0] =	vst v43  }
0x2d1: {  	v45 =	vor.u32 v25, v19;
	[tilespmem:$0x1FBF0] =	vst v44  }
0x2d2: {  	v46 =	vor.u32 v13, v19;
	[tilespmem:$0x1FC00] =	vst v45  }
0x2d3: {  	[tilespmem:$0x1FC10] =	vst v46  }
0x2d4: {  	v29 =	vmul.f32 v18, v58;
	v4 =	vshll.u32 v24, $0x4;
	v47 =	vld [tilespmem:$0x1FC50];
	[tilespmem:$0x1FC20] =	vst v15  }
0x2d5: {  	v20 =	vor.u32 v61, v4;
	v21 =	vmul.f32 v3, v6;
	v42 =	vld.idx.msk [tilespmem:v35+s3+$0x0], $0xffff;
	[tilespmem:$0x1FC30] =	vst v58  }
0x2d6: {  	v4 =	vor.u32 v34, v19;
	v24 =	vmul.f32 v7, v58;
	v6 =	vor.u32 v9, v19;
	v43 =	vld.idx.msk [tilespmem:v35+s17+$0x0], $0xffff  }
0x2d7: {  	v25 =	vmul.f32 v28, v58;
	v19 =	vshll.u32 v22, $0x4;
	v22 =	vmul.f32 v21, v58;
	v58 =	vld [tilespmem:$0x1FC60]  }
0x2d8: {  	v28 =	vmul.f32 v16, v59;
	v8 =	vshll.u32 v30, $0x4;
	v30 =	vmul.f32 v31, v59;
	v59 =	vld [tilespmem:$0x1FC70]  }
0x2d9: {  	s30 =	simm.s32 $0x2;
	v40 =	vld.idx.msk [tilespmem:v35+s19+$0x0], $0xffff  }
0x2da: {  	s0 =	sand.u32 $0x3, s30;
	v55 =	vmov v27;
	v27 =	vld.idx.msk [tilespmem:v20+s3+$0x0], $0xffff  }
0x2db: {  	s5 =	sadd.s32 s7, s5;
	s29 =	simm.s32 $0x3;
	v45 =	vmul.f32 v5, v15;
	s0 =	sshll.u32 s0, $0x5;
	v31 =	vld.idx.msk [tilespmem:v35+s18+$0x0], $0xffff  }
0x2dc: {  	s9 =	sshll.u32 s1, $0x1;
	s31 =	sor.u32 s16, s20;
	s0 =	sadd.s32 $0x200, s0;
	v15 =	vmul.f32 v2, v47;
	v16 =	vor.u32 v61, v19;
	v19 =	vld [tilespmem:$0x1FC40];
	v21 =	vmul.f32 v58, v47  }
0x2dd: {  	s15 =	simm.s32 $0x4;
	s11 =	sor.u32 $0x380, s31;
	s13 =	sor.u32 $0x300, s0;
	v35 =	vld [tilespmem:$0x1FC80];
	v18 =	vor.u32 v61, v8;
	v58 =	vmul.f32 v59, v47;
	v59 =	vmul.f32 v32, v47  }
.LBB2_3:
0x2de: {  	v0 =	vld [tilespmem:$0x1FAD0]  }
0x2df: {  	v36 =	vmov v37;
	v37 =	vld [tilespmem:$0x1F940]  }
0x2e0: {  	v44 =	vld [tilespmem:$0x1FA70]  }
0x2e1: {  	v47 =	vld [tilespmem:$0x1F960]  }
0x2e2: {  	v32 =	vld [tilespmem:$0x1FC10]  }
0x2e3: {  	[tilespmem:$0x1F370] =	vst v18;
	v18 =	vmul.f32 v43, v35;
	v43 =	vld [tilespmem:$0x1FB00]  }
0x2e4: {  	[tilespmem:v6+s25+$0x0] =	vst.idx.msk $0xffff, v45;
	v45 =	vld [tilespmem:$0x1FC00]  }
0x2e5: {  	v2 =	vmov v57;
	v57 =	vld [tilespmem:$0x1FA80]  }
0x2e6: {  	v6 =	vld.idx.msk [tilespmem:v20+s17+$0x0], $0xffff  }
0x2e7: {  	v3 =	vmov v37;
	v37 =	vld [tilespmem:$0x1FAF0]  }
0x2e8: {  	v1 =	vmov v44;
	v44 =	vld [tilespmem:$0x1FB10]  }
0x2e9: {  	[tilespmem:$0x1F380] =	vst v36;
	v36 =	vmov v32;
	v32 =	vld [tilespmem:$0x1F710]  }
0x2ea: {  	v46 =	vmov v45;
	v45 =	vld [tilespmem:$0x1F7C0]  }
0x2eb: {  	s20 =	sadd.s32 $0x100, s20;
	v61 =	vmov v57;
	v57 =	vld [tilespmem:$0x1F7F0]  }
0x2ec: {  	s22 =	sadd.s32 $0x20, s22;
	s2 =	sand.u32 $0x1C00, s20;
	[tilespmem:$0x1F960] =	vst v61;
	v61 =	vld [tilespmem:$0x1F6F0]  }
0x2ed: {  	s10 =	sand.u32 $0x70, s22;
	s24 =	sadd.s32 $0x5080, s2;
	[tilespmem:$0x1FA70] =	vst v46;
	v46 =	vld [tilespmem:$0x1F700]  }
0x2ee: {  	v8 =	vmov v35;
	[tilespmem:$0x1FC80] =	vst v35;
	s2 =	sor.u32 s10, s24;
	v6 =	vmul.f32 v6, v35;
	v35 =	vld [tilespmem:$0x1F5B0]  }
0x2ef: {  	v5 =	vmov v0;
	[tilespmem:v37+s25+$0x0] =	vst.idx.msk $0xffff, v25;
	v25 =	vld [tilespmem:s2+$0x0]  }
0x2f0: {  	[tilespmem:$0x1F4E0] =	vst v5;
	v37 =	vld [tilespmem:$0x1F820]  }
0x2f1: {  	v5 =	vld.idx.msk [tilespmem:v20+s18+$0x0], $0xffff;
	[tilespmem:v4+s25+$0x0] =	vst.idx.msk $0xffff, v29  }
0x2f2: {  	v4 =	vld.idx.msk [tilespmem:v20+s19+$0x0], $0xffff  }
0x2f3: {  	[tilespmem:v43+s25+$0x0] =	vst.idx.msk $0xffff, v24;
	v24 =	vmul.f32 v40, v17;
	v40 =	vld [tilespmem:$0x1F740]  }
0x2f4: {  	v43 =	vld [tilespmem:$0x1F870]  }
0x2f5: {  	v0 =	vld.idx.msk [tilespmem:v16+s3+$0x0], $0xffff  }
0x2f6: {  	v13 =	vmul.f32 v42, v2;
	[tilespmem:v44+s25+$0x0] =	vst.idx.msk $0xffff, v22;
	v44 =	vld [tilespmem:$0x1F750]  }
0x2f7: {  	s30 =	sadd.s32 $0xFFFFFFF0, s22;
	v22 =	vld.idx.msk [tilespmem:v16+s17+$0x0], $0xffff  }
0x2f8: {  	s31 =	sand.u32 $0x60, s30;
	s10 =	sand.u32 $0x3F0, s22;
	v13 =	vmul.f32 v13, v61;
	[tilespmem:v46+s25+$0x0] =	vst.idx.msk $0xffff, v45;
	v46 =	vld [tilespmem:$0x1F760]  }
0x2f9: {  	s24 =	sor.u32 s31, s24;
	v10 =	vshll.u32 v25, $0x4;
	v25 =	vld [tilespmem:s10+$0x4C00]  }
0x2fa: {  	[tilespmem:$0x1F350] =	vst v3;
	v3 =	vmovc v47;
	v20 =	vmul.f32 v31, v19;
	v47 =	vmov v13;
	v24 =	vmul.f32 v24, v61;
	v13 =	vld [tilespmem:s24+$0x0]  }
0x2fb: {  	s0 =	sand.u32 $0x3, s29;
	v27 =	vmul.f32 v27, v2;
	[tilespmem:v32+s25+$0x0] =	vst.idx.msk $0xffff, v57;
	v32 =	vld [tilespmem:s2+$0x80]  }
0x2fc: {  	s12 =	sadd.s32 $0x80, s12;
	s0 =	sshll.u32 s0, $0x5;
	v18 =	vmul.f32 v18, v61;
	v20 =	vmul.f32 v20, v61;
	v45 =	vmov v24;
	v24 =	vld [tilespmem:s10+$0x4800]  }
0x2fd: {  	[tilespmem:$0x1FC40] =	vst v19;
	s16 =	sadd.s32 s0, s20;
	s0 =	sand.u32 $0x3E0, s30;
	s30 =	sor.u32 s30, s20;
	v27 =	vmul.f32 v27, v35;
	v5 =	vmul.f32 v5, v19;
	v19 =	vld [tilespmem:$0x1F720]  }
0x2fe: {  	s31 =	sor.u32 $0x380, s30;
	s30 =	sshra.s32 s12, $0x2;
	[tilespmem:$0x1FA80] =	vst v36;
	v36 =	vmov v18;
	v42 =	vmov v20;
	v20 =	vmov s12;
	v18 =	vld [tilespmem:s24+$0x80]  }
0x2ff: {  	[tilespmem:$0x1F7C0] =	vst v47;
	v47 =	vmov v27;
	v57 =	vshll.u32 v20, $0x3;
	v20 =	vld [tilespmem:s30+$0x4010]  }
0x300: {  	v4 =	vmul.f32 v4, v17;
	[tilespmem:$0x1F470] =	vst v47;
	v47 =	vld [tilespmem:$0x1F790]  }
0x301: {  	v27 =	vmul.f32 v22, v8;
	v22 =	vld [tilespmem:s10+$0x4400]  }
0x302: {  	v11 =	vbroadcast v57, $0x0;
	v57 =	vmul.f32 v4, v35;
	v4 =	vld [tilespmem:s2+$0x100]  }
0x303: {  	v6 =	vmul.f32 v6, v35;
	[tilespmem:v40+s25+$0x0] =	vst.idx.msk $0xffff, v37;
	v37 =	vld [tilespmem:$0x1F8D0]  }
0x304: {  	v40 =	vld [tilespmem:$0x1F770]  }
0x305: {  	[tilespmem:$0x1F820] =	vst v42;
	v42 =	vmov v6;
	v31 =	vor.u32 v62, v11;
	v62 =	vld [tilespmem:$0x1F900]  }
0x306: {  	[tilespmem:$0x1F8D0] =	vst v42;
	v42 =	vld [tilespmem:$0x1F930]  }
0x307: {  	[tilespmem:$0x1F360] =	vst v3;
	v29 =	vld [tilespmem:s24+$0x100]  }
0x308: {  	[tilespmem:v44+s25+$0x0] =	vst.idx.msk $0xffff, v43;
	v43 =	vld [tilespmem:$0x1F8E0]  }
0x309: {  	[tilespmem:$0x1F7F0] =	vst v36;
	v8 =	vor.u32 v48, v11;
	v48 =	vor.u32 v52, v11;
	v44 =	vld [tilespmem:$0x1F780]  }
0x30a: {  	v52 =	vor.u32 v38, v11;
	[tilespmem:$0x1F430] =	vst v48;
	v48 =	vld [tilespmem:$0x1FEB0]  }
0x30b: {  	v7 =	vlaneseq.u32;
	v3 =	vmov v2;
	v33 =	vor.u32 v33, v11;
	[tilespmem:$0x1F4B0] =	vst v52;
	v52 =	vld [tilespmem:$0x1FFB0]  }
0x30c: {  	v36 =	vmul.f32 v0, v3;
	v0 =	vor.u32 v7, v10;
	[tilespmem:$0x1FAF0] =	vst v33;
	v33 =	vld [tilespmem:$0x1FED0]  }
0x30d: {  	v6 =	vshll.u32 v13, $0x4;
	[tilespmem:$0x1F3B0] =	vst v8;
	v8 =	vld [tilespmem:$0x1F9B0]  }
0x30e: {  	v13 =	vor.u32 v7, v6;
	v6 =	vor.u32 v49, v11;
	v49 =	vor.u32 v53, v11;
	v53 =	vld [tilespmem:$0x1FB20]  }
0x30f: {  	v5 =	vmul.f32 v5, v35;
	[tilespmem:v46+s25+$0x0] =	vst.idx.msk $0xffff, v14;
	v46 =	vld [tilespmem:$0x1F8F0]  }
0x310: {  	[tilespmem:$0x1F3D0] =	vst v17;
	v14 =	vld [tilespmem:s2+$0x180]  }
0x311: {  	[tilespmem:$0x1F870] =	vst v45;
	v45 =	vmov v5;
	v5 =	vshll.u32 v18, $0x4;
	v18 =	vld.idx.msk [tilespmem:v0+s3+$0x0], $0xffff  }
0x312: {  	v10 =	vor.u32 v7, v5;
	v5 =	vshll.u32 v32, $0x4;
	[tilespmem:$0x1F3C0] =	vst v6;
	v32 =	vld.idx.msk [tilespmem:v0+s18+$0x0], $0xffff  }
0x313: {  	s10 =	sadd.s32 $0x40, s12;
	[tilespmem:$0x1F450] =	vst v49;
	v6 =	vor.u32 v9, v11;
	v49 =	vld [tilespmem:$0x1FF80]  }
0x314: {  	v17 =	vor.u32 v7, v5;
	v5 =	vmov s10;
	v4 =	vshll.u32 v4, $0x4;
	[tilespmem:$0x1F440] =	vst v6;
	v6 =	vld [tilespmem:$0x1FF70]  }
0x315: {  	[tilespmem:$0x1F8F0] =	vst v57;
	v57 =	vor.u32 v7, v4;
	v4 =	vshll.u32 v5, $0x3;
	v5 =	vld [tilespmem:$0x1FF40]  }
0x316: {  	v3 =	vshll.u32 v29, $0x4;
	v29 =	vld.idx.msk [tilespmem:v0+s17+$0x0], $0xffff  }
0x317: {  	[tilespmem:v40+s25+$0x0] =	vst.idx.msk $0xffff, v37;
	v37 =	vld [tilespmem:$0x1F7D0]  }
0x318: {  	[tilespmem:v44+s25+$0x0] =	vst.idx.msk $0xffff, v43;
	v43 =	vld [tilespmem:$0x1F8A0]  }
0x319: {  	v38 =	vor.u32 v34, v11;
	v44 =	vld [tilespmem:$0x1F970]  }
0x31a: {  	[tilespmem:$0x1F3E0] =	vst v38;
	v40 =	vor.u32 v63, v11;
	v38 =	vld.idx.msk [tilespmem:v17+s3+$0x0], $0xffff  }
0x31b: {  	[tilespmem:$0x1F390] =	vst v40;
	v40 =	vld [tilespmem:$0x1FB30]  }
0x31c: {  	v34 =	vld.idx.msk [tilespmem:v17+s17+$0x0], $0xffff  }
0x31d: {  	[tilespmem:v47+s25+$0x0] =	vst.idx.msk $0xffff, v46;
	v47 =	vor.u32 v51, v11;
	v51 =	vld [tilespmem:$0x1FD00]  }
0x31e: {  	[tilespmem:$0x1F8E0] =	vst v45;
	v46 =	vor.u32 v50, v11;
	v50 =	vor.u32 v54, v11;
	v54 =	vmov v53;
	v53 =	vld [tilespmem:$0x1FFC0]  }
0x31f: {  	[tilespmem:$0x1F3F0] =	vst v46;
	v46 =	vmul.f32 v27, v19;
	v27 =	vld.idx.msk [tilespmem:v57+s3+$0x0], $0xffff  }
0x320: {  	[tilespmem:$0x1F460] =	vst v50;
	v50 =	vld [tilespmem:$0x1FF90]  }
0x321: {  	[tilespmem:$0x1F970] =	vst v54;
	v54 =	vld [tilespmem:$0x1FFD0]  }
0x322: {  	[tilespmem:$0x1F410] =	vst v47;
	v47 =	vor.u32 v55, v11;
	v55 =	vld [tilespmem:$0x1FFE0]  }
0x323: {  	[tilespmem:$0x1F930] =	vst v46;
	v46 =	vld.idx.msk [tilespmem:v57+s18+$0x0], $0xffff;
	v45 =	vmov v44  }
0x324: {  	[tilespmem:$0x1F700] =	vst v45;
	v45 =	vmul.f32 v36, v19;
	v36 =	vld.idx.msk [tilespmem:v17+s18+$0x0], $0xffff  }
0x325: {  	[tilespmem:$0x1F400] =	vst v2;
	v17 =	vld.idx.msk [tilespmem:v17+s19+$0x0], $0xffff  }
0x326: {  	[tilespmem:$0x1F940] =	vst v1;
	v1 =	vor.u32 v51, v11;
	v51 =	vld [tilespmem:$0x1FFA0]  }
0x327: {  	[tilespmem:v37+s25+$0x0] =	vst.idx.msk $0xffff, v62;
	v62 =	vld [tilespmem:$0x1F980]  }
0x328: {  	v37 =	vld.idx.msk [tilespmem:v57+s19+$0x0], $0xffff;
	[tilespmem:v43+s25+$0x0] =	vst.idx.msk $0xffff, v42  }
0x329: {  	v42 =	vmov v40;
	[tilespmem:v23+s25+$0x0] =	vst.idx.msk $0xffff, v28;
	v28 =	vld.idx.msk [tilespmem:v0+s19+$0x0], $0xffff  }
0x32a: {  	v14 =	vshll.u32 v14, $0x4;
	[tilespmem:$0x1F980] =	vst v42;
	v42 =	vld.idx.msk [tilespmem:v57+s17+$0x0], $0xffff  }
0x32b: {  	v14 =	vor.u32 v7, v14;
	[tilespmem:$0x1FB20] =	vst v47;
	v44 =	vor.u32 v41, v11;
	v57 =	vld [tilespmem:$0x1FEC0]  }
0x32c: {  	[tilespmem:$0x1FB10] =	vst v44;
	v23 =	vbroadcast v4, $0x0;
	v4 =	vld [tilespmem:$0x1FEE0]  }
0x32d: {  	[tilespmem:$0x1F480] =	vst v1;
	v0 =	vld [tilespmem:$0x1F860];
	v63 =	vmov v62  }
0x32e: {  	v18 =	vmul.f32 v18, v20;
	v32 =	vmul.f32 v32, v24;
	[tilespmem:$0x1F710] =	vst v63;
	v63 =	vld [tilespmem:$0x1FF50]  }
0x32f: {  	v29 =	vmul.f32 v29, v22;
	v43 =	vor.u32 v39, v11;
	[tilespmem:v60+s25+$0x0] =	vst.idx.msk $0xffff, v30;
	v60 =	vld [tilespmem:$0x1FF60];
	v39 =	vand.u32 $0x7C00, v23  }
0x330: {  	v1 =	vld.idx.msk [tilespmem:v14+s17+$0x0], $0xffff;
	[tilespmem:$0x1F900] =	vst v45;
	v26 =	vor.u32 v5, v39;
	v41 =	vor.u32 v6, v39  }
0x331: {  	[tilespmem:$0x1FB00] =	vst v43;
	v43 =	vor.u32 v48, v39;
	v2 =	vor.u32 v53, v39;
	v53 =	vor.u32 v4, v39;
	v4 =	vld [tilespmem:$0x1FEF0]  }
0x332: {  	v44 =	vor.u32 v49, v39;
	v45 =	vor.u32 v50, v39;
	v47 =	vor.u32 v51, v39;
	v50 =	vld.idx.msk [tilespmem:v14+s3+$0x0], $0xffff  }
0x333: {  	v48 =	vor.u32 v52, v39;
	v62 =	vor.u32 v54, v39;
	v54 =	vld.idx.msk [tilespmem:v14+s18+$0x0], $0xffff;
	v30 =	vor.u32 v63, v39  }
0x334: {  	v51 =	vor.u32 v57, v39;
	v18 =	vmul.f32 v18, v0;
	v57 =	vld [tilespmem:$0x1F8C0];
	v40 =	vor.u32 v60, v39  }
0x335: {  	v49 =	vor.u32 v55, v39;
	v52 =	vor.u32 v33, v39;
	v55 =	vld.idx.msk [tilespmem:v14+s19+$0x0], $0xffff;
	v29 =	vmul.f32 v29, v0  }
0x336: {  	v28 =	vmul.f32 v28, v25;
	[tilespmem:v26+s25+$0x0] =	vst.idx.msk $0xffff, v18;
	v39 =	vor.u32 v4, v39;
	v4 =	vmov v8  }
0x337: {  	v38 =	vmul.f32 v38, v20;
	v14 =	vld.idx.msk [tilespmem:v13+s3+$0x0], $0xffff;
	v32 =	vmul.f32 v32, v0;
	[tilespmem:$0x1F740] =	vst v4  }
0x338: {  	v26 =	vmul.f32 v28, v0;
	v28 =	vmul.f32 v34, v22;
	v4 =	vld [tilespmem:$0x1FC20];
	[tilespmem:v30+s25+$0x0] =	vst.idx.msk $0xffff, v29  }
0x339: {  	v29 =	vmul.f32 v38, v57;
	v30 =	vmul.f32 v36, v24;
	v38 =	vld.idx.msk [tilespmem:v13+s18+$0x0], $0xffff;
	[tilespmem:v40+s25+$0x0] =	vst.idx.msk $0xffff, v32  }
0x33a: {  	v28 =	vmul.f32 v28, v57;
	v32 =	vld.idx.msk [tilespmem:v13+s17+$0x0], $0xffff;
	v40 =	vmul.f32 v17, v25;
	[tilespmem:v41+s25+$0x0] =	vst.idx.msk $0xffff, v26  }
0x33b: {  	v27 =	vmul.f32 v27, v20;
	v17 =	vld.idx.msk [tilespmem:v13+s19+$0x0], $0xffff;
	v26 =	vmul.f32 v30, v57;
	[tilespmem:v43+s25+$0x0] =	vst.idx.msk $0xffff, v29  }
0x33c: {  	v30 =	vld [tilespmem:s0+$0x4400];
	v13 =	vmul.f32 v40, v57;
	v29 =	vmul.f32 v42, v22;
	[tilespmem:v44+s25+$0x0] =	vst.idx.msk $0xffff, v28  }
0x33d: {  	v27 =	vmul.f32 v27, v4;
	v28 =	vmul.f32 v46, v24;
	[tilespmem:v45+s25+$0x0] =	vst.idx.msk $0xffff, v26  }
0x33e: {  	v26 =	vmul.f32 v29, v4;
	[tilespmem:v47+s25+$0x0] =	vst.idx.msk $0xffff, v13  }
0x33f: {  	v28 =	vmul.f32 v28, v4;
	[tilespmem:v48+s25+$0x0] =	vst.idx.msk $0xffff, v27  }
0x340: {  	[tilespmem:v2+s25+$0x0] =	vst.idx.msk $0xffff, v26  }
0x341: {  	[tilespmem:v62+s25+$0x0] =	vst.idx.msk $0xffff, v28;
	v62 =	vmul.f32 v32, v30  }
0x342: {  	v8 =	vor.u32 v56, v11  }
0x343: {  	[tilespmem:$0x1FB30] =	vst v8;
	v8 =	vmul.f32 v62, v0;
	_ =	sdelay $0x1  }
0x344: {  	[tilespmem:$0x1F3A0] =	vst v8;
	v8 =	vld [tilespmem:$0x1FB40];
	_ =	sdelay $0x4  }
0x345: {  	v9 =	vmov v8;
	v8 =	vld [tilespmem:$0x1FD90];
	_ =	sdelay $0x4  }
0x346: {  	v8 =	vor.u32 v8, v11  }
0x347: {  	[tilespmem:$0x1FB40] =	vst v8;
	v8 =	vld [tilespmem:$0x1FDB0]  }
0x348: {  	v29 =	vmul.f32 v37, v25;
	_ =	sdelay $0x1  }
0x349: {  	v29 =	vmul.f32 v29, v4;
	_ =	sdelay $0x1  }
0x34a: {  	[tilespmem:v49+s25+$0x0] =	vst.idx.msk $0xffff, v29;
	v49 =	vor.u32 v8, v11;
	v8 =	vld [tilespmem:$0x1F9C0];
	_ =	sdelay $0x2  }
0x34b: {  	v2 =	vld [tilespmem:$0x1FC30]  }
0x34c: {  	v46 =	vld.idx.msk [tilespmem:v10+s3+$0x0], $0xffff  }
0x34d: {  	[tilespmem:$0x1F9B0] =	vst v9;
	v9 =	vmov v8;
	v8 =	vld [tilespmem:$0x1FDC0]  }
0x34e: {  	v50 =	vmul.f32 v50, v20;
	v13 =	vld.idx.msk [tilespmem:v10+s17+$0x0], $0xffff  }
0x34f: {  	v47 =	vld.idx.msk [tilespmem:v10+s19+$0x0], $0xffff  }
0x350: {  	v27 =	vld.idx.msk [tilespmem:v10+s18+$0x0], $0xffff;
	v10 =	vmul.f32 v50, v2;
	_ =	sdelay $0x1  }
0x351: {  	[tilespmem:v51+s25+$0x0] =	vst.idx.msk $0xffff, v10;
	v51 =	vor.u32 v8, v11;
	v8 =	vld [tilespmem:$0x1FDD0]  }
0x352: {  	v1 =	vmul.f32 v1, v22;
	_ =	sdelay $0x1  }
0x353: {  	v1 =	vmul.f32 v1, v2;
	_ =	sdelay $0x1  }
0x354: {  	[tilespmem:v52+s25+$0x0] =	vst.idx.msk $0xffff, v1;
	v52 =	vor.u32 v8, v11;
	v8 =	vld [tilespmem:$0x1FDE0]  }
0x355: {  	v26 =	vmul.f32 v54, v24;
	_ =	sdelay $0x1  }
0x356: {  	v26 =	vmul.f32 v26, v2;
	_ =	sdelay $0x1  }
0x357: {  	[tilespmem:v53+s25+$0x0] =	vst.idx.msk $0xffff, v26;
	v53 =	vor.u32 v8, v11;
	v8 =	vld [tilespmem:$0x1FDF0];
	_ =	sdelay $0x4  }
0x358: {  	v28 =	vmul.f32 v55, v25;
	v55 =	vor.u32 v8, v11;
	v8 =	vld [tilespmem:$0x1FE00];
	_ =	sdelay $0x4  }
0x359: {  	v45 =	vor.u32 v8, v11;
	v8 =	vld [tilespmem:$0x1FE10];
	_ =	sdelay $0x4  }
0x35a: {  	v40 =	vor.u32 v8, v11;
	v8 =	vld [tilespmem:$0x1FE20];
	_ =	sdelay $0x2  }
0x35b: {  	v3 =	vor.u32 v7, v3;
	_ =	sdelay $0x1  }
0x35c: {  	v43 =	vor.u32 v8, v11;
	v8 =	vld [tilespmem:$0x1FE30];
	_ =	sdelay $0x1  }
0x35d: {  	v18 =	vld [tilespmem:s24+$0x180]  }
0x35e: {  	v48 =	vld.idx.msk [tilespmem:v3+s3+$0x0], $0xffff  }
0x35f: {  	v29 =	vld.idx.msk [tilespmem:v3+s17+$0x0], $0xffff  }
0x360: {  	v10 =	vld.idx.msk [tilespmem:v3+s18+$0x0], $0xffff;
	v8 =	vor.u32 v8, v11  }
0x361: {  	[tilespmem:$0x1F4A0] =	vst v8;
	v8 =	vld [tilespmem:$0x1FE40]  }
0x362: {  	v1 =	vld.idx.msk [tilespmem:v3+s19+$0x0], $0xffff;
	v3 =	vmul.f32 v13, v30;
	_ =	sdelay $0x1  }
0x363: {  	v18 =	vshll.u32 v18, $0x4;
	v3 =	vmul.f32 v3, v57  }
0x364: {  	v18 =	vor.u32 v7, v18  }
0x365: {  	v28 =	vmul.f32 v28, v2;
	[tilespmem:$0x1F420] =	vst v3;
	v3 =	vld [tilespmem:$0x1FDA0];
	v8 =	vor.u32 v8, v11  }
0x366: {  	[tilespmem:$0x1F4D0] =	vst v8;
	v8 =	vld [tilespmem:$0x1FB50]  }
0x367: {  	v32 =	vld [tilespmem:s0+$0x4800];
	[tilespmem:v39+s25+$0x0] =	vst.idx.msk $0xffff, v28  }
0x368: {  	v13 =	vld [tilespmem:s2+$0x200]  }
0x369: {  	v34 =	vld.idx.msk [tilespmem:v18+s19+$0x0], $0xffff  }
0x36a: {  	v54 =	vld.idx.msk [tilespmem:v18+s17+$0x0], $0xffff;
	v3 =	vor.u32 v3, v11  }
0x36b: {  	[tilespmem:$0x1F750] =	vst v9;
	v9 =	vmov v8;
	v8 =	vmov v3;
	v3 =	vld [tilespmem:$0x1F9D0]  }
0x36c: {  	v50 =	vld.idx.msk [tilespmem:v18+s3+$0x0], $0xffff  }
0x36d: {  	v28 =	vmul.f32 v29, v30;
	v29 =	vld.idx.msk [tilespmem:v18+s18+$0x0], $0xffff;
	v18 =	vmul.f32 v10, v32;
	v10 =	vshll.u32 v13, $0x4;
	_ =	sdelay $0x2  }
0x36e: {  	[tilespmem:$0x1FB50] =	vst v8;
	v8 =	vor.u32 v7, v10;
	v10 =	vmov v3;
	v3 =	vmul.f32 v18, v4;
	_ =	sdelay $0x1  }
0x36f: {  	[tilespmem:$0x1F4C0] =	vst v3;
	v3 =	vld [tilespmem:$0x1FE50];
	_ =	sdelay $0x4  }
0x370: {  	v3 =	vor.u32 v3, v11  }
0x371: {  	[tilespmem:$0x1FC00] =	vst v3;
	v3 =	vld [tilespmem:$0x1FE60];
	_ =	sdelay $0x4  }
0x372: {  	v3 =	vor.u32 v3, v11  }
0x373: {  	[tilespmem:$0x1FC10] =	vst v3;
	v3 =	vld [tilespmem:$0x1FB60];
	_ =	sdelay $0x4  }
0x374: {  	[tilespmem:$0x1F9C0] =	vst v9;
	v9 =	vmov v3  }
0x375: {  	[tilespmem:$0x1F9D0] =	vst v9;
	v9 =	vld [tilespmem:$0x1F910];
	_ =	sdelay $0x6  }
0x376: {  	v37 =	vld [tilespmem:s30+$0x4000]  }
0x377: {  	v13 =	vld [tilespmem:s0+$0x4C00];
	[tilespmem:v9+s25+$0x0] =	vst.idx.msk $0xffff, v21;
	v9 =	vmov v49  }
0x378: {  	[tilespmem:$0x1FB60] =	vst v9;
	v9 =	vld [tilespmem:$0x1F9E0];
	_ =	sdelay $0x2  }
0x379: {  	v27 =	vmul.f32 v27, v32  }
0x37a: {  	v3 =	vmul.f32 v54, v30  }
0x37b: {  	v42 =	vmul.f32 v27, v57;
	[tilespmem:$0x1F760] =	vst v10;
	v10 =	vmov v9;
	v9 =	vld [tilespmem:$0x1FB70]  }
0x37c: {  	s8 =	sadd.s32 $0x2, s8;
	v27 =	vmul.f32 v29, v32;
	v29 =	vmul.f32 v3, v2;
	v3 =	vld [tilespmem:$0x1F350]  }
0x37d: {  	s10 =	sand.u32 $0x7, s8;
	v56 =	vld [tilespmem:$0x1FA10]  }
0x37e: {  	s10 =	sshll.u32 s10, $0x4;
	v36 =	vld [tilespmem:$0x1FF00]  }
0x37f: {  	s10 =	sadd.s32 s20, s10;
	v44 =	vld [tilespmem:$0x1FE70]  }
0x380: {  	s10 =	sadd.s32 $0x10, s10;
	v62 =	vld [tilespmem:s2+$0x280];
	[tilespmem:$0x1F770] =	vst v10;
	v10 =	vmov v9;
	v9 =	vmov v51  }
0x381: {  	s0 =	sor.u32 $0x300, s10;
	[tilespmem:$0x1FB70] =	vst v9;
	v9 =	vld [tilespmem:$0x1F9F0]  }
0x382: {  	v33 =	vmul.f32 v38, v32;
	v38 =	vld [tilespmem:s0+$0x5080]  }
0x383: {  	s30 =	sor.u32 s22, s20;
	v39 =	vld [tilespmem:s6+$0x200];
	[tilespmem:v12+s25+$0x0] =	vst.idx.msk $0xffff, v58  }
0x384: {  	s0 =	sor.u32 $0x380, s30;
	[tilespmem:v3+s25+$0x0] =	vst.idx.msk $0xffff, v59;
	v3 =	vld [tilespmem:$0x1FB80]  }
0x385: {  	v26 =	vmul.f32 v28, v4;
	v41 =	vld [tilespmem:s0+$0x5080]  }
0x386: {  	v28 =	vmul.f32 v33, v0;
	v33 =	vmovc v55;
	v55 =	vor.u32 v63, v23;
	v63 =	vld [tilespmem:$0x1FE90];
	[tilespmem:$0x1F9E0] =	vst v10;
	v10 =	vmov v9  }
0x387: {  	v54 =	vmov v53;
	v53 =	vor.u32 v5, v23;
	v5 =	vld [tilespmem:$0x1F5C0]  }
0x388: {  	v21 =	vshll.u32 v62, $0x4;
	v62 =	vld [tilespmem:$0x1FBA0]  }
0x389: {  	v9 =	vor.u32 v7, v21;
	[tilespmem:$0x1F780] =	vst v10;
	v10 =	vmov v3;
	v3 =	vld [tilespmem:$0x1F360]  }
0x38a: {  	[tilespmem:$0x1F490] =	vst v26;
	v26 =	vmul.f32 v47, v13;
	v18 =	vmul.f32 v1, v13;
	v58 =	vld.idx.msk [tilespmem:v8+s3+$0x0], $0xffff  }
0x38b: {  	[tilespmem:$0x1FAD0] =	vst v13;
	v12 =	vmul.f32 v17, v13;
	v21 =	vmul.f32 v34, v13;
	v13 =	vld [tilespmem:$0x1F5E0]  }
0x38c: {  	v59 =	vld.idx.msk [tilespmem:v8+s17+$0x0], $0xffff  }
0x38d: {  	v34 =	vld [tilespmem:$0x1FA20]  }
0x38e: {  	v47 =	vmul.f32 v48, v37;
	v48 =	vmul.f32 v50, v37;
	v50 =	vld.idx.msk [tilespmem:v9+s3+$0x0], $0xffff  }
0x38f: {  	v49 =	vld.idx.msk [tilespmem:v9+s17+$0x0], $0xffff  }
0x390: {  	v17 =	vor.u32 v13, v23;
	v13 =	vld [tilespmem:$0x1F5F0]  }
0x391: {  	v14 =	vmul.f32 v14, v37;
	[tilespmem:v3+s25+$0x0] =	vst.idx.msk $0xffff, v15;
	v3 =	vmov v52;
	v52 =	vld.idx.msk [tilespmem:v8+s18+$0x0], $0xffff  }
0x392: {  	v8 =	vld.idx.msk [tilespmem:v8+s19+$0x0], $0xffff  }
0x393: {  	v14 =	vmul.f32 v14, v0;
	v15 =	vmul.f32 v46, v37;
	v46 =	vshll.u32 v38, $0x4;
	v38 =	vld [tilespmem:$0x1FF10]  }
0x394: {  	[tilespmem:$0x1FB80] =	vst v3;
	v3 =	vld [tilespmem:$0x1FA00]  }
0x395: {  	[tilespmem:v31+s25+$0x0] =	vst.idx.msk $0xffff, v14;
	v31 =	vld.idx.msk [tilespmem:v9+s18+$0x0], $0xffff  }
0x396: {  	v9 =	vld.idx.msk [tilespmem:v9+s19+$0x0], $0xffff  }
0x397: {  	v1 =	vor.u32 v7, v46;
	v46 =	vshll.u32 v39, $0x4;
	v39 =	vld [tilespmem:$0x1FF20]  }
0x398: {  	v49 =	vmul.f32 v49, v22;
	v14 =	vshll.u32 v41, $0x4;
	v41 =	vld [tilespmem:$0x1FF30]  }
0x399: {  	v51 =	vor.u32 v7, v14;
	v14 =	vor.u32 v5, v23;
	v5 =	vld [tilespmem:$0x1F5D0]  }
0x39a: {  	v7 =	vmov v45;
	v45 =	vmul.f32 v49, v35;
	v49 =	vld [tilespmem:$0x1FCA0]  }
0x39b: {  	v50 =	vmul.f32 v50, v20;
	v11 =	vmov v3;
	v3 =	vld [tilespmem:$0x1FB90]  }
0x39c: {  	[tilespmem:$0x1FB90] =	vst v54;
	v54 =	vld.idx.msk [tilespmem:v1+s3+$0x0], $0xffff;
	v31 =	vmul.f32 v31, v24;
	v9 =	vmul.f32 v9, v25  }
0x39d: {  	[tilespmem:$0x1FBA0] =	vst v33;
	v50 =	vmul.f32 v50, v35;
	v33 =	vld.idx.msk [tilespmem:v1+s17+$0x0], $0xffff  }
0x39e: {  	[tilespmem:$0x1F9F0] =	vst v10;
	v31 =	vmul.f32 v31, v35;
	v9 =	vmul.f32 v9, v35;
	v35 =	vld [tilespmem:$0x1FA50]  }
0x39f: {  	[tilespmem:$0x1F790] =	vst v11;
	v11 =	vmov v56;
	v56 =	vor.u32 v60, v23;
	v60 =	vor.u32 v6, v23;
	v6 =	vld.idx.msk [tilespmem:v51+s17+$0x0], $0xffff  }
0x3a0: {  	[tilespmem:$0x1F7D0] =	vst v11;
	v11 =	vor.u32 v41, v23;
	v41 =	vld [tilespmem:$0x1F730]  }
0x3a1: {  	v10 =	vmovc v3;
	v3 =	vmov v34;
	v34 =	vor.u32 v36, v23;
	v36 =	vor.u32 v38, v23;
	v38 =	vld.idx.msk [tilespmem:v1+s18+$0x0], $0xffff  }
0x3a2: {  	v1 =	vld.idx.msk [tilespmem:v1+s19+$0x0], $0xffff  }
0x3a3: {  	[tilespmem:$0x1F8A0] =	vst v3;
	v3 =	vld.idx.msk [tilespmem:v51+s3+$0x0], $0xffff  }
0x3a4: {  	v58 =	vmul.f32 v58, v20;
	v59 =	vmul.f32 v59, v22;
	[tilespmem:$0x1FA00] =	vst v10;
	v10 =	vmov v62;
	v62 =	vld [tilespmem:$0x1FE80]  }
0x3a5: {  	v33 =	vmul.f32 v33, v22;
	v6 =	vmul.f32 v6, v22;
	v22 =	vld [tilespmem:$0x1F370]  }
0x3a6: {  	v12 =	vmul.f32 v12, v0;
	v58 =	vmul.f32 v58, v61;
	v0 =	vor.u32 v41, v23;
	v41 =	vld.idx.msk [tilespmem:v51+s18+$0x0], $0xffff  }
0x3a7: {  	[tilespmem:$0x1FA10] =	vst v10;
	v51 =	vld.idx.msk [tilespmem:v51+s19+$0x0], $0xffff  }
0x3a8: {  	v10 =	vor.u32 v39, v23;
	[tilespmem:v53+s25+$0x0] =	vst.idx.msk $0xffff, v58;
	v58 =	vld [tilespmem:$0x1FD20]  }
0x3a9: {  	v39 =	vor.u32 v44, v23;
	v44 =	vor.u32 v63, v23;
	v63 =	vmul.f32 v59, v61;
	v53 =	vld [tilespmem:s13+$0x5080]  }
0x3aa: {  	v52 =	vmul.f32 v52, v24;
	v59 =	vmov v43;
	v43 =	vld [tilespmem:$0x1FC80]  }
0x3ab: {  	v13 =	vor.u32 v13, v23;
	v8 =	vmul.f32 v8, v25;
	[tilespmem:v55+s25+$0x0] =	vst.idx.msk $0xffff, v63;
	v55 =	vld [tilespmem:$0x1FD70]  }
0x3ac: {  	v5 =	vor.u32 v5, v23;
	v62 =	vor.u32 v62, v23;
	v23 =	vmul.f32 v52, v61;
	v52 =	vld [tilespmem:s6+$0x280]  }
0x3ad: {  	v8 =	vmul.f32 v8, v61;
	v61 =	vld [tilespmem:$0x1FBB0]  }
0x3ae: {  	[tilespmem:v56+s25+$0x0] =	vst.idx.msk $0xffff, v23;
	v56 =	vld [tilespmem:$0x1FD80]  }
0x3af: {  	[tilespmem:v60+s25+$0x0] =	vst.idx.msk $0xffff, v8;
	v8 =	vld [tilespmem:s11+$0x5080]  }
0x3b0: {  	v60 =	vld [tilespmem:$0x1FA30]  }
0x3b1: {  	[tilespmem:v34+s25+$0x0] =	vst.idx.msk $0xffff, v50;
	v50 =	vld [tilespmem:$0x1FCB0]  }
0x3b2: {  	v34 =	vld.idx.msk [tilespmem:v16+s18+$0x0], $0xffff  }
0x3b3: {  	v63 =	vmov v61;
	v61 =	vld [tilespmem:$0x1FD10]  }
0x3b4: {  	[tilespmem:v36+s25+$0x0] =	vst.idx.msk $0xffff, v45;
	v36 =	vld.idx.msk [tilespmem:v16+s19+$0x0], $0xffff  }
0x3b5: {  	[tilespmem:$0x1FA20] =	vst v63;
	v63 =	vmul.f32 v54, v20;
	v54 =	vld [tilespmem:$0x1FCF0]  }
0x3b6: {  	[tilespmem:v10+s25+$0x0] =	vst.idx.msk $0xffff, v31;
	v10 =	vshll.u32 v52, $0x4;
	v52 =	vld [tilespmem:$0x1FCD0]  }
0x3b7: {  	v3 =	vmul.f32 v3, v20;
	v20 =	vmul.f32 v51, v25;
	v51 =	vld [tilespmem:$0x1FCC0]  }
0x3b8: {  	v1 =	vmul.f32 v1, v25;
	v25 =	vmul.f32 v48, v2;
	v48 =	vld [tilespmem:$0x1FC90]  }
0x3b9: {  	v38 =	vmul.f32 v38, v24;
	v31 =	vmul.f32 v33, v19;
	v33 =	vld [tilespmem:$0x1F3C0]  }
0x3ba: {  	[tilespmem:v11+s25+$0x0] =	vst.idx.msk $0xffff, v9;
	v9 =	vshll.u32 v53, $0x4;
	v53 =	vld [tilespmem:$0x1FCE0]  }
0x3bb: {  	[tilespmem:$0x1FBB0] =	vst v7;
	v11 =	vmul.f32 v38, v19;
	v38 =	vld [tilespmem:$0x1FC50];
	v7 =	vmul.f32 v63, v19  }
0x3bc: {  	v63 =	vld [tilespmem:$0x1FFF0]  }
0x3bd: {  	[tilespmem:v39+s25+$0x0] =	vst.idx.msk $0xffff, v7;
	v39 =	vld [tilespmem:$0x1FD50]  }
0x3be: {  	v7 =	vmul.f32 v41, v24;
	v41 =	vld [tilespmem:$0x1FD60]  }
0x3bf: {  	v1 =	vmul.f32 v1, v19;
	[tilespmem:v62+s25+$0x0] =	vst.idx.msk $0xffff, v31;
	v31 =	vld.idx.msk [tilespmem:v22+s3+$0x0], $0xffff  }
0x3c0: {  	v3 =	vmul.f32 v3, v38;
	[tilespmem:v44+s25+$0x0] =	vst.idx.msk $0xffff, v11;
	v11 =	vld.idx.msk [tilespmem:v22+s17+$0x0], $0xffff  }
0x3c1: {  	v24 =	vmul.f32 v6, v38;
	v44 =	vld [tilespmem:$0x1F390];
	[tilespmem:v0+s25+$0x0] =	vst.idx.msk $0xffff, v1  }
0x3c2: {  	v45 =	vmul.f32 v18, v4;
	[tilespmem:v14+s25+$0x0] =	vst.idx.msk $0xffff, v3;
	v14 =	vmul.f32 v47, v4;
	v4 =	vmov v40;
	v40 =	vld [tilespmem:$0x1FA40]  }
0x3c3: {  	v7 =	vmul.f32 v7, v38;
	[tilespmem:v5+s25+$0x0] =	vst.idx.msk $0xffff, v24;
	v5 =	vld [tilespmem:$0x1FBC0]  }
0x3c4: {  	v47 =	vld [tilespmem:$0x1F3B0]  }
0x3c5: {  	[tilespmem:v17+s25+$0x0] =	vst.idx.msk $0xffff, v7;
	v7 =	vld [tilespmem:$0x1F3D0]  }
0x3c6: {  	[tilespmem:$0x1FBC0] =	vst v4;
	v4 =	vld [tilespmem:$0x1F3A0]  }
0x3c7: {  	v0 =	vld.idx.msk [tilespmem:v22+s18+$0x0], $0xffff  }
0x3c8: {  	v3 =	vld.idx.msk [tilespmem:v22+s19+$0x0], $0xffff;
	v6 =	vmov v5  }
0x3c9: {  	v23 =	vmovc v60;
	v8 =	vshll.u32 v8, $0x4;
	v60 =	vmov v40;
	v40 =	vld [tilespmem:$0x1F400];
	[tilespmem:$0x1FA30] =	vst v6;
	v6 =	vlaneseq.u32  }
0x3ca: {  	v18 =	vor.u32 v6, v8;
	v8 =	vmul.f32 v36, v7;
	v36 =	vld [tilespmem:$0x1F3F0]  }
0x3cb: {  	[tilespmem:v44+s25+$0x0] =	vst.idx.msk $0xffff, v4;
	v5 =	vor.u32 v6, v46;
	v46 =	vld [tilespmem:$0x1FBD0]  }
0x3cc: {  	v44 =	vld [tilespmem:$0x1F990];
	[tilespmem:v47+s25+$0x0] =	vst.idx.msk $0xffff, v28  }
0x3cd: {  	[tilespmem:$0x1FBD0] =	vst v59;
	v59 =	vld [tilespmem:$0x1F430]  }
0x3ce: {  	v47 =	vmov v30;
	[tilespmem:v33+s25+$0x0] =	vst.idx.msk $0xffff, v12;
	v12 =	vld [tilespmem:$0x1FC40]  }
0x3cf: {  	v16 =	vmul.f32 v20, v38;
	[tilespmem:$0x1F990] =	vst v47;
	v47 =	vld [tilespmem:$0x1FA90]  }
0x3d0: {  	v15 =	vmul.f32 v15, v57;
	v20 =	vor.u32 v6, v10;
	v10 =	vmov v46;
	v46 =	vld [tilespmem:$0x1F410]  }
0x3d1: {  	[tilespmem:v13+s25+$0x0] =	vst.idx.msk $0xffff, v16;
	v13 =	vmul.f32 v31, v40;
	v40 =	vld [tilespmem:$0x1F460]  }
0x3d2: {  	[tilespmem:v36+s25+$0x0] =	vst.idx.msk $0xffff, v15;
	v36 =	vld [tilespmem:$0x1F450]  }
0x3d3: {  	[tilespmem:$0x1FA40] =	vst v10;
	v10 =	vmul.f32 v11, v43;
	v11 =	vld [tilespmem:$0x1F420]  }
0x3d4: {  	v62 =	vld [tilespmem:$0x1FEA0];
	v1 =	vmul.f32 v26, v57;
	v22 =	vmul.f32 v21, v2;
	v4 =	vmov v35  }
0x3d5: {  	v3 =	vmul.f32 v3, v7;
	v16 =	vor.u32 v6, v9;
	v35 =	vmovc v44;
	v44 =	vld [tilespmem:$0x1F480];
	v6 =	vmul.f32 v34, v12  }
0x3d6: {  	v57 =	vld [tilespmem:$0x1F380];
	v30 =	vmul.f32 v8, v19;
	v21 =	vmul.f32 v13, v38  }
0x3d7: {  	v0 =	vmul.f32 v0, v12;
	v28 =	vmul.f32 v6, v19;
	v19 =	vmov v47;
	v47 =	vld [tilespmem:$0x1F4B0]  }
0x3d8: {  	v9 =	vmov v58;
	v58 =	vmul.f32 v10, v38;
	v15 =	vmul.f32 v3, v38;
	[tilespmem:v46+s25+$0x0] =	vst.idx.msk $0xffff, v11;
	v46 =	vld [tilespmem:$0x1F490]  }
0x3d9: {  	[tilespmem:v59+s25+$0x0] =	vst.idx.msk $0xffff, v42;
	v59 =	vmul.f32 v0, v38;
	v38 =	vmov v61;
	v61 =	vmov v32;
	v32 =	vld [tilespmem:$0x1FBE0]  }
0x3da: {  	v42 =	vld.idx.msk [tilespmem:v5+s3+$0x0], $0xffff;
	[tilespmem:v36+s25+$0x0] =	vst.idx.msk $0xffff, v1  }
0x3db: {  	v43 =	vld.idx.msk [tilespmem:v5+s17+$0x0], $0xffff;
	[tilespmem:v40+s25+$0x0] =	vst.idx.msk $0xffff, v14  }
0x3dc: {  	v31 =	vld.idx.msk [tilespmem:v5+s18+$0x0], $0xffff  }
0x3dd: {  	[tilespmem:v44+s25+$0x0] =	vst.idx.msk $0xffff, v46;
	v44 =	vld [tilespmem:$0x1F4A0]  }
0x3de: {  	[tilespmem:$0x1F910] =	vst v4;
	v4 =	vld [tilespmem:$0x1F3E0]  }
0x3df: {  	[tilespmem:$0x1FA90] =	vst v61;
	v61 =	vld [tilespmem:$0x1F4C0]  }
0x3e0: {  	v40 =	vld.idx.msk [tilespmem:v5+s19+$0x0], $0xffff  }
0x3e1: {  	v36 =	vmov v32;
	v32 =	vld [tilespmem:$0x1FA60]  }
0x3e2: {  	[tilespmem:$0x1FA50] =	vst v36;
	v36 =	vld [tilespmem:$0x1FBF0];
	v46 =	vmov v44  }
0x3e3: {  	s15 =	sadd.s32 $0x2, s15;
	[tilespmem:$0x1FBE0] =	vst v46;
	v46 =	vld [tilespmem:$0x1F4D0]  }
0x3e4: {  	p0 =	slt.u32 s15, $0x3E;
	[tilespmem:v47+s25+$0x0] =	vst.idx.msk $0xffff, v61;
	v61 =	vld [tilespmem:$0x1F4E0]  }
.Ltmp0:
0x3e5: {  	v33 =	vld [tilespmem:$0x1FD30];
	(pc) =	sbr.rel @p0 .LBB2_3-.Ltmp0, $4  }
0x3e6: {  	v34 =	vld [tilespmem:$0x1FD40]  }
0x3e7: {  	v6 =	vld [tilespmem:$0x1F440];
	v44 =	vmov v36  }
0x3e8: {  	s29 =	sadd.s32 $0x1, s29;
	s16 =	sor.u32 $0x300, s16;
	v14 =	vld [tilespmem:$0x1F470];
	[tilespmem:$0x1FA60] =	vst v44;
	v47 =	vmov v46  }
0x3e9: {  	s13 =	smov.u32 s16;
	s6 =	smov.u32 s24;
	s11 =	smov.u32 s31;
	v24 =	vmul.f32 v27, v2;
	v27 =	vld.idx.msk [tilespmem:v20+s3+$0x0], $0xffff;
	v12 =	vmov v32;
	v17 =	vmov v61;
	[tilespmem:$0x1FBF0] =	vst v47  }
0x3ea: {  	v55 =	vld [tilespmem:$0x1FFE0]  }
0x3eb: {  	v47 =	vld [tilespmem:$0x1FFD0]  }
0x3ec: {  	v46 =	vld [tilespmem:$0x1FFC0]  }
0x3ed: {  	v44 =	vld [tilespmem:$0x1FFB0]  }
0x3ee: {  	v41 =	vld [tilespmem:$0x1FFA0]  }
0x3ef: {  	v39 =	vld [tilespmem:$0x1FF90]  }
0x3f0: {  	v38 =	vld [tilespmem:$0x1FF80]  }
0x3f1: {  	v36 =	vld [tilespmem:$0x1FF70]  }
0x3f2: {  	v34 =	vld [tilespmem:$0x1FF60]  }
0x3f3: {  	v33 =	vld [tilespmem:$0x1FF50]  }
0x3f4: {  	v56 =	vld [tilespmem:$0x1FF40];
	[tilespmem:v6+s25+$0x0] =	vst.idx.msk $0xffff, v45  }
0x3f5: {  	v0 =	vld [tilespmem:$0x1FAF0];
	_ =	sdelay $0x7  }
0x3f6: {  	[tilespmem:v0+s25+$0x0] =	vst.idx.msk $0xffff, v25  }
0x3f7: {  	[tilespmem:v4+s25+$0x0] =	vst.idx.msk $0xffff, v29  }
0x3f8: {  	v0 =	vld [tilespmem:$0x1FB00];
	_ =	sdelay $0x7  }
0x3f9: {  	[tilespmem:v0+s25+$0x0] =	vst.idx.msk $0xffff, v24  }
0x3fa: {  	v0 =	vld [tilespmem:$0x1FB10];
	_ =	sdelay $0x7  }
0x3fb: {  	[tilespmem:v0+s25+$0x0] =	vst.idx.msk $0xffff, v22  }
0x3fc: {  	v1 =	vld [tilespmem:$0x1F700];
	_ =	sdelay $0x2  }
0x3fd: {  	v0 =	vld [tilespmem:$0x1F7C0];
	_ =	sdelay $0x4  }
0x3fe: {  	[tilespmem:v1+s25+$0x0] =	vst.idx.msk $0xffff, v0  }
0x3ff: {  	v1 =	vld [tilespmem:$0x1F710];
	_ =	sdelay $0x2  }
0x400: {  	v0 =	vld [tilespmem:$0x1F7F0];
	_ =	sdelay $0x4  }
0x401: {  	[tilespmem:v1+s25+$0x0] =	vst.idx.msk $0xffff, v0  }
0x402: {  	v1 =	vld [tilespmem:$0x1F740];
	_ =	sdelay $0x2  }
0x403: {  	v0 =	vld [tilespmem:$0x1F820];
	_ =	sdelay $0x4  }
0x404: {  	[tilespmem:v1+s25+$0x0] =	vst.idx.msk $0xffff, v0  }
0x405: {  	v1 =	vld [tilespmem:$0x1F750];
	_ =	sdelay $0x2  }
0x406: {  	v0 =	vld [tilespmem:$0x1F870];
	_ =	sdelay $0x4  }
0x407: {  	[tilespmem:v1+s25+$0x0] =	vst.idx.msk $0xffff, v0  }
0x408: {  	v1 =	vld [tilespmem:$0x1F760];
	_ =	sdelay $0x7  }
0x409: {  	[tilespmem:v1+s25+$0x0] =	vst.idx.msk $0xffff, v14  }
0x40a: {  	v3 =	vld [tilespmem:$0x1F770];
	_ =	sdelay $0x2  }
0x40b: {  	v2 =	vld [tilespmem:$0x1F8D0];
	_ =	sdelay $0x4  }
0x40c: {  	[tilespmem:v3+s25+$0x0] =	vst.idx.msk $0xffff, v2  }
0x40d: {  	v4 =	vld [tilespmem:$0x1F780];
	_ =	sdelay $0x2  }
0x40e: {  	v2 =	vld [tilespmem:$0x1F8E0];
	_ =	sdelay $0x4  }
0x40f: {  	[tilespmem:v4+s25+$0x0] =	vst.idx.msk $0xffff, v2  }
0x410: {  	v5 =	vld [tilespmem:$0x1F790];
	_ =	sdelay $0x2  }
0x411: {  	v2 =	vld [tilespmem:$0x1F8F0];
	_ =	sdelay $0x4  }
0x412: {  	[tilespmem:v5+s25+$0x0] =	vst.idx.msk $0xffff, v2  }
0x413: {  	v6 =	vld [tilespmem:$0x1F7D0];
	_ =	sdelay $0x2  }
0x414: {  	v2 =	vld [tilespmem:$0x1F900];
	_ =	sdelay $0x4  }
0x415: {  	[tilespmem:v6+s25+$0x0] =	vst.idx.msk $0xffff, v2  }
0x416: {  	v8 =	vld [tilespmem:$0x1F8A0];
	_ =	sdelay $0x1  }
0x417: {  	v61 =	vld.idx.msk [tilespmem:v20+s18+$0x0], $0xffff  }
0x418: {  	v2 =	vld [tilespmem:$0x1F930]  }
0x419: {  	v7 =	vld.idx.msk [tilespmem:v16+s19+$0x0], $0xffff  }
0x41a: {  	v0 =	vld.idx.msk [tilespmem:v20+s17+$0x0], $0xffff  }
0x41b: {  	v3 =	vld.idx.msk [tilespmem:v20+s19+$0x0], $0xffff  }
0x41c: {  	v4 =	vld.idx.msk [tilespmem:v16+s3+$0x0], $0xffff  }
0x41d: {  	v5 =	vld.idx.msk [tilespmem:v16+s17+$0x0], $0xffff;
	[tilespmem:v8+s25+$0x0] =	vst.idx.msk $0xffff, v2  }
0x41e: {  	v6 =	vld [tilespmem:s6+$0x200];
	[tilespmem:v23+s25+$0x0] =	vst.idx.msk $0xffff, v28  }
0x41f: {  	v8 =	vld.idx.msk [tilespmem:v16+s18+$0x0], $0xffff;
	[tilespmem:v60+s25+$0x0] =	vst.idx.msk $0xffff, v30  }
0x420: {  	v32 =	vld [tilespmem:$0x1F910];
	_ =	sdelay $0x7  }
0x421: {  	[tilespmem:v32+s25+$0x0] =	vst.idx.msk $0xffff, v21  }
0x422: {  	[tilespmem:v12+s25+$0x0] =	vst.idx.msk $0xffff, v58  }
0x423: {  	v13 =	vld [tilespmem:$0x1F940];
	_ =	sdelay $0x7  }
0x424: {  	[tilespmem:v13+s25+$0x0] =	vst.idx.msk $0xffff, v59  }
0x425: {  	v14 =	vld [tilespmem:$0x1F960];
	_ =	sdelay $0x7  }
0x426: {  	v21 =	vld [tilespmem:$0x1F6F0];
	[tilespmem:v14+s25+$0x0] =	vst.idx.msk $0xffff, v15  }
0x427: {  	v16 =	vld [tilespmem:$0x1F970];
	_ =	sdelay $0x3  }
0x428: {  	v45 =	vmul.f32 v42, v57  }
0x429: {  	v10 =	vld.idx.msk [tilespmem:v18+s3+$0x0], $0xffff  }
0x42a: {  	v12 =	vld.idx.msk [tilespmem:v18+s17+$0x0], $0xffff;
	v2 =	vmul.f32 v45, v21  }
0x42b: {  	v13 =	vld.idx.msk [tilespmem:v18+s18+$0x0], $0xffff  }
0x42c: {  	v15 =	vld.idx.msk [tilespmem:v18+s19+$0x0], $0xffff;
	[tilespmem:v16+s25+$0x0] =	vst.idx.msk $0xffff, v2  }
0x42d: {  	v18 =	vld [tilespmem:$0x1F980];
	_ =	sdelay $0x3  }
0x42e: {  	v11 =	vmul.f32 v43, v35;
	_ =	sdelay $0x1  }
0x42f: {  	v11 =	vmul.f32 v11, v21;
	_ =	sdelay $0x1  }
0x430: {  	[tilespmem:v18+s25+$0x0] =	vst.idx.msk $0xffff, v11  }
0x431: {  	v18 =	vld [tilespmem:$0x1F9B0];
	_ =	sdelay $0x3  }
0x432: {  	v14 =	vmul.f32 v31, v19;
	_ =	sdelay $0x1  }
0x433: {  	v11 =	vmul.f32 v14, v21;
	_ =	sdelay $0x1  }
0x434: {  	[tilespmem:v18+s25+$0x0] =	vst.idx.msk $0xffff, v11  }
0x435: {  	v18 =	vld [tilespmem:$0x1F9C0];
	_ =	sdelay $0x3  }
0x436: {  	v59 =	vmul.f32 v40, v17;
	_ =	sdelay $0x1  }
0x437: {  	v2 =	vmul.f32 v59, v21;
	_ =	sdelay $0x1  }
0x438: {  	v20 =	vld [tilespmem:$0x1F5B0];
	[tilespmem:v18+s25+$0x0] =	vst.idx.msk $0xffff, v2  }
0x439: {  	v18 =	vld [tilespmem:$0x1F9D0];
	_ =	sdelay $0x3  }
0x43a: {  	v14 =	vmul.f32 v27, v57;
	_ =	sdelay $0x1  }
0x43b: {  	v11 =	vmul.f32 v14, v20;
	_ =	sdelay $0x1  }
0x43c: {  	[tilespmem:v18+s25+$0x0] =	vst.idx.msk $0xffff, v11  }
0x43d: {  	v18 =	vld [tilespmem:$0x1F9E0];
	_ =	sdelay $0x2  }
0x43e: {  	v16 =	vld [tilespmem:s13+$0x5080]  }
0x43f: {  	v0 =	vmul.f32 v0, v35;
	_ =	sdelay $0x1  }
0x440: {  	v0 =	vmul.f32 v0, v20;
	_ =	sdelay $0x1  }
0x441: {  	v23 =	vlaneseq.u32;
	v11 =	vshll.u32 v16, $0x4;
	[tilespmem:v18+s25+$0x0] =	vst.idx.msk $0xffff, v0  }
0x442: {  	v32 =	vor.u32 v23, v11;
	v11 =	vld [tilespmem:$0x1F9F0];
	_ =	sdelay $0x3  }
0x443: {  	v1 =	vmul.f32 v61, v19;
	_ =	sdelay $0x1  }
0x444: {  	v1 =	vmul.f32 v1, v20;
	_ =	sdelay $0x1  }
0x445: {  	[tilespmem:v11+s25+$0x0] =	vst.idx.msk $0xffff, v1  }
0x446: {  	v11 =	vld [tilespmem:$0x1FA00];
	_ =	sdelay $0x1  }
0x447: {  	v9 =	vld [tilespmem:s6+$0x280]  }
0x448: {  	v22 =	vmov v17;
	v17 =	vld [tilespmem:s11+$0x5080]  }
0x449: {  	v60 =	vmul.f32 v3, v22;
	_ =	sdelay $0x1  }
0x44a: {  	v61 =	vmul.f32 v60, v20;
	_ =	sdelay $0x1  }
0x44b: {  	v6 =	vshll.u32 v6, $0x4;
	v9 =	vshll.u32 v9, $0x4;
	[tilespmem:v11+s25+$0x0] =	vst.idx.msk $0xffff, v61;
	v11 =	vshll.u32 v17, $0x4  }
0x44c: {  	v6 =	vor.u32 v23, v6;
	v9 =	vor.u32 v23, v9;
	v11 =	vor.u32 v23, v11;
	v23 =	vld [tilespmem:$0x1FA10]  }
0x44d: {  	v18 =	vld [tilespmem:$0x1F720];
	_ =	sdelay $0x2  }
0x44e: {  	v40 =	vmul.f32 v4, v57;
	_ =	sdelay $0x1  }
0x44f: {  	v1 =	vmul.f32 v40, v18;
	_ =	sdelay $0x1  }
0x450: {  	[tilespmem:v23+s25+$0x0] =	vst.idx.msk $0xffff, v1  }
0x451: {  	v23 =	vld [tilespmem:$0x1FA20];
	_ =	sdelay $0x3  }
0x452: {  	v5 =	vmul.f32 v5, v35;
	_ =	sdelay $0x1  }
0x453: {  	v5 =	vmul.f32 v5, v18;
	_ =	sdelay $0x1  }
0x454: {  	[tilespmem:v23+s25+$0x0] =	vst.idx.msk $0xffff, v5  }
0x455: {  	v23 =	vld [tilespmem:$0x1FA30];
	_ =	sdelay $0x3  }
0x456: {  	v8 =	vmul.f32 v8, v19;
	_ =	sdelay $0x1  }
0x457: {  	v8 =	vmul.f32 v8, v18;
	_ =	sdelay $0x1  }
0x458: {  	[tilespmem:v23+s25+$0x0] =	vst.idx.msk $0xffff, v8  }
0x459: {  	v23 =	vld [tilespmem:$0x1FA40];
	_ =	sdelay $0x3  }
0x45a: {  	v7 =	vmul.f32 v7, v22;
	_ =	sdelay $0x1  }
0x45b: {  	v7 =	vmul.f32 v7, v18;
	_ =	sdelay $0x1  }
0x45c: {  	v8 =	vmul.f32 v13, v19;
	v19 =	vld [tilespmem:$0x1FC50];
	[tilespmem:v23+s25+$0x0] =	vst.idx.msk $0xffff, v7  }
0x45d: {  	v7 =	vmul.f32 v15, v22;
	v15 =	vld [tilespmem:$0x1FA50];
	_ =	sdelay $0x3  }
0x45e: {  	v43 =	vmul.f32 v10, v57;
	_ =	sdelay $0x1  }
0x45f: {  	v1 =	vmul.f32 v43, v19;
	_ =	sdelay $0x1  }
0x460: {  	[tilespmem:v15+s25+$0x0] =	vst.idx.msk $0xffff, v1  }
0x461: {  	v15 =	vld [tilespmem:$0x1FA60];
	_ =	sdelay $0x3  }
0x462: {  	v5 =	vmul.f32 v12, v35;
	_ =	sdelay $0x1  }
0x463: {  	v5 =	vmul.f32 v5, v19;
	_ =	sdelay $0x1  }
0x464: {  	[tilespmem:v15+s25+$0x0] =	vst.idx.msk $0xffff, v5  }
0x465: {  	v15 =	vld [tilespmem:$0x1FA70];
	_ =	sdelay $0x5  }
0x466: {  	v14 =	vld.idx.msk [tilespmem:v6+s3+$0x0], $0xffff;
	v45 =	vmul.f32 v8, v19  }
0x467: {  	v16 =	vld.idx.msk [tilespmem:v6+s18+$0x0], $0xffff  }
0x468: {  	v23 =	vld [tilespmem:$0x1F990];
	[tilespmem:v15+s25+$0x0] =	vst.idx.msk $0xffff, v45  }
0x469: {  	v22 =	vld [tilespmem:$0x1FA90];
	_ =	sdelay $0x2  }
0x46a: {  	v8 =	vmul.f32 v14, v37;
	_ =	sdelay $0x1  }
0x46b: {  	v57 =	vmul.f32 v8, v21;
	v8 =	vmul.f32 v16, v22;
	v16 =	vld [tilespmem:$0x1FA80];
	_ =	sdelay $0x5  }
0x46c: {  	v5 =	vmul.f32 v7, v19  }
0x46d: {  	v3 =	vld.idx.msk [tilespmem:v6+s17+$0x0], $0xffff  }
0x46e: {  	v6 =	vld.idx.msk [tilespmem:v6+s19+$0x0], $0xffff;
	[tilespmem:v16+s25+$0x0] =	vst.idx.msk $0xffff, v5  }
0x46f: {  	v16 =	vld [tilespmem:$0x1FAD0];
	_ =	sdelay $0x1  }
0x470: {  	v14 =	vld.idx.msk [tilespmem:v11+s3+$0x0], $0xffff  }
0x471: {  	v7 =	vld.idx.msk [tilespmem:v11+s17+$0x0], $0xffff  }
0x472: {  	v15 =	vld.idx.msk [tilespmem:v11+s18+$0x0], $0xffff  }
0x473: {  	v5 =	vmul.f32 v6, v16;
	v6 =	vld.idx.msk [tilespmem:v11+s19+$0x0], $0xffff  }
0x474: {  	v11 =	vld [tilespmem:$0x1FB20]  }
0x475: {  	v42 =	vld.idx.msk [tilespmem:v9+s17+$0x0], $0xffff  }
0x476: {  	v4 =	vld.idx.msk [tilespmem:v9+s3+$0x0], $0xffff  }
0x477: {  	v10 =	vld.idx.msk [tilespmem:v32+s3+$0x0], $0xffff  }
0x478: {  	v2 =	vld.idx.msk [tilespmem:v32+s19+$0x0], $0xffff  }
0x479: {  	v17 =	vld.idx.msk [tilespmem:v9+s18+$0x0], $0xffff  }
0x47a: {  	v9 =	vld.idx.msk [tilespmem:v9+s19+$0x0], $0xffff  }
0x47b: {  	v12 =	vld.idx.msk [tilespmem:v32+s17+$0x0], $0xffff  }
0x47c: {  	v13 =	vld.idx.msk [tilespmem:v32+s18+$0x0], $0xffff;
	[tilespmem:v11+s25+$0x0] =	vst.idx.msk $0xffff, v57  }
0x47d: {  	v58 =	vmul.f32 v8, v21;
	v8 =	vld [tilespmem:$0x1FB30];
	_ =	sdelay $0x3  }
0x47e: {  	v3 =	vmul.f32 v3, v23;
	_ =	sdelay $0x1  }
0x47f: {  	v3 =	vmul.f32 v3, v21;
	_ =	sdelay $0x1  }
0x480: {  	[tilespmem:v8+s25+$0x0] =	vst.idx.msk $0xffff, v3  }
0x481: {  	v3 =	vmul.f32 v5, v21;
	v5 =	vld [tilespmem:$0x1FB40];
	_ =	sdelay $0x7  }
0x482: {  	[tilespmem:v5+s25+$0x0] =	vst.idx.msk $0xffff, v58  }
0x483: {  	v5 =	vld [tilespmem:$0x1FB50];
	_ =	sdelay $0x7  }
0x484: {  	[tilespmem:v5+s25+$0x0] =	vst.idx.msk $0xffff, v3  }
0x485: {  	v5 =	vld [tilespmem:$0x1FB60];
	_ =	sdelay $0x3  }
0x486: {  	v4 =	vmul.f32 v4, v37;
	_ =	sdelay $0x1  }
0x487: {  	v59 =	vmul.f32 v4, v20;
	_ =	sdelay $0x1  }
0x488: {  	[tilespmem:v5+s25+$0x0] =	vst.idx.msk $0xffff, v59  }
0x489: {  	v5 =	vld [tilespmem:$0x1FB70];
	_ =	sdelay $0x3  }
0x48a: {  	v0 =	vmul.f32 v42, v23;
	_ =	sdelay $0x1  }
0x48b: {  	v0 =	vmul.f32 v0, v20;
	_ =	sdelay $0x1  }
0x48c: {  	[tilespmem:v5+s25+$0x0] =	vst.idx.msk $0xffff, v0  }
0x48d: {  	v5 =	vld [tilespmem:$0x1FB80];
	_ =	sdelay $0x3  }
0x48e: {  	v4 =	vmul.f32 v17, v22;
	_ =	sdelay $0x1  }
0x48f: {  	v60 =	vmul.f32 v4, v20;
	_ =	sdelay $0x1  }
0x490: {  	[tilespmem:v5+s25+$0x0] =	vst.idx.msk $0xffff, v60  }
0x491: {  	v5 =	vld [tilespmem:$0x1FB90];
	_ =	sdelay $0x3  }
0x492: {  	v3 =	vmul.f32 v9, v16;
	_ =	sdelay $0x1  }
0x493: {  	v61 =	vmul.f32 v3, v20  }
0x494: {  	v3 =	vmul.f32 v12, v23  }
0x495: {  	[tilespmem:v5+s25+$0x0] =	vst.idx.msk $0xffff, v61  }
0x496: {  	v35 =	vmul.f32 v3, v18;
	v3 =	vld [tilespmem:$0x1FBA0];
	_ =	sdelay $0x3  }
0x497: {  	v4 =	vmul.f32 v10, v37;
	_ =	sdelay $0x1  }
0x498: {  	v32 =	vmul.f32 v4, v18  }
0x499: {  	v4 =	vmul.f32 v13, v22  }
0x49a: {  	[tilespmem:v3+s25+$0x0] =	vst.idx.msk $0xffff, v32  }
0x49b: {  	v3 =	vmul.f32 v4, v18;
	v4 =	vld [tilespmem:$0x1FBB0];
	_ =	sdelay $0x7  }
0x49c: {  	[tilespmem:v4+s25+$0x0] =	vst.idx.msk $0xffff, v35  }
0x49d: {  	v4 =	vld [tilespmem:$0x1FBC0];
	_ =	sdelay $0x7  }
0x49e: {  	[tilespmem:v4+s25+$0x0] =	vst.idx.msk $0xffff, v3  }
0x49f: {  	v4 =	vld [tilespmem:$0x1FBD0];
	_ =	sdelay $0x3  }
0x4a0: {  	v2 =	vmul.f32 v2, v16;
	_ =	sdelay $0x1  }
0x4a1: {  	v2 =	vmul.f32 v2, v18;
	_ =	sdelay $0x1  }
0x4a2: {  	[tilespmem:v4+s25+$0x0] =	vst.idx.msk $0xffff, v2  }
0x4a3: {  	v4 =	vld [tilespmem:$0x1FBE0];
	_ =	sdelay $0x3  }
0x4a4: {  	v40 =	vmul.f32 v14, v37;
	_ =	sdelay $0x1  }
0x4a5: {  	v1 =	vmul.f32 v40, v19  }
0x4a6: {  	v3 =	vmul.f32 v15, v22  }
0x4a7: {  	[tilespmem:v4+s25+$0x0] =	vst.idx.msk $0xffff, v1  }
0x4a8: {  	v45 =	vmul.f32 v3, v19;
	v3 =	vld [tilespmem:$0x1FBF0];
	_ =	sdelay $0x3  }
0x4a9: {  	v42 =	vmul.f32 v7, v23;
	_ =	sdelay $0x1  }
0x4aa: {  	v0 =	vmul.f32 v42, v19;
	_ =	sdelay $0x1  }
0x4ab: {  	[tilespmem:v3+s25+$0x0] =	vst.idx.msk $0xffff, v0  }
0x4ac: {  	v58 =	vld [tilespmem:$0x1FC00];
	_ =	sdelay $0x7  }
0x4ad: {  	[tilespmem:v58+s25+$0x0] =	vst.idx.msk $0xffff, v45  }
0x4ae: {  	v1 =	vld [tilespmem:$0x1FC10];
	_ =	sdelay $0x3  }
0x4af: {  	v43 =	vmul.f32 v6, v16;
	_ =	sdelay $0x1  }
0x4b0: {  	v57 =	vmul.f32 v43, v19  }
0x4b1: {  	s0 =	sshll.u32 s5, $0x9  }
0x4b2: {  	s0 =	sadd.s32 s23, s0;
	[tilespmem:v1+s25+$0x0] =	vst.idx.msk $0xffff, v57  }
0x4b3: {  	[hbm4b:s0+s3] =	stream.linear.scatter [tilespmem:s25], [sflag:$0x3], $0x8000, $0x38;
	[tilespmem:$0x19080] =	vst v63  }
0x4b4: {  	_ =	swait.ge [sflag:s26], $0x2000  }
0x4b5: {  	p0 =	seq.s32 s1, $0x7;
	s8 =	simm.s32 $0x40;
	s0 =	rddreg [dreg:$0xd]  }
0x4b6: {  	p1 =	seq.s32 @!p0 s1, $0x0;
	s2 =	simm.s32 @!p0 $0x0;
	s0 =	sadd.s32 @!p0 s9, s0  }
0x4b7: {  	s5 =	simm.s32 @!p0 $0x5080;
	s11 =	sshll.u32 s4, $0x3;
	s0 =	sshll.u32 @!p0 s0, $0xA  }
0x4b8: {  	s10 =	sor.u32 $0x2, s11;
	v13 =	vmov s8;
	[sflag:s26] =	ssyncset.done $0x0;
	s0 =	sand.u32 @!p0 $0x1FFFF800, s0  }
0x4b9: {  	v13 =	vshll.u32 v13, $0x3;
	v59 =	vmov s11;
	[sflag:s26] =	ssyncadd.s32 $0xFFFFE000;
	s9 =	sor.u32 $0x1, s11;
	s0 =	sadd.s32 @!p0 s14, s0  }
0x4ba: {  	v13 =	vbroadcast v13, $0x0;
	v0 =	vand.u32 $0xFFFFFFF8, v59;
	v60 =	vmov s9;
	[tilespmem:s5], [sflag:$0x1] =	stream.linear.gather @!p0 [hbm4b:s0+s2], $0x2000, $0x38;
	[tilespmem:$0x19080] =	vst v63  }
0x4bb: {  	s15 =	sor.u32 $0x6, s11;
	v32 =	vmov s10;
	v0 =	vbroadcast v0, $0x0;
	v1 =	vand.u32 $0xFFFFFFF9, v60;
	p0 =	por p0, !p1  }
0x4bc: {  	s30 =	smov.u32 s14;
	v7 =	vmov s15;
	v2 =	vand.u32 $0xFFFFFFFA, v32;
	v1 =	vbroadcast v1, $0x0;
	s14 =	sor.u32 $0x5, s11;
	s0 =	simm.s32 @p0 $0x4  }
0x4bd: {  	s16 =	sor.u32 $0x7, s11;
	v22 =	vand.u32 $0x7C00, v13;
	v2 =	vbroadcast v2, $0x0;
	v5 =	vmov s14;
	_ =	swait.ge @p0 [sflag:s0], $0x8000  }
0x4be: {  	s12 =	sor.u32 $0x3, s11;
	v37 =	vmov s16;
	v27 =	vor.u32 v36, v22;
	v5 =	vand.u32 $0xFFFFFFFD, v5;
	v43 =	vld [tilespmem:$0x1FEB0]  }
0x4bf: {  	v3 =	vmov s12;
	v35 =	vbroadcast v5, $0x0;
	v5 =	vand.u32 $0xFFFFFFFE, v7;
	[sflag:s0] =	ssyncset.done @p0 $0x0;
	v45 =	vld [tilespmem:$0x1FEC0]  }
0x4c0: {  	s13 =	sor.u32 $0x4, s11;
	v3 =	vand.u32 $0xFFFFFFFB, v3;
	v57 =	vmovc v36;
	v36 =	vor.u32 v47, v22;
	v8 =	vbroadcast v5, $0x0;
	v47 =	vld [tilespmem:$0x1FEE0];
	[sflag:s0] =	ssyncadd.s32 @p0 $0xFFFF8000  }
0x4c1: {  	v4 =	vmov s13;
	v3 =	vbroadcast v3, $0x0;
	v6 =	vld.idx.msk [tilespmem:v0+s21+$0x0], $0xffff  }
0x4c2: {  	v4 =	vand.u32 $0xFFFFFFFC, v4;
	v7 =	vld.idx.msk [tilespmem:v1+s21+$0x0], $0xffff  }
0x4c3: {  	v4 =	vbroadcast v4, $0x0;
	v5 =	vld.idx.msk [tilespmem:v2+s21+$0x0], $0xffff  }
0x4c4: {  	s12 =	simm.s32 $0x0;
	v42 =	vld.idx.msk [tilespmem:v37+s21+$0x0], $0xffff  }
0x4c5: {  	s20 =	simm.s32 $0x10;
	s22 =	sand.u32 $0x1C00, s12;
	v0 =	vld.idx.msk [tilespmem:v35+s21+$0x0], $0xffff  }
0x4c6: {  	s24 =	sand.u32 $0x70, s20;
	s4 =	sadd.s32 $0x7080, s22;
	v40 =	vld.idx.msk [tilespmem:v8+s21+$0x0], $0xffff  }
0x4c7: {  	s0 =	sor.u32 s24, s4;
	v3 =	vld.idx.msk [tilespmem:v3+s21+$0x0], $0xffff  }
0x4c8: {  	v9 =	vld [tilespmem:s0+$0x0]  }
0x4c9: {  	v4 =	vld.idx.msk [tilespmem:v4+s21+$0x0], $0xffff;
	[tilespmem:$0x1F110] =	vst v42  }
0x4ca: {  	v35 =	vor.u32 v46, v22;
	v46 =	vld [tilespmem:$0x1FED0];
	[tilespmem:$0x1F250] =	vst v0  }
0x4cb: {  	v31 =	vor.u32 v39, v22;
	v39 =	vor.u32 v45, v22;
	v45 =	vld [tilespmem:$0x1FEF0];
	[tilespmem:$0x1F100] =	vst v40  }
0x4cc: {  	s29 =	simm.s32 $0x0;
	v0 =	vld [tilespmem:s0+$0x80]  }
0x4cd: {  	s31 =	sand.u32 $0x3F0, s20;
	v61 =	vlaneseq.u32;
	v8 =	vshll.u32 v9, $0x4;
	v16 =	vld [tilespmem:s29+$0x4010]  }
0x4ce: {  	v8 =	vor.u32 v61, v8;
	v17 =	vld [tilespmem:s31+$0x4400]  }
0x4cf: {  	v11 =	vld [tilespmem:s31+$0x4800]  }
0x4d0: {  	v9 =	vld [tilespmem:s0+$0x100]  }
0x4d1: {  	v10 =	vld [tilespmem:s31+$0x4C00];
	v0 =	vshll.u32 v0, $0x4  }
0x4d2: {  	v12 =	vld [tilespmem:s0+$0x180];
	v0 =	vor.u32 v61, v0  }
0x4d3: {  	v14 =	vld.idx.msk [tilespmem:v8+s3+$0x0], $0xffff  }
0x4d4: {  	v15 =	vld.idx.msk [tilespmem:v8+s17+$0x0], $0xffff  }
0x4d5: {  	v18 =	vld.idx.msk [tilespmem:v8+s18+$0x0], $0xffff;
	v9 =	vshll.u32 v9, $0x4  }
0x4d6: {  	v8 =	vld.idx.msk [tilespmem:v8+s19+$0x0], $0xffff;
	v9 =	vor.u32 v61, v9  }
0x4d7: {  	v19 =	vld.idx.msk [tilespmem:v0+s3+$0x0], $0xffff  }
0x4d8: {  	v20 =	vld.idx.msk [tilespmem:v0+s17+$0x0], $0xffff  }
0x4d9: {  	v12 =	vshll.u32 v12, $0x4;
	v21 =	vld.idx.msk [tilespmem:v0+s18+$0x0], $0xffff  }
0x4da: {  	v12 =	vor.u32 v61, v12;
	v0 =	vld.idx.msk [tilespmem:v0+s19+$0x0], $0xffff  }
0x4db: {  	v24 =	vld.idx.msk [tilespmem:v9+s3+$0x0], $0xffff  }
0x4dc: {  	v23 =	vor.u32 v56, v22;
	v25 =	vor.u32 v33, v22;
	v26 =	vor.u32 v34, v22;
	v28 =	vld.idx.msk [tilespmem:v9+s17+$0x0], $0xffff  }
0x4dd: {  	v30 =	vor.u32 v38, v22;
	v58 =	vmovc v34;
	v34 =	vor.u32 v44, v22;
	v60 =	vmov v33;
	v32 =	vld.idx.msk [tilespmem:v9+s18+$0x0], $0xffff  }
0x4de: {  	v33 =	vor.u32 v41, v22;
	v37 =	vor.u32 v55, v22;
	v14 =	vmul.f32 v14, v16;
	v9 =	vld.idx.msk [tilespmem:v9+s19+$0x0], $0xffff  }
0x4df: {  	v29 =	vor.u32 v43, v22;
	v55 =	vor.u32 v47, v22;
	v15 =	vmul.f32 v15, v17;
	v38 =	vld.idx.msk [tilespmem:v12+s3+$0x0], $0xffff  }
0x4e0: {  	v40 =	vor.u32 v46, v22;
	v18 =	vmul.f32 v18, v11;
	v14 =	vmul.f32 v14, v6;
	v41 =	vld.idx.msk [tilespmem:v12+s17+$0x0], $0xffff  }
0x4e1: {  	v22 =	vor.u32 v45, v22;
	v8 =	vmul.f32 v8, v10;
	v15 =	vmul.f32 v15, v6;
	v59 =	vld.idx.msk [tilespmem:v12+s18+$0x0], $0xffff  }
0x4e2: {  	v18 =	vmul.f32 v18, v6;
	v12 =	vld.idx.msk [tilespmem:v12+s19+$0x0], $0xffff;
	[tilespmem:v23+s28+$0x0] =	vst.idx.msk $0xffff, v14;
	v19 =	vmul.f32 v19, v16  }
0x4e3: {  	v8 =	vmul.f32 v8, v6;
	[tilespmem:v25+s28+$0x0] =	vst.idx.msk $0xffff, v15;
	v14 =	vmul.f32 v20, v17  }
0x4e4: {  	[tilespmem:v26+s28+$0x0] =	vst.idx.msk $0xffff, v18;
	v15 =	vmul.f32 v19, v7;
	v19 =	vmul.f32 v21, v11  }
0x4e5: {  	[tilespmem:v27+s28+$0x0] =	vst.idx.msk $0xffff, v8;
	v0 =	vmul.f32 v0, v10;
	v14 =	vmul.f32 v14, v7  }
0x4e6: {  	s13 =	simm.s32 $0x0;
	v18 =	vmul.f32 v24, v16;
	v8 =	vmul.f32 v19, v7;
	[tilespmem:v29+s28+$0x0] =	vst.idx.msk $0xffff, v15  }
0x4e7: {  	s9 =	sand.u32 $0x60, s13;
	v0 =	vmul.f32 v0, v7;
	v15 =	vmul.f32 v28, v17;
	[tilespmem:v30+s28+$0x0] =	vst.idx.msk $0xffff, v14  }
0x4e8: {  	s15 =	sor.u32 s9, s4;
	v14 =	vmul.f32 v18, v5;
	v18 =	vmul.f32 v32, v11;
	[tilespmem:v31+s28+$0x0] =	vst.idx.msk $0xffff, v8  }
0x4e9: {  	v47 =	vld [tilespmem:s15+$0x0];
	v9 =	vmul.f32 v9, v10;
	v8 =	vmul.f32 v15, v5;
	[tilespmem:v33+s28+$0x0] =	vst.idx.msk $0xffff, v0  }
0x4ea: {  	v15 =	vmul.f32 v38, v16;
	v46 =	vmul.f32 v18, v5;
	[tilespmem:v34+s28+$0x0] =	vst.idx.msk $0xffff, v14  }
0x4eb: {  	v9 =	vmul.f32 v9, v5;
	v14 =	vmul.f32 v41, v17;
	[tilespmem:v35+s28+$0x0] =	vst.idx.msk $0xffff, v8  }
0x4ec: {  	v8 =	vmul.f32 v15, v3;
	v15 =	vmul.f32 v59, v11;
	[tilespmem:v36+s28+$0x0] =	vst.idx.msk $0xffff, v46  }
0x4ed: {  	v12 =	vmul.f32 v12, v10;
	v14 =	vmul.f32 v14, v3;
	[tilespmem:v37+s28+$0x0] =	vst.idx.msk $0xffff, v9  }
0x4ee: {  	v0 =	vshll.u32 v47, $0x4;
	v9 =	vmul.f32 v15, v3;
	[tilespmem:v39+s28+$0x0] =	vst.idx.msk $0xffff, v8  }
0x4ef: {  	v20 =	vor.u32 v61, v0;
	v8 =	vmul.f32 v12, v3;
	[tilespmem:v40+s28+$0x0] =	vst.idx.msk $0xffff, v14  }
0x4f0: {  	v12 =	vld [tilespmem:s15+$0x80];
	[tilespmem:v55+s28+$0x0] =	vst.idx.msk $0xffff, v9  }
0x4f1: {  	v24 =	vld [tilespmem:s15+$0x180];
	[tilespmem:v22+s28+$0x0] =	vst.idx.msk $0xffff, v8  }
0x4f2: {  	s10 =	sand.u32 $0x7, s12;
	s14 =	sand.u32 $0x3E0, s13;
	v8 =	vld [tilespmem:s0+$0x200]  }
0x4f3: {  	s4 =	sshll.u32 s10, $0x4;
	v18 =	vld [tilespmem:s14+$0x4400]  }
0x4f4: {  	s4 =	sadd.s32 $0x0, s4;
	v31 =	vld.idx.msk [tilespmem:v20+s17+$0x0], $0xffff  }
0x4f5: {  	s4 =	sadd.s32 $0x10, s4;
	v55 =	vld [tilespmem:s15+$0x100];
	v9 =	vshll.u32 v12, $0x4  }
0x4f6: {  	s2 =	sor.u32 s20, s12;
	s4 =	sor.u32 $0x300, s4;
	v19 =	vor.u32 v61, v9;
	v9 =	vld [tilespmem:s0+$0x280]  }
0x4f7: {  	s2 =	sor.u32 $0x380, s2;
	v14 =	vld [tilespmem:s4+$0x7080];
	v8 =	vshll.u32 v8, $0x4  }
0x4f8: {  	v15 =	vld [tilespmem:s2+$0x7080];
	v12 =	vor.u32 v61, v8  }
0x4f9: {  	v59 =	vld [tilespmem:$0x1FD00]  }
0x4fa: {  	v41 =	vld [tilespmem:$0x1FD20]  }
0x4fb: {  	v8 =	vld [tilespmem:$0x1FF00];
	v9 =	vshll.u32 v9, $0x4  }
0x4fc: {  	v42 =	vld.idx.msk [tilespmem:v19+s17+$0x0], $0xffff;
	v9 =	vor.u32 v61, v9  }
0x4fd: {  	v25 =	vld.idx.msk [tilespmem:v12+s3+$0x0], $0xffff  }
0x4fe: {  	v26 =	vld.idx.msk [tilespmem:v12+s17+$0x0], $0xffff  }
0x4ff: {  	v27 =	vld.idx.msk [tilespmem:v12+s18+$0x0], $0xffff  }
0x500: {  	v14 =	vshll.u32 v14, $0x4;
	v28 =	vld.idx.msk [tilespmem:v12+s19+$0x0], $0xffff  }
0x501: {  	v12 =	vor.u32 v61, v14;
	v14 =	vmov s12;
	v43 =	vld.idx.msk [tilespmem:v9+s3+$0x0], $0xffff  }
0x502: {  	v14 =	vshll.u32 v14, $0x3;
	v44 =	vld.idx.msk [tilespmem:v9+s17+$0x0], $0xffff  }
0x503: {  	v22 =	vbroadcast v14, $0x0;
	v45 =	vld.idx.msk [tilespmem:v9+s18+$0x0], $0xffff  }
0x504: {  	v46 =	vld.idx.msk [tilespmem:v9+s19+$0x0], $0xffff  }
0x505: {  	v40 =	vor.u32 v62, v22;
	v62 =	vld [tilespmem:$0x1FD10]  }
0x506: {  	v14 =	vshll.u32 v15, $0x4;
	v15 =	vor.u32 v51, v22;
	v51 =	vld [tilespmem:$0x1FD30]  }
0x507: {  	v36 =	vor.u32 v52, v22;
	v52 =	vld [tilespmem:$0x1FD40]  }
0x508: {  	v33 =	vor.u32 v53, v22;
	v53 =	vld [tilespmem:$0x1FD50]  }
0x509: {  	v35 =	vor.u32 v54, v22;
	v54 =	vld [tilespmem:$0x1FD60]  }
0x50a: {  	v0 =	vshll.u32 v55, $0x4;
	v34 =	vor.u32 v59, v22;
	v59 =	vld [tilespmem:$0x1FD70]  }
0x50b: {  	v21 =	vor.u32 v61, v0;
	v47 =	vld.idx.msk [tilespmem:v12+s3+$0x0], $0xffff  }
0x50c: {  	v9 =	vor.u32 v61, v14;
	v38 =	vor.u32 v48, v22;
	v48 =	vld.idx.msk [tilespmem:v12+s17+$0x0], $0xffff;
	v0 =	vor.u32 v62, v22  }
0x50d: {  	v14 =	vor.u32 v49, v22;
	v49 =	vld.idx.msk [tilespmem:v12+s18+$0x0], $0xffff;
	[tilespmem:$0x1F1E0] =	vst v0;
	v0 =	vor.u32 v41, v22  }
0x50e: {  	v37 =	vor.u32 v50, v22;
	v50 =	vld.idx.msk [tilespmem:v12+s19+$0x0], $0xffff;
	[tilespmem:$0x1F1F0] =	vst v0;
	v0 =	vor.u32 v51, v22  }
0x50f: {  	s4 =	simm.s32 $0x100;
	[tilespmem:$0x1F200] =	vst v0;
	v0 =	vor.u32 v52, v22  }
0x510: {  	s5 =	simm.s32 $0x30;
	s20 =	sand.u32 $0x1C00, s4;
	[tilespmem:$0x1F210] =	vst v0;
	v0 =	vor.u32 v53, v22  }
0x511: {  	s8 =	sand.u32 $0x70, s5;
	v1 =	vmovc v56;
	v32 =	vmov v5;
	v5 =	vmov v57;
	s2 =	sadd.s32 $0x7080, s20;
	v51 =	vld.idx.msk [tilespmem:v9+s3+$0x0], $0xffff;
	[tilespmem:$0x1F230] =	vst v0;
	v0 =	vor.u32 v54, v22  }
0x512: {  	s8 =	sor.u32 s8, s2;
	v52 =	vor.u32 v56, v13;
	v56 =	vor.u32 v57, v13;
	v57 =	vor.u32 v8, v13;
	v8 =	vld [tilespmem:$0x1FF10];
	[tilespmem:$0x1F240] =	vst v0  }
0x513: {  	v55 =	vshll.u32 v24, $0x4;
	v29 =	vor.u32 v59, v22;
	v24 =	vld [tilespmem:s8+$0x0]  }
0x514: {  	[tilespmem:$0x1F0F0] =	vst v29  }
0x515: {  	v62 =	vmul.f32 v25, v16;
	v54 =	vor.u32 v60, v13;
	v53 =	vld.idx.msk [tilespmem:v9+s17+$0x0], $0xffff  }
0x516: {  	v2 =	vor.u32 v58, v13;
	v41 =	vor.u32 v61, v55;
	v55 =	vmul.f32 v26, v17;
	v25 =	vld.idx.msk [tilespmem:v9+s18+$0x0], $0xffff  }
0x517: {  	v30 =	vmov v3;
	v27 =	vmul.f32 v27, v11;
	v26 =	vld.idx.msk [tilespmem:v9+s19+$0x0], $0xffff;
	v9 =	vmul.f32 v62, v4  }
0x518: {  	v3 =	vmovc v58;
	v58 =	vmul.f32 v55, v4;
	v59 =	vor.u32 v8, v13;
	[tilespmem:$0x1F340] =	vst v4;
	v24 =	vshll.u32 v24, $0x4  }
0x519: {  	v8 =	vld [tilespmem:$0x1FF20];
	[tilespmem:v52+s28+$0x0] =	vst.idx.msk $0xffff, v9;
	v52 =	vor.u32 v61, v24;
	v24 =	vmul.f32 v27, v4  }
0x51a: {  	v62 =	vld [tilespmem:s8+$0x80];
	[tilespmem:v54+s28+$0x0] =	vst.idx.msk $0xffff, v58  }
0x51b: {  	v54 =	vld [tilespmem:$0x1FF30];
	[tilespmem:v2+s28+$0x0] =	vst.idx.msk $0xffff, v24  }
0x51c: {  	s22 =	sand.u32 $0x3F0, s5;
	v2 =	vld [tilespmem:$0x1F250]  }
0x51d: {  	v9 =	vld [tilespmem:s22+$0x4400]  }
0x51e: {  	s16 =	simm.s32 $0x20;
	v28 =	vmul.f32 v28, v10;
	v58 =	vld [tilespmem:s8+$0x100]  }
0x51f: {  	v43 =	vmul.f32 v43, v16;
	v23 =	vor.u32 v8, v13;
	v8 =	vld [tilespmem:s16+$0x4010]  }
0x520: {  	v28 =	vmul.f32 v28, v4;
	v44 =	vmul.f32 v44, v17;
	v27 =	vld [tilespmem:s22+$0x4800]  }
0x521: {  	v45 =	vmul.f32 v45, v11;
	v62 =	vshll.u32 v62, $0x4;
	v24 =	vld [tilespmem:s22+$0x4C00];
	v43 =	vmul.f32 v43, v2  }
0x522: {  	v55 =	vld [tilespmem:$0x1FE70];
	[tilespmem:v56+s28+$0x0] =	vst.idx.msk $0xffff, v28;
	v56 =	vor.u32 v61, v62;
	v44 =	vmul.f32 v44, v2  }
0x523: {  	v62 =	vld [tilespmem:$0x1FE80];
	v45 =	vmul.f32 v45, v2;
	[tilespmem:v57+s28+$0x0] =	vst.idx.msk $0xffff, v43  }
0x524: {  	v57 =	vld [tilespmem:$0x1FE90];
	[tilespmem:v59+s28+$0x0] =	vst.idx.msk $0xffff, v44  }
0x525: {  	v28 =	vld [tilespmem:s8+$0x180];
	[tilespmem:v23+s28+$0x0] =	vst.idx.msk $0xffff, v45  }
0x526: {  	v4 =	vld [tilespmem:$0x1F100]  }
0x527: {  	v54 =	vor.u32 v54, v13;
	v0 =	vld.idx.msk [tilespmem:v56+s3+$0x0], $0xffff  }
0x528: {  	v46 =	vmul.f32 v46, v10;
	v55 =	vor.u32 v55, v13;
	v43 =	vld.idx.msk [tilespmem:v52+s3+$0x0], $0xffff  }
0x529: {  	v47 =	vmul.f32 v47, v16;
	v44 =	vld.idx.msk [tilespmem:v52+s17+$0x0], $0xffff  }
0x52a: {  	v46 =	vmul.f32 v46, v2;
	v62 =	vor.u32 v62, v13;
	v59 =	vld.idx.msk [tilespmem:v52+s18+$0x0], $0xffff  }
0x52b: {  	v48 =	vmul.f32 v48, v17;
	v45 =	vld [tilespmem:$0x1F730];
	v57 =	vor.u32 v57, v13;
	v47 =	vmul.f32 v47, v4  }
0x52c: {  	v49 =	vmul.f32 v49, v11;
	[tilespmem:v54+s28+$0x0] =	vst.idx.msk $0xffff, v46;
	v46 =	vld.idx.msk [tilespmem:v56+s17+$0x0], $0xffff  }
0x52d: {  	v58 =	vshll.u32 v58, $0x4;
	v54 =	vld.idx.msk [tilespmem:v56+s18+$0x0], $0xffff;
	v48 =	vmul.f32 v48, v4;
	[tilespmem:v55+s28+$0x0] =	vst.idx.msk $0xffff, v47  }
0x52e: {  	v39 =	vor.u32 v63, v22;
	v58 =	vor.u32 v61, v58;
	v23 =	vmovc v63;
	v49 =	vmul.f32 v49, v4;
	v63 =	vld [tilespmem:$0x1F5C0]  }
0x52f: {  	v17 =	vmul.f32 v53, v17;
	v28 =	vshll.u32 v28, $0x4;
	v53 =	vld [tilespmem:$0x1F5D0];
	[tilespmem:v62+s28+$0x0] =	vst.idx.msk $0xffff, v48  }
0x530: {  	s24 =	simm.s32 $0xC0;
	v45 =	vor.u32 v45, v13;
	v55 =	vld.idx.msk [tilespmem:v56+s19+$0x0], $0xffff;
	v56 =	vor.u32 v61, v28;
	[tilespmem:v57+s28+$0x0] =	vst.idx.msk $0xffff, v49  }
0x531: {  	v50 =	vmul.f32 v50, v10;
	v2 =	vmov s24;
	v12 =	vld [tilespmem:$0x1F110]  }
0x532: {  	v52 =	vld.idx.msk [tilespmem:v52+s19+$0x0], $0xffff;
	v47 =	vshll.u32 v2, $0x3  }
0x533: {  	v50 =	vmul.f32 v50, v4;
	v28 =	vbroadcast v47, $0x0;
	v47 =	vld.idx.msk [tilespmem:v58+s3+$0x0], $0xffff;
	v63 =	vor.u32 v63, v13  }
0x534: {  	v16 =	vmul.f32 v51, v16;
	v48 =	vld.idx.msk [tilespmem:v58+s17+$0x0], $0xffff;
	v2 =	vor.u32 v53, v13  }
0x535: {  	[tilespmem:v45+s28+$0x0] =	vst.idx.msk $0xffff, v50;
	v50 =	vld.idx.msk [tilespmem:v56+s3+$0x0], $0xffff  }
0x536: {  	v49 =	vand.u32 $0x7C00, v28;
	v53 =	vld.idx.msk [tilespmem:v58+s18+$0x0], $0xffff;
	v16 =	vmul.f32 v16, v12  }
0x537: {  	v43 =	vmul.f32 v43, v8;
	v57 =	vor.u32 v1, v49;
	v58 =	vld.idx.msk [tilespmem:v58+s19+$0x0], $0xffff;
	v17 =	vmul.f32 v17, v12  }
0x538: {  	v45 =	vor.u32 v60, v49;
	[tilespmem:v63+s28+$0x0] =	vst.idx.msk $0xffff, v16;
	v16 =	vmul.f32 v44, v9;
	v44 =	vld.idx.msk [tilespmem:v56+s17+$0x0], $0xffff  }
0x539: {  	[tilespmem:v2+s28+$0x0] =	vst.idx.msk $0xffff, v17;
	v17 =	vmul.f32 v43, v6;
	v43 =	vld.idx.msk [tilespmem:v56+s18+$0x0], $0xffff  }
0x53a: {  	v31 =	vmul.f32 v31, v18;
	v56 =	vld.idx.msk [tilespmem:v56+s19+$0x0], $0xffff  }
0x53b: {  	v51 =	vld [tilespmem:$0x1FD80];
	v16 =	vmul.f32 v16, v6  }
0x53c: {  	v62 =	vmul.f32 v31, v6;
	v31 =	vmul.f32 v59, v27;
	v59 =	vld [tilespmem:$0x1FEB0];
	[tilespmem:v57+s28+$0x0] =	vst.idx.msk $0xffff, v17  }
0x53d: {  	v57 =	vld [tilespmem:$0x1FD90];
	[tilespmem:v45+s28+$0x0] =	vst.idx.msk $0xffff, v16  }
0x53e: {  	v60 =	vld [tilespmem:$0x1FDA0];
	_ =	sdelay $0x1  }
0x53f: {  	v63 =	vor.u32 v51, v22;
	v51 =	vor.u32 v3, v49;
	_ =	sdelay $0x1  }
0x540: {  	v17 =	vor.u32 v5, v49  }
0x541: {  	v52 =	vmul.f32 v52, v24;
	v31 =	vmul.f32 v31, v6;
	v2 =	vor.u32 v60, v22  }
0x542: {  	[tilespmem:$0x1F120] =	vst v2  }
0x543: {  	v60 =	vmul.f32 v52, v6;
	[tilespmem:v51+s28+$0x0] =	vst.idx.msk $0xffff, v31  }
0x544: {  	v51 =	vld [tilespmem:$0x1FF80]  }
0x545: {  	v52 =	vld [tilespmem:$0x1FF90];
	[tilespmem:v17+s28+$0x0] =	vst.idx.msk $0xffff, v60  }
0x546: {  	v60 =	vld [tilespmem:$0x1FDB0]  }
0x547: {  	v42 =	vmul.f32 v42, v18  }
0x548: {  	v45 =	vor.u32 v59, v49  }
0x549: {  	v16 =	vmul.f32 v42, v7;
	v42 =	vmul.f32 v0, v8;
	_ =	sdelay $0x1  }
0x54a: {  	v42 =	vmul.f32 v42, v7;
	v17 =	vor.u32 v60, v22  }
0x54b: {  	[tilespmem:$0x1F130] =	vst v17  }
0x54c: {  	v31 =	vor.u32 v51, v49;
	v51 =	vld [tilespmem:$0x1FFA0];
	[tilespmem:v45+s28+$0x0] =	vst.idx.msk $0xffff, v42  }
0x54d: {  	v17 =	vmul.f32 v54, v27;
	v54 =	vld [tilespmem:$0x1FFB0]  }
0x54e: {  	v46 =	vmul.f32 v46, v9;
	_ =	sdelay $0x1  }
0x54f: {  	v46 =	vmul.f32 v46, v7;
	v52 =	vor.u32 v52, v49  }
0x550: {  	v51 =	vor.u32 v51, v49  }
0x551: {  	v45 =	vmul.f32 v55, v24;
	v55 =	vld [tilespmem:$0x1FFC0];
	[tilespmem:v31+s28+$0x0] =	vst.idx.msk $0xffff, v46;
	v42 =	vor.u32 v54, v49  }
0x552: {  	v47 =	vmul.f32 v47, v8;
	v17 =	vmul.f32 v17, v7;
	v60 =	vld [tilespmem:$0x1FFD0]  }
0x553: {  	v45 =	vmul.f32 v45, v7  }
0x554: {  	v47 =	vmul.f32 v47, v32;
	[tilespmem:v52+s28+$0x0] =	vst.idx.msk $0xffff, v17  }
0x555: {  	v52 =	vld [tilespmem:$0x1FFE0];
	[tilespmem:v51+s28+$0x0] =	vst.idx.msk $0xffff, v45  }
0x556: {  	v54 =	vor.u32 v55, v49;
	v55 =	vld [tilespmem:$0x1FEC0];
	[tilespmem:v42+s28+$0x0] =	vst.idx.msk $0xffff, v47  }
0x557: {  	v31 =	vor.u32 v60, v49;
	v60 =	vld [tilespmem:$0x1FDC0];
	_ =	sdelay $0x1  }
0x558: {  	v46 =	vld.idx.msk [tilespmem:v20+s3+$0x0], $0xffff  }
0x559: {  	v48 =	vmul.f32 v48, v9;
	v17 =	vld.idx.msk [tilespmem:v20+s18+$0x0], $0xffff  }
0x55a: {  	v20 =	vld.idx.msk [tilespmem:v20+s19+$0x0], $0xffff  }
0x55b: {  	v48 =	vmul.f32 v48, v32;
	v51 =	vmul.f32 v53, v27;
	v53 =	vld.idx.msk [tilespmem:v19+s3+$0x0], $0xffff;
	v47 =	vor.u32 v60, v22  }
0x55c: {  	v42 =	vld.idx.msk [tilespmem:v19+s18+$0x0], $0xffff;
	[tilespmem:$0x1F140] =	vst v47  }
0x55d: {  	[tilespmem:v54+s28+$0x0] =	vst.idx.msk $0xffff, v48  }
0x55e: {  	v60 =	vld [tilespmem:$0x1FDD0];
	_ =	sdelay $0x3  }
0x55f: {  	v45 =	vor.u32 v55, v49  }
0x560: {  	v55 =	vmul.f32 v58, v24;
	v58 =	vmul.f32 v51, v32;
	v2 =	vor.u32 v60, v22  }
0x561: {  	v19 =	vld.idx.msk [tilespmem:v19+s19+$0x0], $0xffff;
	[tilespmem:$0x1F150] =	vst v2  }
0x562: {  	[tilespmem:v31+s28+$0x0] =	vst.idx.msk $0xffff, v58  }
0x563: {  	v52 =	vor.u32 v52, v49;
	v54 =	vmul.f32 v55, v32;
	v55 =	vld [tilespmem:$0x1FED0];
	_ =	sdelay $0x3  }
0x564: {  	v50 =	vmul.f32 v50, v8  }
0x565: {  	[tilespmem:v52+s28+$0x0] =	vst.idx.msk $0xffff, v54;
	v47 =	vor.u32 v55, v49  }
0x566: {  	v44 =	vmul.f32 v44, v9;
	v31 =	vmul.f32 v50, v30;
	v58 =	vld [tilespmem:$0x1FEE0]  }
0x567: {  	v51 =	vld.idx.msk [tilespmem:v21+s3+$0x0], $0xffff  }
0x568: {  	v44 =	vmul.f32 v44, v30;
	v60 =	vld [tilespmem:$0x1FEF0];
	[tilespmem:v45+s28+$0x0] =	vst.idx.msk $0xffff, v31  }
0x569: {  	v1 =	vmul.f32 v56, v24;
	v56 =	vld [tilespmem:$0x1F5F0]  }
0x56a: {  	v55 =	vld [tilespmem:$0x1F5E0];
	[tilespmem:v47+s28+$0x0] =	vst.idx.msk $0xffff, v44  }
0x56b: {  	v48 =	vor.u32 v58, v49;
	v58 =	vld [tilespmem:$0x1FDE0]  }
0x56c: {  	v50 =	vld.idx.msk [tilespmem:v21+s17+$0x0], $0xffff  }
0x56d: {  	v52 =	vld.idx.msk [tilespmem:v21+s18+$0x0], $0xffff  }
0x56e: {  	v43 =	vmul.f32 v43, v27;
	v45 =	vld.idx.msk [tilespmem:v21+s19+$0x0], $0xffff;
	v49 =	vor.u32 v60, v49  }
0x56f: {  	v11 =	vmul.f32 v25, v11;
	v31 =	vld [tilespmem:s29+$0x4000]  }
0x570: {  	v10 =	vmul.f32 v26, v10;
	v25 =	vmul.f32 v43, v30;
	v60 =	vld [tilespmem:s14+$0x4800];
	v26 =	vor.u32 v58, v22  }
0x571: {  	v2 =	vmul.f32 v1, v30;
	v44 =	vld.idx.msk [tilespmem:v41+s3+$0x0], $0xffff;
	[tilespmem:$0x1F160] =	vst v26  }
0x572: {  	[tilespmem:v48+s28+$0x0] =	vst.idx.msk $0xffff, v25  }
0x573: {  	[tilespmem:v49+s28+$0x0] =	vst.idx.msk $0xffff, v2  }
0x574: {  	v25 =	vld [tilespmem:$0x1FDF0]  }
0x575: {  	v47 =	vmul.f32 v50, v18;
	v50 =	vld [tilespmem:$0x1FE00];
	_ =	sdelay $0x1  }
0x576: {  	v21 =	vor.u32 v55, v13;
	_ =	sdelay $0x1  }
0x577: {  	v49 =	vor.u32 v25, v22  }
0x578: {  	v11 =	vmul.f32 v11, v12;
	v26 =	vld [tilespmem:s14+$0x4C00];
	v2 =	vor.u32 v50, v22;
	[tilespmem:$0x1F170] =	vst v49  }
0x579: {  	[tilespmem:$0x1F180] =	vst v2  }
0x57a: {  	[tilespmem:v21+s28+$0x0] =	vst.idx.msk $0xffff, v11  }
0x57b: {  	v48 =	vld [tilespmem:$0x1FE10];
	_ =	sdelay $0x1  }
0x57c: {  	v13 =	vor.u32 v56, v13;
	_ =	sdelay $0x2  }
0x57d: {  	v10 =	vmul.f32 v10, v12;
	v11 =	vld [tilespmem:s8+$0x200];
	v21 =	vor.u32 v48, v22  }
0x57e: {  	v43 =	vld.idx.msk [tilespmem:v41+s17+$0x0], $0xffff;
	[tilespmem:$0x1F190] =	vst v21  }
0x57f: {  	[tilespmem:v13+s28+$0x0] =	vst.idx.msk $0xffff, v10  }
0x580: {  	v50 =	vld [tilespmem:$0x1FE30];
	_ =	sdelay $0x2  }
0x581: {  	v49 =	vld [tilespmem:$0x1FE20];
	_ =	sdelay $0x1  }
0x582: {  	v21 =	vor.u32 v50, v22;
	v50 =	vld [tilespmem:$0x1FE40];
	_ =	sdelay $0x2  }
0x583: {  	v46 =	vmul.f32 v46, v31;
	v13 =	vor.u32 v49, v22  }
0x584: {  	v10 =	vld.idx.msk [tilespmem:v41+s18+$0x0], $0xffff;
	[tilespmem:$0x1F1A0] =	vst v13  }
0x585: {  	v46 =	vmul.f32 v46, v6;
	v13 =	vmul.f32 v17, v60;
	[tilespmem:$0x1F1B0] =	vst v21;
	v21 =	vor.u32 v50, v22  }
0x586: {  	v20 =	vmul.f32 v20, v26;
	v41 =	vld.idx.msk [tilespmem:v41+s19+$0x0], $0xffff;
	[tilespmem:$0x1F1C0] =	vst v21  }
0x587: {  	v13 =	vmul.f32 v13, v6;
	[tilespmem:v40+s28+$0x0] =	vst.idx.msk $0xffff, v46  }
0x588: {  	v20 =	vmul.f32 v20, v6;
	[tilespmem:v39+s28+$0x0] =	vst.idx.msk $0xffff, v62  }
0x589: {  	s6 =	simm.s32 $0x2;
	[tilespmem:v38+s28+$0x0] =	vst.idx.msk $0xffff, v13  }
0x58a: {  	s29 =	sand.u32 $0x7, s6;
	[tilespmem:v14+s28+$0x0] =	vst.idx.msk $0xffff, v20  }
0x58b: {  	s0 =	sshll.u32 s29, $0x4;
	v21 =	vld [tilespmem:$0x1FE50]  }
0x58c: {  	s0 =	sadd.s32 $0x100, s0  }
0x58d: {  	s20 =	simm.s32 $0x20;
	s0 =	sadd.s32 $0x10, s0  }
0x58e: {  	s31 =	sand.u32 $0x60, s20;
	s0 =	sor.u32 $0x300, s0;
	v2 =	vmul.f32 v53, v31;
	v48 =	vld [tilespmem:s8+$0x280]  }
0x58f: {  	v29 =	vmov v18;
	s8 =	sor.u32 s31, s2;
	v18 =	vld [tilespmem:s0+$0x7080]  }
0x590: {  	v17 =	vmul.f32 v42, v60;
	v40 =	vmul.f32 v2, v7;
	v46 =	vld [tilespmem:s8+$0x0];
	v20 =	vor.u32 v21, v22  }
0x591: {  	v19 =	vmul.f32 v19, v26;
	v13 =	vld [tilespmem:s8+$0x80];
	[tilespmem:$0x1F1D0] =	vst v20  }
0x592: {  	v17 =	vmul.f32 v17, v7;
	v20 =	vmul.f32 v51, v31;
	[tilespmem:v37+s28+$0x0] =	vst.idx.msk $0xffff, v40  }
0x593: {  	v19 =	vmul.f32 v19, v7;
	[tilespmem:v15+s28+$0x0] =	vst.idx.msk $0xffff, v16  }
0x594: {  	v20 =	vmul.f32 v20, v32;
	[tilespmem:v36+s28+$0x0] =	vst.idx.msk $0xffff, v17  }
0x595: {  	v42 =	vmul.f32 v47, v32;
	[tilespmem:v33+s28+$0x0] =	vst.idx.msk $0xffff, v19  }
0x596: {  	[tilespmem:v35+s28+$0x0] =	vst.idx.msk $0xffff, v20  }
0x597: {  	[tilespmem:v34+s28+$0x0] =	vst.idx.msk $0xffff, v42  }
0x598: {  	v42 =	vld [tilespmem:$0x1F1E0];
	_ =	sdelay $0x3  }
0x599: {  	v52 =	vmul.f32 v52, v60;
	_ =	sdelay $0x1  }
0x59a: {  	v47 =	vmul.f32 v52, v32;
	_ =	sdelay $0x1  }
0x59b: {  	[tilespmem:v42+s28+$0x0] =	vst.idx.msk $0xffff, v47  }
0x59c: {  	v0 =	vld [tilespmem:$0x1F1F0];
	_ =	sdelay $0x3  }
0x59d: {  	v53 =	vmul.f32 v45, v26;
	_ =	sdelay $0x1  }
0x59e: {  	v62 =	vmul.f32 v53, v32;
	_ =	sdelay $0x1  }
0x59f: {  	[tilespmem:v0+s28+$0x0] =	vst.idx.msk $0xffff, v62  }
0x5a0: {  	v0 =	vld [tilespmem:$0x1F200];
	_ =	sdelay $0x3  }
0x5a1: {  	v19 =	vmul.f32 v44, v31;
	_ =	sdelay $0x1  }
0x5a2: {  	v19 =	vmul.f32 v19, v30;
	_ =	sdelay $0x1  }
0x5a3: {  	[tilespmem:v0+s28+$0x0] =	vst.idx.msk $0xffff, v19  }
0x5a4: {  	v11 =	vshll.u32 v11, $0x4;
	v0 =	vld [tilespmem:$0x1F210]  }
0x5a5: {  	v11 =	vor.u32 v61, v11;
	_ =	sdelay $0x2  }
0x5a6: {  	v52 =	vmul.f32 v43, v29  }
0x5a7: {  	s10 =	sor.u32 s5, s4;
	v49 =	vld [tilespmem:s8+$0x100]  }
0x5a8: {  	v43 =	vmul.f32 v52, v30;
	s0 =	sor.u32 $0x380, s10;
	v14 =	vld.idx.msk [tilespmem:v11+s17+$0x0], $0xffff  }
0x5a9: {  	v51 =	vshll.u32 v48, $0x4;
	v15 =	vld [tilespmem:s0+$0x7080]  }
0x5aa: {  	v16 =	vor.u32 v61, v51;
	v17 =	vld.idx.msk [tilespmem:v11+s3+$0x0], $0xffff;
	[tilespmem:v0+s28+$0x0] =	vst.idx.msk $0xffff, v43  }
0x5ab: {  	v0 =	vld [tilespmem:$0x1F230]  }
0x5ac: {  	v62 =	vld [tilespmem:$0x1FE60]  }
0x5ad: {  	v20 =	vld.idx.msk [tilespmem:v11+s18+$0x0], $0xffff  }
0x5ae: {  	v5 =	vmov v32;
	v18 =	vshll.u32 v18, $0x4;
	v34 =	vld.idx.msk [tilespmem:v11+s19+$0x0], $0xffff  }
0x5af: {  	v10 =	vmul.f32 v10, v60;
	v11 =	vor.u32 v61, v18;
	v18 =	vmul.f32 v41, v26;
	v32 =	vld.idx.msk [tilespmem:v16+s3+$0x0], $0xffff  }
0x5b0: {  	v3 =	vmov v30;
	v54 =	vmov v12;
	v33 =	vld.idx.msk [tilespmem:v16+s17+$0x0], $0xffff  }
0x5b1: {  	v10 =	vmul.f32 v10, v30;
	v18 =	vmul.f32 v18, v30;
	v30 =	vld.idx.msk [tilespmem:v16+s18+$0x0], $0xffff;
	v12 =	vor.u32 v62, v22  }
0x5b2: {  	v16 =	vld.idx.msk [tilespmem:v16+s19+$0x0], $0xffff;
	[tilespmem:$0x1F220] =	vst v12  }
0x5b3: {  	[tilespmem:v0+s28+$0x0] =	vst.idx.msk $0xffff, v10  }
0x5b4: {  	v0 =	vld [tilespmem:$0x1F240];
	_ =	sdelay $0x5  }
0x5b5: {  	v15 =	vshll.u32 v15, $0x4  }
0x5b6: {  	v15 =	vor.u32 v61, v15  }
0x5b7: {  	v57 =	vor.u32 v57, v22;
	v22 =	vld.idx.msk [tilespmem:v11+s17+$0x0], $0xffff;
	[tilespmem:v0+s28+$0x0] =	vst.idx.msk $0xffff, v18  }
0x5b8: {  	v1 =	vmov v7;
	v7 =	vld [tilespmem:$0x1FF50]  }
0x5b9: {  	s9 =	simm.s32 $0x80;
	v35 =	vld.idx.msk [tilespmem:v11+s18+$0x0], $0xffff  }
0x5ba: {  	v19 =	vmov s9;
	v40 =	vld.idx.msk [tilespmem:v11+s19+$0x0], $0xffff  }
0x5bb: {  	v19 =	vshll.u32 v19, $0x3;
	v42 =	vld.idx.msk [tilespmem:v15+s3+$0x0], $0xffff  }
0x5bc: {  	v10 =	vbroadcast v19, $0x0;
	v19 =	vld.idx.msk [tilespmem:v11+s3+$0x0], $0xffff  }
0x5bd: {  	v39 =	vor.u32 v7, v28;
	v7 =	vld [tilespmem:$0x1FF60]  }
0x5be: {  	v0 =	vld [tilespmem:$0x1FEA0]  }
0x5bf: {  	v45 =	vld [tilespmem:$0x1FF40]  }
0x5c0: {  	v44 =	vld [tilespmem:$0x1FC90]  }
0x5c1: {  	v12 =	vshll.u32 v46, $0x4;
	v46 =	vld [tilespmem:$0x1FCA0]  }
0x5c2: {  	v48 =	vor.u32 v7, v28;
	v7 =	vld [tilespmem:$0x1F340]  }
0x5c3: {  	v47 =	vld [tilespmem:$0x1FCB0]  }
0x5c4: {  	v18 =	vshll.u32 v49, $0x4;
	v49 =	vld [tilespmem:$0x1FCC0];
	v38 =	vor.u32 v45, v28  }
0x5c5: {  	v17 =	vmul.f32 v17, v8;
	v36 =	vor.u32 v23, v10;
	v23 =	vld [tilespmem:$0x1FF70]  }
0x5c6: {  	v14 =	vmul.f32 v14, v9;
	v52 =	vld [tilespmem:$0x1FF00]  }
0x5c7: {  	v20 =	vmul.f32 v20, v27;
	v37 =	vor.u32 v44, v10;
	v44 =	vld.idx.msk [tilespmem:v15+s17+$0x0], $0xffff;
	v17 =	vmul.f32 v17, v7  }
0x5c8: {  	v45 =	vld.idx.msk [tilespmem:v15+s18+$0x0], $0xffff;
	v14 =	vmul.f32 v14, v7  }
0x5c9: {  	v15 =	vld.idx.msk [tilespmem:v15+s19+$0x0], $0xffff;
	v20 =	vmul.f32 v20, v7;
	[tilespmem:v38+s28+$0x0] =	vst.idx.msk $0xffff, v17  }
0x5ca: {  	v34 =	vmul.f32 v34, v24;
	v38 =	vld [tilespmem:$0x1FF10];
	[tilespmem:v39+s28+$0x0] =	vst.idx.msk $0xffff, v14  }
0x5cb: {  	v41 =	vor.u32 v46, v10;
	v46 =	vor.u32 v23, v28;
	v39 =	vld [tilespmem:$0x1FF20];
	[tilespmem:v48+s28+$0x0] =	vst.idx.msk $0xffff, v20  }
0x5cc: {  	v34 =	vmul.f32 v34, v7;
	v7 =	vld [tilespmem:$0x1F250];
	_ =	sdelay $0x1  }
0x5cd: {  	v53 =	vor.u32 v52, v28  }
0x5ce: {  	v32 =	vmul.f32 v32, v8;
	v17 =	vor.u32 v38, v28  }
0x5cf: {  	v33 =	vmul.f32 v33, v9;
	v48 =	vld [tilespmem:$0x1FF30];
	[tilespmem:v46+s28+$0x0] =	vst.idx.msk $0xffff, v34;
	v38 =	vor.u32 v39, v28  }
0x5d0: {  	v30 =	vmul.f32 v30, v27;
	v11 =	vor.u32 v49, v10;
	v49 =	vld [tilespmem:$0x1FE70];
	v32 =	vmul.f32 v32, v7  }
0x5d1: {  	v33 =	vmul.f32 v33, v7  }
0x5d2: {  	v30 =	vmul.f32 v30, v7;
	[tilespmem:v53+s28+$0x0] =	vst.idx.msk $0xffff, v32  }
0x5d3: {  	v52 =	vld [tilespmem:$0x1FE80];
	[tilespmem:v17+s28+$0x0] =	vst.idx.msk $0xffff, v33  }
0x5d4: {  	v43 =	vor.u32 v48, v28;
	v53 =	vld [tilespmem:$0x1FE90];
	[tilespmem:v38+s28+$0x0] =	vst.idx.msk $0xffff, v30  }
0x5d5: {  	v16 =	vmul.f32 v16, v24;
	v34 =	vor.u32 v49, v28;
	v33 =	vld [tilespmem:$0x1FCD0]  }
0x5d6: {  	v19 =	vmul.f32 v19, v8  }
0x5d7: {  	v16 =	vmul.f32 v16, v7  }
0x5d8: {  	v19 =	vmul.f32 v19, v4  }
0x5d9: {  	v12 =	vor.u32 v61, v12;
	[tilespmem:v43+s28+$0x0] =	vst.idx.msk $0xffff, v16  }
0x5da: {  	v30 =	vor.u32 v33, v10;
	v33 =	vmul.f32 v35, v27;
	v35 =	vld [tilespmem:$0x1FCE0];
	[tilespmem:v34+s28+$0x0] =	vst.idx.msk $0xffff, v19  }
0x5db: {  	v51 =	vor.u32 v47, v10;
	v47 =	vld [tilespmem:$0x1F730];
	_ =	sdelay $0x1  }
0x5dc: {  	v14 =	vld [tilespmem:s8+$0x180];
	v32 =	vor.u32 v52, v28  }
0x5dd: {  	v22 =	vmul.f32 v22, v9;
	v20 =	vld.idx.msk [tilespmem:v12+s3+$0x0], $0xffff;
	v17 =	vor.u32 v53, v28  }
0x5de: {  	v43 =	vld [tilespmem:$0x1FCF0]  }
0x5df: {  	s14 =	sand.u32 $0x3E0, s20;
	v22 =	vmul.f32 v22, v4;
	v46 =	vld.idx.msk [tilespmem:v12+s18+$0x0], $0xffff;
	v34 =	vor.u32 v47, v28  }
0x5e0: {  	v13 =	vshll.u32 v13, $0x4;
	v39 =	vld [tilespmem:s14+$0x4400];
	v53 =	vmul.f32 v40, v24;
	v33 =	vmul.f32 v33, v4  }
0x5e1: {  	v13 =	vor.u32 v61, v13;
	v48 =	vld.idx.msk [tilespmem:v12+s17+$0x0], $0xffff;
	[tilespmem:v32+s28+$0x0] =	vst.idx.msk $0xffff, v22  }
0x5e2: {  	v12 =	vld.idx.msk [tilespmem:v12+s19+$0x0], $0xffff;
	[tilespmem:v17+s28+$0x0] =	vst.idx.msk $0xffff, v33;
	v16 =	vor.u32 v35, v10;
	v35 =	vmul.f32 v53, v4  }
0x5e3: {  	v19 =	vor.u32 v43, v10;
	v43 =	vld [tilespmem:$0x1F5C0]  }
0x5e4: {  	v2 =	vor.u32 v0, v10;
	v0 =	vmul.f32 v42, v8;
	v8 =	vld [tilespmem:$0x1F5D0];
	[tilespmem:v34+s28+$0x0] =	vst.idx.msk $0xffff, v35  }
0x5e5: {  	v4 =	vld [tilespmem:$0x1FD00]  }
0x5e6: {  	v7 =	vld [tilespmem:s16+$0x4000]  }
0x5e7: {  	v18 =	vor.u32 v61, v18;
	v49 =	vld.idx.msk [tilespmem:v13+s3+$0x0], $0xffff  }
0x5e8: {  	v38 =	vld.idx.msk [tilespmem:v13+s17+$0x0], $0xffff;
	v17 =	vor.u32 v43, v28  }
0x5e9: {  	v52 =	vld.idx.msk [tilespmem:v13+s18+$0x0], $0xffff;
	v33 =	vor.u32 v8, v28  }
0x5ea: {  	v0 =	vmul.f32 v0, v54;
	v9 =	vmul.f32 v44, v9;
	v22 =	vmovc v54;
	v54 =	vor.u32 v4, v10;
	v4 =	vld [tilespmem:$0x1FD10]  }
0x5eb: {  	v14 =	vshll.u32 v14, $0x4;
	v13 =	vld.idx.msk [tilespmem:v13+s19+$0x0], $0xffff  }
0x5ec: {  	v14 =	vor.u32 v61, v14;
	v40 =	vld.idx.msk [tilespmem:v18+s17+$0x0], $0xffff;
	v9 =	vmul.f32 v9, v22  }
0x5ed: {  	v32 =	vld.idx.msk [tilespmem:v18+s3+$0x0], $0xffff;
	v47 =	vor.u32 v55, v28;
	[tilespmem:v17+s28+$0x0] =	vst.idx.msk $0xffff, v0  }
0x5ee: {  	v27 =	vmul.f32 v45, v27;
	v53 =	vld.idx.msk [tilespmem:v18+s18+$0x0], $0xffff;
	v28 =	vor.u32 v56, v28;
	[tilespmem:v33+s28+$0x0] =	vst.idx.msk $0xffff, v9  }
0x5ef: {  	v15 =	vmul.f32 v15, v24;
	v24 =	vor.u32 v4, v10;
	v4 =	vld [tilespmem:$0x1FD20]  }
0x5f0: {  	v18 =	vld.idx.msk [tilespmem:v18+s19+$0x0], $0xffff;
	v55 =	vmul.f32 v27, v22  }
0x5f1: {  	v15 =	vmul.f32 v15, v22;
	v27 =	vld.idx.msk [tilespmem:v14+s17+$0x0], $0xffff  }
0x5f2: {  	v8 =	vld [tilespmem:s14+$0x4C00];
	[tilespmem:v47+s28+$0x0] =	vst.idx.msk $0xffff, v55  }
0x5f3: {  	v0 =	vld [tilespmem:$0x1FD30];
	[tilespmem:v28+s28+$0x0] =	vst.idx.msk $0xffff, v15  }
0x5f4: {  	v43 =	vor.u32 v4, v10;
	v4 =	vld [tilespmem:$0x1FD40]  }
0x5f5: {  	v20 =	vmul.f32 v20, v7;
	v35 =	vld [tilespmem:s14+$0x4800]  }
0x5f6: {  	v56 =	vld.idx.msk [tilespmem:v14+s18+$0x0], $0xffff;
	v9 =	vmul.f32 v48, v39  }
0x5f7: {  	v17 =	vld.idx.msk [tilespmem:v14+s3+$0x0], $0xffff;
	v33 =	vmul.f32 v20, v6  }
0x5f8: {  	v20 =	vld.idx.msk [tilespmem:v14+s19+$0x0], $0xffff;
	v9 =	vmul.f32 v9, v6  }
0x5f9: {  	v22 =	vor.u32 v4, v10;
	v4 =	vld [tilespmem:$0x1FD50];
	[tilespmem:v2+s28+$0x0] =	vst.idx.msk $0xffff, v33  }
0x5fa: {  	v45 =	vor.u32 v0, v10;
	v0 =	vld [tilespmem:$0x1FD60];
	[tilespmem:v36+s28+$0x0] =	vst.idx.msk $0xffff, v9  }
0x5fb: {  	v44 =	vld [tilespmem:$0x1FD80];
	_ =	sdelay $0x1  }
0x5fc: {  	v15 =	vmul.f32 v46, v35;
	_ =	sdelay $0x1  }
0x5fd: {  	v15 =	vmul.f32 v15, v6  }
0x5fe: {  	v14 =	vld [tilespmem:s15+$0x200];
	[tilespmem:$0x1F270] =	vst v6;
	v42 =	vor.u32 v4, v10;
	v4 =	vor.u32 v0, v10;
	v0 =	vor.u32 v44, v10  }
0x5ff: {  	[tilespmem:$0x1F260] =	vst v0  }
0x600: {  	v36 =	vld [tilespmem:$0x1FD70];
	[tilespmem:v37+s28+$0x0] =	vst.idx.msk $0xffff, v15  }
0x601: {  	v46 =	vld [tilespmem:$0x1FD90];
	_ =	sdelay $0x2  }
0x602: {  	v12 =	vmul.f32 v12, v8  }
0x603: {  	v28 =	vmul.f32 v49, v7  }
0x604: {  	v12 =	vmul.f32 v12, v6;
	v9 =	vmul.f32 v38, v39;
	v0 =	vor.u32 v46, v10  }
0x605: {  	v15 =	vmul.f32 v28, v1;
	v47 =	vld [tilespmem:$0x1FDA0];
	[tilespmem:$0x1F280] =	vst v0  }
0x606: {  	s22 =	sand.u32 $0x3, s12;
	v9 =	vmul.f32 v9, v1;
	[tilespmem:v41+s28+$0x0] =	vst.idx.msk $0xffff, v12;
	v12 =	vshll.u32 v14, $0x4;
	v14 =	vld [tilespmem:s15+$0x280]  }
0x607: {  	s0 =	sshll.u32 s22, $0x5;
	v23 =	vmov v29;
	v48 =	vld [tilespmem:$0x1FDB0];
	v29 =	vor.u32 v61, v12;
	[tilespmem:v51+s28+$0x0] =	vst.idx.msk $0xffff, v15;
	v12 =	vmul.f32 v52, v35  }
0x608: {  	s0 =	sadd.s32 $0x0, s0;
	v13 =	vmul.f32 v13, v8;
	v15 =	vmul.f32 v53, v35;
	v51 =	vld [tilespmem:$0x1FDC0]  }
0x609: {  	s0 =	sor.u32 $0x300, s0;
	v52 =	vld [tilespmem:$0x1FDD0];
	[tilespmem:v11+s28+$0x0] =	vst.idx.msk $0xffff, v9;
	v53 =	vmul.f32 v12, v1  }
0x60a: {  	v11 =	vmul.f32 v13, v1;
	v12 =	vmul.f32 v15, v5;
	v15 =	vld [tilespmem:s0+$0x7080];
	[tilespmem:$0x1F290] =	vst v1  }
0x60b: {  	v9 =	vmul.f32 v32, v7;
	[tilespmem:v30+s28+$0x0] =	vst.idx.msk $0xffff, v53  }
0x60c: {  	v13 =	vshll.u32 v14, $0x4;
	v14 =	vmul.f32 v27, v39;
	v27 =	vld.idx.msk [tilespmem:v29+s3+$0x0], $0xffff;
	[tilespmem:v16+s28+$0x0] =	vst.idx.msk $0xffff, v11  }
0x60d: {  	v9 =	vmul.f32 v9, v5;
	v55 =	vld.idx.msk [tilespmem:v29+s17+$0x0], $0xffff;
	[tilespmem:$0x1F2A0] =	vst v7  }
0x60e: {  	s24 =	sor.u32 s13, s12;
	v28 =	vmul.f32 v40, v39;
	v11 =	vmul.f32 v18, v8;
	v18 =	vld.idx.msk [tilespmem:v29+s18+$0x0], $0xffff;
	[tilespmem:$0x1F2B0] =	vst v8  }
0x60f: {  	v17 =	vmul.f32 v17, v7;
	s0 =	sor.u32 $0x380, s24;
	[tilespmem:v19+s28+$0x0] =	vst.idx.msk $0xffff, v9  }
0x610: {  	v28 =	vmul.f32 v28, v5;
	v19 =	vld [tilespmem:s0+$0x7080];
	[tilespmem:$0x1F2C0] =	vst v5  }
0x611: {  	v9 =	vshll.u32 v15, $0x4;
	v15 =	vmul.f32 v17, v3;
	v17 =	vld.idx.msk [tilespmem:v29+s19+$0x0], $0xffff;
	[tilespmem:$0x1F2D0] =	vst v3  }
0x612: {  	[tilespmem:v54+s28+$0x0] =	vst.idx.msk $0xffff, v28  }
0x613: {  	v44 =	vld [tilespmem:$0x1FE00]  }
0x614: {  	v49 =	vor.u32 v47, v10;
	v13 =	vor.u32 v61, v13;
	v47 =	vld [tilespmem:$0x1FE10]  }
0x615: {  	v54 =	vld [tilespmem:$0x1FE20]  }
0x616: {  	v20 =	vmul.f32 v20, v8;
	v33 =	vor.u32 v36, v10  }
0x617: {  	v36 =	vor.u32 v58, v10;
	v30 =	vmul.f32 v56, v35;
	v41 =	vor.u32 v48, v10;
	v32 =	vld [tilespmem:$0x1FE30]  }
0x618: {  	v38 =	vor.u32 v52, v10;
	v58 =	vor.u32 v61, v9;
	v46 =	vor.u32 v44, v10  }
0x619: {  	v9 =	vmul.f32 v20, v3;
	v20 =	vld.idx.msk [tilespmem:v13+s3+$0x0], $0xffff;
	v48 =	vor.u32 v47, v10;
	[tilespmem:$0x1F2E0] =	vst v46  }
0x61a: {  	v52 =	vmul.f32 v55, v23;
	v55 =	vor.u32 v54, v10;
	v56 =	vld.idx.msk [tilespmem:v13+s17+$0x0], $0xffff;
	[tilespmem:$0x1F2F0] =	vst v48  }
0x61b: {  	v34 =	vor.u32 v25, v10;
	v47 =	vld [tilespmem:$0x1F340];
	[tilespmem:$0x1F300] =	vst v55  }
0x61c: {  	v40 =	vor.u32 v51, v10;
	v14 =	vmul.f32 v14, v3;
	v37 =	vor.u32 v32, v10;
	v55 =	vld.idx.msk [tilespmem:v13+s18+$0x0], $0xffff  }
0x61d: {  	v16 =	vmul.f32 v11, v5;
	v44 =	vor.u32 v50, v10;
	v54 =	vld.idx.msk [tilespmem:v13+s19+$0x0], $0xffff;
	[tilespmem:$0x1F310] =	vst v37  }
0x61e: {  	s29 =	simm.s32 $0x1;
	v11 =	vmul.f32 v30, v3;
	v51 =	vmul.f32 v27, v31;
	v46 =	vor.u32 v21, v10;
	[tilespmem:$0x1F320] =	vst v44  }
0x61f: {  	s0 =	sand.u32 $0x3, s29;
	v32 =	vor.u32 v62, v10;
	v10 =	vmul.f32 v17, v26;
	v17 =	vshll.u32 v19, $0x4;
	[tilespmem:$0x1F330] =	vst v46  }
0x620: {  	s11 =	sadd.s32 s7, s11;
	s0 =	sshll.u32 s0, $0x5;
	v53 =	vmul.f32 v18, v60;
	v20 =	vmul.f32 v20, v31;
	v62 =	vor.u32 v61, v17;
	v17 =	vld.idx.msk [tilespmem:v58+s18+$0x0], $0xffff  }
0x621: {  	s31 =	sor.u32 s20, s4;
	s20 =	simm.s32 $0x2;
	s0 =	sadd.s32 $0x100, s0;
	v18 =	vmul.f32 v51, v47;
	v51 =	vld.idx.msk [tilespmem:v58+s3+$0x0], $0xffff;
	v19 =	vmul.f32 v52, v47  }
0x622: {  	s13 =	sor.u32 $0x380, s31;
	s15 =	simm.s32 $0x2;
	s12 =	sor.u32 $0x300, s0;
	v13 =	vmul.f32 v53, v47;
	v52 =	vld.idx.msk [tilespmem:v58+s17+$0x0], $0xffff;
	v10 =	vmul.f32 v10, v47  }
.LBB2_5:
0x623: {  	v1 =	vld [tilespmem:$0x1F0F0]  }
0x624: {  	v0 =	vld [tilespmem:$0x1F260]  }
0x625: {  	v53 =	vld [tilespmem:$0x1F120]  }
0x626: {  	v44 =	vmul.f32 v56, v23;
	v56 =	vld [tilespmem:$0x1F130]  }
0x627: {  	v47 =	vmul.f32 v55, v60;
	v55 =	vmov v35;
	v35 =	vld [tilespmem:$0x1F160]  }
0x628: {  	v5 =	vld [tilespmem:$0x1FF60]  }
0x629: {  	s4 =	sadd.s32 $0x100, s4;
	v6 =	vld [tilespmem:$0x1FF70]  }
0x62a: {  	s5 =	sadd.s32 $0x20, s5;
	v7 =	vld [tilespmem:$0x1FEF0];
	s2 =	sand.u32 $0x1C00, s4  }
0x62b: {  	[tilespmem:$0x1EF30] =	vst v32;
	s14 =	sand.u32 $0x70, s5;
	s16 =	sadd.s32 $0x7080, s2;
	v32 =	vmul.f32 v52, v23;
	v52 =	vmov v39;
	v39 =	vld [tilespmem:$0x1F170]  }
0x62c: {  	s2 =	sor.u32 s14, s16;
	[tilespmem:v24+s28+$0x0] =	vst.idx.msk $0xffff, v12;
	v24 =	vld [tilespmem:$0x1F250]  }
0x62d: {  	v37 =	vld [tilespmem:s2+$0x0]  }
0x62e: {  	v3 =	vmov v33;
	v33 =	vld [tilespmem:$0x1FEA0]  }
0x62f: {  	[tilespmem:$0x1EF80] =	vst v52;
	v52 =	vld [tilespmem:$0x1FD00]  }
0x630: {  	v12 =	vld.idx.msk [tilespmem:v58+s19+$0x0], $0xffff;
	[tilespmem:v43+s28+$0x0] =	vst.idx.msk $0xffff, v16  }
0x631: {  	[tilespmem:$0x1F0F0] =	vst v3;
	v3 =	vld [tilespmem:$0x1FEE0]  }
0x632: {  	v16 =	vld.idx.msk [tilespmem:v62+s3+$0x0], $0xffff;
	[tilespmem:v45+s28+$0x0] =	vst.idx.msk $0xffff, v15  }
0x633: {  	v15 =	vld.idx.msk [tilespmem:v62+s17+$0x0], $0xffff  }
0x634: {  	[tilespmem:v22+s28+$0x0] =	vst.idx.msk $0xffff, v14;
	v22 =	vld [tilespmem:$0x1F100]  }
0x635: {  	v14 =	vmul.f32 v51, v31;
	v51 =	vld [tilespmem:$0x1FCF0]  }
0x636: {  	v45 =	vld.idx.msk [tilespmem:v62+s18+$0x0], $0xffff;
	[tilespmem:v42+s28+$0x0] =	vst.idx.msk $0xffff, v11  }
0x637: {  	s22 =	sadd.s32 $0xFFFFFFF0, s5;
	v11 =	vld.idx.msk [tilespmem:v62+s19+$0x0], $0xffff  }
0x638: {  	s24 =	sand.u32 $0x60, s22;
	v62 =	vmov v49;
	v49 =	vld [tilespmem:$0x1FCD0]  }
0x639: {  	s24 =	sor.u32 s24, s16;
	[tilespmem:v4+s28+$0x0] =	vst.idx.msk $0xffff, v9;
	v4 =	vld [tilespmem:$0x1FF50]  }
0x63a: {  	s31 =	sand.u32 $0x3F0, s5;
	v9 =	vmul.f32 v17, v60;
	v17 =	vld [tilespmem:s24+$0x0];
	[tilespmem:v1+s28+$0x0] =	vst.idx.msk $0xffff, v18  }
0x63b: {  	[tilespmem:$0x1F120] =	vst v62;
	v62 =	vld [tilespmem:s31+$0x4C00]  }
0x63c: {  	v42 =	vld [tilespmem:s24+$0x80]  }
0x63d: {  	[tilespmem:v63+s28+$0x0] =	vst.idx.msk $0xffff, v19;
	v19 =	vld [tilespmem:s2+$0x80]  }
0x63e: {  	v48 =	vmul.f32 v54, v26;
	v63 =	vld [tilespmem:$0x1F110]  }
0x63f: {  	v50 =	vld [tilespmem:s24+$0x100]  }
0x640: {  	v46 =	vmul.f32 v48, v24;
	[tilespmem:v57+s28+$0x0] =	vst.idx.msk $0xffff, v13;
	v57 =	vld [tilespmem:$0x1F280]  }
0x641: {  	s9 =	sadd.s32 $0x80, s9;
	v48 =	vmul.f32 v32, v22;
	v54 =	vmul.f32 v9, v22;
	v32 =	vld [tilespmem:$0x1F150]  }
0x642: {  	v9 =	vmul.f32 v16, v31;
	v13 =	vmov s9;
	v31 =	vmul.f32 v45, v60;
	v60 =	vld [tilespmem:$0x1F140]  }
0x643: {  	[tilespmem:v53+s28+$0x0] =	vst.idx.msk $0xffff, v10;
	v10 =	vshll.u32 v13, $0x3;
	v13 =	vshll.u32 v37, $0x4;
	v37 =	vld [tilespmem:$0x1FFF0]  }
0x644: {  	s0 =	sand.u32 $0x3, s20;
	v20 =	vmul.f32 v20, v24;
	v53 =	vld [tilespmem:$0x1FD10]  }
0x645: {  	s0 =	sshll.u32 s0, $0x5;
	v12 =	vmul.f32 v12, v26;
	v18 =	vbroadcast v10, $0x0;
	v10 =	vld [tilespmem:s31+$0x4400]  }
0x646: {  	s10 =	sadd.s32 s0, s4;
	s29 =	sor.u32 s22, s4;
	v43 =	vmul.f32 v14, v22;
	v45 =	vmov v41;
	[tilespmem:v56+s28+$0x0] =	vst.idx.msk $0xffff, v20;
	v56 =	vld [tilespmem:$0x1F180]  }
0x647: {  	s0 =	sand.u32 $0x3E0, s22;
	s22 =	sor.u32 $0x380, s29;
	s29 =	sshra.s32 s9, $0x2;
	v14 =	vmul.f32 v12, v22;
	v12 =	vmul.f32 v15, v23;
	[tilespmem:$0x1F130] =	vst v45;
	v45 =	vld [tilespmem:$0x1FD70]  }
0x648: {  	v26 =	vmul.f32 v11, v26;
	v11 =	vshll.u32 v17, $0x4;
	v15 =	vmul.f32 v9, v63;
	v9 =	vld [tilespmem:s29+$0x4010]  }
0x649: {  	v17 =	vor.u32 v61, v11;
	v11 =	vld [tilespmem:s31+$0x4800]  }
0x64a: {  	v20 =	vshll.u32 v42, $0x4;
	v42 =	vld [tilespmem:$0x1FC90]  }
0x64b: {  	v13 =	vor.u32 v61, v13;
	v1 =	vor.u32 v33, v18;
	v33 =	vld [tilespmem:s2+$0x180]  }
0x64c: {  	v16 =	vmul.f32 v12, v63;
	v12 =	vor.u32 v61, v20;
	v20 =	vld [tilespmem:s2+$0x100]  }
0x64d: {  	v2 =	vmov v0;
	v58 =	vmov v57;
	v0 =	vshll.u32 v50, $0x4;
	v50 =	vld [tilespmem:$0x1FCE0]  }
0x64e: {  	v19 =	vshll.u32 v19, $0x4;
	[tilespmem:$0x1F000] =	vst v58;
	v58 =	vld [tilespmem:$0x1FD20]  }
0x64f: {  	v44 =	vmul.f32 v44, v24;
	[tilespmem:$0x1EFF0] =	vst v1;
	v19 =	vor.u32 v61, v19;
	v1 =	vor.u32 v37, v18;
	v37 =	vld [tilespmem:$0x1FD30]  }
0x650: {  	v47 =	vmul.f32 v47, v24;
	[tilespmem:$0x1F010] =	vst v1;
	v25 =	vld.idx.msk [tilespmem:v13+s19+$0x0], $0xffff  }
0x651: {  	[tilespmem:v60+s28+$0x0] =	vst.idx.msk $0xffff, v44;
	v1 =	vor.u32 v42, v18;
	v42 =	vld [tilespmem:$0x1FD50]  }
0x652: {  	[tilespmem:v32+s28+$0x0] =	vst.idx.msk $0xffff, v47;
	v47 =	vld [tilespmem:$0x1FCC0]  }
0x653: {  	v32 =	vmov v38;
	v38 =	vld [tilespmem:$0x1FD40]  }
0x654: {  	[tilespmem:$0x1EF40] =	vst v55;
	v41 =	vmov v36;
	v36 =	vld.idx.msk [tilespmem:v19+s17+$0x0], $0xffff  }
0x655: {  	[tilespmem:$0x1F160] =	vst v41;
	v41 =	vld.idx.msk [tilespmem:v19+s18+$0x0], $0xffff  }
0x656: {  	v57 =	vmov v40;
	[tilespmem:v35+s28+$0x0] =	vst.idx.msk $0xffff, v46;
	v46 =	vld [tilespmem:$0x1FCB0]  }
0x657: {  	[tilespmem:$0x1F140] =	vst v57;
	v35 =	vld.idx.msk [tilespmem:v13+s3+$0x0], $0xffff  }
0x658: {  	[tilespmem:$0x1F150] =	vst v32;
	v32 =	vld [tilespmem:$0x1FFC0]  }
0x659: {  	v20 =	vshll.u32 v20, $0x4;
	[tilespmem:v39+s28+$0x0] =	vst.idx.msk $0xffff, v43;
	v43 =	vld [tilespmem:$0x1FCA0]  }
0x65a: {  	[tilespmem:$0x1F040] =	vst v1;
	v20 =	vor.u32 v61, v20;
	v39 =	vld.idx.msk [tilespmem:v13+s17+$0x0], $0xffff  }
0x65b: {  	v60 =	vor.u32 v58, v18;
	[tilespmem:v56+s28+$0x0] =	vst.idx.msk $0xffff, v48;
	v48 =	vld [tilespmem:$0x1FFA0]  }
0x65c: {  	[tilespmem:$0x1EF70] =	vst v60;
	v40 =	vor.u32 v38, v18;
	v38 =	vld [tilespmem:$0x1FEC0]  }
0x65d: {  	v1 =	vor.u32 v46, v18;
	[tilespmem:$0x1EF90] =	vst v40;
	v40 =	vld.idx.msk [tilespmem:v19+s3+$0x0], $0xffff  }
0x65e: {  	v19 =	vld.idx.msk [tilespmem:v19+s19+$0x0], $0xffff;
	v44 =	vor.u32 v43, v18;
	[tilespmem:$0x1F070] =	vst v1  }
0x65f: {  	v57 =	vld.idx.msk [tilespmem:v20+s17+$0x0], $0xffff;
	v1 =	vor.u32 v47, v18;
	[tilespmem:$0x1F050] =	vst v44  }
0x660: {  	v46 =	vld [tilespmem:$0x1FF80];
	[tilespmem:$0x1F080] =	vst v1;
	v1 =	vor.u32 v49, v18  }
0x661: {  	v60 =	vld.idx.msk [tilespmem:v20+s18+$0x0], $0xffff;
	[tilespmem:$0x1F0A0] =	vst v1;
	v1 =	vor.u32 v50, v18  }
0x662: {  	v43 =	vld [tilespmem:$0x1FD60];
	[tilespmem:$0x1F0B0] =	vst v1;
	v1 =	vor.u32 v51, v18  }
0x663: {  	s14 =	sadd.s32 $0x40, s9;
	v47 =	vld [tilespmem:$0x1FF90];
	[tilespmem:$0x1F0C0] =	vst v1;
	v1 =	vor.u32 v52, v18  }
0x664: {  	v55 =	vmov s14;
	v49 =	vld.idx.msk [tilespmem:v13+s18+$0x0], $0xffff;
	[tilespmem:$0x1F0D0] =	vst v1;
	v1 =	vor.u32 v53, v18  }
0x665: {  	v13 =	vshll.u32 v55, $0x3;
	v44 =	vld [tilespmem:$0x1F190];
	[tilespmem:$0x1EF50] =	vst v1;
	v1 =	vor.u32 v37, v18  }
0x666: {  	v55 =	vld [tilespmem:$0x1FFB0];
	v13 =	vbroadcast v13, $0x0;
	[tilespmem:$0x1EFE0] =	vst v1;
	v1 =	vor.u32 v42, v18  }
0x667: {  	v52 =	vmul.f32 v31, v63;
	v31 =	vshll.u32 v33, $0x4;
	v33 =	vld [tilespmem:$0x1FFD0];
	[tilespmem:$0x1EFC0] =	vst v1;
	v1 =	vor.u32 v43, v18  }
0x668: {  	v35 =	vmul.f32 v35, v9;
	v37 =	vld [tilespmem:$0x1FFE0];
	[tilespmem:$0x1F030] =	vst v1;
	v1 =	vor.u32 v45, v18  }
0x669: {  	v53 =	vmul.f32 v26, v63;
	v21 =	vor.u32 v61, v31;
	v42 =	vand.u32 $0x7C00, v13;
	[tilespmem:$0x1EF60] =	vst v1;
	v1 =	vld [tilespmem:$0x1FF40]  }
0x66a: {  	v50 =	vor.u32 v4, v42;
	v51 =	vor.u32 v5, v42;
	v56 =	vor.u32 v59, v42;
	v43 =	vld [tilespmem:$0x1FED0]  }
0x66b: {  	v31 =	vld.idx.msk [tilespmem:v20+s3+$0x0], $0xffff;
	v58 =	vor.u32 v46, v42;
	v59 =	vor.u32 v47, v42;
	v23 =	vor.u32 v48, v42  }
0x66c: {  	v27 =	vor.u32 v55, v42;
	v28 =	vor.u32 v32, v42;
	v29 =	vor.u32 v33, v42;
	v33 =	vld [tilespmem:$0x1F270]  }
0x66d: {  	v20 =	vld.idx.msk [tilespmem:v20+s19+$0x0], $0xffff;
	v3 =	vor.u32 v3, v42;
	[tilespmem:v44+s28+$0x0] =	vst.idx.msk $0xffff, v54;
	v54 =	vor.u32 v6, v42  }
0x66e: {  	v44 =	vmul.f32 v36, v10;
	v32 =	vld.idx.msk [tilespmem:v21+s3+$0x0], $0xffff;
	v30 =	vor.u32 v37, v42;
	v26 =	vor.u32 v1, v42  }
0x66f: {  	v36 =	vld [tilespmem:$0x1F2C0];
	v37 =	vor.u32 v38, v42;
	v38 =	vor.u32 v43, v42;
	v42 =	vor.u32 v7, v42;
	v7 =	vmovc v34  }
0x670: {  	v39 =	vmul.f32 v39, v10;
	[tilespmem:$0x1F170] =	vst v7;
	v7 =	vld [tilespmem:$0x1F290]  }
0x671: {  	[tilespmem:$0x1EFD0] =	vst v2;
	v49 =	vmul.f32 v49, v11;
	v2 =	vld.idx.msk [tilespmem:v21+s17+$0x0], $0xffff;
	v35 =	vmul.f32 v35, v33  }
0x672: {  	v25 =	vmul.f32 v25, v62;
	v8 =	vld.idx.msk [tilespmem:v21+s18+$0x0], $0xffff;
	v39 =	vmul.f32 v39, v33  }
0x673: {  	v40 =	vmul.f32 v40, v9;
	v21 =	vld.idx.msk [tilespmem:v21+s19+$0x0], $0xffff;
	v49 =	vmul.f32 v49, v33;
	[tilespmem:v26+s28+$0x0] =	vst.idx.msk $0xffff, v35  }
0x674: {  	v55 =	vld.idx.msk [tilespmem:v17+s3+$0x0], $0xffff;
	v25 =	vmul.f32 v25, v33;
	[tilespmem:v50+s28+$0x0] =	vst.idx.msk $0xffff, v39  }
0x675: {  	v46 =	vmul.f32 v41, v11;
	v47 =	vld.idx.msk [tilespmem:v17+s17+$0x0], $0xffff;
	v45 =	vmul.f32 v40, v7;
	[tilespmem:v51+s28+$0x0] =	vst.idx.msk $0xffff, v49  }
0x676: {  	v19 =	vmul.f32 v19, v62;
	v35 =	vmul.f32 v44, v7;
	v50 =	vld [tilespmem:$0x1F2D0];
	[tilespmem:v54+s28+$0x0] =	vst.idx.msk $0xffff, v25  }
0x677: {  	v31 =	vmul.f32 v31, v9;
	v51 =	vld.idx.msk [tilespmem:v17+s18+$0x0], $0xffff;
	v25 =	vmul.f32 v46, v7;
	[tilespmem:v56+s28+$0x0] =	vst.idx.msk $0xffff, v45  }
0x678: {  	v56 =	vld.idx.msk [tilespmem:v17+s19+$0x0], $0xffff;
	v17 =	vmul.f32 v19, v7;
	v19 =	vmul.f32 v57, v10;
	[tilespmem:v58+s28+$0x0] =	vst.idx.msk $0xffff, v35  }
0x679: {  	v60 =	vmul.f32 v60, v11;
	v31 =	vmul.f32 v31, v36;
	v39 =	vld [tilespmem:s0+$0x4400];
	[tilespmem:v59+s28+$0x0] =	vst.idx.msk $0xffff, v25  }
0x67a: {  	v20 =	vmul.f32 v20, v62;
	v57 =	vld.idx.msk [tilespmem:v12+s3+$0x0], $0xffff;
	v19 =	vmul.f32 v19, v36;
	[tilespmem:v23+s28+$0x0] =	vst.idx.msk $0xffff, v17  }
0x67b: {  	v25 =	vmul.f32 v32, v9;
	v17 =	vld.idx.msk [tilespmem:v12+s17+$0x0], $0xffff;
	v23 =	vmul.f32 v60, v36;
	[tilespmem:v27+s28+$0x0] =	vst.idx.msk $0xffff, v31  }
0x67c: {  	v20 =	vmul.f32 v20, v36;
	v2 =	vmul.f32 v2, v10;
	v27 =	vld.idx.msk [tilespmem:v12+s18+$0x0], $0xffff;
	[tilespmem:v28+s28+$0x0] =	vst.idx.msk $0xffff, v19  }
0x67d: {  	v8 =	vmul.f32 v8, v11;
	v28 =	vld.idx.msk [tilespmem:v12+s19+$0x0], $0xffff;
	v12 =	vmul.f32 v25, v50;
	[tilespmem:v29+s28+$0x0] =	vst.idx.msk $0xffff, v23  }
0x67e: {  	v2 =	vmul.f32 v2, v50;
	[tilespmem:v30+s28+$0x0] =	vst.idx.msk $0xffff, v20  }
0x67f: {  	v8 =	vmul.f32 v8, v50;
	[tilespmem:v37+s28+$0x0] =	vst.idx.msk $0xffff, v12  }
0x680: {  	[tilespmem:v38+s28+$0x0] =	vst.idx.msk $0xffff, v2  }
0x681: {  	v17 =	vmul.f32 v17, v39;
	[tilespmem:v3+s28+$0x0] =	vst.idx.msk $0xffff, v8;
	v3 =	vld [tilespmem:$0x1FD90]  }
0x682: {  	v8 =	vld [tilespmem:$0x1F2E0]  }
0x683: {  	v41 =	vmul.f32 v17, v7;
	v17 =	vld [tilespmem:$0x1F2F0];
	_ =	sdelay $0x4  }
0x684: {  	v40 =	vor.u32 v3, v18;
	v3 =	vmov v8;
	v8 =	vmov v17;
	v17 =	vld [tilespmem:$0x1FDE0];
	_ =	sdelay $0x4  }
0x685: {  	v54 =	vor.u32 v17, v18;
	v17 =	vld [tilespmem:$0x1FDF0];
	_ =	sdelay $0x2  }
0x686: {  	v19 =	vmul.f32 v21, v62;
	_ =	sdelay $0x1  }
0x687: {  	v25 =	vmul.f32 v19, v50;
	v19 =	vor.u32 v17, v18;
	v17 =	vld [tilespmem:$0x1FE00];
	_ =	sdelay $0x4  }
0x688: {  	v17 =	vor.u32 v17, v18  }
0x689: {  	[tilespmem:$0x1F2E0] =	vst v17;
	v17 =	vld [tilespmem:$0x1FE10];
	_ =	sdelay $0x4  }
0x68a: {  	v17 =	vor.u32 v17, v18  }
0x68b: {  	[tilespmem:$0x1F2F0] =	vst v17;
	v17 =	vld [tilespmem:$0x1FE20];
	_ =	sdelay $0x4  }
0x68c: {  	v46 =	vor.u32 v17, v18;
	v17 =	vld [tilespmem:$0x1FE30];
	_ =	sdelay $0x2  }
0x68d: {  	v0 =	vor.u32 v61, v0;
	_ =	sdelay $0x1  }
0x68e: {  	v21 =	vmul.f32 v47, v39;
	v47 =	vor.u32 v17, v18;
	v17 =	vld [tilespmem:$0x1FE40];
	_ =	sdelay $0x1  }
0x68f: {  	v26 =	vld [tilespmem:s24+$0x180]  }
0x690: {  	v20 =	vld.idx.msk [tilespmem:v0+s17+$0x0], $0xffff;
	_ =	sdelay $0x1  }
0x691: {  	v58 =	vor.u32 v17, v18;
	v17 =	vld [tilespmem:$0x1F2B0];
	_ =	sdelay $0x1  }
0x692: {  	v26 =	vshll.u32 v26, $0x4  }
0x693: {  	v20 =	vmul.f32 v20, v39;
	_ =	sdelay $0x1  }
0x694: {  	v34 =	vld [tilespmem:s29+$0x4000];
	v29 =	vor.u32 v61, v26;
	v26 =	vmov v17;
	v17 =	vmul.f32 v20, v36  }
0x695: {  	v35 =	vld [tilespmem:s0+$0x4800]  }
0x696: {  	[tilespmem:$0x1F0E0] =	vst v17;
	v17 =	vld [tilespmem:$0x1F2A0]  }
0x697: {  	v23 =	vld.idx.msk [tilespmem:v0+s3+$0x0], $0xffff  }
0x698: {  	v12 =	vld.idx.msk [tilespmem:v0+s18+$0x0], $0xffff  }
0x699: {  	v38 =	vmul.f32 v21, v33;
	v21 =	vld [tilespmem:$0x1FDC0]  }
0x69a: {  	[tilespmem:$0x1F180] =	vst v3;
	v3 =	vld [tilespmem:$0x1FDA0]  }
0x69b: {  	v31 =	vmov v17;
	v17 =	vld [tilespmem:$0x1FE50]  }
0x69c: {  	v37 =	vld [tilespmem:$0x1FD80]  }
0x69d: {  	v2 =	vld.idx.msk [tilespmem:v0+s19+$0x0], $0xffff  }
0x69e: {  	v51 =	vmul.f32 v51, v35;
	v27 =	vmul.f32 v27, v35;
	v44 =	vor.u32 v21, v18;
	v21 =	vld [tilespmem:$0x1FDD0]  }
0x69f: {  	[tilespmem:v42+s28+$0x0] =	vst.idx.msk $0xffff, v25;
	v42 =	vor.u32 v3, v18;
	v3 =	vld [tilespmem:$0x1FDB0]  }
0x6a0: {  	v20 =	vmul.f32 v51, v33;
	v51 =	vmul.f32 v27, v7;
	v27 =	vor.u32 v17, v18;
	v17 =	vld [tilespmem:$0x1FE60]  }
0x6a1: {  	v30 =	vld.idx.msk [tilespmem:v29+s17+$0x0], $0xffff  }
0x6a2: {  	v45 =	vld.idx.msk [tilespmem:v29+s18+$0x0], $0xffff  }
0x6a3: {  	v25 =	vld [tilespmem:$0x1F1C0]  }
0x6a4: {  	v0 =	vor.u32 v37, v18;
	v43 =	vor.u32 v3, v18;
	v3 =	vld [tilespmem:s2+$0x200]  }
0x6a5: {  	[tilespmem:$0x1F260] =	vst v0;
	v0 =	vor.u32 v21, v18;
	v60 =	vor.u32 v17, v18;
	v18 =	vld [tilespmem:$0x1F1A0]  }
0x6a6: {  	v59 =	vld [tilespmem:s2+$0x280]  }
0x6a7: {  	s6 =	sadd.s32 $0x2, s6;
	[tilespmem:$0x1F090] =	vst v41;
	v41 =	vld [tilespmem:$0x1FF10]  }
0x6a8: {  	s31 =	sand.u32 $0x7, s6;
	v37 =	vld [tilespmem:$0x1F330]  }
0x6a9: {  	s16 =	sor.u32 $0x300, s10;
	s10 =	sshll.u32 s31, $0x4;
	[tilespmem:$0x1F190] =	vst v8;
	v8 =	vld.idx.msk [tilespmem:v29+s3+$0x0], $0xffff;
	v3 =	vshll.u32 v3, $0x4  }
0x6aa: {  	s10 =	sadd.s32 s4, s10;
	v29 =	vld.idx.msk [tilespmem:v29+s19+$0x0], $0xffff;
	v3 =	vor.u32 v61, v3  }
0x6ab: {  	s14 =	sadd.s32 $0x10, s10;
	[tilespmem:$0x1F280] =	vst v40;
	v40 =	vld [tilespmem:s0+$0x4C00]  }
0x6ac: {  	s0 =	sor.u32 $0x300, s14;
	v17 =	vld [tilespmem:$0x1F300]  }
0x6ad: {  	v21 =	vld [tilespmem:s0+$0x7080];
	[tilespmem:v18+s28+$0x0] =	vst.idx.msk $0xffff, v14;
	v14 =	vmov v46  }
0x6ae: {  	[tilespmem:$0x1F300] =	vst v14;
	v14 =	vld [tilespmem:$0x1F1B0]  }
0x6af: {  	v49 =	vld.idx.msk [tilespmem:v3+s17+$0x0], $0xffff  }
0x6b0: {  	[tilespmem:$0x1F060] =	vst v42;
	v42 =	vld [tilespmem:$0x1FF20]  }
0x6b1: {  	v17 =	vmov v17;
	v46 =	vld.idx.msk [tilespmem:v3+s3+$0x0], $0xffff  }
0x6b2: {  	[tilespmem:$0x1F1A0] =	vst v17;
	v17 =	vld [tilespmem:$0x1F320]  }
0x6b3: {  	[tilespmem:$0x1EFB0] =	vst v43;
	v43 =	vld [tilespmem:$0x1FF30]  }
0x6b4: {  	[tilespmem:$0x1EFA0] =	vst v44;
	v44 =	vshll.u32 v59, $0x4;
	v59 =	vmul.f32 v49, v10;
	v49 =	vld [tilespmem:$0x1F5D0]  }
0x6b5: {  	v18 =	vmul.f32 v45, v35;
	v45 =	vld [tilespmem:s8+$0x200]  }
0x6b6: {  	v32 =	vmul.f32 v46, v9;
	v46 =	vld [tilespmem:$0x1FE90];
	[tilespmem:v14+s28+$0x0] =	vst.idx.msk $0xffff, v15  }
0x6b7: {  	[tilespmem:v25+s28+$0x0] =	vst.idx.msk $0xffff, v16;
	v16 =	vmov v17;
	v17 =	vld [tilespmem:$0x1F1D0]  }
0x6b8: {  	v15 =	vld [tilespmem:$0x1F310]  }
0x6b9: {  	v48 =	vmul.f32 v57, v34;
	v30 =	vmul.f32 v30, v39;
	v25 =	vld.idx.msk [tilespmem:v3+s18+$0x0], $0xffff  }
0x6ba: {  	v28 =	vmul.f32 v28, v40;
	v2 =	vmul.f32 v2, v40;
	[tilespmem:$0x1F2B0] =	vst v40;
	v14 =	vmov v47;
	v3 =	vld.idx.msk [tilespmem:v3+s19+$0x0], $0xffff  }
0x6bb: {  	v47 =	vmul.f32 v55, v34;
	[tilespmem:$0x1F310] =	vst v14;
	v14 =	vmul.f32 v30, v50;
	v30 =	vor.u32 v61, v44;
	v44 =	vld [tilespmem:$0x1FE70]  }
0x6bc: {  	v21 =	vshll.u32 v21, $0x4;
	v57 =	vmovc v58;
	v58 =	vmul.f32 v29, v40;
	[tilespmem:$0x1F1C0] =	vst v16;
	v16 =	vmul.f32 v56, v40;
	v40 =	vld [tilespmem:$0x1FF00]  }
0x6bd: {  	v21 =	vor.u32 v61, v21;
	[tilespmem:$0x1F320] =	vst v57;
	v57 =	vmul.f32 v47, v33;
	v47 =	vld [tilespmem:$0x1F730]  }
0x6be: {  	v56 =	vmul.f32 v48, v7;
	v48 =	vld [tilespmem:$0x1F5C0]  }
0x6bf: {  	s31 =	sor.u32 s5, s4;
	[tilespmem:v17+s28+$0x0] =	vst.idx.msk $0xffff, v52;
	v17 =	vld [tilespmem:$0x1F220]  }
0x6c0: {  	s0 =	sor.u32 $0x380, s31;
	v55 =	vmul.f32 v16, v33;
	v16 =	vshll.u32 v45, $0x4;
	v45 =	vld [tilespmem:$0x1FE80];
	v15 =	vmov v15  }
0x6c1: {  	[tilespmem:$0x1F1B0] =	vst v15;
	v15 =	vld [tilespmem:s0+$0x7080]  }
0x6c2: {  	v33 =	vld.idx.msk [tilespmem:v21+s17+$0x0], $0xffff  }
0x6c3: {  	v23 =	vmul.f32 v23, v34;
	v29 =	vld.idx.msk [tilespmem:v30+s3+$0x0], $0xffff  }
0x6c4: {  	v8 =	vmul.f32 v8, v34;
	v52 =	vmul.f32 v28, v7;
	v28 =	vld.idx.msk [tilespmem:v30+s17+$0x0], $0xffff  }
0x6c5: {  	[tilespmem:$0x1F2A0] =	vst v34;
	v34 =	vor.u32 v40, v13;
	v40 =	vor.u32 v45, v13;
	v45 =	vor.u32 v49, v13;
	v49 =	vld [tilespmem:$0x1F340]  }
0x6c6: {  	[tilespmem:$0x1F020] =	vst v38;
	v12 =	vmul.f32 v12, v35;
	v38 =	vshll.u32 v15, $0x4;
	v15 =	vmul.f32 v8, v50;
	v8 =	vld.idx.msk [tilespmem:v30+s19+$0x0], $0xffff  }
0x6c7: {  	[tilespmem:v17+s28+$0x0] =	vst.idx.msk $0xffff, v53;
	v17 =	vmov v37;
	v53 =	vmul.f32 v23, v36;
	v23 =	vld.idx.msk [tilespmem:v30+s18+$0x0], $0xffff  }
0x6c8: {  	v37 =	vor.u32 v61, v16;
	v16 =	vmul.f32 v2, v36;
	v2 =	vor.u32 v61, v38;
	v30 =	vld.idx.msk [tilespmem:v21+s3+$0x0], $0xffff  }
0x6c9: {  	v12 =	vmul.f32 v12, v36;
	v61 =	vld.idx.msk [tilespmem:v21+s18+$0x0], $0xffff  }
0x6ca: {  	v25 =	vmul.f32 v25, v11;
	v7 =	vmovc v27;
	v36 =	vor.u32 v44, v13;
	v44 =	vor.u32 v48, v13;
	v48 =	vld [tilespmem:$0x1F5E0]  }
0x6cb: {  	v3 =	vmul.f32 v3, v62;
	v27 =	vor.u32 v1, v13;
	[tilespmem:$0x1F330] =	vst v7;
	v21 =	vld.idx.msk [tilespmem:v21+s19+$0x0], $0xffff  }
0x6cc: {  	v1 =	vor.u32 v43, v13;
	v7 =	vor.u32 v42, v13;
	v38 =	vor.u32 v4, v13;
	[tilespmem:$0x1F1D0] =	vst v17;
	v17 =	vld [tilespmem:$0x1F5F0]  }
0x6cd: {  	v42 =	vor.u32 v47, v13;
	v32 =	vmul.f32 v32, v49;
	v4 =	vor.u32 v5, v13;
	v43 =	vld.idx.msk [tilespmem:v2+s3+$0x0], $0xffff  }
0x6ce: {  	v5 =	vor.u32 v6, v13;
	v6 =	vor.u32 v41, v13;
	v41 =	vor.u32 v46, v13;
	v46 =	vld.idx.msk [tilespmem:v2+s17+$0x0], $0xffff  }
0x6cf: {  	v29 =	vmul.f32 v29, v9;
	v59 =	vmul.f32 v59, v49;
	v47 =	vor.u32 v48, v13;
	v48 =	vld.idx.msk [tilespmem:v2+s18+$0x0], $0xffff  }
0x6d0: {  	v25 =	vmul.f32 v25, v49;
	v3 =	vmul.f32 v3, v49;
	v2 =	vld.idx.msk [tilespmem:v2+s19+$0x0], $0xffff;
	[tilespmem:v27+s28+$0x0] =	vst.idx.msk $0xffff, v32  }
0x6d1: {  	v8 =	vmul.f32 v8, v62;
	v27 =	vmul.f32 v28, v10;
	v28 =	vld [tilespmem:s8+$0x280];
	[tilespmem:v38+s28+$0x0] =	vst.idx.msk $0xffff, v59  }
0x6d2: {  	v29 =	vmul.f32 v29, v24;
	v32 =	vld [tilespmem:$0x1EF30];
	v23 =	vmul.f32 v23, v11;
	[tilespmem:v4+s28+$0x0] =	vst.idx.msk $0xffff, v25  }
0x6d3: {  	v8 =	vmul.f32 v8, v24;
	v4 =	vld [tilespmem:s12+$0x7080];
	v25 =	vmul.f32 v27, v24;
	[tilespmem:v5+s28+$0x0] =	vst.idx.msk $0xffff, v3  }
0x6d4: {  	v59 =	vld [tilespmem:$0x1FEB0];
	v5 =	vmul.f32 v23, v24;
	v23 =	vmul.f32 v30, v9;
	[tilespmem:v34+s28+$0x0] =	vst.idx.msk $0xffff, v29  }
0x6d5: {  	v21 =	vmul.f32 v21, v62;
	v27 =	vld.idx.msk [tilespmem:v37+s3+$0x0], $0xffff;
	v29 =	vmul.f32 v33, v10;
	[tilespmem:v6+s28+$0x0] =	vst.idx.msk $0xffff, v25  }
0x6d6: {  	v3 =	vld [tilespmem:s13+$0x7080];
	v23 =	vmul.f32 v23, v22;
	v25 =	vmul.f32 v61, v11;
	[tilespmem:v7+s28+$0x0] =	vst.idx.msk $0xffff, v5  }
0x6d7: {  	v13 =	vor.u32 v17, v13;
	v24 =	vld [tilespmem:$0x1EF50];
	v17 =	vmov v32;
	v7 =	vmul.f32 v29, v22;
	[tilespmem:v1+s28+$0x0] =	vst.idx.msk $0xffff, v8  }
0x6d8: {  	v33 =	vld [tilespmem:$0x1EF60];
	v1 =	vshll.u32 v4, $0x4;
	v4 =	vmul.f32 v25, v22;
	v8 =	vmul.f32 v43, v9;
	[tilespmem:v36+s28+$0x0] =	vst.idx.msk $0xffff, v23  }
0x6d9: {  	v32 =	vmov v60;
	v60 =	vld [tilespmem:$0x1EF40];
	v10 =	vmul.f32 v46, v10;
	v9 =	vmul.f32 v21, v22;
	[tilespmem:v40+s28+$0x0] =	vst.idx.msk $0xffff, v7  }
0x6da: {  	v6 =	vld.idx.msk [tilespmem:v37+s17+$0x0], $0xffff;
	v21 =	vmul.f32 v48, v11;
	v8 =	vmul.f32 v8, v63;
	[tilespmem:v41+s28+$0x0] =	vst.idx.msk $0xffff, v4  }
0x6db: {  	v43 =	vld [tilespmem:$0x1EF70];
	v10 =	vmul.f32 v10, v63;
	[tilespmem:v42+s28+$0x0] =	vst.idx.msk $0xffff, v9  }
0x6dc: {  	v11 =	vmul.f32 v18, v50;
	v23 =	vld [tilespmem:$0x1EF80];
	v18 =	vmul.f32 v21, v63;
	[tilespmem:v44+s28+$0x0] =	vst.idx.msk $0xffff, v8  }
0x6dd: {  	v44 =	vld [tilespmem:$0x1EFF0];
	[tilespmem:v45+s28+$0x0] =	vst.idx.msk $0xffff, v10  }
0x6de: {  	[tilespmem:v47+s28+$0x0] =	vst.idx.msk $0xffff, v18;
	v47 =	vld [tilespmem:$0x1F010]  }
0x6df: {  	v9 =	vmul.f32 v58, v50;
	v50 =	vld [tilespmem:$0x1F040]  }
0x6e0: {  	v36 =	vmov v54;
	v54 =	vld [tilespmem:$0x1F050]  }
0x6e1: {  	v46 =	vmul.f32 v6, v23;
	v6 =	vld [tilespmem:$0x1F020]  }
0x6e2: {  	v22 =	vld [tilespmem:$0x1EF90]  }
0x6e3: {  	v40 =	vld [tilespmem:$0x1EFA0]  }
0x6e4: {  	v2 =	vmul.f32 v2, v62;
	v7 =	vld.idx.msk [tilespmem:v37+s18+$0x0], $0xffff  }
0x6e5: {  	v4 =	vld.idx.msk [tilespmem:v37+s19+$0x0], $0xffff;
	[tilespmem:v44+s28+$0x0] =	vst.idx.msk $0xffff, v57  }
0x6e6: {  	v2 =	vmul.f32 v2, v63;
	v63 =	vld [tilespmem:$0x1EFD0];
	[tilespmem:v47+s28+$0x0] =	vst.idx.msk $0xffff, v6  }
0x6e7: {  	v41 =	vld [tilespmem:$0x1EFB0];
	v37 =	vmul.f32 v27, v31;
	[tilespmem:v50+s28+$0x0] =	vst.idx.msk $0xffff, v20  }
0x6e8: {  	[tilespmem:v54+s28+$0x0] =	vst.idx.msk $0xffff, v55;
	v55 =	vld [tilespmem:$0x1F070]  }
0x6e9: {  	v18 =	vmul.f32 v37, v49;
	v37 =	vld [tilespmem:$0x1F080]  }
0x6ea: {  	v34 =	vmovc v19;
	v61 =	vlaneseq.u32;
	v5 =	vshll.u32 v28, $0x4;
	v19 =	vmul.f32 v46, v49;
	v46 =	vld [tilespmem:$0x1F0A0]  }
0x6eb: {  	v5 =	vor.u32 v61, v5;
	v48 =	vmul.f32 v4, v26;
	v47 =	vld [tilespmem:$0x1F0B0]  }
0x6ec: {  	v44 =	vld [tilespmem:$0x1F090]  }
0x6ed: {  	v10 =	vmul.f32 v48, v49;
	v48 =	vld [tilespmem:$0x1F0C0]  }
0x6ee: {  	v42 =	vld [tilespmem:$0x1EFC0]  }
0x6ef: {  	v58 =	vor.u32 v61, v1;
	[tilespmem:v13+s28+$0x0] =	vst.idx.msk $0xffff, v2;
	v50 =	vld [tilespmem:$0x1F0D0]  }
0x6f0: {  	v2 =	vld.idx.msk [tilespmem:v5+s3+$0x0], $0xffff;
	[tilespmem:v55+s28+$0x0] =	vst.idx.msk $0xffff, v56  }
0x6f1: {  	v56 =	vld.idx.msk [tilespmem:v5+s17+$0x0], $0xffff;
	[tilespmem:v37+s28+$0x0] =	vst.idx.msk $0xffff, v44  }
0x6f2: {  	v55 =	vld.idx.msk [tilespmem:v5+s18+$0x0], $0xffff;
	[tilespmem:v46+s28+$0x0] =	vst.idx.msk $0xffff, v51  }
0x6f3: {  	v54 =	vld.idx.msk [tilespmem:v5+s19+$0x0], $0xffff;
	[tilespmem:v47+s28+$0x0] =	vst.idx.msk $0xffff, v52  }
0x6f4: {  	v51 =	vld.idx.msk [tilespmem:v58+s3+$0x0], $0xffff  }
0x6f5: {  	s15 =	sadd.s32 $0x2, s15;
	v3 =	vshll.u32 v3, $0x4;
	[tilespmem:v48+s28+$0x0] =	vst.idx.msk $0xffff, v53;
	v53 =	vld [tilespmem:$0x1F0E0]  }
0x6f6: {  	p0 =	slt.u32 s15, $0x3E;
	v62 =	vor.u32 v61, v3;
	v45 =	vld [tilespmem:$0x1EFE0];
	v3 =	vmul.f32 v7, v60  }
.Ltmp1:
0x6f7: {  	v4 =	vld [tilespmem:$0x1F030];
	(pc) =	sbr.rel @p0 .LBB2_5-.Ltmp1, $4  }
0x6f8: {  	v13 =	vmul.f32 v3, v49;
	v49 =	vld [tilespmem:$0x1F060]  }
0x6f9: {  	v57 =	vld [tilespmem:$0x1F000]  }
0x6fa: {  	s20 =	sadd.s32 $0x1, s20;
	v52 =	vld.idx.msk [tilespmem:v58+s17+$0x0], $0xffff;
	[tilespmem:v50+s28+$0x0] =	vst.idx.msk $0xffff, v53  }
0x6fb: {  	s8 =	smov.u32 s24;
	v38 =	vmov v0;
	s12 =	smov.u32 s16;
	s13 =	smov.u32 s22;
	[tilespmem:$0x1F220] =	vst v17;
	v20 =	vmul.f32 v2, v31;
	v17 =	vld.idx.msk [tilespmem:v58+s18+$0x0], $0xffff  }
0x6fc: {  	_ =	sdelay $0x3  }
0x6fd: {  	[tilespmem:v24+s28+$0x0] =	vst.idx.msk $0xffff, v12  }
0x6fe: {  	[tilespmem:v43+s28+$0x0] =	vst.idx.msk $0xffff, v16  }
0x6ff: {  	[tilespmem:v45+s28+$0x0] =	vst.idx.msk $0xffff, v15  }
0x700: {  	[tilespmem:v22+s28+$0x0] =	vst.idx.msk $0xffff, v14  }
0x701: {  	[tilespmem:v42+s28+$0x0] =	vst.idx.msk $0xffff, v11  }
0x702: {  	[tilespmem:v4+s28+$0x0] =	vst.idx.msk $0xffff, v9  }
0x703: {  	v9 =	vld [tilespmem:$0x1F0F0];
	_ =	sdelay $0x3  }
0x704: {  	v2 =	vld.idx.msk [tilespmem:v58+s19+$0x0], $0xffff  }
0x705: {  	v3 =	vld.idx.msk [tilespmem:v62+s3+$0x0], $0xffff  }
0x706: {  	v5 =	vld.idx.msk [tilespmem:v62+s17+$0x0], $0xffff  }
0x707: {  	v6 =	vld.idx.msk [tilespmem:v62+s18+$0x0], $0xffff  }
0x708: {  	v7 =	vld.idx.msk [tilespmem:v62+s19+$0x0], $0xffff;
	[tilespmem:v9+s28+$0x0] =	vst.idx.msk $0xffff, v18  }
0x709: {  	[tilespmem:v63+s28+$0x0] =	vst.idx.msk $0xffff, v19  }
0x70a: {  	[tilespmem:v57+s28+$0x0] =	vst.idx.msk $0xffff, v13  }
0x70b: {  	v15 =	vld [tilespmem:$0x1F120];
	_ =	sdelay $0x7  }
0x70c: {  	v21 =	vld [tilespmem:$0x1F250];
	[tilespmem:v15+s28+$0x0] =	vst.idx.msk $0xffff, v10  }
0x70d: {  	v16 =	vld [tilespmem:$0x1F130];
	_ =	sdelay $0x5  }
0x70e: {  	v53 =	vmul.f32 v20, v21;
	_ =	sdelay $0x1  }
0x70f: {  	[tilespmem:v16+s28+$0x0] =	vst.idx.msk $0xffff, v53  }
0x710: {  	v16 =	vld [tilespmem:$0x1F140];
	_ =	sdelay $0x3  }
0x711: {  	v50 =	vmul.f32 v56, v23;
	_ =	sdelay $0x1  }
0x712: {  	v9 =	vmul.f32 v50, v21;
	_ =	sdelay $0x1  }
0x713: {  	[tilespmem:v16+s28+$0x0] =	vst.idx.msk $0xffff, v9  }
0x714: {  	v37 =	vld [tilespmem:$0x1F150];
	_ =	sdelay $0x3  }
0x715: {  	v55 =	vmul.f32 v55, v60;
	_ =	sdelay $0x1  }
0x716: {  	v58 =	vmul.f32 v55, v21;
	_ =	sdelay $0x1  }
0x717: {  	[tilespmem:v37+s28+$0x0] =	vst.idx.msk $0xffff, v58  }
0x718: {  	v18 =	vld [tilespmem:$0x1F160];
	_ =	sdelay $0x3  }
0x719: {  	v56 =	vmul.f32 v54, v26;
	_ =	sdelay $0x1  }
0x71a: {  	v63 =	vmul.f32 v56, v21;
	_ =	sdelay $0x1  }
0x71b: {  	[tilespmem:v18+s28+$0x0] =	vst.idx.msk $0xffff, v63  }
0x71c: {  	v19 =	vld [tilespmem:$0x1F170]  }
0x71d: {  	v20 =	vld [tilespmem:$0x1F100];
	_ =	sdelay $0x2  }
0x71e: {  	v42 =	vmul.f32 v51, v31;
	_ =	sdelay $0x1  }
0x71f: {  	v10 =	vmul.f32 v42, v20;
	_ =	sdelay $0x1  }
0x720: {  	[tilespmem:v19+s28+$0x0] =	vst.idx.msk $0xffff, v10  }
0x721: {  	v19 =	vld [tilespmem:$0x1F180];
	_ =	sdelay $0x3  }
0x722: {  	v44 =	vmul.f32 v52, v23;
	_ =	sdelay $0x1  }
0x723: {  	v16 =	vmul.f32 v44, v20;
	_ =	sdelay $0x1  }
0x724: {  	[tilespmem:v19+s28+$0x0] =	vst.idx.msk $0xffff, v16  }
0x725: {  	v19 =	vld [tilespmem:$0x1F190];
	_ =	sdelay $0x3  }
0x726: {  	v17 =	vmul.f32 v17, v60;
	_ =	sdelay $0x1  }
0x727: {  	v47 =	vmul.f32 v17, v20;
	_ =	sdelay $0x1  }
0x728: {  	[tilespmem:v19+s28+$0x0] =	vst.idx.msk $0xffff, v47  }
0x729: {  	v22 =	vld [tilespmem:$0x1F1A0];
	_ =	sdelay $0x3  }
0x72a: {  	v2 =	vmul.f32 v2, v26;
	_ =	sdelay $0x1  }
0x72b: {  	v2 =	vmul.f32 v2, v20;
	_ =	sdelay $0x1  }
0x72c: {  	v19 =	vld [tilespmem:$0x1F110];
	[tilespmem:v22+s28+$0x0] =	vst.idx.msk $0xffff, v2  }
0x72d: {  	v51 =	vld [tilespmem:$0x1F1B0];
	_ =	sdelay $0x3  }
0x72e: {  	v3 =	vmul.f32 v3, v31  }
0x72f: {  	v1 =	vld [tilespmem:s8+$0x200]  }
0x730: {  	v3 =	vmul.f32 v3, v19;
	_ =	sdelay $0x1  }
0x731: {  	[tilespmem:v51+s28+$0x0] =	vst.idx.msk $0xffff, v3  }
0x732: {  	v55 =	vld [tilespmem:$0x1F1C0]  }
0x733: {  	v1 =	vshll.u32 v1, $0x4  }
0x734: {  	v4 =	vld [tilespmem:s8+$0x280];
	v1 =	vor.u32 v61, v1;
	_ =	sdelay $0x1  }
0x735: {  	v5 =	vmul.f32 v5, v23  }
0x736: {  	v8 =	vld [tilespmem:s12+$0x7080]  }
0x737: {  	v11 =	vld [tilespmem:s13+$0x7080];
	v5 =	vmul.f32 v5, v19  }
0x738: {  	v4 =	vshll.u32 v4, $0x4;
	v14 =	vld.idx.msk [tilespmem:v1+s3+$0x0], $0xffff  }
0x739: {  	v4 =	vor.u32 v61, v4;
	v22 =	vld [tilespmem:$0x1F2A0];
	[tilespmem:v55+s28+$0x0] =	vst.idx.msk $0xffff, v5  }
0x73a: {  	v58 =	vld [tilespmem:$0x1F1D0]  }
0x73b: {  	v57 =	vld.idx.msk [tilespmem:v1+s17+$0x0], $0xffff  }
0x73c: {  	v8 =	vshll.u32 v8, $0x4;
	v62 =	vld.idx.msk [tilespmem:v1+s18+$0x0], $0xffff  }
0x73d: {  	v8 =	vor.u32 v61, v8;
	v1 =	vld.idx.msk [tilespmem:v1+s19+$0x0], $0xffff  }
0x73e: {  	v6 =	vmul.f32 v6, v60;
	v11 =	vshll.u32 v11, $0x4;
	v43 =	vld.idx.msk [tilespmem:v4+s3+$0x0], $0xffff  }
0x73f: {  	v11 =	vor.u32 v61, v11;
	v45 =	vld.idx.msk [tilespmem:v4+s17+$0x0], $0xffff  }
0x740: {  	v46 =	vld.idx.msk [tilespmem:v4+s18+$0x0], $0xffff;
	v52 =	vmul.f32 v6, v19  }
0x741: {  	v4 =	vld.idx.msk [tilespmem:v4+s19+$0x0], $0xffff  }
0x742: {  	v48 =	vld.idx.msk [tilespmem:v8+s3+$0x0], $0xffff;
	[tilespmem:v58+s28+$0x0] =	vst.idx.msk $0xffff, v52  }
0x743: {  	v23 =	vld [tilespmem:$0x1F220]  }
0x744: {  	v54 =	vld.idx.msk [tilespmem:v11+s3+$0x0], $0xffff  }
0x745: {  	v15 =	vld [tilespmem:$0x1F340]  }
0x746: {  	v50 =	vmul.f32 v7, v26;
	v7 =	vld.idx.msk [tilespmem:v8+s19+$0x0], $0xffff  }
0x747: {  	v56 =	vmul.f32 v57, v39;
	v57 =	vld.idx.msk [tilespmem:v11+s17+$0x0], $0xffff  }
0x748: {  	v60 =	vmul.f32 v62, v35;
	v62 =	vld.idx.msk [tilespmem:v11+s18+$0x0], $0xffff;
	v53 =	vmul.f32 v14, v22  }
0x749: {  	v11 =	vld.idx.msk [tilespmem:v11+s19+$0x0], $0xffff;
	v2 =	vmul.f32 v50, v19  }
0x74a: {  	v10 =	vld.idx.msk [tilespmem:v8+s18+$0x0], $0xffff;
	v6 =	vmul.f32 v53, v15  }
0x74b: {  	v16 =	vld.idx.msk [tilespmem:v8+s17+$0x0], $0xffff;
	[tilespmem:v23+s28+$0x0] =	vst.idx.msk $0xffff, v2  }
0x74c: {  	v23 =	vld [tilespmem:$0x1F2B0];
	[tilespmem:v33+s28+$0x0] =	vst.idx.msk $0xffff, v6  }
0x74d: {  	v0 =	vld [tilespmem:$0x1F260];
	_ =	sdelay $0x5  }
0x74e: {  	v63 =	vmul.f32 v56, v15;
	_ =	sdelay $0x1  }
0x74f: {  	[tilespmem:v0+s28+$0x0] =	vst.idx.msk $0xffff, v63  }
0x750: {  	v2 =	vld [tilespmem:$0x1F280];
	_ =	sdelay $0x4  }
0x751: {  	v1 =	vmul.f32 v1, v23  }
0x752: {  	v12 =	vmul.f32 v43, v22;
	v3 =	vmul.f32 v60, v15  }
0x753: {  	v37 =	vmul.f32 v45, v39;
	v33 =	vmul.f32 v1, v15  }
0x754: {  	v43 =	vmul.f32 v46, v35;
	v42 =	vmul.f32 v12, v21;
	[tilespmem:v2+s28+$0x0] =	vst.idx.msk $0xffff, v3  }
0x755: {  	v44 =	vmul.f32 v37, v21;
	v45 =	vmul.f32 v4, v23;
	[tilespmem:v49+s28+$0x0] =	vst.idx.msk $0xffff, v33  }
0x756: {  	v47 =	vmul.f32 v48, v22;
	v46 =	vmul.f32 v43, v21;
	[tilespmem:v41+s28+$0x0] =	vst.idx.msk $0xffff, v42  }
0x757: {  	v48 =	vmul.f32 v45, v21;
	[tilespmem:v40+s28+$0x0] =	vst.idx.msk $0xffff, v44  }
0x758: {  	v50 =	vmul.f32 v47, v20;
	[tilespmem:v38+s28+$0x0] =	vst.idx.msk $0xffff, v46  }
0x759: {  	[tilespmem:v36+s28+$0x0] =	vst.idx.msk $0xffff, v48  }
0x75a: {  	[tilespmem:v34+s28+$0x0] =	vst.idx.msk $0xffff, v50  }
0x75b: {  	v55 =	vld [tilespmem:$0x1F2E0];
	_ =	sdelay $0x3  }
0x75c: {  	v49 =	vmul.f32 v16, v39;
	_ =	sdelay $0x1  }
0x75d: {  	v52 =	vmul.f32 v49, v20;
	_ =	sdelay $0x1  }
0x75e: {  	[tilespmem:v55+s28+$0x0] =	vst.idx.msk $0xffff, v52  }
0x75f: {  	v4 =	vld [tilespmem:$0x1F2F0];
	_ =	sdelay $0x3  }
0x760: {  	v51 =	vmul.f32 v10, v35;
	_ =	sdelay $0x1  }
0x761: {  	v3 =	vmul.f32 v51, v20;
	_ =	sdelay $0x1  }
0x762: {  	[tilespmem:v4+s28+$0x0] =	vst.idx.msk $0xffff, v3  }
0x763: {  	v4 =	vld [tilespmem:$0x1F300];
	_ =	sdelay $0x3  }
0x764: {  	v53 =	vmul.f32 v7, v23;
	_ =	sdelay $0x1  }
0x765: {  	v56 =	vmul.f32 v53, v20;
	_ =	sdelay $0x1  }
0x766: {  	[tilespmem:v4+s28+$0x0] =	vst.idx.msk $0xffff, v56  }
0x767: {  	v4 =	vld [tilespmem:$0x1F310];
	_ =	sdelay $0x3  }
0x768: {  	v54 =	vmul.f32 v54, v22;
	_ =	sdelay $0x1  }
0x769: {  	v2 =	vmul.f32 v54, v19;
	_ =	sdelay $0x1  }
0x76a: {  	[tilespmem:v4+s28+$0x0] =	vst.idx.msk $0xffff, v2  }
0x76b: {  	v63 =	vld [tilespmem:$0x1F320];
	_ =	sdelay $0x3  }
0x76c: {  	v57 =	vmul.f32 v57, v39;
	_ =	sdelay $0x1  }
0x76d: {  	v1 =	vmul.f32 v57, v19;
	_ =	sdelay $0x1  }
0x76e: {  	[tilespmem:v63+s28+$0x0] =	vst.idx.msk $0xffff, v1  }
0x76f: {  	v1 =	vld [tilespmem:$0x1F330];
	_ =	sdelay $0x3  }
0x770: {  	v58 =	vmul.f32 v62, v35  }
0x771: {  	v60 =	vmul.f32 v11, v23  }
0x772: {  	v62 =	vmul.f32 v58, v19  }
0x773: {  	v0 =	vmul.f32 v60, v19  }
0x774: {  	[tilespmem:v1+s28+$0x0] =	vst.idx.msk $0xffff, v62  }
0x775: {  	[tilespmem:v32+s28+$0x0] =	vst.idx.msk $0xffff, v0  }
0x776: {  	v62 =	vld [tilespmem:$0x1FEA0]  }
0x777: {  	v63 =	vld [tilespmem:$0x1FFF0]  }
0x778: {  	v50 =	vld [tilespmem:$0x1FF40]  }
0x779: {  	v22 =	vld [tilespmem:$0x1FF50]  }
0x77a: {  	v55 =	vld [tilespmem:$0x1FF60]  }
0x77b: {  	v26 =	vld [tilespmem:$0x1FF70]  }
0x77c: {  	v27 =	vld [tilespmem:$0x1FF80]  }
0x77d: {  	v28 =	vld [tilespmem:$0x1FF90]  }
0x77e: {  	v29 =	vld [tilespmem:$0x1FFA0]  }
0x77f: {  	v30 =	vld [tilespmem:$0x1FFB0]  }
0x780: {  	v31 =	vld [tilespmem:$0x1FFC0]  }
0x781: {  	v32 =	vld [tilespmem:$0x1FFD0]  }
0x782: {  	v33 =	vld [tilespmem:$0x1FFE0]  }
0x783: {  	s1 =	sadd.s32 $0x1, s1;
	v35 =	vld [tilespmem:$0x1FEC0]  }
0x784: {  	p0 =	sne.s32 s1, $0x8;
	v36 =	vld [tilespmem:$0x1FED0]  }
.Ltmp2:
0x785: {  	v42 =	vld [tilespmem:$0x1FEE0];
	(pc) =	sbr.rel @p0 .LBB2_2-.Ltmp2, $4  }
0x786: {  	v39 =	vld [tilespmem:$0x1FEF0]  }
0x787: {  	s0 =	sshll.u32 s11, $0x9;
	v56 =	vld [tilespmem:$0x1FF00]  }
0x788: {  	s0 =	sadd.s32 s23, s0;
	v58 =	vld [tilespmem:$0x1FF10]  }
0x789: {  	[hbm4b:s0+s3] =	stream.linear.scatter [tilespmem:s28], [sflag:$0x4], $0x8000, $0x38;
	v57 =	vld [tilespmem:$0x1FF20]  }
0x78a: {  	s0 =	simm.s32 $0x3  }
0x78b: {  	_ =	swait.ge [sflag:s0], $0x8000  }
0x78c: {  	[sflag:s0] =	ssyncset.done $0x0  }
0x78d: {  	s1 =	simm.s32 $0x4;
	[sflag:s0] =	ssyncadd.s32 $0xFFFF8000  }
0x78e: {  	_ =	swait.ge [sflag:s1], $0x8000  }
0x78f: {  	s2 =	rddreg [dreg:$0xf]  }
0x790: {  	s31 =	rddreg [dreg:$0xe];
	s2 =	sadd.s32 $0x1, s2  }
0x791: {  	p0 =	sne.s32 s2, s31  }
.Ltmp3:
0x792: {  	_ = 	snop;
	(pc) =	sbr.rel @p0 .LBB2_1-.Ltmp3, $3  }
0x793: {  	_ =	sdelay $0x1  }
0x794: {  	[sflag:s1] =	ssyncset.done $0x0  }
0x795: {  	[sflag:s1] =	ssyncadd.s32 $0xFFFF8000  }
0x796: {  	_ =	sfence.sel $0x180000  }
0x797: {  	[bflag:$0x0] =	sbarrier.arrive $0xFFFF  }
0x798: {  	_ =	strace $0x90000047  }
0x799: {  	s0 =	stileid.u32;
	[bflag:$0x2] =	sbarrier.arrive $0xFFFF  }
0x79a: {  	p0 =	sne.s32 s0, $0x0;
	s0 =	rddreg [dreg:$0x4]  }
0x79b: {  	s0 =	sadd.s32 @!p0 $0x100000, s0  }
0x79c: {  	[sflag:s0] =	ssyncadd.tile.s32 @!p0 $0x1;
	_ =	shalt  }
.Lfunc_end2:
_tile_overlayer_lowered:
.L_overlay_start_2:
0x79d: {  	(tag) =	ssettag $0x2  }
0x79e: {  	s0 =	rddreg [dreg:$0x0];
	s2 =	stileid.u32  }
0x79f: {  	s1 =	rddreg [dreg:$0x1];
	p0 =	sne.s32 s2, $0x0  }
0x7a0: {  	s3 =	rddreg [dreg:$0x2];
	[bflag:$0x3] =	sbarrier.arrive $0xFFFF;
	s2 =	simm.s32 @!p0 $0x1C05  }
0x7a1: {  	[timem:s3], [sflag:s2] =	dma.local @!p0 [hbm:s0], s1  }
0x7a2: {  	s0 =	simm.s32 @!p0 $0x5  }
0x7a3: {  	_ =	swait.ge @!p0 [sflag:s0], s1  }
0x7a4: {  	s1 =	ssub.s32 @!p0 $0x0, s1;
	[sflag:s0] =	ssyncset.done @!p0 $0x0  }
0x7a5: {  	[sflag:s0] =	ssyncadd.s32 @!p0 s1  }
0x7a6: {  	[bflag:$0x3] =	sbarrier.arrive $0xFFFF  }
0x7a7: {  	_ =	shalt  }

</sc_bundles>
